<compile_context>
chip_gen: v7x
topology: tpu7x:2x2x1
jax: 0.10.2.dev20260603
libtpu: 0.0.44.dev20260713+nightly
codegen_flags: <defaults>
</compile_context>

<pallas_src>
import functools

import jax
import jax.numpy as jnp
from jax import lax
from jax.experimental import pallas as pl
from jax.experimental.pallas import tpu as pltpu
from jax.experimental.pallas import tpu_sc as plsc

N_NODES = 10000
N_PAD = 10112
D = 128
N_EDGES = 320000
NC, NS = 2, 16
NW = NC * NS
CHUNK = 128
EPT = 10240
E_PAD = NW * EPT
NCHUNK = EPT // CHUNK
ROWS_PT = N_PAD // NS
NBUF = 2
GROUP = 8
NG0 = 19
NG1 = 1
_WB_CHUNKS = -(-ROWS_PT // CHUNK)
E0 = NS * NG0 * GROUP * CHUNK

_MESH = plsc.VectorSubcoreMesh(
    core_axis_name="c", subcore_axis_name="s", num_cores=NC, num_subcores=NS
)

_ZERO16 = functools.partial(jnp.zeros, (16,), jnp.float32)


def _deg_body(dst_hbm, deg_hbm, dst_v, deg_v):
    c = lax.axis_index("c")
    s = lax.axis_index("s")
    wid = c * NS + s
    pltpu.sync_copy(dst_hbm.at[pl.ds(wid * EPT, EPT)], dst_v)

    def zero(i, _):
        deg_v[pl.ds(i * 16, 16)] = _ZERO16()
        return 0

    lax.fori_loop(0, N_PAD // 16, zero, 0)

    ones = jnp.ones((16,), jnp.float32)

    def count(i, _):
        idx = dst_v[pl.ds(i * 16, 16)]
        plsc.addupdate_scatter(deg_v, [idx], ones)
        return 0

    lax.fori_loop(0, EPT // 16, count, 0)
    pltpu.sync_copy(deg_v, deg_hbm.at[pl.ds(wid * N_PAD, N_PAD)])


_SC_PARAMS = pltpu.CompilerParams(needs_layout_passes=False)

_deg_call = pl.kernel(
    _deg_body,
    out_type=jax.ShapeDtypeStruct((NW * N_PAD,), jnp.float32),
    mesh=_MESH,
    compiler_params=_SC_PARAMS,
    scratch_types=[
        pltpu.VMEM((EPT,), jnp.int32),
        pltpu.VMEM((N_PAD,), jnp.float32),
    ],
)


def _run_groups(g_hbm, src_hbm, dst_hbm, acc_sh, rows, sems, src_v, dst_v,
                s, ngroups):
    def group(j, _):
        pltpu.sync_copy(src_hbm.at[s, j], src_v)
        pltpu.sync_copy(dst_hbm.at[s, j], dst_v)
        for b in range(NBUF):
            pltpu.async_copy(g_hbm.at[src_v.at[b]], rows[b], sems[b])
        for k in range(GROUP):
            b = k % NBUF
            pltpu.make_async_copy(
                g_hbm.at[src_v.at[k]], rows[b], sems[b]
            ).wait()
            pltpu.sync_copy(rows[b], acc_sh.at[dst_v.at[k]], add=True)
            if k + NBUF < GROUP:
                pltpu.async_copy(
                    g_hbm.at[src_v.at[k + NBUF]], rows[b], sems[b]
                )
        return 0

    lax.fori_loop(0, ngroups, group, 0)


def _fill_row_ids(dst_v, base):
    lanes = lax.iota(jnp.int32, 16)

    def fill(i, _):
        e = i * 16 + lanes
        dst_v[i // 8, pl.ds((i % 8) * 16, 16)] = base + jnp.minimum(
            e, ROWS_PT - 1
        )
        return 0

    lax.fori_loop(0, GROUP * CHUNK // 16, fill, 0)


def _agg_body(g_hbm, srcA_hbm, dstA_hbm, srcB_hbm, dstB_hbm, out_hbm,
              src_v, dst_v, r0, r1, acc_sh, s0, s1):
    rows = (r0, r1)
    sems = (s0, s1)
    c = lax.axis_index("c")
    s = lax.axis_index("s")
    base = s * ROWS_PT

    def zero(i, _):
        r0[i // 8, pl.ds((i % 8) * 16, 16)] = _ZERO16()
        return 0

    lax.fori_loop(0, CHUNK * (D // 16), zero, 0)

    @pl.when((c == 0) | (NG1 > 0))
    def _():
        _fill_row_ids(dst_v, base)
        for k in range(_WB_CHUNKS):
            pltpu.sync_copy(r0, acc_sh.at[dst_v.at[k]])

    plsc.subcore_barrier()

    @pl.when(c == 0)
    def _():
        _run_groups(g_hbm, srcA_hbm, dstA_hbm, acc_sh, rows, sems,
                    src_v, dst_v, s, NG0)

    @pl.when(c == 1)
    def _():
        _run_groups(g_hbm, srcB_hbm, dstB_hbm, acc_sh, rows, sems,
                    src_v, dst_v, s, NG1)

    plsc.subcore_barrier()

    @pl.when(c == 0)
    def _():
        _fill_row_ids(dst_v, base)
        for b in range(NBUF):
            pltpu.async_copy(acc_sh.at[dst_v.at[b]], rows[b], sems[b])
        for k in range(_WB_CHUNKS):
            b = k % NBUF
            n = CHUNK if (k + 1) * CHUNK <= ROWS_PT else ROWS_PT - k * CHUNK
            pltpu.make_async_copy(
                acc_sh.at[dst_v.at[k]], rows[b], sems[b]
            ).wait()
            pltpu.sync_copy(
                rows[b].at[pl.ds(0, n)],
                out_hbm.at[0, pl.ds(base + k * CHUNK, n)],
            )
            if k + NBUF < _WB_CHUNKS:
                pltpu.async_copy(
                    acc_sh.at[dst_v.at[k + NBUF]], rows[b], sems[b]
                )

    @pl.when((c == 1) & (NG1 > 0))
    def _():
        _fill_row_ids(dst_v, base)
        for b in range(NBUF):
            pltpu.async_copy(acc_sh.at[dst_v.at[b]], rows[b], sems[b])
        for k in range(_WB_CHUNKS):
            b = k % NBUF
            n = CHUNK if (k + 1) * CHUNK <= ROWS_PT else ROWS_PT - k * CHUNK
            pltpu.make_async_copy(
                acc_sh.at[dst_v.at[k]], rows[b], sems[b]
            ).wait()
            pltpu.sync_copy(
                rows[b].at[pl.ds(0, n)],
                out_hbm.at[1, pl.ds(base + k * CHUNK, n)],
            )
            if k + NBUF < _WB_CHUNKS:
                pltpu.async_copy(
                    acc_sh.at[dst_v.at[k + NBUF]], rows[b], sems[b]
                )

    @pl.when((c == 1) & (NG1 == 0))
    def _():
        for k in range(_WB_CHUNKS):
            n = CHUNK if (k + 1) * CHUNK <= ROWS_PT else ROWS_PT - k * CHUNK
            pltpu.sync_copy(
                r0.at[pl.ds(0, n)],
                out_hbm.at[1, pl.ds(base + k * CHUNK, n)],
            )


_agg_call = pl.kernel(
    _agg_body,
    out_type=jax.ShapeDtypeStruct((NC, N_PAD, D), jnp.float32),
    mesh=_MESH,
    compiler_params=_SC_PARAMS,
    scratch_types=[
        pltpu.VMEM((GROUP, CHUNK), jnp.int32),
        pltpu.VMEM((GROUP, CHUNK), jnp.int32),
        pltpu.VMEM((CHUNK, D), jnp.float32),
        pltpu.VMEM((CHUNK, D), jnp.float32),
        pltpu.VMEM_SHARED((N_PAD, D), jnp.float32),
        pltpu.SemaphoreType.DMA,
        pltpu.SemaphoreType.DMA,
    ],
)


_R = 1000


def _dinv(deg_ref):
    return lax.rsqrt(jnp.sum(deg_ref[...], axis=1, keepdims=True) + 1.0)


def _tc1_body(deg_ref, x_ref, w_ref, g_ref):
    h = jnp.dot(x_ref[...], w_ref[...], preferred_element_type=jnp.float32)
    g_ref[...] = _dinv(deg_ref) * h


def _tc2_body(deg_ref, agg_ref, g1_ref, w_ref, b_ref, g2_ref):
    dinv = _dinv(deg_ref)
    out1 = dinv * (agg_ref[0] + agg_ref[1] + g1_ref[...]) + b_ref[...]
    g2_ref[...] = dinv * jnp.dot(
        out1, w_ref[...], preferred_element_type=jnp.float32
    )


def _tc3_body(deg_ref, agg_ref, g2_ref, b_ref, out_ref):
    dinv = _dinv(deg_ref)
    pre = dinv * (agg_ref[0] + agg_ref[1] + g2_ref[...]) + b_ref[...]
    out_ref[...] = jnp.maximum(pre, 0.0)


_deg_spec = pl.BlockSpec((_R, NW), lambda i: (i, 0))
_row_spec = pl.BlockSpec((_R, D), lambda i: (i, 0))
_agg_spec = pl.BlockSpec((NC, _R, D), lambda i: (0, i, 0))
_w_spec = pl.BlockSpec((D, D), lambda i: (0, 0))
_b_spec = pl.BlockSpec((1, D), lambda i: (0, 0))
_out_struct = jax.ShapeDtypeStruct((N_NODES, D), jnp.float32)

_tc1 = pl.pallas_call(
    _tc1_body,
    grid=(N_NODES // _R,),
    in_specs=[_deg_spec, _row_spec, _w_spec],
    out_specs=_row_spec,
    out_shape=_out_struct,
)
_tc2 = pl.pallas_call(
    _tc2_body,
    grid=(N_NODES // _R,),
    in_specs=[_deg_spec, _agg_spec, _row_spec, _w_spec, _b_spec],
    out_specs=_row_spec,
    out_shape=_out_struct,
)
_tc3 = pl.pallas_call(
    _tc3_body,
    grid=(N_NODES // _R,),
    in_specs=[_deg_spec, _agg_spec, _row_spec, _b_spec],
    out_specs=_row_spec,
    out_shape=_out_struct,
)


def kernel(x, edge_index, W1, b1, W2, b2):
    src = edge_index[0].astype(jnp.int32)
    dst = edge_index[1].astype(jnp.int32)
    pad = E_PAD - N_EDGES
    src_p = jnp.concatenate([src, jnp.zeros((pad,), jnp.int32)])
    dst_p = jnp.concatenate([dst, jnp.full((pad,), N_NODES, jnp.int32)])
    srcA = src_p[:E0].reshape(NS, NG0, GROUP, CHUNK)
    dstA = dst_p[:E0].reshape(NS, NG0, GROUP, CHUNK)
    if NG1 > 0:
        srcB = src_p[E0:].reshape(NS, NG1, GROUP, CHUNK)
        dstB = dst_p[E0:].reshape(NS, NG1, GROUP, CHUNK)
    else:
        srcB = srcA
        dstB = dstA

    degT = _deg_call(dst_p).reshape(NW, N_PAD).T
    g1 = _tc1(degT, x, W1)
    agg1 = _agg_call(g1, srcA, dstA, srcB, dstB)
    g2 = _tc2(degT, agg1, g1, W2, b1.reshape(1, D))
    agg2 = _agg_call(g2, srcA, dstA, srcB, dstB)
    return _tc3(degT, agg2, g2, b2.reshape(1, D))

# --- scband reference (transcript-rebuilt; emitter-appended) ---
"""Pipeline reference for scband-encoder-21680994910290 (READ-ONLY COPY).

The authoritative reference and input builder live on the scoring server;
editing this copy changes nothing except your own understanding.
"""

import jax, jax.numpy as jnp
import numpy as np

N_NODES = 10000
N_EDGES = 320000
D_IN = 128
D_HID = 128


def setup_inputs(seed: int = 0) -> dict:
    key = jax.random.key(seed)
    k1, k2, k3, k4, k5, k6 = jax.random.split(key, 6)
    x = jax.random.normal(k1, (N_NODES, D_IN), dtype=jnp.float32)
    edge_index = jax.random.randint(k2, (2, N_EDGES), 0, N_NODES, dtype=jnp.int64)
    # GCNConv weights (glorot-ish init) and zero biases, per layer_dims=[128,128,128]
    s1 = 1.0 / np.sqrt(D_IN)
    s2 = 1.0 / np.sqrt(D_HID)
    W1 = jax.random.uniform(k3, (D_IN, D_HID), minval=-s1, maxval=s1, dtype=jnp.float32)
    b1 = jnp.zeros((D_HID,), dtype=jnp.float32)
    W2 = jax.random.uniform(k4, (D_HID, D_HID), minval=-s2, maxval=s2, dtype=jnp.float32)
    b2 = jnp.zeros((D_HID,), dtype=jnp.float32)
    return {"x": x, "edge_index": edge_index, "W1": W1, "b1": b1, "W2": W2, "b2": b2}


def _gcn_conv(x, src, dst, W, b, n_nodes):
    # GCNConv: add self-loops, symmetric normalization D^-1/2 (A+I) D^-1/2
    loop = jnp.arange(n_nodes, dtype=src.dtype)
    src_f = jnp.concatenate([src, loop])
    dst_f = jnp.concatenate([dst, loop])
    deg = jnp.zeros((n_nodes,), dtype=x.dtype).at[dst_f].add(1.0)
    deg_inv_sqrt = jnp.where(deg > 0, 1.0 / jnp.sqrt(deg), 0.0)
    norm = deg_inv_sqrt[src_f] * deg_inv_sqrt[dst_f]
    h = x @ W
    msg = h[src_f] * norm[:, None]
    out = jax.ops.segment_sum(msg, dst_f, num_segments=n_nodes)
    return out + b


def reference(x, edge_index, W1, b1, W2, b2):
    src = edge_index[0]
    dst = edge_index[1]
    h = _gcn_conv(x, src, dst, W1, b1, N_NODES)
    h = _gcn_conv(h, src, dst, W2, b2, N_NODES)
    out = jax.nn.relu(h)
    return out

if __name__ == "__main__":
    import jax
    _d = setup_inputs()
    print(jax.jit(kernel)(*tuple(_d.values())))

</pallas_src>

<mosaic_0001>
#map = affine_map<(d0, d1) -> (0, 0)>
#map1 = affine_map<(d0, d1) -> (0, 0, 0, 0)>
#map2 = affine_map<(d0, d1) -> (0, 0, 0)>
module attributes {stable_mosaic.version = 14 : i64} {
  func.func @_agg_body(%arg0: i32, %arg1: i32, %arg2: memref<10000x128xf32, #tpu.memory_space<hbm>>, %arg3: memref<16x19x8x128xi32, #tpu.memory_space<hbm>>, %arg4: memref<16x19x8x128xi32, #tpu.memory_space<hbm>>, %arg5: memref<16x1x8x128xi32, #tpu.memory_space<hbm>>, %arg6: memref<16x1x8x128xi32, #tpu.memory_space<hbm>>, %arg7: memref<2x10112x128xf32, #tpu.memory_space<hbm>>, %arg8: memref<8x128xi32, #tpu.memory_space<vmem>>, %arg9: memref<8x128xi32, #tpu.memory_space<vmem>>, %arg10: memref<128x128xf32, #tpu.memory_space<vmem>>, %arg11: memref<128x128xf32, #tpu.memory_space<vmem>>, %arg12: memref<10112x128xf32, #tpu.memory_space<vmem_shared>>, %arg13: memref<!tpu.dma_semaphore, #tpu.memory_space<semaphore_mem>>, %arg14: memref<!tpu.dma_semaphore, #tpu.memory_space<semaphore_mem>>) attributes {dimension_semantics = [#tpu.dimension_semantics<core_parallel>, #tpu.dimension_semantics<subcore_parallel>], iteration_bounds = array<i64: 2, 16>, scalar_prefetch = 0 : i64, scratch_operands = 7 : i64, tpu.core_type = #tpu.core_type<sc_vector_subcore>, window_params = [{transform_indices = #map}, {transform_indices = #map1}, {transform_indices = #map1}, {transform_indices = #map1}, {transform_indices = #map1}, {transform_indices = #map2}]} {
    %mul3A = arith.constant 632 : i32
    %mul3A_0 = arith.muli %arg1, %mul3A : i32
    %scan3A = arith.constant 0 : i32
    %scan3A_1 = arith.constant 0 : i32
    %scan3A_2 = arith.constant 1024 : i32
    %scan3A_3 = arith.addi %scan3A_1, %scan3A_2 : i32
    %scan3A_4 = arith.constant 1 : i32
    %scan3A_5 = scf.for %scan3A_39 = %scan3A_1 to %scan3A_3 step %scan3A_4 iter_args(%scan3A_40 = %scan3A) -> (i32)  : i32 {
      %broadcast_in_dim3A = arith.constant 0.000000e+00 : f32
      %broadcast_in_dim3A_41 = vector.broadcast %broadcast_in_dim3A : f32 to vector<16xf32>
      %jit3A = arith.constant 8 : i32
      %div3A = arith.divsi %scan3A_39, %jit3A : i32
      %sign3A = arith.constant 0 : i32
      %sign3A_42 = arith.cmpi sgt, %scan3A_39, %sign3A : i32
      %sign3A_43 = arith.extui %sign3A_42 : i1 to i32
      %sign3A_44 = arith.constant 0 : i32
      %sign3A_45 = arith.cmpi slt, %scan3A_39, %sign3A_44 : i32
      %sign3A_46 = arith.extui %sign3A_45 : i1 to i32
      %sign3A_47 = arith.subi %sign3A_43, %sign3A_46 : i32
      %sign3A_48 = arith.constant 0 : i32
      %sign3A_49 = arith.cmpi sgt, %jit3A, %sign3A_48 : i32
      %sign3A_50 = arith.extui %sign3A_49 : i1 to i32
      %sign3A_51 = arith.constant 0 : i32
      %sign3A_52 = arith.cmpi slt, %jit3A, %sign3A_51 : i32
      %sign3A_53 = arith.extui %sign3A_52 : i1 to i32
      %sign3A_54 = arith.subi %sign3A_50, %sign3A_53 : i32
      %ne3A = arith.cmpi ne, %sign3A_47, %sign3A_54 : i32
      %rem3A = arith.remsi %scan3A_39, %jit3A : i32
      %ne3A_55 = arith.constant 0 : i32
      %ne3A_56 = arith.cmpi ne, %rem3A, %ne3A_55 : i32
      %and3A_57 = arith.andi %ne3A, %ne3A_56 : i1
      %sub3A = arith.constant 1 : i32
      %sub3A_58 = arith.subi %div3A, %sub3A : i32
      %select_n3A = arith.select %and3A_57, %sub3A_58, %div3A : i32
      %jit3A_59 = arith.constant 8 : i32
      %eq3A_60 = arith.constant 0 : i32
      %eq3A_61 = arith.cmpi eq, %jit3A_59, %eq3A_60 : i32
      %jit3A_62 = arith.constant 1 : i32
      %select_n3A_63 = arith.select %eq3A_61, %jit3A_62, %jit3A_59 : i32
      %rem3A_64 = arith.remsi %scan3A_39, %select_n3A_63 : i32
      %ne3A_65 = arith.constant 0 : i32
      %ne3A_66 = arith.cmpi ne, %rem3A_64, %ne3A_65 : i32
      %lt3A = arith.constant 0 : i32
      %lt3A_67 = arith.cmpi slt, %rem3A_64, %lt3A : i32
      %lt3A_68 = arith.constant 0 : i32
      %lt3A_69 = arith.cmpi slt, %select_n3A_63, %lt3A_68 : i32
      %ne3A_70 = arith.xori %lt3A_67, %lt3A_69 : i1
      %and3A_71 = arith.andi %ne3A_70, %ne3A_66 : i1
      %add3A = arith.addi %rem3A_64, %select_n3A_63 : i32
      %select_n3A_72 = arith.select %and3A_71, %add3A, %rem3A_64 : i32
      %mul3A_73 = arith.constant 16 : i32
      %mul3A_74 = arith.muli %select_n3A_72, %mul3A_73 : i32
      %swap3A = arith.index_cast %select_n3A : i32 to index
      %swap3A_75 = arith.index_cast %mul3A_74 : i32 to index
      %swap3A_76 = tpu.vector_load %arg10[%swap3A, %swap3A_75] {strides = array<i32>} : memref<128x128xf32, #tpu.memory_space<vmem>>, vector<16xf32>,
      tpu.vector_store %arg10[%swap3A, %swap3A_75], %broadcast_in_dim3A_41 {strides = array<i32>} : memref<128x128xf32, #tpu.memory_space<vmem>>, vector<16xf32>,
      %scan3A_77 = arith.constant 0 : i32
      scf.yield %scan3A_77 : i32
    }
    %scan3A_6 = arith.constant 1024 : i32
    %eq3A = arith.constant 0 : i32
    %eq3A_7 = arith.cmpi eq, %arg0, %eq3A : i32
    %or3A = arith.constant true
    %or3A_8 = arith.ori %eq3A_7, %or3A : i1
    %convert_element_type3A = arith.extui %or3A_8 : i1 to i32
    %cond3A = arith.constant 0 : i32
    %cond3A_9 = arith.cmpi ne, %convert_element_type3A, %cond3A : i32
    scf.if %cond3A_9 {
      %iota3A = tpu.iota {dimensions = array<i32: 0>} : vector<16xi32>
      %scan3A_39 = arith.constant 0 : i32
      %scan3A_40 = arith.constant 0 : i32
      %scan3A_41 = arith.constant 64 : i32
      %scan3A_42 = arith.addi %scan3A_40, %scan3A_41 : i32
      %scan3A_43 = arith.constant 1 : i32
      %scan3A_44 = scf.for %scan3A_50 = %scan3A_40 to %scan3A_42 step %scan3A_43 iter_args(%scan3A_51 = %scan3A_39) -> (i32)  : i32 {
        %mul3A_52 = arith.constant 16 : i32
        %mul3A_53 = arith.muli %scan3A_50, %mul3A_52 : i32
        %add3A = vector.broadcast %mul3A_53 : i32 to vector<16xi32>
        %add3A_54 = arith.addi %add3A, %iota3A : vector<16xi32>
        %min3A = arith.constant 631 : i32
        %min3A_55 = vector.broadcast %min3A : i32 to vector<16xi32>
        %min3A_56 = arith.minsi %add3A_54, %min3A_55 : vector<16xi32>
        %add3A_57 = vector.broadcast %mul3A_0 : i32 to vector<16xi32>
        %add3A_58 = arith.addi %add3A_57, %min3A_56 : vector<16xi32>
        %jit3A = arith.constant 8 : i32
        %div3A = arith.divsi %scan3A_50, %jit3A : i32
        %sign3A = arith.constant 0 : i32
        %sign3A_59 = arith.cmpi sgt, %scan3A_50, %sign3A : i32
        %sign3A_60 = arith.extui %sign3A_59 : i1 to i32
        %sign3A_61 = arith.constant 0 : i32
        %sign3A_62 = arith.cmpi slt, %scan3A_50, %sign3A_61 : i32
        %sign3A_63 = arith.extui %sign3A_62 : i1 to i32
        %sign3A_64 = arith.subi %sign3A_60, %sign3A_63 : i32
        %sign3A_65 = arith.constant 0 : i32
        %sign3A_66 = arith.cmpi sgt, %jit3A, %sign3A_65 : i32
        %sign3A_67 = arith.extui %sign3A_66 : i1 to i32
        %sign3A_68 = arith.constant 0 : i32
        %sign3A_69 = arith.cmpi slt, %jit3A, %sign3A_68 : i32
        %sign3A_70 = arith.extui %sign3A_69 : i1 to i32
        %sign3A_71 = arith.subi %sign3A_67, %sign3A_70 : i32
        %ne3A = arith.cmpi ne, %sign3A_64, %sign3A_71 : i32
        %rem3A = arith.remsi %scan3A_50, %jit3A : i32
        %ne3A_72 = arith.constant 0 : i32
        %ne3A_73 = arith.cmpi ne, %rem3A, %ne3A_72 : i32
        %and3A_74 = arith.andi %ne3A, %ne3A_73 : i1
        %sub3A = arith.constant 1 : i32
        %sub3A_75 = arith.subi %div3A, %sub3A : i32
        %select_n3A = arith.select %and3A_74, %sub3A_75, %div3A : i32
        %jit3A_76 = arith.constant 8 : i32
        %eq3A_77 = arith.constant 0 : i32
        %eq3A_78 = arith.cmpi eq, %jit3A_76, %eq3A_77 : i32
        %jit3A_79 = arith.constant 1 : i32
        %select_n3A_80 = arith.select %eq3A_78, %jit3A_79, %jit3A_76 : i32
        %rem3A_81 = arith.remsi %scan3A_50, %select_n3A_80 : i32
        %ne3A_82 = arith.constant 0 : i32
        %ne3A_83 = arith.cmpi ne, %rem3A_81, %ne3A_82 : i32
        %lt3A = arith.constant 0 : i32
        %lt3A_84 = arith.cmpi slt, %rem3A_81, %lt3A : i32
        %lt3A_85 = arith.constant 0 : i32
        %lt3A_86 = arith.cmpi slt, %select_n3A_80, %lt3A_85 : i32
        %ne3A_87 = arith.xori %lt3A_84, %lt3A_86 : i1
        %and3A_88 = arith.andi %ne3A_87, %ne3A_83 : i1
        %add3A_89 = arith.addi %rem3A_81, %select_n3A_80 : i32
        %select_n3A_90 = arith.select %and3A_88, %add3A_89, %rem3A_81 : i32
        %mul3A_91 = arith.constant 16 : i32
        %mul3A_92 = arith.muli %select_n3A_90, %mul3A_91 : i32
        %swap3A = arith.index_cast %select_n3A : i32 to index
        %swap3A_93 = arith.index_cast %mul3A_92 : i32 to index
        %swap3A_94 = tpu.vector_load %arg9[%swap3A, %swap3A_93] {strides = array<i32>} : memref<8x128xi32, #tpu.memory_space<vmem>>, vector<16xi32>,
        tpu.vector_store %arg9[%swap3A, %swap3A_93], %add3A_58 {strides = array<i32>} : memref<8x128xi32, #tpu.memory_space<vmem>>, vector<16xi32>,
        %scan3A_95 = arith.constant 0 : i32
        scf.yield %scan3A_95 : i32
      }
      %scan3A_45 = arith.constant 64 : i32
      %run_scoped3A = arith.constant 0 : i32
      "tpu.region"() ({
        %run_scoped3A_50 = tpu.sem_alloc : memref<!tpu.dma_semaphore, #tpu.memory_space<semaphore_mem>>
        %dma_start3A = arith.constant 0 : i32
        %dma_start3A_51 = tpu.memref_slice %arg9[%run_scoped3A, %dma_start3A] : memref<8x128xi32, #tpu.memory_space<vmem>> -> memref<1x128xi32, #tpu.memory_space<vmem>>
        %dma_start3A_52 = tpu.memref_squeeze %dma_start3A_51 : memref<1x128xi32, #tpu.memory_space<vmem>> -> memref<128xi32, #tpu.memory_space<vmem>>
        %dma_start3A_53 = arith.constant 0 : i32
        %dma_start3A_54 = arith.constant 0 : i32
        %dma_start3A_55 = tpu.memref_slice %arg12[%dma_start3A_53, %dma_start3A_54] : memref<10112x128xf32, #tpu.memory_space<vmem_shared>> -> memref<10112x128xf32, #tpu.memory_space<vmem_shared>>
        tpu.enqueue_indirect_dma source(%arg10 : memref<128x128xf32, #tpu.memory_space<vmem>>) target(%dma_start3A_55 : memref<10112x128xf32, #tpu.memory_space<vmem_shared>>) offsets(%dma_start3A_52 : memref<128xi32, #tpu.memory_space<vmem>>) semaphore(%run_scoped3A_50 : memref<!tpu.dma_semaphore, #tpu.memory_space<semaphore_mem>>)
        %dma_wait3A = arith.constant 0 : i32
        %dma_wait3A_56 = tpu.memref_slice %arg9[%run_scoped3A, %dma_wait3A] : memref<8x128xi32, #tpu.memory_space<vmem>> -> memref<1x128xi32, #tpu.memory_space<vmem>>
        %dma_wait3A_57 = tpu.memref_squeeze %dma_wait3A_56 : memref<1x128xi32, #tpu.memory_space<vmem>> -> memref<128xi32, #tpu.memory_space<vmem>>
        %dma_wait3A_58 = arith.constant 0 : i32
        %dma_wait3A_59 = arith.constant 0 : i32
        %dma_wait3A_60 = tpu.memref_slice %arg12[%dma_wait3A_58, %dma_wait3A_59] : memref<10112x128xf32, #tpu.memory_space<vmem_shared>> -> memref<10112x128xf32, #tpu.memory_space<vmem_shared>>
        tpu.wait_indirect_dma semaphore(%run_scoped3A_50 : memref<!tpu.dma_semaphore, #tpu.memory_space<semaphore_mem>>) src(%arg10 : memref<128x128xf32, #tpu.memory_space<vmem>>) dst(%dma_wait3A_60 : memref<10112x128xf32, #tpu.memory_space<vmem_shared>>)
        tpu.yield
      }) : () -> ()
      %run_scoped3A_46 = arith.constant 1 : i32
      "tpu.region"() ({
        %run_scoped3A_50 = tpu.sem_alloc : memref<!tpu.dma_semaphore, #tpu.memory_space<semaphore_mem>>
        %dma_start3A = arith.constant 0 : i32
        %dma_start3A_51 = tpu.memref_slice %arg9[%run_scoped3A_46, %dma_start3A] : memref<8x128xi32, #tpu.memory_space<vmem>> -> memref<1x128xi32, #tpu.memory_space<vmem>>
        %dma_start3A_52 = tpu.memref_squeeze %dma_start3A_51 : memref<1x128xi32, #tpu.memory_space<vmem>> -> memref<128xi32, #tpu.memory_space<vmem>>
        %dma_start3A_53 = arith.constant 0 : i32
        %dma_start3A_54 = arith.constant 0 : i32
        %dma_start3A_55 = tpu.memref_slice %arg12[%dma_start3A_53, %dma_start3A_54] : memref<10112x128xf32, #tpu.memory_space<vmem_shared>> -> memref<10112x128xf32, #tpu.memory_space<vmem_shared>>
        tpu.enqueue_indirect_dma source(%arg10 : memref<128x128xf32, #tpu.memory_space<vmem>>) target(%dma_start3A_55 : memref<10112x128xf32, #tpu.memory_space<vmem_shared>>) offsets(%dma_start3A_52 : memref<128xi32, #tpu.memory_space<vmem>>) semaphore(%run_scoped3A_50 : memref<!tpu.dma_semaphore, #tpu.memory_space<semaphore_mem>>)
        %dma_wait3A = arith.constant 0 : i32
        %dma_wait3A_56 = tpu.memref_slice %arg9[%run_scoped3A_46, %dma_wait3A] : memref<8x128xi32, #tpu.memory_space<vmem>> -> memref<1x128xi32, #tpu.memory_space<vmem>>
        %dma_wait3A_57 = tpu.memref_squeeze %dma_wait3A_56 : memref<1x128xi32, #tpu.memory_space<vmem>> -> memref<128xi32, #tpu.memory_space<vmem>>
        %dma_wait3A_58 = arith.constant 0 : i32
        %dma_wait3A_59 = arith.constant 0 : i32
        %dma_wait3A_60 = tpu.memref_slice %arg12[%dma_wait3A_58, %dma_wait3A_59] : memref<10112x128xf32, #tpu.memory_space<vmem_shared>> -> memref<10112x128xf32, #tpu.memory_space<vmem_shared>>
        tpu.wait_indirect_dma semaphore(%run_scoped3A_50 : memref<!tpu.dma_semaphore, #tpu.memory_space<semaphore_mem>>) src(%arg10 : memref<128x128xf32, #tpu.memory_space<vmem>>) dst(%dma_wait3A_60 : memref<10112x128xf32, #tpu.memory_space<vmem_shared>>)
        tpu.yield
      }) : () -> ()
      %run_scoped3A_47 = arith.constant 2 : i32
      "tpu.region"() ({
        %run_scoped3A_50 = tpu.sem_alloc : memref<!tpu.dma_semaphore, #tpu.memory_space<semaphore_mem>>
        %dma_start3A = arith.constant 0 : i32
        %dma_start3A_51 = tpu.memref_slice %arg9[%run_scoped3A_47, %dma_start3A] : memref<8x128xi32, #tpu.memory_space<vmem>> -> memref<1x128xi32, #tpu.memory_space<vmem>>
        %dma_start3A_52 = tpu.memref_squeeze %dma_start3A_51 : memref<1x128xi32, #tpu.memory_space<vmem>> -> memref<128xi32, #tpu.memory_space<vmem>>
        %dma_start3A_53 = arith.constant 0 : i32
        %dma_start3A_54 = arith.constant 0 : i32
        %dma_start3A_55 = tpu.memref_slice %arg12[%dma_start3A_53, %dma_start3A_54] : memref<10112x128xf32, #tpu.memory_space<vmem_shared>> -> memref<10112x128xf32, #tpu.memory_space<vmem_shared>>
        tpu.enqueue_indirect_dma source(%arg10 : memref<128x128xf32, #tpu.memory_space<vmem>>) target(%dma_start3A_55 : memref<10112x128xf32, #tpu.memory_space<vmem_shared>>) offsets(%dma_start3A_52 : memref<128xi32, #tpu.memory_space<vmem>>) semaphore(%run_scoped3A_50 : memref<!tpu.dma_semaphore, #tpu.memory_space<semaphore_mem>>)
        %dma_wait3A = arith.constant 0 : i32
        %dma_wait3A_56 = tpu.memref_slice %arg9[%run_scoped3A_47, %dma_wait3A] : memref<8x128xi32, #tpu.memory_space<vmem>> -> memref<1x128xi32, #tpu.memory_space<vmem>>
        %dma_wait3A_57 = tpu.memref_squeeze %dma_wait3A_56 : memref<1x128xi32, #tpu.memory_space<vmem>> -> memref<128xi32, #tpu.memory_space<vmem>>
        %dma_wait3A_58 = arith.constant 0 : i32
        %dma_wait3A_59 = arith.constant 0 : i32
        %dma_wait3A_60 = tpu.memref_slice %arg12[%dma_wait3A_58, %dma_wait3A_59] : memref<10112x128xf32, #tpu.memory_space<vmem_shared>> -> memref<10112x128xf32, #tpu.memory_space<vmem_shared>>
        tpu.wait_indirect_dma semaphore(%run_scoped3A_50 : memref<!tpu.dma_semaphore, #tpu.memory_space<semaphore_mem>>) src(%arg10 : memref<128x128xf32, #tpu.memory_space<vmem>>) dst(%dma_wait3A_60 : memref<10112x128xf32, #tpu.memory_space<vmem_shared>>)
        tpu.yield
      }) : () -> ()
      %run_scoped3A_48 = arith.constant 3 : i32
      "tpu.region"() ({
        %run_scoped3A_50 = tpu.sem_alloc : memref<!tpu.dma_semaphore, #tpu.memory_space<semaphore_mem>>
        %dma_start3A = arith.constant 0 : i32
        %dma_start3A_51 = tpu.memref_slice %arg9[%run_scoped3A_48, %dma_start3A] : memref<8x128xi32, #tpu.memory_space<vmem>> -> memref<1x128xi32, #tpu.memory_space<vmem>>
        %dma_start3A_52 = tpu.memref_squeeze %dma_start3A_51 : memref<1x128xi32, #tpu.memory_space<vmem>> -> memref<128xi32, #tpu.memory_space<vmem>>
        %dma_start3A_53 = arith.constant 0 : i32
        %dma_start3A_54 = arith.constant 0 : i32
        %dma_start3A_55 = tpu.memref_slice %arg12[%dma_start3A_53, %dma_start3A_54] : memref<10112x128xf32, #tpu.memory_space<vmem_shared>> -> memref<10112x128xf32, #tpu.memory_space<vmem_shared>>
        tpu.enqueue_indirect_dma source(%arg10 : memref<128x128xf32, #tpu.memory_space<vmem>>) target(%dma_start3A_55 : memref<10112x128xf32, #tpu.memory_space<vmem_shared>>) offsets(%dma_start3A_52 : memref<128xi32, #tpu.memory_space<vmem>>) semaphore(%run_scoped3A_50 : memref<!tpu.dma_semaphore, #tpu.memory_space<semaphore_mem>>)
        %dma_wait3A = arith.constant 0 : i32
        %dma_wait3A_56 = tpu.memref_slice %arg9[%run_scoped3A_48, %dma_wait3A] : memref<8x128xi32, #tpu.memory_space<vmem>> -> memref<1x128xi32, #tpu.memory_space<vmem>>
        %dma_wait3A_57 = tpu.memref_squeeze %dma_wait3A_56 : memref<1x128xi32, #tpu.memory_space<vmem>> -> memref<128xi32, #tpu.memory_space<vmem>>
        %dma_wait3A_58 = arith.constant 0 : i32
        %dma_wait3A_59 = arith.constant 0 : i32
        %dma_wait3A_60 = tpu.memref_slice %arg12[%dma_wait3A_58, %dma_wait3A_59] : memref<10112x128xf32, #tpu.memory_space<vmem_shared>> -> memref<10112x128xf32, #tpu.memory_space<vmem_shared>>
        tpu.wait_indirect_dma semaphore(%run_scoped3A_50 : memref<!tpu.dma_semaphore, #tpu.memory_space<semaphore_mem>>) src(%arg10 : memref<128x128xf32, #tpu.memory_space<vmem>>) dst(%dma_wait3A_60 : memref<10112x128xf32, #tpu.memory_space<vmem_shared>>)
        tpu.yield
      }) : () -> ()
      %run_scoped3A_49 = arith.constant 4 : i32
      "tpu.region"() ({
        %run_scoped3A_50 = tpu.sem_alloc : memref<!tpu.dma_semaphore, #tpu.memory_space<semaphore_mem>>
        %dma_start3A = arith.constant 0 : i32
        %dma_start3A_51 = tpu.memref_slice %arg9[%run_scoped3A_49, %dma_start3A] : memref<8x128xi32, #tpu.memory_space<vmem>> -> memref<1x128xi32, #tpu.memory_space<vmem>>
        %dma_start3A_52 = tpu.memref_squeeze %dma_start3A_51 : memref<1x128xi32, #tpu.memory_space<vmem>> -> memref<128xi32, #tpu.memory_space<vmem>>
        %dma_start3A_53 = arith.constant 0 : i32
        %dma_start3A_54 = arith.constant 0 : i32
        %dma_start3A_55 = tpu.memref_slice %arg12[%dma_start3A_53, %dma_start3A_54] : memref<10112x128xf32, #tpu.memory_space<vmem_shared>> -> memref<10112x128xf32, #tpu.memory_space<vmem_shared>>
        tpu.enqueue_indirect_dma source(%arg10 : memref<128x128xf32, #tpu.memory_space<vmem>>) target(%dma_start3A_55 : memref<10112x128xf32, #tpu.memory_space<vmem_shared>>) offsets(%dma_start3A_52 : memref<128xi32, #tpu.memory_space<vmem>>) semaphore(%run_scoped3A_50 : memref<!tpu.dma_semaphore, #tpu.memory_space<semaphore_mem>>)
        %dma_wait3A = arith.constant 0 : i32
        %dma_wait3A_56 = tpu.memref_slice %arg9[%run_scoped3A_49, %dma_wait3A] : memref<8x128xi32, #tpu.memory_space<vmem>> -> memref<1x128xi32, #tpu.memory_space<vmem>>
        %dma_wait3A_57 = tpu.memref_squeeze %dma_wait3A_56 : memref<1x128xi32, #tpu.memory_space<vmem>> -> memref<128xi32, #tpu.memory_space<vmem>>
        %dma_wait3A_58 = arith.constant 0 : i32
        %dma_wait3A_59 = arith.constant 0 : i32
        %dma_wait3A_60 = tpu.memref_slice %arg12[%dma_wait3A_58, %dma_wait3A_59] : memref<10112x128xf32, #tpu.memory_space<vmem_shared>> -> memref<10112x128xf32, #tpu.memory_space<vmem_shared>>
        tpu.wait_indirect_dma semaphore(%run_scoped3A_50 : memref<!tpu.dma_semaphore, #tpu.memory_space<semaphore_mem>>) src(%arg10 : memref<128x128xf32, #tpu.memory_space<vmem>>) dst(%dma_wait3A_60 : memref<10112x128xf32, #tpu.memory_space<vmem_shared>>)
        tpu.yield
      }) : () -> ()
    } else {
    }
    %barrier3A = arith.constant 0 : index
    tpu.barrier barrier_id(%barrier3A)
    %eq3A_10 = arith.constant 0 : i32
    %eq3A_11 = arith.cmpi eq, %arg0, %eq3A_10 : i32
    %convert_element_type3A_12 = arith.extui %eq3A_11 : i1 to i32
    %cond3A_13 = arith.constant 0 : i32
    %cond3A_14 = arith.cmpi ne, %convert_element_type3A_12, %cond3A_13 : i32
    scf.if %cond3A_14 {
      %scan3A_39 = arith.constant 0 : i32
      %scan3A_40 = arith.constant 0 : i32
      %scan3A_41 = arith.constant 19 : i32
      %scan3A_42 = arith.addi %scan3A_40, %scan3A_41 : i32
      %scan3A_43 = arith.constant 1 : i32
      %scan3A_44 = scf.for %scan3A_46 = %scan3A_40 to %scan3A_42 step %scan3A_43 iter_args(%scan3A_47 = %scan3A_39) -> (i32)  : i32 {
        "tpu.region"() ({
          %run_scoped3A_166 = tpu.sem_alloc : memref<!tpu.dma_semaphore, #tpu.memory_space<semaphore_mem>>
          %dma_start3A_167 = arith.constant 0 : i32
          %dma_start3A_168 = arith.constant 0 : i32
          %dma_start3A_169 = tpu.memref_slice %arg3[%arg1, %scan3A_46, %dma_start3A_167, %dma_start3A_168] : memref<16x19x8x128xi32, #tpu.memory_space<hbm>> -> memref<1x1x8x128xi32, #tpu.memory_space<hbm>>
          %dma_start3A_170 = tpu.memref_squeeze %dma_start3A_169 : memref<1x1x8x128xi32, #tpu.memory_space<hbm>> -> memref<8x128xi32, #tpu.memory_space<hbm>>
          %dma_start3A_171 = arith.constant 0 : i32
          %dma_start3A_172 = arith.constant 0 : i32
          %dma_start3A_173 = tpu.memref_slice %arg3[%arg1, %scan3A_46, %dma_start3A_171, %dma_start3A_172] : memref<16x19x8x128xi32, #tpu.memory_space<hbm>> -> memref<1x1x8x128xi32, #tpu.memory_space<hbm>>
          %dma_start3A_174 = tpu.memref_squeeze %dma_start3A_173 : memref<1x1x8x128xi32, #tpu.memory_space<hbm>> -> memref<8x128xi32, #tpu.memory_space<hbm>>
          tpu.enqueue_dma source(%dma_start3A_174 : memref<8x128xi32, #tpu.memory_space<hbm>>) target(%arg8 : memref<8x128xi32, #tpu.memory_space<vmem>>) target_semaphore(%run_scoped3A_166 : memref<!tpu.dma_semaphore, #tpu.memory_space<semaphore_mem>>)
          %dma_wait3A_175 = arith.constant 0 : i32
          %dma_wait3A_176 = arith.constant 0 : i32
          %dma_wait3A_177 = tpu.memref_slice %arg3[%arg1, %scan3A_46, %dma_wait3A_175, %dma_wait3A_176] : memref<16x19x8x128xi32, #tpu.memory_space<hbm>> -> memref<1x1x8x128xi32, #tpu.memory_space<hbm>>
          %dma_wait3A_178 = tpu.memref_squeeze %dma_wait3A_177 : memref<1x1x8x128xi32, #tpu.memory_space<hbm>> -> memref<8x128xi32, #tpu.memory_space<hbm>>
          %dma_wait3A_179 = arith.constant 0 : i32
          %dma_wait3A_180 = arith.constant 0 : i32
          %dma_wait3A_181 = tpu.memref_slice %arg3[%arg1, %scan3A_46, %dma_wait3A_179, %dma_wait3A_180] : memref<16x19x8x128xi32, #tpu.memory_space<hbm>> -> memref<1x1x8x128xi32, #tpu.memory_space<hbm>>
          %dma_wait3A_182 = tpu.memref_squeeze %dma_wait3A_181 : memref<1x1x8x128xi32, #tpu.memory_space<hbm>> -> memref<8x128xi32, #tpu.memory_space<hbm>>
          tpu.wait_dma2 semaphore(%run_scoped3A_166 : memref<!tpu.dma_semaphore, #tpu.memory_space<semaphore_mem>>) src(%dma_wait3A_182 : memref<8x128xi32, #tpu.memory_space<hbm>>) dst(%arg8 : memref<8x128xi32, #tpu.memory_space<vmem>>)
          tpu.yield
        }) : () -> ()
        "tpu.region"() ({
          %run_scoped3A_166 = tpu.sem_alloc : memref<!tpu.dma_semaphore, #tpu.memory_space<semaphore_mem>>
          %dma_start3A_167 = arith.constant 0 : i32
          %dma_start3A_168 = arith.constant 0 : i32
          %dma_start3A_169 = tpu.memref_slice %arg4[%arg1, %scan3A_46, %dma_start3A_167, %dma_start3A_168] : memref<16x19x8x128xi32, #tpu.memory_space<hbm>> -> memref<1x1x8x128xi32, #tpu.memory_space<hbm>>
          %dma_start3A_170 = tpu.memref_squeeze %dma_start3A_169 : memref<1x1x8x128xi32, #tpu.memory_space<hbm>> -> memref<8x128xi32, #tpu.memory_space<hbm>>
          %dma_start3A_171 = arith.constant 0 : i32
          %dma_start3A_172 = arith.constant 0 : i32
          %dma_start3A_173 = tpu.memref_slice %arg4[%arg1, %scan3A_46, %dma_start3A_171, %dma_start3A_172] : memref<16x19x8x128xi32, #tpu.memory_space<hbm>> -> memref<1x1x8x128xi32, #tpu.memory_space<hbm>>
          %dma_start3A_174 = tpu.memref_squeeze %dma_start3A_173 : memref<1x1x8x128xi32, #tpu.memory_space<hbm>> -> memref<8x128xi32, #tpu.memory_space<hbm>>
          tpu.enqueue_dma source(%dma_start3A_174 : memref<8x128xi32, #tpu.memory_space<hbm>>) target(%arg9 : memref<8x128xi32, #tpu.memory_space<vmem>>) target_semaphore(%run_scoped3A_166 : memref<!tpu.dma_semaphore, #tpu.memory_space<semaphore_mem>>)
          %dma_wait3A_175 = arith.constant 0 : i32
          %dma_wait3A_176 = arith.constant 0 : i32
          %dma_wait3A_177 = tpu.memref_slice %arg4[%arg1, %scan3A_46, %dma_wait3A_175, %dma_wait3A_176] : memref<16x19x8x128xi32, #tpu.memory_space<hbm>> -> memref<1x1x8x128xi32, #tpu.memory_space<hbm>>
          %dma_wait3A_178 = tpu.memref_squeeze %dma_wait3A_177 : memref<1x1x8x128xi32, #tpu.memory_space<hbm>> -> memref<8x128xi32, #tpu.memory_space<hbm>>
          %dma_wait3A_179 = arith.constant 0 : i32
          %dma_wait3A_180 = arith.constant 0 : i32
          %dma_wait3A_181 = tpu.memref_slice %arg4[%arg1, %scan3A_46, %dma_wait3A_179, %dma_wait3A_180] : memref<16x19x8x128xi32, #tpu.memory_space<hbm>> -> memref<1x1x8x128xi32, #tpu.memory_space<hbm>>
          %dma_wait3A_182 = tpu.memref_squeeze %dma_wait3A_181 : memref<1x1x8x128xi32, #tpu.memory_space<hbm>> -> memref<8x128xi32, #tpu.memory_space<hbm>>
          tpu.wait_dma2 semaphore(%run_scoped3A_166 : memref<!tpu.dma_semaphore, #tpu.memory_space<semaphore_mem>>) src(%dma_wait3A_182 : memref<8x128xi32, #tpu.memory_space<hbm>>) dst(%arg9 : memref<8x128xi32, #tpu.memory_space<vmem>>)
          tpu.yield
        }) : () -> ()
        %dma_start3A = arith.constant 0 : i32
        %dma_start3A_48 = arith.constant 0 : i32
        %dma_start3A_49 = tpu.memref_slice %arg8[%dma_start3A, %dma_start3A_48] : memref<8x128xi32, #tpu.memory_space<vmem>> -> memref<1x128xi32, #tpu.memory_space<vmem>>
        %dma_start3A_50 = tpu.memref_squeeze %dma_start3A_49 : memref<1x128xi32, #tpu.memory_space<vmem>> -> memref<128xi32, #tpu.memory_space<vmem>>
        %dma_start3A_51 = arith.constant 0 : i32
        %dma_start3A_52 = arith.constant 0 : i32
        %dma_start3A_53 = tpu.memref_slice %arg2[%dma_start3A_51, %dma_start3A_52] : memref<10000x128xf32, #tpu.memory_space<hbm>> -> memref<10000x128xf32, #tpu.memory_space<hbm>>
        tpu.enqueue_indirect_dma source(%dma_start3A_53 : memref<10000x128xf32, #tpu.memory_space<hbm>>) target(%arg10 : memref<128x128xf32, #tpu.memory_space<vmem>>) offsets(%dma_start3A_50 : memref<128xi32, #tpu.memory_space<vmem>>) semaphore(%arg13 : memref<!tpu.dma_semaphore, #tpu.memory_space<semaphore_mem>>)
        %dma_start3A_54 = arith.constant 1 : i32
        %dma_start3A_55 = arith.constant 0 : i32
        %dma_start3A_56 = tpu.memref_slice %arg8[%dma_start3A_54, %dma_start3A_55] : memref<8x128xi32, #tpu.memory_space<vmem>> -> memref<1x128xi32, #tpu.memory_space<vmem>>
        %dma_start3A_57 = tpu.memref_squeeze %dma_start3A_56 : memref<1x128xi32, #tpu.memory_space<vmem>> -> memref<128xi32, #tpu.memory_space<vmem>>
        %dma_start3A_58 = arith.constant 0 : i32
        %dma_start3A_59 = arith.constant 0 : i32
        %dma_start3A_60 = tpu.memref_slice %arg2[%dma_start3A_58, %dma_start3A_59] : memref<10000x128xf32, #tpu.memory_space<hbm>> -> memref<10000x128xf32, #tpu.memory_space<hbm>>
        tpu.enqueue_indirect_dma source(%dma_start3A_60 : memref<10000x128xf32, #tpu.memory_space<hbm>>) target(%arg11 : memref<128x128xf32, #tpu.memory_space<vmem>>) offsets(%dma_start3A_57 : memref<128xi32, #tpu.memory_space<vmem>>) semaphore(%arg14 : memref<!tpu.dma_semaphore, #tpu.memory_space<semaphore_mem>>)
        %dma_wait3A = arith.constant 0 : i32
        %dma_wait3A_61 = arith.constant 0 : i32
        %dma_wait3A_62 = tpu.memref_slice %arg8[%dma_wait3A, %dma_wait3A_61] : memref<8x128xi32, #tpu.memory_space<vmem>> -> memref<1x128xi32, #tpu.memory_space<vmem>>
        %dma_wait3A_63 = tpu.memref_squeeze %dma_wait3A_62 : memref<1x128xi32, #tpu.memory_space<vmem>> -> memref<128xi32, #tpu.memory_space<vmem>>
        %dma_wait3A_64 = arith.constant 0 : i32
        %dma_wait3A_65 = arith.constant 0 : i32
        %dma_wait3A_66 = tpu.memref_slice %arg2[%dma_wait3A_64, %dma_wait3A_65] : memref<10000x128xf32, #tpu.memory_space<hbm>> -> memref<10000x128xf32, #tpu.memory_space<hbm>>
        tpu.wait_indirect_dma semaphore(%arg13 : memref<!tpu.dma_semaphore, #tpu.memory_space<semaphore_mem>>) src(%dma_wait3A_66 : memref<10000x128xf32, #tpu.memory_space<hbm>>) dst(%arg10 : memref<128x128xf32, #tpu.memory_space<vmem>>)
        %run_scoped3A = arith.constant 0 : i32
        "tpu.region"() ({
          %run_scoped3A_166 = tpu.sem_alloc : memref<!tpu.dma_semaphore, #tpu.memory_space<semaphore_mem>>
          %dma_start3A_167 = arith.constant 0 : i32
          %dma_start3A_168 = tpu.memref_slice %arg9[%run_scoped3A, %dma_start3A_167] : memref<8x128xi32, #tpu.memory_space<vmem>> -> memref<1x128xi32, #tpu.memory_space<vmem>>
          %dma_start3A_169 = tpu.memref_squeeze %dma_start3A_168 : memref<1x128xi32, #tpu.memory_space<vmem>> -> memref<128xi32, #tpu.memory_space<vmem>>
          %dma_start3A_170 = arith.constant 0 : i32
          %dma_start3A_171 = arith.constant 0 : i32
          %dma_start3A_172 = tpu.memref_slice %arg12[%dma_start3A_170, %dma_start3A_171] : memref<10112x128xf32, #tpu.memory_space<vmem_shared>> -> memref<10112x128xf32, #tpu.memory_space<vmem_shared>>
          tpu.enqueue_indirect_dma source(%arg10 : memref<128x128xf32, #tpu.memory_space<vmem>>) target(%dma_start3A_172 : memref<10112x128xf32, #tpu.memory_space<vmem_shared>>) offsets(%dma_start3A_169 : memref<128xi32, #tpu.memory_space<vmem>>) semaphore(%run_scoped3A_166 : memref<!tpu.dma_semaphore, #tpu.memory_space<semaphore_mem>>) {add = true}
          %dma_wait3A_173 = arith.constant 0 : i32
          %dma_wait3A_174 = tpu.memref_slice %arg9[%run_scoped3A, %dma_wait3A_173] : memref<8x128xi32, #tpu.memory_space<vmem>> -> memref<1x128xi32, #tpu.memory_space<vmem>>
          %dma_wait3A_175 = tpu.memref_squeeze %dma_wait3A_174 : memref<1x128xi32, #tpu.memory_space<vmem>> -> memref<128xi32, #tpu.memory_space<vmem>>
          %dma_wait3A_176 = arith.constant 0 : i32
          %dma_wait3A_177 = arith.constant 0 : i32
          %dma_wait3A_178 = tpu.memref_slice %arg12[%dma_wait3A_176, %dma_wait3A_177] : memref<10112x128xf32, #tpu.memory_space<vmem_shared>> -> memref<10112x128xf32, #tpu.memory_space<vmem_shared>>
          tpu.wait_indirect_dma semaphore(%run_scoped3A_166 : memref<!tpu.dma_semaphore, #tpu.memory_space<semaphore_mem>>) src(%arg10 : memref<128x128xf32, #tpu.memory_space<vmem>>) dst(%dma_wait3A_178 : memref<10112x128xf32, #tpu.memory_space<vmem_shared>>)
          tpu.yield
        }) : () -> ()
        %dma_start3A_67 = arith.constant 2 : i32
        %dma_start3A_68 = arith.constant 0 : i32
        %dma_start3A_69 = tpu.memref_slice %arg8[%dma_start3A_67, %dma_start3A_68] : memref<8x128xi32, #tpu.memory_space<vmem>> -> memref<1x128xi32, #tpu.memory_space<vmem>>
        %dma_start3A_70 = tpu.memref_squeeze %dma_start3A_69 : memref<1x128xi32, #tpu.memory_space<vmem>> -> memref<128xi32, #tpu.memory_space<vmem>>
        %dma_start3A_71 = arith.constant 0 : i32
        %dma_start3A_72 = arith.constant 0 : i32
        %dma_start3A_73 = tpu.memref_slice %arg2[%dma_start3A_71, %dma_start3A_72] : memref<10000x128xf32, #tpu.memory_space<hbm>> -> memref<10000x128xf32, #tpu.memory_space<hbm>>
        tpu.enqueue_indirect_dma source(%dma_start3A_73 : memref<10000x128xf32, #tpu.memory_space<hbm>>) target(%arg10 : memref<128x128xf32, #tpu.memory_space<vmem>>) offsets(%dma_start3A_70 : memref<128xi32, #tpu.memory_space<vmem>>) semaphore(%arg13 : memref<!tpu.dma_semaphore, #tpu.memory_space<semaphore_mem>>)
        %dma_wait3A_74 = arith.constant 1 : i32
        %dma_wait3A_75 = arith.constant 0 : i32
        %dma_wait3A_76 = tpu.memref_slice %arg8[%dma_wait3A_74, %dma_wait3A_75] : memref<8x128xi32, #tpu.memory_space<vmem>> -> memref<1x128xi32, #tpu.memory_space<vmem>>
        %dma_wait3A_77 = tpu.memref_squeeze %dma_wait3A_76 : memref<1x128xi32, #tpu.memory_space<vmem>> -> memref<128xi32, #tpu.memory_space<vmem>>
        %dma_wait3A_78 = arith.constant 0 : i32
        %dma_wait3A_79 = arith.constant 0 : i32
        %dma_wait3A_80 = tpu.memref_slice %arg2[%dma_wait3A_78, %dma_wait3A_79] : memref<10000x128xf32, #tpu.memory_space<hbm>> -> memref<10000x128xf32, #tpu.memory_space<hbm>>
        tpu.wait_indirect_dma semaphore(%arg14 : memref<!tpu.dma_semaphore, #tpu.memory_space<semaphore_mem>>) src(%dma_wait3A_80 : memref<10000x128xf32, #tpu.memory_space<hbm>>) dst(%arg11 : memref<128x128xf32, #tpu.memory_space<vmem>>)
        %run_scoped3A_81 = arith.constant 1 : i32
        "tpu.region"() ({
          %run_scoped3A_166 = tpu.sem_alloc : memref<!tpu.dma_semaphore, #tpu.memory_space<semaphore_mem>>
          %dma_start3A_167 = arith.constant 0 : i32
          %dma_start3A_168 = tpu.memref_slice %arg9[%run_scoped3A_81, %dma_start3A_167] : memref<8x128xi32, #tpu.memory_space<vmem>> -> memref<1x128xi32, #tpu.memory_space<vmem>>
          %dma_start3A_169 = tpu.memref_squeeze %dma_start3A_168 : memref<1x128xi32, #tpu.memory_space<vmem>> -> memref<128xi32, #tpu.memory_space<vmem>>
          %dma_start3A_170 = arith.constant 0 : i32
          %dma_start3A_171 = arith.constant 0 : i32
          %dma_start3A_172 = tpu.memref_slice %arg12[%dma_start3A_170, %dma_start3A_171] : memref<10112x128xf32, #tpu.memory_space<vmem_shared>> -> memref<10112x128xf32, #tpu.memory_space<vmem_shared>>
          tpu.enqueue_indirect_dma source(%arg11 : memref<128x128xf32, #tpu.memory_space<vmem>>) target(%dma_start3A_172 : memref<10112x128xf32, #tpu.memory_space<vmem_shared>>) offsets(%dma_start3A_169 : memref<128xi32, #tpu.memory_space<vmem>>) semaphore(%run_scoped3A_166 : memref<!tpu.dma_semaphore, #tpu.memory_space<semaphore_mem>>) {add = true}
          %dma_wait3A_173 = arith.constant 0 : i32
          %dma_wait3A_174 = tpu.memref_slice %arg9[%run_scoped3A_81, %dma_wait3A_173] : memref<8x128xi32, #tpu.memory_space<vmem>> -> memref<1x128xi32, #tpu.memory_space<vmem>>
          %dma_wait3A_175 = tpu.memref_squeeze %dma_wait3A_174 : memref<1x128xi32, #tpu.memory_space<vmem>> -> memref<128xi32, #tpu.memory_space<vmem>>
          %dma_wait3A_176 = arith.constant 0 : i32
          %dma_wait3A_177 = arith.constant 0 : i32
          %dma_wait3A_178 = tpu.memref_slice %arg12[%dma_wait3A_176, %dma_wait3A_177] : memref<10112x128xf32, #tpu.memory_space<vmem_shared>> -> memref<10112x128xf32, #tpu.memory_space<vmem_shared>>
          tpu.wait_indirect_dma semaphore(%run_scoped3A_166 : memref<!tpu.dma_semaphore, #tpu.memory_space<semaphore_mem>>) src(%arg11 : memref<128x128xf32, #tpu.memory_space<vmem>>) dst(%dma_wait3A_178 : memref<10112x128xf32, #tpu.memory_space<vmem_shared>>)
          tpu.yield
        }) : () -> ()
        %dma_start3A_82 = arith.constant 3 : i32
        %dma_start3A_83 = arith.constant 0 : i32
        %dma_start3A_84 = tpu.memref_slice %arg8[%dma_start3A_82, %dma_start3A_83] : memref<8x128xi32, #tpu.memory_space<vmem>> -> memref<1x128xi32, #tpu.memory_space<vmem>>
        %dma_start3A_85 = tpu.memref_squeeze %dma_start3A_84 : memref<1x128xi32, #tpu.memory_space<vmem>> -> memref<128xi32, #tpu.memory_space<vmem>>
        %dma_start3A_86 = arith.constant 0 : i32
        %dma_start3A_87 = arith.constant 0 : i32
        %dma_start3A_88 = tpu.memref_slice %arg2[%dma_start3A_86, %dma_start3A_87] : memref<10000x128xf32, #tpu.memory_space<hbm>> -> memref<10000x128xf32, #tpu.memory_space<hbm>>
        tpu.enqueue_indirect_dma source(%dma_start3A_88 : memref<10000x128xf32, #tpu.memory_space<hbm>>) target(%arg11 : memref<128x128xf32, #tpu.memory_space<vmem>>) offsets(%dma_start3A_85 : memref<128xi32, #tpu.memory_space<vmem>>) semaphore(%arg14 : memref<!tpu.dma_semaphore, #tpu.memory_space<semaphore_mem>>)
        %dma_wait3A_89 = arith.constant 2 : i32
        %dma_wait3A_90 = arith.constant 0 : i32
        %dma_wait3A_91 = tpu.memref_slice %arg8[%dma_wait3A_89, %dma_wait3A_90] : memref<8x128xi32, #tpu.memory_space<vmem>> -> memref<1x128xi32, #tpu.memory_space<vmem>>
        %dma_wait3A_92 = tpu.memref_squeeze %dma_wait3A_91 : memref<1x128xi32, #tpu.memory_space<vmem>> -> memref<128xi32, #tpu.memory_space<vmem>>
        %dma_wait3A_93 = arith.constant 0 : i32
        %dma_wait3A_94 = arith.constant 0 : i32
        %dma_wait3A_95 = tpu.memref_slice %arg2[%dma_wait3A_93, %dma_wait3A_94] : memref<10000x128xf32, #tpu.memory_space<hbm>> -> memref<10000x128xf32, #tpu.memory_space<hbm>>
        tpu.wait_indirect_dma semaphore(%arg13 : memref<!tpu.dma_semaphore, #tpu.memory_space<semaphore_mem>>) src(%dma_wait3A_95 : memref<10000x128xf32, #tpu.memory_space<hbm>>) dst(%arg10 : memref<128x128xf32, #tpu.memory_space<vmem>>)
        %run_scoped3A_96 = arith.constant 2 : i32
        "tpu.region"() ({
          %run_scoped3A_166 = tpu.sem_alloc : memref<!tpu.dma_semaphore, #tpu.memory_space<semaphore_mem>>
          %dma_start3A_167 = arith.constant 0 : i32
          %dma_start3A_168 = tpu.memref_slice %arg9[%run_scoped3A_96, %dma_start3A_167] : memref<8x128xi32, #tpu.memory_space<vmem>> -> memref<1x128xi32, #tpu.memory_space<vmem>>
          %dma_start3A_169 = tpu.memref_squeeze %dma_start3A_168 : memref<1x128xi32, #tpu.memory_space<vmem>> -> memref<128xi32, #tpu.memory_space<vmem>>
          %dma_start3A_170 = arith.constant 0 : i32
          %dma_start3A_171 = arith.constant 0 : i32
          %dma_start3A_172 = tpu.memref_slice %arg12[%dma_start3A_170, %dma_start3A_171] : memref<10112x128xf32, #tpu.memory_space<vmem_shared>> -> memref<10112x128xf32, #tpu.memory_space<vmem_shared>>
          tpu.enqueue_indirect_dma source(%arg10 : memref<128x128xf32, #tpu.memory_space<vmem>>) target(%dma_start3A_172 : memref<10112x128xf32, #tpu.memory_space<vmem_shared>>) offsets(%dma_start3A_169 : memref<128xi32, #tpu.memory_space<vmem>>) semaphore(%run_scoped3A_166 : memref<!tpu.dma_semaphore, #tpu.memory_space<semaphore_mem>>) {add = true}
          %dma_wait3A_173 = arith.constant 0 : i32
          %dma_wait3A_174 = tpu.memref_slice %arg9[%run_scoped3A_96, %dma_wait3A_173] : memref<8x128xi32, #tpu.memory_space<vmem>> -> memref<1x128xi32, #tpu.memory_space<vmem>>
          %dma_wait3A_175 = tpu.memref_squeeze %dma_wait3A_174 : memref<1x128xi32, #tpu.memory_space<vmem>> -> memref<128xi32, #tpu.memory_space<vmem>>
          %dma_wait3A_176 = arith.constant 0 : i32
          %dma_wait3A_177 = arith.constant 0 : i32
          %dma_wait3A_178 = tpu.memref_slice %arg12[%dma_wait3A_176, %dma_wait3A_177] : memref<10112x128xf32, #tpu.memory_space<vmem_shared>> -> memref<10112x128xf32, #tpu.memory_space<vmem_shared>>
          tpu.wait_indirect_dma semaphore(%run_scoped3A_166 : memref<!tpu.dma_semaphore, #tpu.memory_space<semaphore_mem>>) src(%arg10 : memref<128x128xf32, #tpu.memory_space<vmem>>) dst(%dma_wait3A_178 : memref<10112x128xf32, #tpu.memory_space<vmem_shared>>)
          tpu.yield
        }) : () -> ()
        %dma_start3A_97 = arith.constant 4 : i32
        %dma_start3A_98 = arith.constant 0 : i32
        %dma_start3A_99 = tpu.memref_slice %arg8[%dma_start3A_97, %dma_start3A_98] : memref<8x128xi32, #tpu.memory_space<vmem>> -> memref<1x128xi32, #tpu.memory_space<vmem>>
        %dma_start3A_100 = tpu.memref_squeeze %dma_start3A_99 : memref<1x128xi32, #tpu.memory_space<vmem>> -> memref<128xi32, #tpu.memory_space<vmem>>
        %dma_start3A_101 = arith.constant 0 : i32
        %dma_start3A_102 = arith.constant 0 : i32
        %dma_start3A_103 = tpu.memref_slice %arg2[%dma_start3A_101, %dma_start3A_102] : memref<10000x128xf32, #tpu.memory_space<hbm>> -> memref<10000x128xf32, #tpu.memory_space<hbm>>
        tpu.enqueue_indirect_dma source(%dma_start3A_103 : memref<10000x128xf32, #tpu.memory_space<hbm>>) target(%arg10 : memref<128x128xf32, #tpu.memory_space<vmem>>) offsets(%dma_start3A_100 : memref<128xi32, #tpu.memory_space<vmem>>) semaphore(%arg13 : memref<!tpu.dma_semaphore, #tpu.memory_space<semaphore_mem>>)
        %dma_wait3A_104 = arith.constant 3 : i32
        %dma_wait3A_105 = arith.constant 0 : i32
        %dma_wait3A_106 = tpu.memref_slice %arg8[%dma_wait3A_104, %dma_wait3A_105] : memref<8x128xi32, #tpu.memory_space<vmem>> -> memref<1x128xi32, #tpu.memory_space<vmem>>
        %dma_wait3A_107 = tpu.memref_squeeze %dma_wait3A_106 : memref<1x128xi32, #tpu.memory_space<vmem>> -> memref<128xi32, #tpu.memory_space<vmem>>
        %dma_wait3A_108 = arith.constant 0 : i32
        %dma_wait3A_109 = arith.constant 0 : i32
        %dma_wait3A_110 = tpu.memref_slice %arg2[%dma_wait3A_108, %dma_wait3A_109] : memref<10000x128xf32, #tpu.memory_space<hbm>> -> memref<10000x128xf32, #tpu.memory_space<hbm>>
        tpu.wait_indirect_dma semaphore(%arg14 : memref<!tpu.dma_semaphore, #tpu.memory_space<semaphore_mem>>) src(%dma_wait3A_110 : memref<10000x128xf32, #tpu.memory_space<hbm>>) dst(%arg11 : memref<128x128xf32, #tpu.memory_space<vmem>>)
        %run_scoped3A_111 = arith.constant 3 : i32
        "tpu.region"() ({
          %run_scoped3A_166 = tpu.sem_alloc : memref<!tpu.dma_semaphore, #tpu.memory_space<semaphore_mem>>
          %dma_start3A_167 = arith.constant 0 : i32
          %dma_start3A_168 = tpu.memref_slice %arg9[%run_scoped3A_111, %dma_start3A_167] : memref<8x128xi32, #tpu.memory_space<vmem>> -> memref<1x128xi32, #tpu.memory_space<vmem>>
          %dma_start3A_169 = tpu.memref_squeeze %dma_start3A_168 : memref<1x128xi32, #tpu.memory_space<vmem>> -> memref<128xi32, #tpu.memory_space<vmem>>
          %dma_start3A_170 = arith.constant 0 : i32
          %dma_start3A_171 = arith.constant 0 : i32
          %dma_start3A_172 = tpu.memref_slice %arg12[%dma_start3A_170, %dma_start3A_171] : memref<10112x128xf32, #tpu.memory_space<vmem_shared>> -> memref<10112x128xf32, #tpu.memory_space<vmem_shared>>
          tpu.enqueue_indirect_dma source(%arg11 : memref<128x128xf32, #tpu.memory_space<vmem>>) target(%dma_start3A_172 : memref<10112x128xf32, #tpu.memory_space<vmem_shared>>) offsets(%dma_start3A_169 : memref<128xi32, #tpu.memory_space<vmem>>) semaphore(%run_scoped3A_166 : memref<!tpu.dma_semaphore, #tpu.memory_space<semaphore_mem>>) {add = true}
          %dma_wait3A_173 = arith.constant 0 : i32
          %dma_wait3A_174 = tpu.memref_slice %arg9[%run_scoped3A_111, %dma_wait3A_173] : memref<8x128xi32, #tpu.memory_space<vmem>> -> memref<1x128xi32, #tpu.memory_space<vmem>>
          %dma_wait3A_175 = tpu.memref_squeeze %dma_wait3A_174 : memref<1x128xi32, #tpu.memory_space<vmem>> -> memref<128xi32, #tpu.memory_space<vmem>>
          %dma_wait3A_176 = arith.constant 0 : i32
          %dma_wait3A_177 = arith.constant 0 : i32
          %dma_wait3A_178 = tpu.memref_slice %arg12[%dma_wait3A_176, %dma_wait3A_177] : memref<10112x128xf32, #tpu.memory_space<vmem_shared>> -> memref<10112x128xf32, #tpu.memory_space<vmem_shared>>
          tpu.wait_indirect_dma semaphore(%run_scoped3A_166 : memref<!tpu.dma_semaphore, #tpu.memory_space<semaphore_mem>>) src(%arg11 : memref<128x128xf32, #tpu.memory_space<vmem>>) dst(%dma_wait3A_178 : memref<10112x128xf32, #tpu.memory_space<vmem_shared>>)
          tpu.yield
        }) : () -> ()
        %dma_start3A_112 = arith.constant 5 : i32
        %dma_start3A_113 = arith.constant 0 : i32
        %dma_start3A_114 = tpu.memref_slice %arg8[%dma_start3A_112, %dma_start3A_113] : memref<8x128xi32, #tpu.memory_space<vmem>> -> memref<1x128xi32, #tpu.memory_space<vmem>>
        %dma_start3A_115 = tpu.memref_squeeze %dma_start3A_114 : memref<1x128xi32, #tpu.memory_space<vmem>> -> memref<128xi32, #tpu.memory_space<vmem>>
        %dma_start3A_116 = arith.constant 0 : i32
        %dma_start3A_117 = arith.constant 0 : i32
        %dma_start3A_118 = tpu.memref_slice %arg2[%dma_start3A_116, %dma_start3A_117] : memref<10000x128xf32, #tpu.memory_space<hbm>> -> memref<10000x128xf32, #tpu.memory_space<hbm>>
        tpu.enqueue_indirect_dma source(%dma_start3A_118 : memref<10000x128xf32, #tpu.memory_space<hbm>>) target(%arg11 : memref<128x128xf32, #tpu.memory_space<vmem>>) offsets(%dma_start3A_115 : memref<128xi32, #tpu.memory_space<vmem>>) semaphore(%arg14 : memref<!tpu.dma_semaphore, #tpu.memory_space<semaphore_mem>>)
        %dma_wait3A_119 = arith.constant 4 : i32
        %dma_wait3A_120 = arith.constant 0 : i32
        %dma_wait3A_121 = tpu.memref_slice %arg8[%dma_wait3A_119, %dma_wait3A_120] : memref<8x128xi32, #tpu.memory_space<vmem>> -> memref<1x128xi32, #tpu.memory_space<vmem>>
        %dma_wait3A_122 = tpu.memref_squeeze %dma_wait3A_121 : memref<1x128xi32, #tpu.memory_space<vmem>> -> memref<128xi32, #tpu.memory_space<vmem>>
        %dma_wait3A_123 = arith.constant 0 : i32
        %dma_wait3A_124 = arith.constant 0 : i32
        %dma_wait3A_125 = tpu.memref_slice %arg2[%dma_wait3A_123, %dma_wait3A_124] : memref<10000x128xf32, #tpu.memory_space<hbm>> -> memref<10000x128xf32, #tpu.memory_space<hbm>>
        tpu.wait_indirect_dma semaphore(%arg13 : memref<!tpu.dma_semaphore, #tpu.memory_space<semaphore_mem>>) src(%dma_wait3A_125 : memref<10000x128xf32, #tpu.memory_space<hbm>>) dst(%arg10 : memref<128x128xf32, #tpu.memory_space<vmem>>)
        %run_scoped3A_126 = arith.constant 4 : i32
        "tpu.region"() ({
          %run_scoped3A_166 = tpu.sem_alloc : memref<!tpu.dma_semaphore, #tpu.memory_space<semaphore_mem>>
          %dma_start3A_167 = arith.constant 0 : i32
          %dma_start3A_168 = tpu.memref_slice %arg9[%run_scoped3A_126, %dma_start3A_167] : memref<8x128xi32, #tpu.memory_space<vmem>> -> memref<1x128xi32, #tpu.memory_space<vmem>>
          %dma_start3A_169 = tpu.memref_squeeze %dma_start3A_168 : memref<1x128xi32, #tpu.memory_space<vmem>> -> memref<128xi32, #tpu.memory_space<vmem>>
          %dma_start3A_170 = arith.constant 0 : i32
          %dma_start3A_171 = arith.constant 0 : i32
          %dma_start3A_172 = tpu.memref_slice %arg12[%dma_start3A_170, %dma_start3A_171] : memref<10112x128xf32, #tpu.memory_space<vmem_shared>> -> memref<10112x128xf32, #tpu.memory_space<vmem_shared>>
          tpu.enqueue_indirect_dma source(%arg10 : memref<128x128xf32, #tpu.memory_space<vmem>>) target(%dma_start3A_172 : memref<10112x128xf32, #tpu.memory_space<vmem_shared>>) offsets(%dma_start3A_169 : memref<128xi32, #tpu.memory_space<vmem>>) semaphore(%run_scoped3A_166 : memref<!tpu.dma_semaphore, #tpu.memory_space<semaphore_mem>>) {add = true}
          %dma_wait3A_173 = arith.constant 0 : i32
          %dma_wait3A_174 = tpu.memref_slice %arg9[%run_scoped3A_126, %dma_wait3A_173] : memref<8x128xi32, #tpu.memory_space<vmem>> -> memref<1x128xi32, #tpu.memory_space<vmem>>
          %dma_wait3A_175 = tpu.memref_squeeze %dma_wait3A_174 : memref<1x128xi32, #tpu.memory_space<vmem>> -> memref<128xi32, #tpu.memory_space<vmem>>
          %dma_wait3A_176 = arith.constant 0 : i32
          %dma_wait3A_177 = arith.constant 0 : i32
          %dma_wait3A_178 = tpu.memref_slice %arg12[%dma_wait3A_176, %dma_wait3A_177] : memref<10112x128xf32, #tpu.memory_space<vmem_shared>> -> memref<10112x128xf32, #tpu.memory_space<vmem_shared>>
          tpu.wait_indirect_dma semaphore(%run_scoped3A_166 : memref<!tpu.dma_semaphore, #tpu.memory_space<semaphore_mem>>) src(%arg10 : memref<128x128xf32, #tpu.memory_space<vmem>>) dst(%dma_wait3A_178 : memref<10112x128xf32, #tpu.memory_space<vmem_shared>>)
          tpu.yield
        }) : () -> ()
        %dma_start3A_127 = arith.constant 6 : i32
        %dma_start3A_128 = arith.constant 0 : i32
        %dma_start3A_129 = tpu.memref_slice %arg8[%dma_start3A_127, %dma_start3A_128] : memref<8x128xi32, #tpu.memory_space<vmem>> -> memref<1x128xi32, #tpu.memory_space<vmem>>
        %dma_start3A_130 = tpu.memref_squeeze %dma_start3A_129 : memref<1x128xi32, #tpu.memory_space<vmem>> -> memref<128xi32, #tpu.memory_space<vmem>>
        %dma_start3A_131 = arith.constant 0 : i32
        %dma_start3A_132 = arith.constant 0 : i32
        %dma_start3A_133 = tpu.memref_slice %arg2[%dma_start3A_131, %dma_start3A_132] : memref<10000x128xf32, #tpu.memory_space<hbm>> -> memref<10000x128xf32, #tpu.memory_space<hbm>>
        tpu.enqueue_indirect_dma source(%dma_start3A_133 : memref<10000x128xf32, #tpu.memory_space<hbm>>) target(%arg10 : memref<128x128xf32, #tpu.memory_space<vmem>>) offsets(%dma_start3A_130 : memref<128xi32, #tpu.memory_space<vmem>>) semaphore(%arg13 : memref<!tpu.dma_semaphore, #tpu.memory_space<semaphore_mem>>)
        %dma_wait3A_134 = arith.constant 5 : i32
        %dma_wait3A_135 = arith.constant 0 : i32
        %dma_wait3A_136 = tpu.memref_slice %arg8[%dma_wait3A_134, %dma_wait3A_135] : memref<8x128xi32, #tpu.memory_space<vmem>> -> memref<1x128xi32, #tpu.memory_space<vmem>>
        %dma_wait3A_137 = tpu.memref_squeeze %dma_wait3A_136 : memref<1x128xi32, #tpu.memory_space<vmem>> -> memref<128xi32, #tpu.memory_space<vmem>>
        %dma_wait3A_138 = arith.constant 0 : i32
        %dma_wait3A_139 = arith.constant 0 : i32
        %dma_wait3A_140 = tpu.memref_slice %arg2[%dma_wait3A_138, %dma_wait3A_139] : memref<10000x128xf32, #tpu.memory_space<hbm>> -> memref<10000x128xf32, #tpu.memory_space<hbm>>
        tpu.wait_indirect_dma semaphore(%arg14 : memref<!tpu.dma_semaphore, #tpu.memory_space<semaphore_mem>>) src(%dma_wait3A_140 : memref<10000x128xf32, #tpu.memory_space<hbm>>) dst(%arg11 : memref<128x128xf32, #tpu.memory_space<vmem>>)
        %run_scoped3A_141 = arith.constant 5 : i32
        "tpu.region"() ({
          %run_scoped3A_166 = tpu.sem_alloc : memref<!tpu.dma_semaphore, #tpu.memory_space<semaphore_mem>>
          %dma_start3A_167 = arith.constant 0 : i32
          %dma_start3A_168 = tpu.memref_slice %arg9[%run_scoped3A_141, %dma_start3A_167] : memref<8x128xi32, #tpu.memory_space<vmem>> -> memref<1x128xi32, #tpu.memory_space<vmem>>
          %dma_start3A_169 = tpu.memref_squeeze %dma_start3A_168 : memref<1x128xi32, #tpu.memory_space<vmem>> -> memref<128xi32, #tpu.memory_space<vmem>>
          %dma_start3A_170 = arith.constant 0 : i32
          %dma_start3A_171 = arith.constant 0 : i32
          %dma_start3A_172 = tpu.memref_slice %arg12[%dma_start3A_170, %dma_start3A_171] : memref<10112x128xf32, #tpu.memory_space<vmem_shared>> -> memref<10112x128xf32, #tpu.memory_space<vmem_shared>>
          tpu.enqueue_indirect_dma source(%arg11 : memref<128x128xf32, #tpu.memory_space<vmem>>) target(%dma_start3A_172 : memref<10112x128xf32, #tpu.memory_space<vmem_shared>>) offsets(%dma_start3A_169 : memref<128xi32, #tpu.memory_space<vmem>>) semaphore(%run_scoped3A_166 : memref<!tpu.dma_semaphore, #tpu.memory_space<semaphore_mem>>) {add = true}
          %dma_wait3A_173 = arith.constant 0 : i32
          %dma_wait3A_174 = tpu.memref_slice %arg9[%run_scoped3A_141, %dma_wait3A_173] : memref<8x128xi32, #tpu.memory_space<vmem>> -> memref<1x128xi32, #tpu.memory_space<vmem>>
          %dma_wait3A_175 = tpu.memref_squeeze %dma_wait3A_174 : memref<1x128xi32, #tpu.memory_space<vmem>> -> memref<128xi32, #tpu.memory_space<vmem>>
          %dma_wait3A_176 = arith.constant 0 : i32
          %dma_wait3A_177 = arith.constant 0 : i32
          %dma_wait3A_178 = tpu.memref_slice %arg12[%dma_wait3A_176, %dma_wait3A_177] : memref<10112x128xf32, #tpu.memory_space<vmem_shared>> -> memref<10112x128xf32, #tpu.memory_space<vmem_shared>>
          tpu.wait_indirect_dma semaphore(%run_scoped3A_166 : memref<!tpu.dma_semaphore, #tpu.memory_space<semaphore_mem>>) src(%arg11 : memref<128x128xf32, #tpu.memory_space<vmem>>) dst(%dma_wait3A_178 : memref<10112x128xf32, #tpu.memory_space<vmem_shared>>)
          tpu.yield
        }) : () -> ()
        %dma_start3A_142 = arith.constant 7 : i32
        %dma_start3A_143 = arith.constant 0 : i32
        %dma_start3A_144 = tpu.memref_slice %arg8[%dma_start3A_142, %dma_start3A_143] : memref<8x128xi32, #tpu.memory_space<vmem>> -> memref<1x128xi32, #tpu.memory_space<vmem>>
        %dma_start3A_145 = tpu.memref_squeeze %dma_start3A_144 : memref<1x128xi32, #tpu.memory_space<vmem>> -> memref<128xi32, #tpu.memory_space<vmem>>
        %dma_start3A_146 = arith.constant 0 : i32
        %dma_start3A_147 = arith.constant 0 : i32
        %dma_start3A_148 = tpu.memref_slice %arg2[%dma_start3A_146, %dma_start3A_147] : memref<10000x128xf32, #tpu.memory_space<hbm>> -> memref<10000x128xf32, #tpu.memory_space<hbm>>
        tpu.enqueue_indirect_dma source(%dma_start3A_148 : memref<10000x128xf32, #tpu.memory_space<hbm>>) target(%arg11 : memref<128x128xf32, #tpu.memory_space<vmem>>) offsets(%dma_start3A_145 : memref<128xi32, #tpu.memory_space<vmem>>) semaphore(%arg14 : memref<!tpu.dma_semaphore, #tpu.memory_space<semaphore_mem>>)
        %dma_wait3A_149 = arith.constant 6 : i32
        %dma_wait3A_150 = arith.constant 0 : i32
        %dma_wait3A_151 = tpu.memref_slice %arg8[%dma_wait3A_149, %dma_wait3A_150] : memref<8x128xi32, #tpu.memory_space<vmem>> -> memref<1x128xi32, #tpu.memory_space<vmem>>
        %dma_wait3A_152 = tpu.memref_squeeze %dma_wait3A_151 : memref<1x128xi32, #tpu.memory_space<vmem>> -> memref<128xi32, #tpu.memory_space<vmem>>
        %dma_wait3A_153 = arith.constant 0 : i32
        %dma_wait3A_154 = arith.constant 0 : i32
        %dma_wait3A_155 = tpu.memref_slice %arg2[%dma_wait3A_153, %dma_wait3A_154] : memref<10000x128xf32, #tpu.memory_space<hbm>> -> memref<10000x128xf32, #tpu.memory_space<hbm>>
        tpu.wait_indirect_dma semaphore(%arg13 : memref<!tpu.dma_semaphore, #tpu.memory_space<semaphore_mem>>) src(%dma_wait3A_155 : memref<10000x128xf32, #tpu.memory_space<hbm>>) dst(%arg10 : memref<128x128xf32, #tpu.memory_space<vmem>>)
        %run_scoped3A_156 = arith.constant 6 : i32
        "tpu.region"() ({
          %run_scoped3A_166 = tpu.sem_alloc : memref<!tpu.dma_semaphore, #tpu.memory_space<semaphore_mem>>
          %dma_start3A_167 = arith.constant 0 : i32
          %dma_start3A_168 = tpu.memref_slice %arg9[%run_scoped3A_156, %dma_start3A_167] : memref<8x128xi32, #tpu.memory_space<vmem>> -> memref<1x128xi32, #tpu.memory_space<vmem>>
          %dma_start3A_169 = tpu.memref_squeeze %dma_start3A_168 : memref<1x128xi32, #tpu.memory_space<vmem>> -> memref<128xi32, #tpu.memory_space<vmem>>
          %dma_start3A_170 = arith.constant 0 : i32
          %dma_start3A_171 = arith.constant 0 : i32
          %dma_start3A_172 = tpu.memref_slice %arg12[%dma_start3A_170, %dma_start3A_171] : memref<10112x128xf32, #tpu.memory_space<vmem_shared>> -> memref<10112x128xf32, #tpu.memory_space<vmem_shared>>
          tpu.enqueue_indirect_dma source(%arg10 : memref<128x128xf32, #tpu.memory_space<vmem>>) target(%dma_start3A_172 : memref<10112x128xf32, #tpu.memory_space<vmem_shared>>) offsets(%dma_start3A_169 : memref<128xi32, #tpu.memory_space<vmem>>) semaphore(%run_scoped3A_166 : memref<!tpu.dma_semaphore, #tpu.memory_space<semaphore_mem>>) {add = true}
          %dma_wait3A_173 = arith.constant 0 : i32
          %dma_wait3A_174 = tpu.memref_slice %arg9[%run_scoped3A_156, %dma_wait3A_173] : memref<8x128xi32, #tpu.memory_space<vmem>> -> memref<1x128xi32, #tpu.memory_space<vmem>>
          %dma_wait3A_175 = tpu.memref_squeeze %dma_wait3A_174 : memref<1x128xi32, #tpu.memory_space<vmem>> -> memref<128xi32, #tpu.memory_space<vmem>>
          %dma_wait3A_176 = arith.constant 0 : i32
          %dma_wait3A_177 = arith.constant 0 : i32
          %dma_wait3A_178 = tpu.memref_slice %arg12[%dma_wait3A_176, %dma_wait3A_177] : memref<10112x128xf32, #tpu.memory_space<vmem_shared>> -> memref<10112x128xf32, #tpu.memory_space<vmem_shared>>
          tpu.wait_indirect_dma semaphore(%run_scoped3A_166 : memref<!tpu.dma_semaphore, #tpu.memory_space<semaphore_mem>>) src(%arg10 : memref<128x128xf32, #tpu.memory_space<vmem>>) dst(%dma_wait3A_178 : memref<10112x128xf32, #tpu.memory_space<vmem_shared>>)
          tpu.yield
        }) : () -> ()
        %dma_wait3A_157 = arith.constant 7 : i32
        %dma_wait3A_158 = arith.constant 0 : i32
        %dma_wait3A_159 = tpu.memref_slice %arg8[%dma_wait3A_157, %dma_wait3A_158] : memref<8x128xi32, #tpu.memory_space<vmem>> -> memref<1x128xi32, #tpu.memory_space<vmem>>
        %dma_wait3A_160 = tpu.memref_squeeze %dma_wait3A_159 : memref<1x128xi32, #tpu.memory_space<vmem>> -> memref<128xi32, #tpu.memory_space<vmem>>
        %dma_wait3A_161 = arith.constant 0 : i32
        %dma_wait3A_162 = arith.constant 0 : i32
        %dma_wait3A_163 = tpu.memref_slice %arg2[%dma_wait3A_161, %dma_wait3A_162] : memref<10000x128xf32, #tpu.memory_space<hbm>> -> memref<10000x128xf32, #tpu.memory_space<hbm>>
        tpu.wait_indirect_dma semaphore(%arg14 : memref<!tpu.dma_semaphore, #tpu.memory_space<semaphore_mem>>) src(%dma_wait3A_163 : memref<10000x128xf32, #tpu.memory_space<hbm>>) dst(%arg11 : memref<128x128xf32, #tpu.memory_space<vmem>>)
        %run_scoped3A_164 = arith.constant 7 : i32
        "tpu.region"() ({
          %run_scoped3A_166 = tpu.sem_alloc : memref<!tpu.dma_semaphore, #tpu.memory_space<semaphore_mem>>
          %dma_start3A_167 = arith.constant 0 : i32
          %dma_start3A_168 = tpu.memref_slice %arg9[%run_scoped3A_164, %dma_start3A_167] : memref<8x128xi32, #tpu.memory_space<vmem>> -> memref<1x128xi32, #tpu.memory_space<vmem>>
          %dma_start3A_169 = tpu.memref_squeeze %dma_start3A_168 : memref<1x128xi32, #tpu.memory_space<vmem>> -> memref<128xi32, #tpu.memory_space<vmem>>
          %dma_start3A_170 = arith.constant 0 : i32
          %dma_start3A_171 = arith.constant 0 : i32
          %dma_start3A_172 = tpu.memref_slice %arg12[%dma_start3A_170, %dma_start3A_171] : memref<10112x128xf32, #tpu.memory_space<vmem_shared>> -> memref<10112x128xf32, #tpu.memory_space<vmem_shared>>
          tpu.enqueue_indirect_dma source(%arg11 : memref<128x128xf32, #tpu.memory_space<vmem>>) target(%dma_start3A_172 : memref<10112x128xf32, #tpu.memory_space<vmem_shared>>) offsets(%dma_start3A_169 : memref<128xi32, #tpu.memory_space<vmem>>) semaphore(%run_scoped3A_166 : memref<!tpu.dma_semaphore, #tpu.memory_space<semaphore_mem>>) {add = true}
          %dma_wait3A_173 = arith.constant 0 : i32
          %dma_wait3A_174 = tpu.memref_slice %arg9[%run_scoped3A_164, %dma_wait3A_173] : memref<8x128xi32, #tpu.memory_space<vmem>> -> memref<1x128xi32, #tpu.memory_space<vmem>>
          %dma_wait3A_175 = tpu.memref_squeeze %dma_wait3A_174 : memref<1x128xi32, #tpu.memory_space<vmem>> -> memref<128xi32, #tpu.memory_space<vmem>>
          %dma_wait3A_176 = arith.constant 0 : i32
          %dma_wait3A_177 = arith.constant 0 : i32
          %dma_wait3A_178 = tpu.memref_slice %arg12[%dma_wait3A_176, %dma_wait3A_177] : memref<10112x128xf32, #tpu.memory_space<vmem_shared>> -> memref<10112x128xf32, #tpu.memory_space<vmem_shared>>
          tpu.wait_indirect_dma semaphore(%run_scoped3A_166 : memref<!tpu.dma_semaphore, #tpu.memory_space<semaphore_mem>>) src(%arg11 : memref<128x128xf32, #tpu.memory_space<vmem>>) dst(%dma_wait3A_178 : memref<10112x128xf32, #tpu.memory_space<vmem_shared>>)
          tpu.yield
        }) : () -> ()
        %scan3A_165 = arith.constant 0 : i32
        scf.yield %scan3A_165 : i32
      }
      %scan3A_45 = arith.constant 19 : i32
    } else {
    }
    %eq3A_15 = arith.constant 1 : i32
    %eq3A_16 = arith.cmpi eq, %arg0, %eq3A_15 : i32
    %convert_element_type3A_17 = arith.extui %eq3A_16 : i1 to i32
    %cond3A_18 = arith.constant 0 : i32
    %cond3A_19 = arith.cmpi ne, %convert_element_type3A_17, %cond3A_18 : i32
    scf.if %cond3A_19 {
      %scan3A_39 = arith.constant 0 : i32
      %scan3A_40 = arith.constant 0 : i32
      "tpu.region"() ({
        %run_scoped3A_160 = tpu.sem_alloc : memref<!tpu.dma_semaphore, #tpu.memory_space<semaphore_mem>>
        %dma_start3A_161 = arith.constant 0 : i32
        %dma_start3A_162 = arith.constant 0 : i32
        %dma_start3A_163 = tpu.memref_slice %arg5[%arg1, %scan3A_40, %dma_start3A_161, %dma_start3A_162] : memref<16x1x8x128xi32, #tpu.memory_space<hbm>> -> memref<1x1x8x128xi32, #tpu.memory_space<hbm>>
        %dma_start3A_164 = tpu.memref_squeeze %dma_start3A_163 : memref<1x1x8x128xi32, #tpu.memory_space<hbm>> -> memref<8x128xi32, #tpu.memory_space<hbm>>
        %dma_start3A_165 = arith.constant 0 : i32
        %dma_start3A_166 = arith.constant 0 : i32
        %dma_start3A_167 = tpu.memref_slice %arg5[%arg1, %scan3A_40, %dma_start3A_165, %dma_start3A_166] : memref<16x1x8x128xi32, #tpu.memory_space<hbm>> -> memref<1x1x8x128xi32, #tpu.memory_space<hbm>>
        %dma_start3A_168 = tpu.memref_squeeze %dma_start3A_167 : memref<1x1x8x128xi32, #tpu.memory_space<hbm>> -> memref<8x128xi32, #tpu.memory_space<hbm>>
        tpu.enqueue_dma source(%dma_start3A_168 : memref<8x128xi32, #tpu.memory_space<hbm>>) target(%arg8 : memref<8x128xi32, #tpu.memory_space<vmem>>) target_semaphore(%run_scoped3A_160 : memref<!tpu.dma_semaphore, #tpu.memory_space<semaphore_mem>>)
        %dma_wait3A_169 = arith.constant 0 : i32
        %dma_wait3A_170 = arith.constant 0 : i32
        %dma_wait3A_171 = tpu.memref_slice %arg5[%arg1, %scan3A_40, %dma_wait3A_169, %dma_wait3A_170] : memref<16x1x8x128xi32, #tpu.memory_space<hbm>> -> memref<1x1x8x128xi32, #tpu.memory_space<hbm>>
        %dma_wait3A_172 = tpu.memref_squeeze %dma_wait3A_171 : memref<1x1x8x128xi32, #tpu.memory_space<hbm>> -> memref<8x128xi32, #tpu.memory_space<hbm>>
        %dma_wait3A_173 = arith.constant 0 : i32
        %dma_wait3A_174 = arith.constant 0 : i32
        %dma_wait3A_175 = tpu.memref_slice %arg5[%arg1, %scan3A_40, %dma_wait3A_173, %dma_wait3A_174] : memref<16x1x8x128xi32, #tpu.memory_space<hbm>> -> memref<1x1x8x128xi32, #tpu.memory_space<hbm>>
        %dma_wait3A_176 = tpu.memref_squeeze %dma_wait3A_175 : memref<1x1x8x128xi32, #tpu.memory_space<hbm>> -> memref<8x128xi32, #tpu.memory_space<hbm>>
        tpu.wait_dma2 semaphore(%run_scoped3A_160 : memref<!tpu.dma_semaphore, #tpu.memory_space<semaphore_mem>>) src(%dma_wait3A_176 : memref<8x128xi32, #tpu.memory_space<hbm>>) dst(%arg8 : memref<8x128xi32, #tpu.memory_space<vmem>>)
        tpu.yield
      }) : () -> ()
      "tpu.region"() ({
        %run_scoped3A_160 = tpu.sem_alloc : memref<!tpu.dma_semaphore, #tpu.memory_space<semaphore_mem>>
        %dma_start3A_161 = arith.constant 0 : i32
        %dma_start3A_162 = arith.constant 0 : i32
        %dma_start3A_163 = tpu.memref_slice %arg6[%arg1, %scan3A_40, %dma_start3A_161, %dma_start3A_162] : memref<16x1x8x128xi32, #tpu.memory_space<hbm>> -> memref<1x1x8x128xi32, #tpu.memory_space<hbm>>
        %dma_start3A_164 = tpu.memref_squeeze %dma_start3A_163 : memref<1x1x8x128xi32, #tpu.memory_space<hbm>> -> memref<8x128xi32, #tpu.memory_space<hbm>>
        %dma_start3A_165 = arith.constant 0 : i32
        %dma_start3A_166 = arith.constant 0 : i32
        %dma_start3A_167 = tpu.memref_slice %arg6[%arg1, %scan3A_40, %dma_start3A_165, %dma_start3A_166] : memref<16x1x8x128xi32, #tpu.memory_space<hbm>> -> memref<1x1x8x128xi32, #tpu.memory_space<hbm>>
        %dma_start3A_168 = tpu.memref_squeeze %dma_start3A_167 : memref<1x1x8x128xi32, #tpu.memory_space<hbm>> -> memref<8x128xi32, #tpu.memory_space<hbm>>
        tpu.enqueue_dma source(%dma_start3A_168 : memref<8x128xi32, #tpu.memory_space<hbm>>) target(%arg9 : memref<8x128xi32, #tpu.memory_space<vmem>>) target_semaphore(%run_scoped3A_160 : memref<!tpu.dma_semaphore, #tpu.memory_space<semaphore_mem>>)
        %dma_wait3A_169 = arith.constant 0 : i32
        %dma_wait3A_170 = arith.constant 0 : i32
        %dma_wait3A_171 = tpu.memref_slice %arg6[%arg1, %scan3A_40, %dma_wait3A_169, %dma_wait3A_170] : memref<16x1x8x128xi32, #tpu.memory_space<hbm>> -> memref<1x1x8x128xi32, #tpu.memory_space<hbm>>
        %dma_wait3A_172 = tpu.memref_squeeze %dma_wait3A_171 : memref<1x1x8x128xi32, #tpu.memory_space<hbm>> -> memref<8x128xi32, #tpu.memory_space<hbm>>
        %dma_wait3A_173 = arith.constant 0 : i32
        %dma_wait3A_174 = arith.constant 0 : i32
        %dma_wait3A_175 = tpu.memref_slice %arg6[%arg1, %scan3A_40, %dma_wait3A_173, %dma_wait3A_174] : memref<16x1x8x128xi32, #tpu.memory_space<hbm>> -> memref<1x1x8x128xi32, #tpu.memory_space<hbm>>
        %dma_wait3A_176 = tpu.memref_squeeze %dma_wait3A_175 : memref<1x1x8x128xi32, #tpu.memory_space<hbm>> -> memref<8x128xi32, #tpu.memory_space<hbm>>
        tpu.wait_dma2 semaphore(%run_scoped3A_160 : memref<!tpu.dma_semaphore, #tpu.memory_space<semaphore_mem>>) src(%dma_wait3A_176 : memref<8x128xi32, #tpu.memory_space<hbm>>) dst(%arg9 : memref<8x128xi32, #tpu.memory_space<vmem>>)
        tpu.yield
      }) : () -> ()
      %dma_start3A = arith.constant 0 : i32
      %dma_start3A_41 = arith.constant 0 : i32
      %dma_start3A_42 = tpu.memref_slice %arg8[%dma_start3A, %dma_start3A_41] : memref<8x128xi32, #tpu.memory_space<vmem>> -> memref<1x128xi32, #tpu.memory_space<vmem>>
      %dma_start3A_43 = tpu.memref_squeeze %dma_start3A_42 : memref<1x128xi32, #tpu.memory_space<vmem>> -> memref<128xi32, #tpu.memory_space<vmem>>
      %dma_start3A_44 = arith.constant 0 : i32
      %dma_start3A_45 = arith.constant 0 : i32
      %dma_start3A_46 = tpu.memref_slice %arg2[%dma_start3A_44, %dma_start3A_45] : memref<10000x128xf32, #tpu.memory_space<hbm>> -> memref<10000x128xf32, #tpu.memory_space<hbm>>
      tpu.enqueue_indirect_dma source(%dma_start3A_46 : memref<10000x128xf32, #tpu.memory_space<hbm>>) target(%arg10 : memref<128x128xf32, #tpu.memory_space<vmem>>) offsets(%dma_start3A_43 : memref<128xi32, #tpu.memory_space<vmem>>) semaphore(%arg13 : memref<!tpu.dma_semaphore, #tpu.memory_space<semaphore_mem>>)
      %dma_start3A_47 = arith.constant 1 : i32
      %dma_start3A_48 = arith.constant 0 : i32
      %dma_start3A_49 = tpu.memref_slice %arg8[%dma_start3A_47, %dma_start3A_48] : memref<8x128xi32, #tpu.memory_space<vmem>> -> memref<1x128xi32, #tpu.memory_space<vmem>>
      %dma_start3A_50 = tpu.memref_squeeze %dma_start3A_49 : memref<1x128xi32, #tpu.memory_space<vmem>> -> memref<128xi32, #tpu.memory_space<vmem>>
      %dma_start3A_51 = arith.constant 0 : i32
      %dma_start3A_52 = arith.constant 0 : i32
      %dma_start3A_53 = tpu.memref_slice %arg2[%dma_start3A_51, %dma_start3A_52] : memref<10000x128xf32, #tpu.memory_space<hbm>> -> memref<10000x128xf32, #tpu.memory_space<hbm>>
      tpu.enqueue_indirect_dma source(%dma_start3A_53 : memref<10000x128xf32, #tpu.memory_space<hbm>>) target(%arg11 : memref<128x128xf32, #tpu.memory_space<vmem>>) offsets(%dma_start3A_50 : memref<128xi32, #tpu.memory_space<vmem>>) semaphore(%arg14 : memref<!tpu.dma_semaphore, #tpu.memory_space<semaphore_mem>>)
      %dma_wait3A = arith.constant 0 : i32
      %dma_wait3A_54 = arith.constant 0 : i32
      %dma_wait3A_55 = tpu.memref_slice %arg8[%dma_wait3A, %dma_wait3A_54] : memref<8x128xi32, #tpu.memory_space<vmem>> -> memref<1x128xi32, #tpu.memory_space<vmem>>
      %dma_wait3A_56 = tpu.memref_squeeze %dma_wait3A_55 : memref<1x128xi32, #tpu.memory_space<vmem>> -> memref<128xi32, #tpu.memory_space<vmem>>
      %dma_wait3A_57 = arith.constant 0 : i32
      %dma_wait3A_58 = arith.constant 0 : i32
      %dma_wait3A_59 = tpu.memref_slice %arg2[%dma_wait3A_57, %dma_wait3A_58] : memref<10000x128xf32, #tpu.memory_space<hbm>> -> memref<10000x128xf32, #tpu.memory_space<hbm>>
      tpu.wait_indirect_dma semaphore(%arg13 : memref<!tpu.dma_semaphore, #tpu.memory_space<semaphore_mem>>) src(%dma_wait3A_59 : memref<10000x128xf32, #tpu.memory_space<hbm>>) dst(%arg10 : memref<128x128xf32, #tpu.memory_space<vmem>>)
      %run_scoped3A = arith.constant 0 : i32
      "tpu.region"() ({
        %run_scoped3A_160 = tpu.sem_alloc : memref<!tpu.dma_semaphore, #tpu.memory_space<semaphore_mem>>
        %dma_start3A_161 = arith.constant 0 : i32
        %dma_start3A_162 = tpu.memref_slice %arg9[%run_scoped3A, %dma_start3A_161] : memref<8x128xi32, #tpu.memory_space<vmem>> -> memref<1x128xi32, #tpu.memory_space<vmem>>
        %dma_start3A_163 = tpu.memref_squeeze %dma_start3A_162 : memref<1x128xi32, #tpu.memory_space<vmem>> -> memref<128xi32, #tpu.memory_space<vmem>>
        %dma_start3A_164 = arith.constant 0 : i32
        %dma_start3A_165 = arith.constant 0 : i32
        %dma_start3A_166 = tpu.memref_slice %arg12[%dma_start3A_164, %dma_start3A_165] : memref<10112x128xf32, #tpu.memory_space<vmem_shared>> -> memref<10112x128xf32, #tpu.memory_space<vmem_shared>>
        tpu.enqueue_indirect_dma source(%arg10 : memref<128x128xf32, #tpu.memory_space<vmem>>) target(%dma_start3A_166 : memref<10112x128xf32, #tpu.memory_space<vmem_shared>>) offsets(%dma_start3A_163 : memref<128xi32, #tpu.memory_space<vmem>>) semaphore(%run_scoped3A_160 : memref<!tpu.dma_semaphore, #tpu.memory_space<semaphore_mem>>) {add = true}
        %dma_wait3A_167 = arith.constant 0 : i32
        %dma_wait3A_168 = tpu.memref_slice %arg9[%run_scoped3A, %dma_wait3A_167] : memref<8x128xi32, #tpu.memory_space<vmem>> -> memref<1x128xi32, #tpu.memory_space<vmem>>
        %dma_wait3A_169 = tpu.memref_squeeze %dma_wait3A_168 : memref<1x128xi32, #tpu.memory_space<vmem>> -> memref<128xi32, #tpu.memory_space<vmem>>
        %dma_wait3A_170 = arith.constant 0 : i32
        %dma_wait3A_171 = arith.constant 0 : i32
        %dma_wait3A_172 = tpu.memref_slice %arg12[%dma_wait3A_170, %dma_wait3A_171] : memref<10112x128xf32, #tpu.memory_space<vmem_shared>> -> memref<10112x128xf32, #tpu.memory_space<vmem_shared>>
        tpu.wait_indirect_dma semaphore(%run_scoped3A_160 : memref<!tpu.dma_semaphore, #tpu.memory_space<semaphore_mem>>) src(%arg10 : memref<128x128xf32, #tpu.memory_space<vmem>>) dst(%dma_wait3A_172 : memref<10112x128xf32, #tpu.memory_space<vmem_shared>>)
        tpu.yield
      }) : () -> ()
      %dma_start3A_60 = arith.constant 2 : i32
      %dma_start3A_61 = arith.constant 0 : i32
      %dma_start3A_62 = tpu.memref_slice %arg8[%dma_start3A_60, %dma_start3A_61] : memref<8x128xi32, #tpu.memory_space<vmem>> -> memref<1x128xi32, #tpu.memory_space<vmem>>
      %dma_start3A_63 = tpu.memref_squeeze %dma_start3A_62 : memref<1x128xi32, #tpu.memory_space<vmem>> -> memref<128xi32, #tpu.memory_space<vmem>>
      %dma_start3A_64 = arith.constant 0 : i32
      %dma_start3A_65 = arith.constant 0 : i32
      %dma_start3A_66 = tpu.memref_slice %arg2[%dma_start3A_64, %dma_start3A_65] : memref<10000x128xf32, #tpu.memory_space<hbm>> -> memref<10000x128xf32, #tpu.memory_space<hbm>>
      tpu.enqueue_indirect_dma source(%dma_start3A_66 : memref<10000x128xf32, #tpu.memory_space<hbm>>) target(%arg10 : memref<128x128xf32, #tpu.memory_space<vmem>>) offsets(%dma_start3A_63 : memref<128xi32, #tpu.memory_space<vmem>>) semaphore(%arg13 : memref<!tpu.dma_semaphore, #tpu.memory_space<semaphore_mem>>)
      %dma_wait3A_67 = arith.constant 1 : i32
      %dma_wait3A_68 = arith.constant 0 : i32
      %dma_wait3A_69 = tpu.memref_slice %arg8[%dma_wait3A_67, %dma_wait3A_68] : memref<8x128xi32, #tpu.memory_space<vmem>> -> memref<1x128xi32, #tpu.memory_space<vmem>>
      %dma_wait3A_70 = tpu.memref_squeeze %dma_wait3A_69 : memref<1x128xi32, #tpu.memory_space<vmem>> -> memref<128xi32, #tpu.memory_space<vmem>>
      %dma_wait3A_71 = arith.constant 0 : i32
      %dma_wait3A_72 = arith.constant 0 : i32
      %dma_wait3A_73 = tpu.memref_slice %arg2[%dma_wait3A_71, %dma_wait3A_72] : memref<10000x128xf32, #tpu.memory_space<hbm>> -> memref<10000x128xf32, #tpu.memory_space<hbm>>
      tpu.wait_indirect_dma semaphore(%arg14 : memref<!tpu.dma_semaphore, #tpu.memory_space<semaphore_mem>>) src(%dma_wait3A_73 : memref<10000x128xf32, #tpu.memory_space<hbm>>) dst(%arg11 : memref<128x128xf32, #tpu.memory_space<vmem>>)
      %run_scoped3A_74 = arith.constant 1 : i32
      "tpu.region"() ({
        %run_scoped3A_160 = tpu.sem_alloc : memref<!tpu.dma_semaphore, #tpu.memory_space<semaphore_mem>>
        %dma_start3A_161 = arith.constant 0 : i32
        %dma_start3A_162 = tpu.memref_slice %arg9[%run_scoped3A_74, %dma_start3A_161] : memref<8x128xi32, #tpu.memory_space<vmem>> -> memref<1x128xi32, #tpu.memory_space<vmem>>
        %dma_start3A_163 = tpu.memref_squeeze %dma_start3A_162 : memref<1x128xi32, #tpu.memory_space<vmem>> -> memref<128xi32, #tpu.memory_space<vmem>>
        %dma_start3A_164 = arith.constant 0 : i32
        %dma_start3A_165 = arith.constant 0 : i32
        %dma_start3A_166 = tpu.memref_slice %arg12[%dma_start3A_164, %dma_start3A_165] : memref<10112x128xf32, #tpu.memory_space<vmem_shared>> -> memref<10112x128xf32, #tpu.memory_space<vmem_shared>>
        tpu.enqueue_indirect_dma source(%arg11 : memref<128x128xf32, #tpu.memory_space<vmem>>) target(%dma_start3A_166 : memref<10112x128xf32, #tpu.memory_space<vmem_shared>>) offsets(%dma_start3A_163 : memref<128xi32, #tpu.memory_space<vmem>>) semaphore(%run_scoped3A_160 : memref<!tpu.dma_semaphore, #tpu.memory_space<semaphore_mem>>) {add = true}
        %dma_wait3A_167 = arith.constant 0 : i32
        %dma_wait3A_168 = tpu.memref_slice %arg9[%run_scoped3A_74, %dma_wait3A_167] : memref<8x128xi32, #tpu.memory_space<vmem>> -> memref<1x128xi32, #tpu.memory_space<vmem>>
        %dma_wait3A_169 = tpu.memref_squeeze %dma_wait3A_168 : memref<1x128xi32, #tpu.memory_space<vmem>> -> memref<128xi32, #tpu.memory_space<vmem>>
        %dma_wait3A_170 = arith.constant 0 : i32
        %dma_wait3A_171 = arith.constant 0 : i32
        %dma_wait3A_172 = tpu.memref_slice %arg12[%dma_wait3A_170, %dma_wait3A_171] : memref<10112x128xf32, #tpu.memory_space<vmem_shared>> -> memref<10112x128xf32, #tpu.memory_space<vmem_shared>>
        tpu.wait_indirect_dma semaphore(%run_scoped3A_160 : memref<!tpu.dma_semaphore, #tpu.memory_space<semaphore_mem>>) src(%arg11 : memref<128x128xf32, #tpu.memory_space<vmem>>) dst(%dma_wait3A_172 : memref<10112x128xf32, #tpu.memory_space<vmem_shared>>)
        tpu.yield
      }) : () -> ()
      %dma_start3A_75 = arith.constant 3 : i32
      %dma_start3A_76 = arith.constant 0 : i32
      %dma_start3A_77 = tpu.memref_slice %arg8[%dma_start3A_75, %dma_start3A_76] : memref<8x128xi32, #tpu.memory_space<vmem>> -> memref<1x128xi32, #tpu.memory_space<vmem>>
      %dma_start3A_78 = tpu.memref_squeeze %dma_start3A_77 : memref<1x128xi32, #tpu.memory_space<vmem>> -> memref<128xi32, #tpu.memory_space<vmem>>
      %dma_start3A_79 = arith.constant 0 : i32
      %dma_start3A_80 = arith.constant 0 : i32
      %dma_start3A_81 = tpu.memref_slice %arg2[%dma_start3A_79, %dma_start3A_80] : memref<10000x128xf32, #tpu.memory_space<hbm>> -> memref<10000x128xf32, #tpu.memory_space<hbm>>
      tpu.enqueue_indirect_dma source(%dma_start3A_81 : memref<10000x128xf32, #tpu.memory_space<hbm>>) target(%arg11 : memref<128x128xf32, #tpu.memory_space<vmem>>) offsets(%dma_start3A_78 : memref<128xi32, #tpu.memory_space<vmem>>) semaphore(%arg14 : memref<!tpu.dma_semaphore, #tpu.memory_space<semaphore_mem>>)
      %dma_wait3A_82 = arith.constant 2 : i32
      %dma_wait3A_83 = arith.constant 0 : i32
      %dma_wait3A_84 = tpu.memref_slice %arg8[%dma_wait3A_82, %dma_wait3A_83] : memref<8x128xi32, #tpu.memory_space<vmem>> -> memref<1x128xi32, #tpu.memory_space<vmem>>
      %dma_wait3A_85 = tpu.memref_squeeze %dma_wait3A_84 : memref<1x128xi32, #tpu.memory_space<vmem>> -> memref<128xi32, #tpu.memory_space<vmem>>
      %dma_wait3A_86 = arith.constant 0 : i32
      %dma_wait3A_87 = arith.constant 0 : i32
      %dma_wait3A_88 = tpu.memref_slice %arg2[%dma_wait3A_86, %dma_wait3A_87] : memref<10000x128xf32, #tpu.memory_space<hbm>> -> memref<10000x128xf32, #tpu.memory_space<hbm>>
      tpu.wait_indirect_dma semaphore(%arg13 : memref<!tpu.dma_semaphore, #tpu.memory_space<semaphore_mem>>) src(%dma_wait3A_88 : memref<10000x128xf32, #tpu.memory_space<hbm>>) dst(%arg10 : memref<128x128xf32, #tpu.memory_space<vmem>>)
      %run_scoped3A_89 = arith.constant 2 : i32
      "tpu.region"() ({
        %run_scoped3A_160 = tpu.sem_alloc : memref<!tpu.dma_semaphore, #tpu.memory_space<semaphore_mem>>
        %dma_start3A_161 = arith.constant 0 : i32
        %dma_start3A_162 = tpu.memref_slice %arg9[%run_scoped3A_89, %dma_start3A_161] : memref<8x128xi32, #tpu.memory_space<vmem>> -> memref<1x128xi32, #tpu.memory_space<vmem>>
        %dma_start3A_163 = tpu.memref_squeeze %dma_start3A_162 : memref<1x128xi32, #tpu.memory_space<vmem>> -> memref<128xi32, #tpu.memory_space<vmem>>
        %dma_start3A_164 = arith.constant 0 : i32
        %dma_start3A_165 = arith.constant 0 : i32
        %dma_start3A_166 = tpu.memref_slice %arg12[%dma_start3A_164, %dma_start3A_165] : memref<10112x128xf32, #tpu.memory_space<vmem_shared>> -> memref<10112x128xf32, #tpu.memory_space<vmem_shared>>
        tpu.enqueue_indirect_dma source(%arg10 : memref<128x128xf32, #tpu.memory_space<vmem>>) target(%dma_start3A_166 : memref<10112x128xf32, #tpu.memory_space<vmem_shared>>) offsets(%dma_start3A_163 : memref<128xi32, #tpu.memory_space<vmem>>) semaphore(%run_scoped3A_160 : memref<!tpu.dma_semaphore, #tpu.memory_space<semaphore_mem>>) {add = true}
        %dma_wait3A_167 = arith.constant 0 : i32
        %dma_wait3A_168 = tpu.memref_slice %arg9[%run_scoped3A_89, %dma_wait3A_167] : memref<8x128xi32, #tpu.memory_space<vmem>> -> memref<1x128xi32, #tpu.memory_space<vmem>>
        %dma_wait3A_169 = tpu.memref_squeeze %dma_wait3A_168 : memref<1x128xi32, #tpu.memory_space<vmem>> -> memref<128xi32, #tpu.memory_space<vmem>>
        %dma_wait3A_170 = arith.constant 0 : i32
        %dma_wait3A_171 = arith.constant 0 : i32
        %dma_wait3A_172 = tpu.memref_slice %arg12[%dma_wait3A_170, %dma_wait3A_171] : memref<10112x128xf32, #tpu.memory_space<vmem_shared>> -> memref<10112x128xf32, #tpu.memory_space<vmem_shared>>
        tpu.wait_indirect_dma semaphore(%run_scoped3A_160 : memref<!tpu.dma_semaphore, #tpu.memory_space<semaphore_mem>>) src(%arg10 : memref<128x128xf32, #tpu.memory_space<vmem>>) dst(%dma_wait3A_172 : memref<10112x128xf32, #tpu.memory_space<vmem_shared>>)
        tpu.yield
      }) : () -> ()
      %dma_start3A_90 = arith.constant 4 : i32
      %dma_start3A_91 = arith.constant 0 : i32
      %dma_start3A_92 = tpu.memref_slice %arg8[%dma_start3A_90, %dma_start3A_91] : memref<8x128xi32, #tpu.memory_space<vmem>> -> memref<1x128xi32, #tpu.memory_space<vmem>>
      %dma_start3A_93 = tpu.memref_squeeze %dma_start3A_92 : memref<1x128xi32, #tpu.memory_space<vmem>> -> memref<128xi32, #tpu.memory_space<vmem>>
      %dma_start3A_94 = arith.constant 0 : i32
      %dma_start3A_95 = arith.constant 0 : i32
      %dma_start3A_96 = tpu.memref_slice %arg2[%dma_start3A_94, %dma_start3A_95] : memref<10000x128xf32, #tpu.memory_space<hbm>> -> memref<10000x128xf32, #tpu.memory_space<hbm>>
      tpu.enqueue_indirect_dma source(%dma_start3A_96 : memref<10000x128xf32, #tpu.memory_space<hbm>>) target(%arg10 : memref<128x128xf32, #tpu.memory_space<vmem>>) offsets(%dma_start3A_93 : memref<128xi32, #tpu.memory_space<vmem>>) semaphore(%arg13 : memref<!tpu.dma_semaphore, #tpu.memory_space<semaphore_mem>>)
      %dma_wait3A_97 = arith.constant 3 : i32
      %dma_wait3A_98 = arith.constant 0 : i32
      %dma_wait3A_99 = tpu.memref_slice %arg8[%dma_wait3A_97, %dma_wait3A_98] : memref<8x128xi32, #tpu.memory_space<vmem>> -> memref<1x128xi32, #tpu.memory_space<vmem>>
      %dma_wait3A_100 = tpu.memref_squeeze %dma_wait3A_99 : memref<1x128xi32, #tpu.memory_space<vmem>> -> memref<128xi32, #tpu.memory_space<vmem>>
      %dma_wait3A_101 = arith.constant 0 : i32
      %dma_wait3A_102 = arith.constant 0 : i32
      %dma_wait3A_103 = tpu.memref_slice %arg2[%dma_wait3A_101, %dma_wait3A_102] : memref<10000x128xf32, #tpu.memory_space<hbm>> -> memref<10000x128xf32, #tpu.memory_space<hbm>>
      tpu.wait_indirect_dma semaphore(%arg14 : memref<!tpu.dma_semaphore, #tpu.memory_space<semaphore_mem>>) src(%dma_wait3A_103 : memref<10000x128xf32, #tpu.memory_space<hbm>>) dst(%arg11 : memref<128x128xf32, #tpu.memory_space<vmem>>)
      %run_scoped3A_104 = arith.constant 3 : i32
      "tpu.region"() ({
        %run_scoped3A_160 = tpu.sem_alloc : memref<!tpu.dma_semaphore, #tpu.memory_space<semaphore_mem>>
        %dma_start3A_161 = arith.constant 0 : i32
        %dma_start3A_162 = tpu.memref_slice %arg9[%run_scoped3A_104, %dma_start3A_161] : memref<8x128xi32, #tpu.memory_space<vmem>> -> memref<1x128xi32, #tpu.memory_space<vmem>>
        %dma_start3A_163 = tpu.memref_squeeze %dma_start3A_162 : memref<1x128xi32, #tpu.memory_space<vmem>> -> memref<128xi32, #tpu.memory_space<vmem>>
        %dma_start3A_164 = arith.constant 0 : i32
        %dma_start3A_165 = arith.constant 0 : i32
        %dma_start3A_166 = tpu.memref_slice %arg12[%dma_start3A_164, %dma_start3A_165] : memref<10112x128xf32, #tpu.memory_space<vmem_shared>> -> memref<10112x128xf32, #tpu.memory_space<vmem_shared>>
        tpu.enqueue_indirect_dma source(%arg11 : memref<128x128xf32, #tpu.memory_space<vmem>>) target(%dma_start3A_166 : memref<10112x128xf32, #tpu.memory_space<vmem_shared>>) offsets(%dma_start3A_163 : memref<128xi32, #tpu.memory_space<vmem>>) semaphore(%run_scoped3A_160 : memref<!tpu.dma_semaphore, #tpu.memory_space<semaphore_mem>>) {add = true}
        %dma_wait3A_167 = arith.constant 0 : i32
        %dma_wait3A_168 = tpu.memref_slice %arg9[%run_scoped3A_104, %dma_wait3A_167] : memref<8x128xi32, #tpu.memory_space<vmem>> -> memref<1x128xi32, #tpu.memory_space<vmem>>
        %dma_wait3A_169 = tpu.memref_squeeze %dma_wait3A_168 : memref<1x128xi32, #tpu.memory_space<vmem>> -> memref<128xi32, #tpu.memory_space<vmem>>
        %dma_wait3A_170 = arith.constant 0 : i32
        %dma_wait3A_171 = arith.constant 0 : i32
        %dma_wait3A_172 = tpu.memref_slice %arg12[%dma_wait3A_170, %dma_wait3A_171] : memref<10112x128xf32, #tpu.memory_space<vmem_shared>> -> memref<10112x128xf32, #tpu.memory_space<vmem_shared>>
        tpu.wait_indirect_dma semaphore(%run_scoped3A_160 : memref<!tpu.dma_semaphore, #tpu.memory_space<semaphore_mem>>) src(%arg11 : memref<128x128xf32, #tpu.memory_space<vmem>>) dst(%dma_wait3A_172 : memref<10112x128xf32, #tpu.memory_space<vmem_shared>>)
        tpu.yield
      }) : () -> ()
      %dma_start3A_105 = arith.constant 5 : i32
      %dma_start3A_106 = arith.constant 0 : i32
      %dma_start3A_107 = tpu.memref_slice %arg8[%dma_start3A_105, %dma_start3A_106] : memref<8x128xi32, #tpu.memory_space<vmem>> -> memref<1x128xi32, #tpu.memory_space<vmem>>
      %dma_start3A_108 = tpu.memref_squeeze %dma_start3A_107 : memref<1x128xi32, #tpu.memory_space<vmem>> -> memref<128xi32, #tpu.memory_space<vmem>>
      %dma_start3A_109 = arith.constant 0 : i32
      %dma_start3A_110 = arith.constant 0 : i32
      %dma_start3A_111 = tpu.memref_slice %arg2[%dma_start3A_109, %dma_start3A_110] : memref<10000x128xf32, #tpu.memory_space<hbm>> -> memref<10000x128xf32, #tpu.memory_space<hbm>>
      tpu.enqueue_indirect_dma source(%dma_start3A_111 : memref<10000x128xf32, #tpu.memory_space<hbm>>) target(%arg11 : memref<128x128xf32, #tpu.memory_space<vmem>>) offsets(%dma_start3A_108 : memref<128xi32, #tpu.memory_space<vmem>>) semaphore(%arg14 : memref<!tpu.dma_semaphore, #tpu.memory_space<semaphore_mem>>)
      %dma_wait3A_112 = arith.constant 4 : i32
      %dma_wait3A_113 = arith.constant 0 : i32
      %dma_wait3A_114 = tpu.memref_slice %arg8[%dma_wait3A_112, %dma_wait3A_113] : memref<8x128xi32, #tpu.memory_space<vmem>> -> memref<1x128xi32, #tpu.memory_space<vmem>>
      %dma_wait3A_115 = tpu.memref_squeeze %dma_wait3A_114 : memref<1x128xi32, #tpu.memory_space<vmem>> -> memref<128xi32, #tpu.memory_space<vmem>>
      %dma_wait3A_116 = arith.constant 0 : i32
      %dma_wait3A_117 = arith.constant 0 : i32
      %dma_wait3A_118 = tpu.memref_slice %arg2[%dma_wait3A_116, %dma_wait3A_117] : memref<10000x128xf32, #tpu.memory_space<hbm>> -> memref<10000x128xf32, #tpu.memory_space<hbm>>
      tpu.wait_indirect_dma semaphore(%arg13 : memref<!tpu.dma_semaphore, #tpu.memory_space<semaphore_mem>>) src(%dma_wait3A_118 : memref<10000x128xf32, #tpu.memory_space<hbm>>) dst(%arg10 : memref<128x128xf32, #tpu.memory_space<vmem>>)
      %run_scoped3A_119 = arith.constant 4 : i32
      "tpu.region"() ({
        %run_scoped3A_160 = tpu.sem_alloc : memref<!tpu.dma_semaphore, #tpu.memory_space<semaphore_mem>>
        %dma_start3A_161 = arith.constant 0 : i32
        %dma_start3A_162 = tpu.memref_slice %arg9[%run_scoped3A_119, %dma_start3A_161] : memref<8x128xi32, #tpu.memory_space<vmem>> -> memref<1x128xi32, #tpu.memory_space<vmem>>
        %dma_start3A_163 = tpu.memref_squeeze %dma_start3A_162 : memref<1x128xi32, #tpu.memory_space<vmem>> -> memref<128xi32, #tpu.memory_space<vmem>>
        %dma_start3A_164 = arith.constant 0 : i32
        %dma_start3A_165 = arith.constant 0 : i32
        %dma_start3A_166 = tpu.memref_slice %arg12[%dma_start3A_164, %dma_start3A_165] : memref<10112x128xf32, #tpu.memory_space<vmem_shared>> -> memref<10112x128xf32, #tpu.memory_space<vmem_shared>>
        tpu.enqueue_indirect_dma source(%arg10 : memref<128x128xf32, #tpu.memory_space<vmem>>) target(%dma_start3A_166 : memref<10112x128xf32, #tpu.memory_space<vmem_shared>>) offsets(%dma_start3A_163 : memref<128xi32, #tpu.memory_space<vmem>>) semaphore(%run_scoped3A_160 : memref<!tpu.dma_semaphore, #tpu.memory_space<semaphore_mem>>) {add = true}
        %dma_wait3A_167 = arith.constant 0 : i32
        %dma_wait3A_168 = tpu.memref_slice %arg9[%run_scoped3A_119, %dma_wait3A_167] : memref<8x128xi32, #tpu.memory_space<vmem>> -> memref<1x128xi32, #tpu.memory_space<vmem>>
        %dma_wait3A_169 = tpu.memref_squeeze %dma_wait3A_168 : memref<1x128xi32, #tpu.memory_space<vmem>> -> memref<128xi32, #tpu.memory_space<vmem>>
        %dma_wait3A_170 = arith.constant 0 : i32
        %dma_wait3A_171 = arith.constant 0 : i32
        %dma_wait3A_172 = tpu.memref_slice %arg12[%dma_wait3A_170, %dma_wait3A_171] : memref<10112x128xf32, #tpu.memory_space<vmem_shared>> -> memref<10112x128xf32, #tpu.memory_space<vmem_shared>>
        tpu.wait_indirect_dma semaphore(%run_scoped3A_160 : memref<!tpu.dma_semaphore, #tpu.memory_space<semaphore_mem>>) src(%arg10 : memref<128x128xf32, #tpu.memory_space<vmem>>) dst(%dma_wait3A_172 : memref<10112x128xf32, #tpu.memory_space<vmem_shared>>)
        tpu.yield
      }) : () -> ()
      %dma_start3A_120 = arith.constant 6 : i32
      %dma_start3A_121 = arith.constant 0 : i32
      %dma_start3A_122 = tpu.memref_slice %arg8[%dma_start3A_120, %dma_start3A_121] : memref<8x128xi32, #tpu.memory_space<vmem>> -> memref<1x128xi32, #tpu.memory_space<vmem>>
      %dma_start3A_123 = tpu.memref_squeeze %dma_start3A_122 : memref<1x128xi32, #tpu.memory_space<vmem>> -> memref<128xi32, #tpu.memory_space<vmem>>
      %dma_start3A_124 = arith.constant 0 : i32
      %dma_start3A_125 = arith.constant 0 : i32
      %dma_start3A_126 = tpu.memref_slice %arg2[%dma_start3A_124, %dma_start3A_125] : memref<10000x128xf32, #tpu.memory_space<hbm>> -> memref<10000x128xf32, #tpu.memory_space<hbm>>
      tpu.enqueue_indirect_dma source(%dma_start3A_126 : memref<10000x128xf32, #tpu.memory_space<hbm>>) target(%arg10 : memref<128x128xf32, #tpu.memory_space<vmem>>) offsets(%dma_start3A_123 : memref<128xi32, #tpu.memory_space<vmem>>) semaphore(%arg13 : memref<!tpu.dma_semaphore, #tpu.memory_space<semaphore_mem>>)
      %dma_wait3A_127 = arith.constant 5 : i32
      %dma_wait3A_128 = arith.constant 0 : i32
      %dma_wait3A_129 = tpu.memref_slice %arg8[%dma_wait3A_127, %dma_wait3A_128] : memref<8x128xi32, #tpu.memory_space<vmem>> -> memref<1x128xi32, #tpu.memory_space<vmem>>
      %dma_wait3A_130 = tpu.memref_squeeze %dma_wait3A_129 : memref<1x128xi32, #tpu.memory_space<vmem>> -> memref<128xi32, #tpu.memory_space<vmem>>
      %dma_wait3A_131 = arith.constant 0 : i32
      %dma_wait3A_132 = arith.constant 0 : i32
      %dma_wait3A_133 = tpu.memref_slice %arg2[%dma_wait3A_131, %dma_wait3A_132] : memref<10000x128xf32, #tpu.memory_space<hbm>> -> memref<10000x128xf32, #tpu.memory_space<hbm>>
      tpu.wait_indirect_dma semaphore(%arg14 : memref<!tpu.dma_semaphore, #tpu.memory_space<semaphore_mem>>) src(%dma_wait3A_133 : memref<10000x128xf32, #tpu.memory_space<hbm>>) dst(%arg11 : memref<128x128xf32, #tpu.memory_space<vmem>>)
      %run_scoped3A_134 = arith.constant 5 : i32
      "tpu.region"() ({
        %run_scoped3A_160 = tpu.sem_alloc : memref<!tpu.dma_semaphore, #tpu.memory_space<semaphore_mem>>
        %dma_start3A_161 = arith.constant 0 : i32
        %dma_start3A_162 = tpu.memref_slice %arg9[%run_scoped3A_134, %dma_start3A_161] : memref<8x128xi32, #tpu.memory_space<vmem>> -> memref<1x128xi32, #tpu.memory_space<vmem>>
        %dma_start3A_163 = tpu.memref_squeeze %dma_start3A_162 : memref<1x128xi32, #tpu.memory_space<vmem>> -> memref<128xi32, #tpu.memory_space<vmem>>
        %dma_start3A_164 = arith.constant 0 : i32
        %dma_start3A_165 = arith.constant 0 : i32
        %dma_start3A_166 = tpu.memref_slice %arg12[%dma_start3A_164, %dma_start3A_165] : memref<10112x128xf32, #tpu.memory_space<vmem_shared>> -> memref<10112x128xf32, #tpu.memory_space<vmem_shared>>
        tpu.enqueue_indirect_dma source(%arg11 : memref<128x128xf32, #tpu.memory_space<vmem>>) target(%dma_start3A_166 : memref<10112x128xf32, #tpu.memory_space<vmem_shared>>) offsets(%dma_start3A_163 : memref<128xi32, #tpu.memory_space<vmem>>) semaphore(%run_scoped3A_160 : memref<!tpu.dma_semaphore, #tpu.memory_space<semaphore_mem>>) {add = true}
        %dma_wait3A_167 = arith.constant 0 : i32
        %dma_wait3A_168 = tpu.memref_slice %arg9[%run_scoped3A_134, %dma_wait3A_167] : memref<8x128xi32, #tpu.memory_space<vmem>> -> memref<1x128xi32, #tpu.memory_space<vmem>>
        %dma_wait3A_169 = tpu.memref_squeeze %dma_wait3A_168 : memref<1x128xi32, #tpu.memory_space<vmem>> -> memref<128xi32, #tpu.memory_space<vmem>>
        %dma_wait3A_170 = arith.constant 0 : i32
        %dma_wait3A_171 = arith.constant 0 : i32
        %dma_wait3A_172 = tpu.memref_slice %arg12[%dma_wait3A_170, %dma_wait3A_171] : memref<10112x128xf32, #tpu.memory_space<vmem_shared>> -> memref<10112x128xf32, #tpu.memory_space<vmem_shared>>
        tpu.wait_indirect_dma semaphore(%run_scoped3A_160 : memref<!tpu.dma_semaphore, #tpu.memory_space<semaphore_mem>>) src(%arg11 : memref<128x128xf32, #tpu.memory_space<vmem>>) dst(%dma_wait3A_172 : memref<10112x128xf32, #tpu.memory_space<vmem_shared>>)
        tpu.yield
      }) : () -> ()
      %dma_start3A_135 = arith.constant 7 : i32
      %dma_start3A_136 = arith.constant 0 : i32
      %dma_start3A_137 = tpu.memref_slice %arg8[%dma_start3A_135, %dma_start3A_136] : memref<8x128xi32, #tpu.memory_space<vmem>> -> memref<1x128xi32, #tpu.memory_space<vmem>>
      %dma_start3A_138 = tpu.memref_squeeze %dma_start3A_137 : memref<1x128xi32, #tpu.memory_space<vmem>> -> memref<128xi32, #tpu.memory_space<vmem>>
      %dma_start3A_139 = arith.constant 0 : i32
      %dma_start3A_140 = arith.constant 0 : i32
      %dma_start3A_141 = tpu.memref_slice %arg2[%dma_start3A_139, %dma_start3A_140] : memref<10000x128xf32, #tpu.memory_space<hbm>> -> memref<10000x128xf32, #tpu.memory_space<hbm>>
      tpu.enqueue_indirect_dma source(%dma_start3A_141 : memref<10000x128xf32, #tpu.memory_space<hbm>>) target(%arg11 : memref<128x128xf32, #tpu.memory_space<vmem>>) offsets(%dma_start3A_138 : memref<128xi32, #tpu.memory_space<vmem>>) semaphore(%arg14 : memref<!tpu.dma_semaphore, #tpu.memory_space<semaphore_mem>>)
      %dma_wait3A_142 = arith.constant 6 : i32
      %dma_wait3A_143 = arith.constant 0 : i32
      %dma_wait3A_144 = tpu.memref_slice %arg8[%dma_wait3A_142, %dma_wait3A_143] : memref<8x128xi32, #tpu.memory_space<vmem>> -> memref<1x128xi32, #tpu.memory_space<vmem>>
      %dma_wait3A_145 = tpu.memref_squeeze %dma_wait3A_144 : memref<1x128xi32, #tpu.memory_space<vmem>> -> memref<128xi32, #tpu.memory_space<vmem>>
      %dma_wait3A_146 = arith.constant 0 : i32
      %dma_wait3A_147 = arith.constant 0 : i32
      %dma_wait3A_148 = tpu.memref_slice %arg2[%dma_wait3A_146, %dma_wait3A_147] : memref<10000x128xf32, #tpu.memory_space<hbm>> -> memref<10000x128xf32, #tpu.memory_space<hbm>>
      tpu.wait_indirect_dma semaphore(%arg13 : memref<!tpu.dma_semaphore, #tpu.memory_space<semaphore_mem>>) src(%dma_wait3A_148 : memref<10000x128xf32, #tpu.memory_space<hbm>>) dst(%arg10 : memref<128x128xf32, #tpu.memory_space<vmem>>)
      %run_scoped3A_149 = arith.constant 6 : i32
      "tpu.region"() ({
        %run_scoped3A_160 = tpu.sem_alloc : memref<!tpu.dma_semaphore, #tpu.memory_space<semaphore_mem>>
        %dma_start3A_161 = arith.constant 0 : i32
        %dma_start3A_162 = tpu.memref_slice %arg9[%run_scoped3A_149, %dma_start3A_161] : memref<8x128xi32, #tpu.memory_space<vmem>> -> memref<1x128xi32, #tpu.memory_space<vmem>>
        %dma_start3A_163 = tpu.memref_squeeze %dma_start3A_162 : memref<1x128xi32, #tpu.memory_space<vmem>> -> memref<128xi32, #tpu.memory_space<vmem>>
        %dma_start3A_164 = arith.constant 0 : i32
        %dma_start3A_165 = arith.constant 0 : i32
        %dma_start3A_166 = tpu.memref_slice %arg12[%dma_start3A_164, %dma_start3A_165] : memref<10112x128xf32, #tpu.memory_space<vmem_shared>> -> memref<10112x128xf32, #tpu.memory_space<vmem_shared>>
        tpu.enqueue_indirect_dma source(%arg10 : memref<128x128xf32, #tpu.memory_space<vmem>>) target(%dma_start3A_166 : memref<10112x128xf32, #tpu.memory_space<vmem_shared>>) offsets(%dma_start3A_163 : memref<128xi32, #tpu.memory_space<vmem>>) semaphore(%run_scoped3A_160 : memref<!tpu.dma_semaphore, #tpu.memory_space<semaphore_mem>>) {add = true}
        %dma_wait3A_167 = arith.constant 0 : i32
        %dma_wait3A_168 = tpu.memref_slice %arg9[%run_scoped3A_149, %dma_wait3A_167] : memref<8x128xi32, #tpu.memory_space<vmem>> -> memref<1x128xi32, #tpu.memory_space<vmem>>
        %dma_wait3A_169 = tpu.memref_squeeze %dma_wait3A_168 : memref<1x128xi32, #tpu.memory_space<vmem>> -> memref<128xi32, #tpu.memory_space<vmem>>
        %dma_wait3A_170 = arith.constant 0 : i32
        %dma_wait3A_171 = arith.constant 0 : i32
        %dma_wait3A_172 = tpu.memref_slice %arg12[%dma_wait3A_170, %dma_wait3A_171] : memref<10112x128xf32, #tpu.memory_space<vmem_shared>> -> memref<10112x128xf32, #tpu.memory_space<vmem_shared>>
        tpu.wait_indirect_dma semaphore(%run_scoped3A_160 : memref<!tpu.dma_semaphore, #tpu.memory_space<semaphore_mem>>) src(%arg10 : memref<128x128xf32, #tpu.memory_space<vmem>>) dst(%dma_wait3A_172 : memref<10112x128xf32, #tpu.memory_space<vmem_shared>>)
        tpu.yield
      }) : () -> ()
      %dma_wait3A_150 = arith.constant 7 : i32
      %dma_wait3A_151 = arith.constant 0 : i32
      %dma_wait3A_152 = tpu.memref_slice %arg8[%dma_wait3A_150, %dma_wait3A_151] : memref<8x128xi32, #tpu.memory_space<vmem>> -> memref<1x128xi32, #tpu.memory_space<vmem>>
      %dma_wait3A_153 = tpu.memref_squeeze %dma_wait3A_152 : memref<1x128xi32, #tpu.memory_space<vmem>> -> memref<128xi32, #tpu.memory_space<vmem>>
      %dma_wait3A_154 = arith.constant 0 : i32
      %dma_wait3A_155 = arith.constant 0 : i32
      %dma_wait3A_156 = tpu.memref_slice %arg2[%dma_wait3A_154, %dma_wait3A_155] : memref<10000x128xf32, #tpu.memory_space<hbm>> -> memref<10000x128xf32, #tpu.memory_space<hbm>>
      tpu.wait_indirect_dma semaphore(%arg14 : memref<!tpu.dma_semaphore, #tpu.memory_space<semaphore_mem>>) src(%dma_wait3A_156 : memref<10000x128xf32, #tpu.memory_space<hbm>>) dst(%arg11 : memref<128x128xf32, #tpu.memory_space<vmem>>)
      %run_scoped3A_157 = arith.constant 7 : i32
      "tpu.region"() ({
        %run_scoped3A_160 = tpu.sem_alloc : memref<!tpu.dma_semaphore, #tpu.memory_space<semaphore_mem>>
        %dma_start3A_161 = arith.constant 0 : i32
        %dma_start3A_162 = tpu.memref_slice %arg9[%run_scoped3A_157, %dma_start3A_161] : memref<8x128xi32, #tpu.memory_space<vmem>> -> memref<1x128xi32, #tpu.memory_space<vmem>>
        %dma_start3A_163 = tpu.memref_squeeze %dma_start3A_162 : memref<1x128xi32, #tpu.memory_space<vmem>> -> memref<128xi32, #tpu.memory_space<vmem>>
        %dma_start3A_164 = arith.constant 0 : i32
        %dma_start3A_165 = arith.constant 0 : i32
        %dma_start3A_166 = tpu.memref_slice %arg12[%dma_start3A_164, %dma_start3A_165] : memref<10112x128xf32, #tpu.memory_space<vmem_shared>> -> memref<10112x128xf32, #tpu.memory_space<vmem_shared>>
        tpu.enqueue_indirect_dma source(%arg11 : memref<128x128xf32, #tpu.memory_space<vmem>>) target(%dma_start3A_166 : memref<10112x128xf32, #tpu.memory_space<vmem_shared>>) offsets(%dma_start3A_163 : memref<128xi32, #tpu.memory_space<vmem>>) semaphore(%run_scoped3A_160 : memref<!tpu.dma_semaphore, #tpu.memory_space<semaphore_mem>>) {add = true}
        %dma_wait3A_167 = arith.constant 0 : i32
        %dma_wait3A_168 = tpu.memref_slice %arg9[%run_scoped3A_157, %dma_wait3A_167] : memref<8x128xi32, #tpu.memory_space<vmem>> -> memref<1x128xi32, #tpu.memory_space<vmem>>
        %dma_wait3A_169 = tpu.memref_squeeze %dma_wait3A_168 : memref<1x128xi32, #tpu.memory_space<vmem>> -> memref<128xi32, #tpu.memory_space<vmem>>
        %dma_wait3A_170 = arith.constant 0 : i32
        %dma_wait3A_171 = arith.constant 0 : i32
        %dma_wait3A_172 = tpu.memref_slice %arg12[%dma_wait3A_170, %dma_wait3A_171] : memref<10112x128xf32, #tpu.memory_space<vmem_shared>> -> memref<10112x128xf32, #tpu.memory_space<vmem_shared>>
        tpu.wait_indirect_dma semaphore(%run_scoped3A_160 : memref<!tpu.dma_semaphore, #tpu.memory_space<semaphore_mem>>) src(%arg11 : memref<128x128xf32, #tpu.memory_space<vmem>>) dst(%dma_wait3A_172 : memref<10112x128xf32, #tpu.memory_space<vmem_shared>>)
        tpu.yield
      }) : () -> ()
      %scan3A_158 = arith.constant 0 : i32
      %scan3A_159 = arith.constant 1 : i32
    } else {
    }
    %barrier3A_20 = arith.constant 0 : index
    tpu.barrier barrier_id(%barrier3A_20)
    %eq3A_21 = arith.constant 0 : i32
    %eq3A_22 = arith.cmpi eq, %arg0, %eq3A_21 : i32
    %convert_element_type3A_23 = arith.extui %eq3A_22 : i1 to i32
    %cond3A_24 = arith.constant 0 : i32
    %cond3A_25 = arith.cmpi ne, %convert_element_type3A_23, %cond3A_24 : i32
    scf.if %cond3A_25 {
      %iota3A = tpu.iota {dimensions = array<i32: 0>} : vector<16xi32>
      %scan3A_39 = arith.constant 0 : i32
      %scan3A_40 = arith.constant 0 : i32
      %scan3A_41 = arith.constant 64 : i32
      %scan3A_42 = arith.addi %scan3A_40, %scan3A_41 : i32
      %scan3A_43 = arith.constant 1 : i32
      %scan3A_44 = scf.for %scan3A_127 = %scan3A_40 to %scan3A_42 step %scan3A_43 iter_args(%scan3A_128 = %scan3A_39) -> (i32)  : i32 {
        %mul3A_129 = arith.constant 16 : i32
        %mul3A_130 = arith.muli %scan3A_127, %mul3A_129 : i32
        %add3A_131 = vector.broadcast %mul3A_130 : i32 to vector<16xi32>
        %add3A_132 = arith.addi %add3A_131, %iota3A : vector<16xi32>
        %min3A = arith.constant 631 : i32
        %min3A_133 = vector.broadcast %min3A : i32 to vector<16xi32>
        %min3A_134 = arith.minsi %add3A_132, %min3A_133 : vector<16xi32>
        %add3A_135 = vector.broadcast %mul3A_0 : i32 to vector<16xi32>
        %add3A_136 = arith.addi %add3A_135, %min3A_134 : vector<16xi32>
        %jit3A = arith.constant 8 : i32
        %div3A = arith.divsi %scan3A_127, %jit3A : i32
        %sign3A = arith.constant 0 : i32
        %sign3A_137 = arith.cmpi sgt, %scan3A_127, %sign3A : i32
        %sign3A_138 = arith.extui %sign3A_137 : i1 to i32
        %sign3A_139 = arith.constant 0 : i32
        %sign3A_140 = arith.cmpi slt, %scan3A_127, %sign3A_139 : i32
        %sign3A_141 = arith.extui %sign3A_140 : i1 to i32
        %sign3A_142 = arith.subi %sign3A_138, %sign3A_141 : i32
        %sign3A_143 = arith.constant 0 : i32
        %sign3A_144 = arith.cmpi sgt, %jit3A, %sign3A_143 : i32
        %sign3A_145 = arith.extui %sign3A_144 : i1 to i32
        %sign3A_146 = arith.constant 0 : i32
        %sign3A_147 = arith.cmpi slt, %jit3A, %sign3A_146 : i32
        %sign3A_148 = arith.extui %sign3A_147 : i1 to i32
        %sign3A_149 = arith.subi %sign3A_145, %sign3A_148 : i32
        %ne3A = arith.cmpi ne, %sign3A_142, %sign3A_149 : i32
        %rem3A = arith.remsi %scan3A_127, %jit3A : i32
        %ne3A_150 = arith.constant 0 : i32
        %ne3A_151 = arith.cmpi ne, %rem3A, %ne3A_150 : i32
        %and3A_152 = arith.andi %ne3A, %ne3A_151 : i1
        %sub3A = arith.constant 1 : i32
        %sub3A_153 = arith.subi %div3A, %sub3A : i32
        %select_n3A = arith.select %and3A_152, %sub3A_153, %div3A : i32
        %jit3A_154 = arith.constant 8 : i32
        %eq3A_155 = arith.constant 0 : i32
        %eq3A_156 = arith.cmpi eq, %jit3A_154, %eq3A_155 : i32
        %jit3A_157 = arith.constant 1 : i32
        %select_n3A_158 = arith.select %eq3A_156, %jit3A_157, %jit3A_154 : i32
        %rem3A_159 = arith.remsi %scan3A_127, %select_n3A_158 : i32
        %ne3A_160 = arith.constant 0 : i32
        %ne3A_161 = arith.cmpi ne, %rem3A_159, %ne3A_160 : i32
        %lt3A = arith.constant 0 : i32
        %lt3A_162 = arith.cmpi slt, %rem3A_159, %lt3A : i32
        %lt3A_163 = arith.constant 0 : i32
        %lt3A_164 = arith.cmpi slt, %select_n3A_158, %lt3A_163 : i32
        %ne3A_165 = arith.xori %lt3A_162, %lt3A_164 : i1
        %and3A_166 = arith.andi %ne3A_165, %ne3A_161 : i1
        %add3A_167 = arith.addi %rem3A_159, %select_n3A_158 : i32
        %select_n3A_168 = arith.select %and3A_166, %add3A_167, %rem3A_159 : i32
        %mul3A_169 = arith.constant 16 : i32
        %mul3A_170 = arith.muli %select_n3A_168, %mul3A_169 : i32
        %swap3A = arith.index_cast %select_n3A : i32 to index
        %swap3A_171 = arith.index_cast %mul3A_170 : i32 to index
        %swap3A_172 = tpu.vector_load %arg9[%swap3A, %swap3A_171] {strides = array<i32>} : memref<8x128xi32, #tpu.memory_space<vmem>>, vector<16xi32>,
        tpu.vector_store %arg9[%swap3A, %swap3A_171], %add3A_136 {strides = array<i32>} : memref<8x128xi32, #tpu.memory_space<vmem>>, vector<16xi32>,
        %scan3A_173 = arith.constant 0 : i32
        scf.yield %scan3A_173 : i32
      }
      %scan3A_45 = arith.constant 64 : i32
      %dma_start3A = arith.constant 0 : i32
      %dma_start3A_46 = arith.constant 0 : i32
      %dma_start3A_47 = tpu.memref_slice %arg9[%dma_start3A, %dma_start3A_46] : memref<8x128xi32, #tpu.memory_space<vmem>> -> memref<1x128xi32, #tpu.memory_space<vmem>>
      %dma_start3A_48 = tpu.memref_squeeze %dma_start3A_47 : memref<1x128xi32, #tpu.memory_space<vmem>> -> memref<128xi32, #tpu.memory_space<vmem>>
      %dma_start3A_49 = arith.constant 0 : i32
      %dma_start3A_50 = arith.constant 0 : i32
      %dma_start3A_51 = tpu.memref_slice %arg12[%dma_start3A_49, %dma_start3A_50] : memref<10112x128xf32, #tpu.memory_space<vmem_shared>> -> memref<10112x128xf32, #tpu.memory_space<vmem_shared>>
      tpu.enqueue_indirect_dma source(%dma_start3A_51 : memref<10112x128xf32, #tpu.memory_space<vmem_shared>>) target(%arg10 : memref<128x128xf32, #tpu.memory_space<vmem>>) offsets(%dma_start3A_48 : memref<128xi32, #tpu.memory_space<vmem>>) semaphore(%arg13 : memref<!tpu.dma_semaphore, #tpu.memory_space<semaphore_mem>>)
      %dma_start3A_52 = arith.constant 1 : i32
      %dma_start3A_53 = arith.constant 0 : i32
      %dma_start3A_54 = tpu.memref_slice %arg9[%dma_start3A_52, %dma_start3A_53] : memref<8x128xi32, #tpu.memory_space<vmem>> -> memref<1x128xi32, #tpu.memory_space<vmem>>
      %dma_start3A_55 = tpu.memref_squeeze %dma_start3A_54 : memref<1x128xi32, #tpu.memory_space<vmem>> -> memref<128xi32, #tpu.memory_space<vmem>>
      %dma_start3A_56 = arith.constant 0 : i32
      %dma_start3A_57 = arith.constant 0 : i32
      %dma_start3A_58 = tpu.memref_slice %arg12[%dma_start3A_56, %dma_start3A_57] : memref<10112x128xf32, #tpu.memory_space<vmem_shared>> -> memref<10112x128xf32, #tpu.memory_space<vmem_shared>>
      tpu.enqueue_indirect_dma source(%dma_start3A_58 : memref<10112x128xf32, #tpu.memory_space<vmem_shared>>) target(%arg11 : memref<128x128xf32, #tpu.memory_space<vmem>>) offsets(%dma_start3A_55 : memref<128xi32, #tpu.memory_space<vmem>>) semaphore(%arg14 : memref<!tpu.dma_semaphore, #tpu.memory_space<semaphore_mem>>)
      %dma_wait3A = arith.constant 0 : i32
      %dma_wait3A_59 = arith.constant 0 : i32
      %dma_wait3A_60 = tpu.memref_slice %arg9[%dma_wait3A, %dma_wait3A_59] : memref<8x128xi32, #tpu.memory_space<vmem>> -> memref<1x128xi32, #tpu.memory_space<vmem>>
      %dma_wait3A_61 = tpu.memref_squeeze %dma_wait3A_60 : memref<1x128xi32, #tpu.memory_space<vmem>> -> memref<128xi32, #tpu.memory_space<vmem>>
      %dma_wait3A_62 = arith.constant 0 : i32
      %dma_wait3A_63 = arith.constant 0 : i32
      %dma_wait3A_64 = tpu.memref_slice %arg12[%dma_wait3A_62, %dma_wait3A_63] : memref<10112x128xf32, #tpu.memory_space<vmem_shared>> -> memref<10112x128xf32, #tpu.memory_space<vmem_shared>>
      tpu.wait_indirect_dma semaphore(%arg13 : memref<!tpu.dma_semaphore, #tpu.memory_space<semaphore_mem>>) src(%dma_wait3A_64 : memref<10112x128xf32, #tpu.memory_space<vmem_shared>>) dst(%arg10 : memref<128x128xf32, #tpu.memory_space<vmem>>)
      %add3A = arith.constant 0 : i32
      %add3A_65 = arith.addi %mul3A_0, %add3A : i32
      %run_scoped3A = arith.constant 0 : i32
      "tpu.region"() ({
        %run_scoped3A_127 = tpu.sem_alloc : memref<!tpu.dma_semaphore, #tpu.memory_space<semaphore_mem>>
        %dma_start3A_128 = arith.constant 0 : i32
        %dma_start3A_129 = arith.constant 0 : i32
        %dma_start3A_130 = tpu.memref_slice %arg10[%dma_start3A_128, %dma_start3A_129] : memref<128x128xf32, #tpu.memory_space<vmem>> -> memref<128x128xf32, #tpu.memory_space<vmem>>
        %dma_start3A_131 = arith.constant 0 : i32
        %dma_start3A_132 = tpu.memref_slice %arg7[%run_scoped3A, %add3A_65, %dma_start3A_131] : memref<2x10112x128xf32, #tpu.memory_space<hbm>> -> memref<1x128x128xf32, #tpu.memory_space<hbm>>
        %dma_start3A_133 = tpu.memref_squeeze %dma_start3A_132 : memref<1x128x128xf32, #tpu.memory_space<hbm>> -> memref<128x128xf32, #tpu.memory_space<hbm>>
        %dma_start3A_134 = arith.constant 0 : i32
        %dma_start3A_135 = tpu.memref_slice %arg7[%run_scoped3A, %add3A_65, %dma_start3A_134] : memref<2x10112x128xf32, #tpu.memory_space<hbm>> -> memref<1x128x128xf32, #tpu.memory_space<hbm>>
        %dma_start3A_136 = tpu.memref_squeeze %dma_start3A_135 : memref<1x128x128xf32, #tpu.memory_space<hbm>> -> memref<128x128xf32, #tpu.memory_space<hbm>>
        %dma_start3A_137 = arith.constant 0 : i32
        %dma_start3A_138 = arith.constant 0 : i32
        %dma_start3A_139 = tpu.memref_slice %arg10[%dma_start3A_137, %dma_start3A_138] : memref<128x128xf32, #tpu.memory_space<vmem>> -> memref<128x128xf32, #tpu.memory_space<vmem>>
        tpu.enqueue_dma source(%dma_start3A_139 : memref<128x128xf32, #tpu.memory_space<vmem>>) target(%dma_start3A_136 : memref<128x128xf32, #tpu.memory_space<hbm>>) target_semaphore(%run_scoped3A_127 : memref<!tpu.dma_semaphore, #tpu.memory_space<semaphore_mem>>)
        %dma_wait3A_140 = arith.constant 0 : i32
        %dma_wait3A_141 = arith.constant 0 : i32
        %dma_wait3A_142 = tpu.memref_slice %arg10[%dma_wait3A_140, %dma_wait3A_141] : memref<128x128xf32, #tpu.memory_space<vmem>> -> memref<128x128xf32, #tpu.memory_space<vmem>>
        %dma_wait3A_143 = arith.constant 0 : i32
        %dma_wait3A_144 = tpu.memref_slice %arg7[%run_scoped3A, %add3A_65, %dma_wait3A_143] : memref<2x10112x128xf32, #tpu.memory_space<hbm>> -> memref<1x128x128xf32, #tpu.memory_space<hbm>>
        %dma_wait3A_145 = tpu.memref_squeeze %dma_wait3A_144 : memref<1x128x128xf32, #tpu.memory_space<hbm>> -> memref<128x128xf32, #tpu.memory_space<hbm>>
        %dma_wait3A_146 = arith.constant 0 : i32
        %dma_wait3A_147 = tpu.memref_slice %arg7[%run_scoped3A, %add3A_65, %dma_wait3A_146] : memref<2x10112x128xf32, #tpu.memory_space<hbm>> -> memref<1x128x128xf32, #tpu.memory_space<hbm>>
        %dma_wait3A_148 = tpu.memref_squeeze %dma_wait3A_147 : memref<1x128x128xf32, #tpu.memory_space<hbm>> -> memref<128x128xf32, #tpu.memory_space<hbm>>
        %dma_wait3A_149 = arith.constant 0 : i32
        %dma_wait3A_150 = arith.constant 0 : i32
        %dma_wait3A_151 = tpu.memref_slice %arg10[%dma_wait3A_149, %dma_wait3A_150] : memref<128x128xf32, #tpu.memory_space<vmem>> -> memref<128x128xf32, #tpu.memory_space<vmem>>
        tpu.wait_dma2 semaphore(%run_scoped3A_127 : memref<!tpu.dma_semaphore, #tpu.memory_space<semaphore_mem>>) src(%dma_wait3A_151 : memref<128x128xf32, #tpu.memory_space<vmem>>) dst(%dma_wait3A_148 : memref<128x128xf32, #tpu.memory_space<hbm>>)
        tpu.yield
      }) : () -> ()
      %dma_start3A_66 = arith.constant 2 : i32
      %dma_start3A_67 = arith.constant 0 : i32
      %dma_start3A_68 = tpu.memref_slice %arg9[%dma_start3A_66, %dma_start3A_67] : memref<8x128xi32, #tpu.memory_space<vmem>> -> memref<1x128xi32, #tpu.memory_space<vmem>>
      %dma_start3A_69 = tpu.memref_squeeze %dma_start3A_68 : memref<1x128xi32, #tpu.memory_space<vmem>> -> memref<128xi32, #tpu.memory_space<vmem>>
      %dma_start3A_70 = arith.constant 0 : i32
      %dma_start3A_71 = arith.constant 0 : i32
      %dma_start3A_72 = tpu.memref_slice %arg12[%dma_start3A_70, %dma_start3A_71] : memref<10112x128xf32, #tpu.memory_space<vmem_shared>> -> memref<10112x128xf32, #tpu.memory_space<vmem_shared>>
      tpu.enqueue_indirect_dma source(%dma_start3A_72 : memref<10112x128xf32, #tpu.memory_space<vmem_shared>>) target(%arg10 : memref<128x128xf32, #tpu.memory_space<vmem>>) offsets(%dma_start3A_69 : memref<128xi32, #tpu.memory_space<vmem>>) semaphore(%arg13 : memref<!tpu.dma_semaphore, #tpu.memory_space<semaphore_mem>>)
      %dma_wait3A_73 = arith.constant 1 : i32
      %dma_wait3A_74 = arith.constant 0 : i32
      %dma_wait3A_75 = tpu.memref_slice %arg9[%dma_wait3A_73, %dma_wait3A_74] : memref<8x128xi32, #tpu.memory_space<vmem>> -> memref<1x128xi32, #tpu.memory_space<vmem>>
      %dma_wait3A_76 = tpu.memref_squeeze %dma_wait3A_75 : memref<1x128xi32, #tpu.memory_space<vmem>> -> memref<128xi32, #tpu.memory_space<vmem>>
      %dma_wait3A_77 = arith.constant 0 : i32
      %dma_wait3A_78 = arith.constant 0 : i32
      %dma_wait3A_79 = tpu.memref_slice %arg12[%dma_wait3A_77, %dma_wait3A_78] : memref<10112x128xf32, #tpu.memory_space<vmem_shared>> -> memref<10112x128xf32, #tpu.memory_space<vmem_shared>>
      tpu.wait_indirect_dma semaphore(%arg14 : memref<!tpu.dma_semaphore, #tpu.memory_space<semaphore_mem>>) src(%dma_wait3A_79 : memref<10112x128xf32, #tpu.memory_space<vmem_shared>>) dst(%arg11 : memref<128x128xf32, #tpu.memory_space<vmem>>)
      %add3A_80 = arith.constant 128 : i32
      %add3A_81 = arith.addi %mul3A_0, %add3A_80 : i32
      %run_scoped3A_82 = arith.constant 0 : i32
      "tpu.region"() ({
        %run_scoped3A_127 = tpu.sem_alloc : memref<!tpu.dma_semaphore, #tpu.memory_space<semaphore_mem>>
        %dma_start3A_128 = arith.constant 0 : i32
        %dma_start3A_129 = arith.constant 0 : i32
        %dma_start3A_130 = tpu.memref_slice %arg11[%dma_start3A_128, %dma_start3A_129] : memref<128x128xf32, #tpu.memory_space<vmem>> -> memref<128x128xf32, #tpu.memory_space<vmem>>
        %dma_start3A_131 = arith.constant 0 : i32
        %dma_start3A_132 = tpu.memref_slice %arg7[%run_scoped3A_82, %add3A_81, %dma_start3A_131] : memref<2x10112x128xf32, #tpu.memory_space<hbm>> -> memref<1x128x128xf32, #tpu.memory_space<hbm>>
        %dma_start3A_133 = tpu.memref_squeeze %dma_start3A_132 : memref<1x128x128xf32, #tpu.memory_space<hbm>> -> memref<128x128xf32, #tpu.memory_space<hbm>>
        %dma_start3A_134 = arith.constant 0 : i32
        %dma_start3A_135 = tpu.memref_slice %arg7[%run_scoped3A_82, %add3A_81, %dma_start3A_134] : memref<2x10112x128xf32, #tpu.memory_space<hbm>> -> memref<1x128x128xf32, #tpu.memory_space<hbm>>
        %dma_start3A_136 = tpu.memref_squeeze %dma_start3A_135 : memref<1x128x128xf32, #tpu.memory_space<hbm>> -> memref<128x128xf32, #tpu.memory_space<hbm>>
        %dma_start3A_137 = arith.constant 0 : i32
        %dma_start3A_138 = arith.constant 0 : i32
        %dma_start3A_139 = tpu.memref_slice %arg11[%dma_start3A_137, %dma_start3A_138] : memref<128x128xf32, #tpu.memory_space<vmem>> -> memref<128x128xf32, #tpu.memory_space<vmem>>
        tpu.enqueue_dma source(%dma_start3A_139 : memref<128x128xf32, #tpu.memory_space<vmem>>) target(%dma_start3A_136 : memref<128x128xf32, #tpu.memory_space<hbm>>) target_semaphore(%run_scoped3A_127 : memref<!tpu.dma_semaphore, #tpu.memory_space<semaphore_mem>>)
        %dma_wait3A_140 = arith.constant 0 : i32
        %dma_wait3A_141 = arith.constant 0 : i32
        %dma_wait3A_142 = tpu.memref_slice %arg11[%dma_wait3A_140, %dma_wait3A_141] : memref<128x128xf32, #tpu.memory_space<vmem>> -> memref<128x128xf32, #tpu.memory_space<vmem>>
        %dma_wait3A_143 = arith.constant 0 : i32
        %dma_wait3A_144 = tpu.memref_slice %arg7[%run_scoped3A_82, %add3A_81, %dma_wait3A_143] : memref<2x10112x128xf32, #tpu.memory_space<hbm>> -> memref<1x128x128xf32, #tpu.memory_space<hbm>>
        %dma_wait3A_145 = tpu.memref_squeeze %dma_wait3A_144 : memref<1x128x128xf32, #tpu.memory_space<hbm>> -> memref<128x128xf32, #tpu.memory_space<hbm>>
        %dma_wait3A_146 = arith.constant 0 : i32
        %dma_wait3A_147 = tpu.memref_slice %arg7[%run_scoped3A_82, %add3A_81, %dma_wait3A_146] : memref<2x10112x128xf32, #tpu.memory_space<hbm>> -> memref<1x128x128xf32, #tpu.memory_space<hbm>>
        %dma_wait3A_148 = tpu.memref_squeeze %dma_wait3A_147 : memref<1x128x128xf32, #tpu.memory_space<hbm>> -> memref<128x128xf32, #tpu.memory_space<hbm>>
        %dma_wait3A_149 = arith.constant 0 : i32
        %dma_wait3A_150 = arith.constant 0 : i32
        %dma_wait3A_151 = tpu.memref_slice %arg11[%dma_wait3A_149, %dma_wait3A_150] : memref<128x128xf32, #tpu.memory_space<vmem>> -> memref<128x128xf32, #tpu.memory_space<vmem>>
        tpu.wait_dma2 semaphore(%run_scoped3A_127 : memref<!tpu.dma_semaphore, #tpu.memory_space<semaphore_mem>>) src(%dma_wait3A_151 : memref<128x128xf32, #tpu.memory_space<vmem>>) dst(%dma_wait3A_148 : memref<128x128xf32, #tpu.memory_space<hbm>>)
        tpu.yield
      }) : () -> ()
      %dma_start3A_83 = arith.constant 3 : i32
      %dma_start3A_84 = arith.constant 0 : i32
      %dma_start3A_85 = tpu.memref_slice %arg9[%dma_start3A_83, %dma_start3A_84] : memref<8x128xi32, #tpu.memory_space<vmem>> -> memref<1x128xi32, #tpu.memory_space<vmem>>
      %dma_start3A_86 = tpu.memref_squeeze %dma_start3A_85 : memref<1x128xi32, #tpu.memory_space<vmem>> -> memref<128xi32, #tpu.memory_space<vmem>>
      %dma_start3A_87 = arith.constant 0 : i32
      %dma_start3A_88 = arith.constant 0 : i32
      %dma_start3A_89 = tpu.memref_slice %arg12[%dma_start3A_87, %dma_start3A_88] : memref<10112x128xf32, #tpu.memory_space<vmem_shared>> -> memref<10112x128xf32, #tpu.memory_space<vmem_shared>>
      tpu.enqueue_indirect_dma source(%dma_start3A_89 : memref<10112x128xf32, #tpu.memory_space<vmem_shared>>) target(%arg11 : memref<128x128xf32, #tpu.memory_space<vmem>>) offsets(%dma_start3A_86 : memref<128xi32, #tpu.memory_space<vmem>>) semaphore(%arg14 : memref<!tpu.dma_semaphore, #tpu.memory_space<semaphore_mem>>)
      %dma_wait3A_90 = arith.constant 2 : i32
      %dma_wait3A_91 = arith.constant 0 : i32
      %dma_wait3A_92 = tpu.memref_slice %arg9[%dma_wait3A_90, %dma_wait3A_91] : memref<8x128xi32, #tpu.memory_space<vmem>> -> memref<1x128xi32, #tpu.memory_space<vmem>>
      %dma_wait3A_93 = tpu.memref_squeeze %dma_wait3A_92 : memref<1x128xi32, #tpu.memory_space<vmem>> -> memref<128xi32, #tpu.memory_space<vmem>>
      %dma_wait3A_94 = arith.constant 0 : i32
      %dma_wait3A_95 = arith.constant 0 : i32
      %dma_wait3A_96 = tpu.memref_slice %arg12[%dma_wait3A_94, %dma_wait3A_95] : memref<10112x128xf32, #tpu.memory_space<vmem_shared>> -> memref<10112x128xf32, #tpu.memory_space<vmem_shared>>
      tpu.wait_indirect_dma semaphore(%arg13 : memref<!tpu.dma_semaphore, #tpu.memory_space<semaphore_mem>>) src(%dma_wait3A_96 : memref<10112x128xf32, #tpu.memory_space<vmem_shared>>) dst(%arg10 : memref<128x128xf32, #tpu.memory_space<vmem>>)
      %add3A_97 = arith.constant 256 : i32
      %add3A_98 = arith.addi %mul3A_0, %add3A_97 : i32
      %run_scoped3A_99 = arith.constant 0 : i32
      "tpu.region"() ({
        %run_scoped3A_127 = tpu.sem_alloc : memref<!tpu.dma_semaphore, #tpu.memory_space<semaphore_mem>>
        %dma_start3A_128 = arith.constant 0 : i32
        %dma_start3A_129 = arith.constant 0 : i32
        %dma_start3A_130 = tpu.memref_slice %arg10[%dma_start3A_128, %dma_start3A_129] : memref<128x128xf32, #tpu.memory_space<vmem>> -> memref<128x128xf32, #tpu.memory_space<vmem>>
        %dma_start3A_131 = arith.constant 0 : i32
        %dma_start3A_132 = tpu.memref_slice %arg7[%run_scoped3A_99, %add3A_98, %dma_start3A_131] : memref<2x10112x128xf32, #tpu.memory_space<hbm>> -> memref<1x128x128xf32, #tpu.memory_space<hbm>>
        %dma_start3A_133 = tpu.memref_squeeze %dma_start3A_132 : memref<1x128x128xf32, #tpu.memory_space<hbm>> -> memref<128x128xf32, #tpu.memory_space<hbm>>
        %dma_start3A_134 = arith.constant 0 : i32
        %dma_start3A_135 = tpu.memref_slice %arg7[%run_scoped3A_99, %add3A_98, %dma_start3A_134] : memref<2x10112x128xf32, #tpu.memory_space<hbm>> -> memref<1x128x128xf32, #tpu.memory_space<hbm>>
        %dma_start3A_136 = tpu.memref_squeeze %dma_start3A_135 : memref<1x128x128xf32, #tpu.memory_space<hbm>> -> memref<128x128xf32, #tpu.memory_space<hbm>>
        %dma_start3A_137 = arith.constant 0 : i32
        %dma_start3A_138 = arith.constant 0 : i32
        %dma_start3A_139 = tpu.memref_slice %arg10[%dma_start3A_137, %dma_start3A_138] : memref<128x128xf32, #tpu.memory_space<vmem>> -> memref<128x128xf32, #tpu.memory_space<vmem>>
        tpu.enqueue_dma source(%dma_start3A_139 : memref<128x128xf32, #tpu.memory_space<vmem>>) target(%dma_start3A_136 : memref<128x128xf32, #tpu.memory_space<hbm>>) target_semaphore(%run_scoped3A_127 : memref<!tpu.dma_semaphore, #tpu.memory_space<semaphore_mem>>)
        %dma_wait3A_140 = arith.constant 0 : i32
        %dma_wait3A_141 = arith.constant 0 : i32
        %dma_wait3A_142 = tpu.memref_slice %arg10[%dma_wait3A_140, %dma_wait3A_141] : memref<128x128xf32, #tpu.memory_space<vmem>> -> memref<128x128xf32, #tpu.memory_space<vmem>>
        %dma_wait3A_143 = arith.constant 0 : i32
        %dma_wait3A_144 = tpu.memref_slice %arg7[%run_scoped3A_99, %add3A_98, %dma_wait3A_143] : memref<2x10112x128xf32, #tpu.memory_space<hbm>> -> memref<1x128x128xf32, #tpu.memory_space<hbm>>
        %dma_wait3A_145 = tpu.memref_squeeze %dma_wait3A_144 : memref<1x128x128xf32, #tpu.memory_space<hbm>> -> memref<128x128xf32, #tpu.memory_space<hbm>>
        %dma_wait3A_146 = arith.constant 0 : i32
        %dma_wait3A_147 = tpu.memref_slice %arg7[%run_scoped3A_99, %add3A_98, %dma_wait3A_146] : memref<2x10112x128xf32, #tpu.memory_space<hbm>> -> memref<1x128x128xf32, #tpu.memory_space<hbm>>
        %dma_wait3A_148 = tpu.memref_squeeze %dma_wait3A_147 : memref<1x128x128xf32, #tpu.memory_space<hbm>> -> memref<128x128xf32, #tpu.memory_space<hbm>>
        %dma_wait3A_149 = arith.constant 0 : i32
        %dma_wait3A_150 = arith.constant 0 : i32
        %dma_wait3A_151 = tpu.memref_slice %arg10[%dma_wait3A_149, %dma_wait3A_150] : memref<128x128xf32, #tpu.memory_space<vmem>> -> memref<128x128xf32, #tpu.memory_space<vmem>>
        tpu.wait_dma2 semaphore(%run_scoped3A_127 : memref<!tpu.dma_semaphore, #tpu.memory_space<semaphore_mem>>) src(%dma_wait3A_151 : memref<128x128xf32, #tpu.memory_space<vmem>>) dst(%dma_wait3A_148 : memref<128x128xf32, #tpu.memory_space<hbm>>)
        tpu.yield
      }) : () -> ()
      %dma_start3A_100 = arith.constant 4 : i32
      %dma_start3A_101 = arith.constant 0 : i32
      %dma_start3A_102 = tpu.memref_slice %arg9[%dma_start3A_100, %dma_start3A_101] : memref<8x128xi32, #tpu.memory_space<vmem>> -> memref<1x128xi32, #tpu.memory_space<vmem>>
      %dma_start3A_103 = tpu.memref_squeeze %dma_start3A_102 : memref<1x128xi32, #tpu.memory_space<vmem>> -> memref<128xi32, #tpu.memory_space<vmem>>
      %dma_start3A_104 = arith.constant 0 : i32
      %dma_start3A_105 = arith.constant 0 : i32
      %dma_start3A_106 = tpu.memref_slice %arg12[%dma_start3A_104, %dma_start3A_105] : memref<10112x128xf32, #tpu.memory_space<vmem_shared>> -> memref<10112x128xf32, #tpu.memory_space<vmem_shared>>
      tpu.enqueue_indirect_dma source(%dma_start3A_106 : memref<10112x128xf32, #tpu.memory_space<vmem_shared>>) target(%arg10 : memref<128x128xf32, #tpu.memory_space<vmem>>) offsets(%dma_start3A_103 : memref<128xi32, #tpu.memory_space<vmem>>) semaphore(%arg13 : memref<!tpu.dma_semaphore, #tpu.memory_space<semaphore_mem>>)
      %dma_wait3A_107 = arith.constant 3 : i32
      %dma_wait3A_108 = arith.constant 0 : i32
      %dma_wait3A_109 = tpu.memref_slice %arg9[%dma_wait3A_107, %dma_wait3A_108] : memref<8x128xi32, #tpu.memory_space<vmem>> -> memref<1x128xi32, #tpu.memory_space<vmem>>
      %dma_wait3A_110 = tpu.memref_squeeze %dma_wait3A_109 : memref<1x128xi32, #tpu.memory_space<vmem>> -> memref<128xi32, #tpu.memory_space<vmem>>
      %dma_wait3A_111 = arith.constant 0 : i32
      %dma_wait3A_112 = arith.constant 0 : i32
      %dma_wait3A_113 = tpu.memref_slice %arg12[%dma_wait3A_111, %dma_wait3A_112] : memref<10112x128xf32, #tpu.memory_space<vmem_shared>> -> memref<10112x128xf32, #tpu.memory_space<vmem_shared>>
      tpu.wait_indirect_dma semaphore(%arg14 : memref<!tpu.dma_semaphore, #tpu.memory_space<semaphore_mem>>) src(%dma_wait3A_113 : memref<10112x128xf32, #tpu.memory_space<vmem_shared>>) dst(%arg11 : memref<128x128xf32, #tpu.memory_space<vmem>>)
      %add3A_114 = arith.constant 384 : i32
      %add3A_115 = arith.addi %mul3A_0, %add3A_114 : i32
      %run_scoped3A_116 = arith.constant 0 : i32
      "tpu.region"() ({
        %run_scoped3A_127 = tpu.sem_alloc : memref<!tpu.dma_semaphore, #tpu.memory_space<semaphore_mem>>
        %dma_start3A_128 = arith.constant 0 : i32
        %dma_start3A_129 = arith.constant 0 : i32
        %dma_start3A_130 = tpu.memref_slice %arg11[%dma_start3A_128, %dma_start3A_129] : memref<128x128xf32, #tpu.memory_space<vmem>> -> memref<128x128xf32, #tpu.memory_space<vmem>>
        %dma_start3A_131 = arith.constant 0 : i32
        %dma_start3A_132 = tpu.memref_slice %arg7[%run_scoped3A_116, %add3A_115, %dma_start3A_131] : memref<2x10112x128xf32, #tpu.memory_space<hbm>> -> memref<1x128x128xf32, #tpu.memory_space<hbm>>
        %dma_start3A_133 = tpu.memref_squeeze %dma_start3A_132 : memref<1x128x128xf32, #tpu.memory_space<hbm>> -> memref<128x128xf32, #tpu.memory_space<hbm>>
        %dma_start3A_134 = arith.constant 0 : i32
        %dma_start3A_135 = tpu.memref_slice %arg7[%run_scoped3A_116, %add3A_115, %dma_start3A_134] : memref<2x10112x128xf32, #tpu.memory_space<hbm>> -> memref<1x128x128xf32, #tpu.memory_space<hbm>>
        %dma_start3A_136 = tpu.memref_squeeze %dma_start3A_135 : memref<1x128x128xf32, #tpu.memory_space<hbm>> -> memref<128x128xf32, #tpu.memory_space<hbm>>
        %dma_start3A_137 = arith.constant 0 : i32
        %dma_start3A_138 = arith.constant 0 : i32
        %dma_start3A_139 = tpu.memref_slice %arg11[%dma_start3A_137, %dma_start3A_138] : memref<128x128xf32, #tpu.memory_space<vmem>> -> memref<128x128xf32, #tpu.memory_space<vmem>>
        tpu.enqueue_dma source(%dma_start3A_139 : memref<128x128xf32, #tpu.memory_space<vmem>>) target(%dma_start3A_136 : memref<128x128xf32, #tpu.memory_space<hbm>>) target_semaphore(%run_scoped3A_127 : memref<!tpu.dma_semaphore, #tpu.memory_space<semaphore_mem>>)
        %dma_wait3A_140 = arith.constant 0 : i32
        %dma_wait3A_141 = arith.constant 0 : i32
        %dma_wait3A_142 = tpu.memref_slice %arg11[%dma_wait3A_140, %dma_wait3A_141] : memref<128x128xf32, #tpu.memory_space<vmem>> -> memref<128x128xf32, #tpu.memory_space<vmem>>
        %dma_wait3A_143 = arith.constant 0 : i32
        %dma_wait3A_144 = tpu.memref_slice %arg7[%run_scoped3A_116, %add3A_115, %dma_wait3A_143] : memref<2x10112x128xf32, #tpu.memory_space<hbm>> -> memref<1x128x128xf32, #tpu.memory_space<hbm>>
        %dma_wait3A_145 = tpu.memref_squeeze %dma_wait3A_144 : memref<1x128x128xf32, #tpu.memory_space<hbm>> -> memref<128x128xf32, #tpu.memory_space<hbm>>
        %dma_wait3A_146 = arith.constant 0 : i32
        %dma_wait3A_147 = tpu.memref_slice %arg7[%run_scoped3A_116, %add3A_115, %dma_wait3A_146] : memref<2x10112x128xf32, #tpu.memory_space<hbm>> -> memref<1x128x128xf32, #tpu.memory_space<hbm>>
        %dma_wait3A_148 = tpu.memref_squeeze %dma_wait3A_147 : memref<1x128x128xf32, #tpu.memory_space<hbm>> -> memref<128x128xf32, #tpu.memory_space<hbm>>
        %dma_wait3A_149 = arith.constant 0 : i32
        %dma_wait3A_150 = arith.constant 0 : i32
        %dma_wait3A_151 = tpu.memref_slice %arg11[%dma_wait3A_149, %dma_wait3A_150] : memref<128x128xf32, #tpu.memory_space<vmem>> -> memref<128x128xf32, #tpu.memory_space<vmem>>
        tpu.wait_dma2 semaphore(%run_scoped3A_127 : memref<!tpu.dma_semaphore, #tpu.memory_space<semaphore_mem>>) src(%dma_wait3A_151 : memref<128x128xf32, #tpu.memory_space<vmem>>) dst(%dma_wait3A_148 : memref<128x128xf32, #tpu.memory_space<hbm>>)
        tpu.yield
      }) : () -> ()
      %dma_wait3A_117 = arith.constant 4 : i32
      %dma_wait3A_118 = arith.constant 0 : i32
      %dma_wait3A_119 = tpu.memref_slice %arg9[%dma_wait3A_117, %dma_wait3A_118] : memref<8x128xi32, #tpu.memory_space<vmem>> -> memref<1x128xi32, #tpu.memory_space<vmem>>
      %dma_wait3A_120 = tpu.memref_squeeze %dma_wait3A_119 : memref<1x128xi32, #tpu.memory_space<vmem>> -> memref<128xi32, #tpu.memory_space<vmem>>
      %dma_wait3A_121 = arith.constant 0 : i32
      %dma_wait3A_122 = arith.constant 0 : i32
      %dma_wait3A_123 = tpu.memref_slice %arg12[%dma_wait3A_121, %dma_wait3A_122] : memref<10112x128xf32, #tpu.memory_space<vmem_shared>> -> memref<10112x128xf32, #tpu.memory_space<vmem_shared>>
      tpu.wait_indirect_dma semaphore(%arg13 : memref<!tpu.dma_semaphore, #tpu.memory_space<semaphore_mem>>) src(%dma_wait3A_123 : memref<10112x128xf32, #tpu.memory_space<vmem_shared>>) dst(%arg10 : memref<128x128xf32, #tpu.memory_space<vmem>>)
      %add3A_124 = arith.constant 512 : i32
      %add3A_125 = arith.addi %mul3A_0, %add3A_124 : i32
      %run_scoped3A_126 = arith.constant 0 : i32
      "tpu.region"() ({
        %run_scoped3A_127 = tpu.sem_alloc : memref<!tpu.dma_semaphore, #tpu.memory_space<semaphore_mem>>
        %dma_start3A_128 = arith.constant 0 : i32
        %dma_start3A_129 = arith.constant 0 : i32
        %dma_start3A_130 = tpu.memref_slice %arg10[%dma_start3A_128, %dma_start3A_129] : memref<128x128xf32, #tpu.memory_space<vmem>> -> memref<120x128xf32, #tpu.memory_space<vmem>>
        %dma_start3A_131 = arith.constant 0 : i32
        %dma_start3A_132 = tpu.memref_slice %arg7[%run_scoped3A_126, %add3A_125, %dma_start3A_131] : memref<2x10112x128xf32, #tpu.memory_space<hbm>> -> memref<1x120x128xf32, #tpu.memory_space<hbm>>
        %dma_start3A_133 = tpu.memref_squeeze %dma_start3A_132 : memref<1x120x128xf32, #tpu.memory_space<hbm>> -> memref<120x128xf32, #tpu.memory_space<hbm>>
        %dma_start3A_134 = arith.constant 0 : i32
        %dma_start3A_135 = tpu.memref_slice %arg7[%run_scoped3A_126, %add3A_125, %dma_start3A_134] : memref<2x10112x128xf32, #tpu.memory_space<hbm>> -> memref<1x120x128xf32, #tpu.memory_space<hbm>>
        %dma_start3A_136 = tpu.memref_squeeze %dma_start3A_135 : memref<1x120x128xf32, #tpu.memory_space<hbm>> -> memref<120x128xf32, #tpu.memory_space<hbm>>
        %dma_start3A_137 = arith.constant 0 : i32
        %dma_start3A_138 = arith.constant 0 : i32
        %dma_start3A_139 = tpu.memref_slice %arg10[%dma_start3A_137, %dma_start3A_138] : memref<128x128xf32, #tpu.memory_space<vmem>> -> memref<120x128xf32, #tpu.memory_space<vmem>>
        tpu.enqueue_dma source(%dma_start3A_139 : memref<120x128xf32, #tpu.memory_space<vmem>>) target(%dma_start3A_136 : memref<120x128xf32, #tpu.memory_space<hbm>>) target_semaphore(%run_scoped3A_127 : memref<!tpu.dma_semaphore, #tpu.memory_space<semaphore_mem>>)
        %dma_wait3A_140 = arith.constant 0 : i32
        %dma_wait3A_141 = arith.constant 0 : i32
        %dma_wait3A_142 = tpu.memref_slice %arg10[%dma_wait3A_140, %dma_wait3A_141] : memref<128x128xf32, #tpu.memory_space<vmem>> -> memref<120x128xf32, #tpu.memory_space<vmem>>
        %dma_wait3A_143 = arith.constant 0 : i32
        %dma_wait3A_144 = tpu.memref_slice %arg7[%run_scoped3A_126, %add3A_125, %dma_wait3A_143] : memref<2x10112x128xf32, #tpu.memory_space<hbm>> -> memref<1x120x128xf32, #tpu.memory_space<hbm>>
        %dma_wait3A_145 = tpu.memref_squeeze %dma_wait3A_144 : memref<1x120x128xf32, #tpu.memory_space<hbm>> -> memref<120x128xf32, #tpu.memory_space<hbm>>
        %dma_wait3A_146 = arith.constant 0 : i32
        %dma_wait3A_147 = tpu.memref_slice %arg7[%run_scoped3A_126, %add3A_125, %dma_wait3A_146] : memref<2x10112x128xf32, #tpu.memory_space<hbm>> -> memref<1x120x128xf32, #tpu.memory_space<hbm>>
        %dma_wait3A_148 = tpu.memref_squeeze %dma_wait3A_147 : memref<1x120x128xf32, #tpu.memory_space<hbm>> -> memref<120x128xf32, #tpu.memory_space<hbm>>
        %dma_wait3A_149 = arith.constant 0 : i32
        %dma_wait3A_150 = arith.constant 0 : i32
        %dma_wait3A_151 = tpu.memref_slice %arg10[%dma_wait3A_149, %dma_wait3A_150] : memref<128x128xf32, #tpu.memory_space<vmem>> -> memref<120x128xf32, #tpu.memory_space<vmem>>
        tpu.wait_dma2 semaphore(%run_scoped3A_127 : memref<!tpu.dma_semaphore, #tpu.memory_space<semaphore_mem>>) src(%dma_wait3A_151 : memref<120x128xf32, #tpu.memory_space<vmem>>) dst(%dma_wait3A_148 : memref<120x128xf32, #tpu.memory_space<hbm>>)
        tpu.yield
      }) : () -> ()
    } else {
    }
    %eq3A_26 = arith.constant 1 : i32
    %eq3A_27 = arith.cmpi eq, %arg0, %eq3A_26 : i32
    %and3A = arith.constant true
    %and3A_28 = arith.andi %eq3A_27, %and3A : i1
    %convert_element_type3A_29 = arith.extui %and3A_28 : i1 to i32
    %cond3A_30 = arith.constant 0 : i32
    %cond3A_31 = arith.cmpi ne, %convert_element_type3A_29, %cond3A_30 : i32
    scf.if %cond3A_31 {
      %iota3A = tpu.iota {dimensions = array<i32: 0>} : vector<16xi32>
      %scan3A_39 = arith.constant 0 : i32
      %scan3A_40 = arith.constant 0 : i32
      %scan3A_41 = arith.constant 64 : i32
      %scan3A_42 = arith.addi %scan3A_40, %scan3A_41 : i32
      %scan3A_43 = arith.constant 1 : i32
      %scan3A_44 = scf.for %scan3A_127 = %scan3A_40 to %scan3A_42 step %scan3A_43 iter_args(%scan3A_128 = %scan3A_39) -> (i32)  : i32 {
        %mul3A_129 = arith.constant 16 : i32
        %mul3A_130 = arith.muli %scan3A_127, %mul3A_129 : i32
        %add3A_131 = vector.broadcast %mul3A_130 : i32 to vector<16xi32>
        %add3A_132 = arith.addi %add3A_131, %iota3A : vector<16xi32>
        %min3A = arith.constant 631 : i32
        %min3A_133 = vector.broadcast %min3A : i32 to vector<16xi32>
        %min3A_134 = arith.minsi %add3A_132, %min3A_133 : vector<16xi32>
        %add3A_135 = vector.broadcast %mul3A_0 : i32 to vector<16xi32>
        %add3A_136 = arith.addi %add3A_135, %min3A_134 : vector<16xi32>
        %jit3A = arith.constant 8 : i32
        %div3A = arith.divsi %scan3A_127, %jit3A : i32
        %sign3A = arith.constant 0 : i32
        %sign3A_137 = arith.cmpi sgt, %scan3A_127, %sign3A : i32
        %sign3A_138 = arith.extui %sign3A_137 : i1 to i32
        %sign3A_139 = arith.constant 0 : i32
        %sign3A_140 = arith.cmpi slt, %scan3A_127, %sign3A_139 : i32
        %sign3A_141 = arith.extui %sign3A_140 : i1 to i32
        %sign3A_142 = arith.subi %sign3A_138, %sign3A_141 : i32
        %sign3A_143 = arith.constant 0 : i32
        %sign3A_144 = arith.cmpi sgt, %jit3A, %sign3A_143 : i32
        %sign3A_145 = arith.extui %sign3A_144 : i1 to i32
        %sign3A_146 = arith.constant 0 : i32
        %sign3A_147 = arith.cmpi slt, %jit3A, %sign3A_146 : i32
        %sign3A_148 = arith.extui %sign3A_147 : i1 to i32
        %sign3A_149 = arith.subi %sign3A_145, %sign3A_148 : i32
        %ne3A = arith.cmpi ne, %sign3A_142, %sign3A_149 : i32
        %rem3A = arith.remsi %scan3A_127, %jit3A : i32
        %ne3A_150 = arith.constant 0 : i32
        %ne3A_151 = arith.cmpi ne, %rem3A, %ne3A_150 : i32
        %and3A_152 = arith.andi %ne3A, %ne3A_151 : i1
        %sub3A = arith.constant 1 : i32
        %sub3A_153 = arith.subi %div3A, %sub3A : i32
        %select_n3A = arith.select %and3A_152, %sub3A_153, %div3A : i32
        %jit3A_154 = arith.constant 8 : i32
        %eq3A_155 = arith.constant 0 : i32
        %eq3A_156 = arith.cmpi eq, %jit3A_154, %eq3A_155 : i32
        %jit3A_157 = arith.constant 1 : i32
        %select_n3A_158 = arith.select %eq3A_156, %jit3A_157, %jit3A_154 : i32
        %rem3A_159 = arith.remsi %scan3A_127, %select_n3A_158 : i32
        %ne3A_160 = arith.constant 0 : i32
        %ne3A_161 = arith.cmpi ne, %rem3A_159, %ne3A_160 : i32
        %lt3A = arith.constant 0 : i32
        %lt3A_162 = arith.cmpi slt, %rem3A_159, %lt3A : i32
        %lt3A_163 = arith.constant 0 : i32
        %lt3A_164 = arith.cmpi slt, %select_n3A_158, %lt3A_163 : i32
        %ne3A_165 = arith.xori %lt3A_162, %lt3A_164 : i1
        %and3A_166 = arith.andi %ne3A_165, %ne3A_161 : i1
        %add3A_167 = arith.addi %rem3A_159, %select_n3A_158 : i32
        %select_n3A_168 = arith.select %and3A_166, %add3A_167, %rem3A_159 : i32
        %mul3A_169 = arith.constant 16 : i32
        %mul3A_170 = arith.muli %select_n3A_168, %mul3A_169 : i32
        %swap3A = arith.index_cast %select_n3A : i32 to index
        %swap3A_171 = arith.index_cast %mul3A_170 : i32 to index
        %swap3A_172 = tpu.vector_load %arg9[%swap3A, %swap3A_171] {strides = array<i32>} : memref<8x128xi32, #tpu.memory_space<vmem>>, vector<16xi32>,
        tpu.vector_store %arg9[%swap3A, %swap3A_171], %add3A_136 {strides = array<i32>} : memref<8x128xi32, #tpu.memory_space<vmem>>, vector<16xi32>,
        %scan3A_173 = arith.constant 0 : i32
        scf.yield %scan3A_173 : i32
      }
      %scan3A_45 = arith.constant 64 : i32
      %dma_start3A = arith.constant 0 : i32
      %dma_start3A_46 = arith.constant 0 : i32
      %dma_start3A_47 = tpu.memref_slice %arg9[%dma_start3A, %dma_start3A_46] : memref<8x128xi32, #tpu.memory_space<vmem>> -> memref<1x128xi32, #tpu.memory_space<vmem>>
      %dma_start3A_48 = tpu.memref_squeeze %dma_start3A_47 : memref<1x128xi32, #tpu.memory_space<vmem>> -> memref<128xi32, #tpu.memory_space<vmem>>
      %dma_start3A_49 = arith.constant 0 : i32
      %dma_start3A_50 = arith.constant 0 : i32
      %dma_start3A_51 = tpu.memref_slice %arg12[%dma_start3A_49, %dma_start3A_50] : memref<10112x128xf32, #tpu.memory_space<vmem_shared>> -> memref<10112x128xf32, #tpu.memory_space<vmem_shared>>
      tpu.enqueue_indirect_dma source(%dma_start3A_51 : memref<10112x128xf32, #tpu.memory_space<vmem_shared>>) target(%arg10 : memref<128x128xf32, #tpu.memory_space<vmem>>) offsets(%dma_start3A_48 : memref<128xi32, #tpu.memory_space<vmem>>) semaphore(%arg13 : memref<!tpu.dma_semaphore, #tpu.memory_space<semaphore_mem>>)
      %dma_start3A_52 = arith.constant 1 : i32
      %dma_start3A_53 = arith.constant 0 : i32
      %dma_start3A_54 = tpu.memref_slice %arg9[%dma_start3A_52, %dma_start3A_53] : memref<8x128xi32, #tpu.memory_space<vmem>> -> memref<1x128xi32, #tpu.memory_space<vmem>>
      %dma_start3A_55 = tpu.memref_squeeze %dma_start3A_54 : memref<1x128xi32, #tpu.memory_space<vmem>> -> memref<128xi32, #tpu.memory_space<vmem>>
      %dma_start3A_56 = arith.constant 0 : i32
      %dma_start3A_57 = arith.constant 0 : i32
      %dma_start3A_58 = tpu.memref_slice %arg12[%dma_start3A_56, %dma_start3A_57] : memref<10112x128xf32, #tpu.memory_space<vmem_shared>> -> memref<10112x128xf32, #tpu.memory_space<vmem_shared>>
      tpu.enqueue_indirect_dma source(%dma_start3A_58 : memref<10112x128xf32, #tpu.memory_space<vmem_shared>>) target(%arg11 : memref<128x128xf32, #tpu.memory_space<vmem>>) offsets(%dma_start3A_55 : memref<128xi32, #tpu.memory_space<vmem>>) semaphore(%arg14 : memref<!tpu.dma_semaphore, #tpu.memory_space<semaphore_mem>>)
      %dma_wait3A = arith.constant 0 : i32
      %dma_wait3A_59 = arith.constant 0 : i32
      %dma_wait3A_60 = tpu.memref_slice %arg9[%dma_wait3A, %dma_wait3A_59] : memref<8x128xi32, #tpu.memory_space<vmem>> -> memref<1x128xi32, #tpu.memory_space<vmem>>
      %dma_wait3A_61 = tpu.memref_squeeze %dma_wait3A_60 : memref<1x128xi32, #tpu.memory_space<vmem>> -> memref<128xi32, #tpu.memory_space<vmem>>
      %dma_wait3A_62 = arith.constant 0 : i32
      %dma_wait3A_63 = arith.constant 0 : i32
      %dma_wait3A_64 = tpu.memref_slice %arg12[%dma_wait3A_62, %dma_wait3A_63] : memref<10112x128xf32, #tpu.memory_space<vmem_shared>> -> memref<10112x128xf32, #tpu.memory_space<vmem_shared>>
      tpu.wait_indirect_dma semaphore(%arg13 : memref<!tpu.dma_semaphore, #tpu.memory_space<semaphore_mem>>) src(%dma_wait3A_64 : memref<10112x128xf32, #tpu.memory_space<vmem_shared>>) dst(%arg10 : memref<128x128xf32, #tpu.memory_space<vmem>>)
      %add3A = arith.constant 0 : i32
      %add3A_65 = arith.addi %mul3A_0, %add3A : i32
      %run_scoped3A = arith.constant 1 : i32
      "tpu.region"() ({
        %run_scoped3A_127 = tpu.sem_alloc : memref<!tpu.dma_semaphore, #tpu.memory_space<semaphore_mem>>
        %dma_start3A_128 = arith.constant 0 : i32
        %dma_start3A_129 = arith.constant 0 : i32
        %dma_start3A_130 = tpu.memref_slice %arg10[%dma_start3A_128, %dma_start3A_129] : memref<128x128xf32, #tpu.memory_space<vmem>> -> memref<128x128xf32, #tpu.memory_space<vmem>>
        %dma_start3A_131 = arith.constant 0 : i32
        %dma_start3A_132 = tpu.memref_slice %arg7[%run_scoped3A, %add3A_65, %dma_start3A_131] : memref<2x10112x128xf32, #tpu.memory_space<hbm>> -> memref<1x128x128xf32, #tpu.memory_space<hbm>>
        %dma_start3A_133 = tpu.memref_squeeze %dma_start3A_132 : memref<1x128x128xf32, #tpu.memory_space<hbm>> -> memref<128x128xf32, #tpu.memory_space<hbm>>
        %dma_start3A_134 = arith.constant 0 : i32
        %dma_start3A_135 = tpu.memref_slice %arg7[%run_scoped3A, %add3A_65, %dma_start3A_134] : memref<2x10112x128xf32, #tpu.memory_space<hbm>> -> memref<1x128x128xf32, #tpu.memory_space<hbm>>
        %dma_start3A_136 = tpu.memref_squeeze %dma_start3A_135 : memref<1x128x128xf32, #tpu.memory_space<hbm>> -> memref<128x128xf32, #tpu.memory_space<hbm>>
        %dma_start3A_137 = arith.constant 0 : i32
        %dma_start3A_138 = arith.constant 0 : i32
        %dma_start3A_139 = tpu.memref_slice %arg10[%dma_start3A_137, %dma_start3A_138] : memref<128x128xf32, #tpu.memory_space<vmem>> -> memref<128x128xf32, #tpu.memory_space<vmem>>
        tpu.enqueue_dma source(%dma_start3A_139 : memref<128x128xf32, #tpu.memory_space<vmem>>) target(%dma_start3A_136 : memref<128x128xf32, #tpu.memory_space<hbm>>) target_semaphore(%run_scoped3A_127 : memref<!tpu.dma_semaphore, #tpu.memory_space<semaphore_mem>>)
        %dma_wait3A_140 = arith.constant 0 : i32
        %dma_wait3A_141 = arith.constant 0 : i32
        %dma_wait3A_142 = tpu.memref_slice %arg10[%dma_wait3A_140, %dma_wait3A_141] : memref<128x128xf32, #tpu.memory_space<vmem>> -> memref<128x128xf32, #tpu.memory_space<vmem>>
        %dma_wait3A_143 = arith.constant 0 : i32
        %dma_wait3A_144 = tpu.memref_slice %arg7[%run_scoped3A, %add3A_65, %dma_wait3A_143] : memref<2x10112x128xf32, #tpu.memory_space<hbm>> -> memref<1x128x128xf32, #tpu.memory_space<hbm>>
        %dma_wait3A_145 = tpu.memref_squeeze %dma_wait3A_144 : memref<1x128x128xf32, #tpu.memory_space<hbm>> -> memref<128x128xf32, #tpu.memory_space<hbm>>
        %dma_wait3A_146 = arith.constant 0 : i32
        %dma_wait3A_147 = tpu.memref_slice %arg7[%run_scoped3A, %add3A_65, %dma_wait3A_146] : memref<2x10112x128xf32, #tpu.memory_space<hbm>> -> memref<1x128x128xf32, #tpu.memory_space<hbm>>
        %dma_wait3A_148 = tpu.memref_squeeze %dma_wait3A_147 : memref<1x128x128xf32, #tpu.memory_space<hbm>> -> memref<128x128xf32, #tpu.memory_space<hbm>>
        %dma_wait3A_149 = arith.constant 0 : i32
        %dma_wait3A_150 = arith.constant 0 : i32
        %dma_wait3A_151 = tpu.memref_slice %arg10[%dma_wait3A_149, %dma_wait3A_150] : memref<128x128xf32, #tpu.memory_space<vmem>> -> memref<128x128xf32, #tpu.memory_space<vmem>>
        tpu.wait_dma2 semaphore(%run_scoped3A_127 : memref<!tpu.dma_semaphore, #tpu.memory_space<semaphore_mem>>) src(%dma_wait3A_151 : memref<128x128xf32, #tpu.memory_space<vmem>>) dst(%dma_wait3A_148 : memref<128x128xf32, #tpu.memory_space<hbm>>)
        tpu.yield
      }) : () -> ()
      %dma_start3A_66 = arith.constant 2 : i32
      %dma_start3A_67 = arith.constant 0 : i32
      %dma_start3A_68 = tpu.memref_slice %arg9[%dma_start3A_66, %dma_start3A_67] : memref<8x128xi32, #tpu.memory_space<vmem>> -> memref<1x128xi32, #tpu.memory_space<vmem>>
      %dma_start3A_69 = tpu.memref_squeeze %dma_start3A_68 : memref<1x128xi32, #tpu.memory_space<vmem>> -> memref<128xi32, #tpu.memory_space<vmem>>
      %dma_start3A_70 = arith.constant 0 : i32
      %dma_start3A_71 = arith.constant 0 : i32
      %dma_start3A_72 = tpu.memref_slice %arg12[%dma_start3A_70, %dma_start3A_71] : memref<10112x128xf32, #tpu.memory_space<vmem_shared>> -> memref<10112x128xf32, #tpu.memory_space<vmem_shared>>
      tpu.enqueue_indirect_dma source(%dma_start3A_72 : memref<10112x128xf32, #tpu.memory_space<vmem_shared>>) target(%arg10 : memref<128x128xf32, #tpu.memory_space<vmem>>) offsets(%dma_start3A_69 : memref<128xi32, #tpu.memory_space<vmem>>) semaphore(%arg13 : memref<!tpu.dma_semaphore, #tpu.memory_space<semaphore_mem>>)
      %dma_wait3A_73 = arith.constant 1 : i32
      %dma_wait3A_74 = arith.constant 0 : i32
      %dma_wait3A_75 = tpu.memref_slice %arg9[%dma_wait3A_73, %dma_wait3A_74] : memref<8x128xi32, #tpu.memory_space<vmem>> -> memref<1x128xi32, #tpu.memory_space<vmem>>
      %dma_wait3A_76 = tpu.memref_squeeze %dma_wait3A_75 : memref<1x128xi32, #tpu.memory_space<vmem>> -> memref<128xi32, #tpu.memory_space<vmem>>
      %dma_wait3A_77 = arith.constant 0 : i32
      %dma_wait3A_78 = arith.constant 0 : i32
      %dma_wait3A_79 = tpu.memref_slice %arg12[%dma_wait3A_77, %dma_wait3A_78] : memref<10112x128xf32, #tpu.memory_space<vmem_shared>> -> memref<10112x128xf32, #tpu.memory_space<vmem_shared>>
      tpu.wait_indirect_dma semaphore(%arg14 : memref<!tpu.dma_semaphore, #tpu.memory_space<semaphore_mem>>) src(%dma_wait3A_79 : memref<10112x128xf32, #tpu.memory_space<vmem_shared>>) dst(%arg11 : memref<128x128xf32, #tpu.memory_space<vmem>>)
      %add3A_80 = arith.constant 128 : i32
      %add3A_81 = arith.addi %mul3A_0, %add3A_80 : i32
      %run_scoped3A_82 = arith.constant 1 : i32
      "tpu.region"() ({
        %run_scoped3A_127 = tpu.sem_alloc : memref<!tpu.dma_semaphore, #tpu.memory_space<semaphore_mem>>
        %dma_start3A_128 = arith.constant 0 : i32
        %dma_start3A_129 = arith.constant 0 : i32
        %dma_start3A_130 = tpu.memref_slice %arg11[%dma_start3A_128, %dma_start3A_129] : memref<128x128xf32, #tpu.memory_space<vmem>> -> memref<128x128xf32, #tpu.memory_space<vmem>>
        %dma_start3A_131 = arith.constant 0 : i32
        %dma_start3A_132 = tpu.memref_slice %arg7[%run_scoped3A_82, %add3A_81, %dma_start3A_131] : memref<2x10112x128xf32, #tpu.memory_space<hbm>> -> memref<1x128x128xf32, #tpu.memory_space<hbm>>
        %dma_start3A_133 = tpu.memref_squeeze %dma_start3A_132 : memref<1x128x128xf32, #tpu.memory_space<hbm>> -> memref<128x128xf32, #tpu.memory_space<hbm>>
        %dma_start3A_134 = arith.constant 0 : i32
        %dma_start3A_135 = tpu.memref_slice %arg7[%run_scoped3A_82, %add3A_81, %dma_start3A_134] : memref<2x10112x128xf32, #tpu.memory_space<hbm>> -> memref<1x128x128xf32, #tpu.memory_space<hbm>>
        %dma_start3A_136 = tpu.memref_squeeze %dma_start3A_135 : memref<1x128x128xf32, #tpu.memory_space<hbm>> -> memref<128x128xf32, #tpu.memory_space<hbm>>
        %dma_start3A_137 = arith.constant 0 : i32
        %dma_start3A_138 = arith.constant 0 : i32
        %dma_start3A_139 = tpu.memref_slice %arg11[%dma_start3A_137, %dma_start3A_138] : memref<128x128xf32, #tpu.memory_space<vmem>> -> memref<128x128xf32, #tpu.memory_space<vmem>>
        tpu.enqueue_dma source(%dma_start3A_139 : memref<128x128xf32, #tpu.memory_space<vmem>>) target(%dma_start3A_136 : memref<128x128xf32, #tpu.memory_space<hbm>>) target_semaphore(%run_scoped3A_127 : memref<!tpu.dma_semaphore, #tpu.memory_space<semaphore_mem>>)
        %dma_wait3A_140 = arith.constant 0 : i32
        %dma_wait3A_141 = arith.constant 0 : i32
        %dma_wait3A_142 = tpu.memref_slice %arg11[%dma_wait3A_140, %dma_wait3A_141] : memref<128x128xf32, #tpu.memory_space<vmem>> -> memref<128x128xf32, #tpu.memory_space<vmem>>
        %dma_wait3A_143 = arith.constant 0 : i32
        %dma_wait3A_144 = tpu.memref_slice %arg7[%run_scoped3A_82, %add3A_81, %dma_wait3A_143] : memref<2x10112x128xf32, #tpu.memory_space<hbm>> -> memref<1x128x128xf32, #tpu.memory_space<hbm>>
        %dma_wait3A_145 = tpu.memref_squeeze %dma_wait3A_144 : memref<1x128x128xf32, #tpu.memory_space<hbm>> -> memref<128x128xf32, #tpu.memory_space<hbm>>
        %dma_wait3A_146 = arith.constant 0 : i32
        %dma_wait3A_147 = tpu.memref_slice %arg7[%run_scoped3A_82, %add3A_81, %dma_wait3A_146] : memref<2x10112x128xf32, #tpu.memory_space<hbm>> -> memref<1x128x128xf32, #tpu.memory_space<hbm>>
        %dma_wait3A_148 = tpu.memref_squeeze %dma_wait3A_147 : memref<1x128x128xf32, #tpu.memory_space<hbm>> -> memref<128x128xf32, #tpu.memory_space<hbm>>
        %dma_wait3A_149 = arith.constant 0 : i32
        %dma_wait3A_150 = arith.constant 0 : i32
        %dma_wait3A_151 = tpu.memref_slice %arg11[%dma_wait3A_149, %dma_wait3A_150] : memref<128x128xf32, #tpu.memory_space<vmem>> -> memref<128x128xf32, #tpu.memory_space<vmem>>
        tpu.wait_dma2 semaphore(%run_scoped3A_127 : memref<!tpu.dma_semaphore, #tpu.memory_space<semaphore_mem>>) src(%dma_wait3A_151 : memref<128x128xf32, #tpu.memory_space<vmem>>) dst(%dma_wait3A_148 : memref<128x128xf32, #tpu.memory_space<hbm>>)
        tpu.yield
      }) : () -> ()
      %dma_start3A_83 = arith.constant 3 : i32
      %dma_start3A_84 = arith.constant 0 : i32
      %dma_start3A_85 = tpu.memref_slice %arg9[%dma_start3A_83, %dma_start3A_84] : memref<8x128xi32, #tpu.memory_space<vmem>> -> memref<1x128xi32, #tpu.memory_space<vmem>>
      %dma_start3A_86 = tpu.memref_squeeze %dma_start3A_85 : memref<1x128xi32, #tpu.memory_space<vmem>> -> memref<128xi32, #tpu.memory_space<vmem>>
      %dma_start3A_87 = arith.constant 0 : i32
      %dma_start3A_88 = arith.constant 0 : i32
      %dma_start3A_89 = tpu.memref_slice %arg12[%dma_start3A_87, %dma_start3A_88] : memref<10112x128xf32, #tpu.memory_space<vmem_shared>> -> memref<10112x128xf32, #tpu.memory_space<vmem_shared>>
      tpu.enqueue_indirect_dma source(%dma_start3A_89 : memref<10112x128xf32, #tpu.memory_space<vmem_shared>>) target(%arg11 : memref<128x128xf32, #tpu.memory_space<vmem>>) offsets(%dma_start3A_86 : memref<128xi32, #tpu.memory_space<vmem>>) semaphore(%arg14 : memref<!tpu.dma_semaphore, #tpu.memory_space<semaphore_mem>>)
      %dma_wait3A_90 = arith.constant 2 : i32
      %dma_wait3A_91 = arith.constant 0 : i32
      %dma_wait3A_92 = tpu.memref_slice %arg9[%dma_wait3A_90, %dma_wait3A_91] : memref<8x128xi32, #tpu.memory_space<vmem>> -> memref<1x128xi32, #tpu.memory_space<vmem>>
      %dma_wait3A_93 = tpu.memref_squeeze %dma_wait3A_92 : memref<1x128xi32, #tpu.memory_space<vmem>> -> memref<128xi32, #tpu.memory_space<vmem>>
      %dma_wait3A_94 = arith.constant 0 : i32
      %dma_wait3A_95 = arith.constant 0 : i32
      %dma_wait3A_96 = tpu.memref_slice %arg12[%dma_wait3A_94, %dma_wait3A_95] : memref<10112x128xf32, #tpu.memory_space<vmem_shared>> -> memref<10112x128xf32, #tpu.memory_space<vmem_shared>>
      tpu.wait_indirect_dma semaphore(%arg13 : memref<!tpu.dma_semaphore, #tpu.memory_space<semaphore_mem>>) src(%dma_wait3A_96 : memref<10112x128xf32, #tpu.memory_space<vmem_shared>>) dst(%arg10 : memref<128x128xf32, #tpu.memory_space<vmem>>)
      %add3A_97 = arith.constant 256 : i32
      %add3A_98 = arith.addi %mul3A_0, %add3A_97 : i32
      %run_scoped3A_99 = arith.constant 1 : i32
      "tpu.region"() ({
        %run_scoped3A_127 = tpu.sem_alloc : memref<!tpu.dma_semaphore, #tpu.memory_space<semaphore_mem>>
        %dma_start3A_128 = arith.constant 0 : i32
        %dma_start3A_129 = arith.constant 0 : i32
        %dma_start3A_130 = tpu.memref_slice %arg10[%dma_start3A_128, %dma_start3A_129] : memref<128x128xf32, #tpu.memory_space<vmem>> -> memref<128x128xf32, #tpu.memory_space<vmem>>
        %dma_start3A_131 = arith.constant 0 : i32
        %dma_start3A_132 = tpu.memref_slice %arg7[%run_scoped3A_99, %add3A_98, %dma_start3A_131] : memref<2x10112x128xf32, #tpu.memory_space<hbm>> -> memref<1x128x128xf32, #tpu.memory_space<hbm>>
        %dma_start3A_133 = tpu.memref_squeeze %dma_start3A_132 : memref<1x128x128xf32, #tpu.memory_space<hbm>> -> memref<128x128xf32, #tpu.memory_space<hbm>>
        %dma_start3A_134 = arith.constant 0 : i32
        %dma_start3A_135 = tpu.memref_slice %arg7[%run_scoped3A_99, %add3A_98, %dma_start3A_134] : memref<2x10112x128xf32, #tpu.memory_space<hbm>> -> memref<1x128x128xf32, #tpu.memory_space<hbm>>
        %dma_start3A_136 = tpu.memref_squeeze %dma_start3A_135 : memref<1x128x128xf32, #tpu.memory_space<hbm>> -> memref<128x128xf32, #tpu.memory_space<hbm>>
        %dma_start3A_137 = arith.constant 0 : i32
        %dma_start3A_138 = arith.constant 0 : i32
        %dma_start3A_139 = tpu.memref_slice %arg10[%dma_start3A_137, %dma_start3A_138] : memref<128x128xf32, #tpu.memory_space<vmem>> -> memref<128x128xf32, #tpu.memory_space<vmem>>
        tpu.enqueue_dma source(%dma_start3A_139 : memref<128x128xf32, #tpu.memory_space<vmem>>) target(%dma_start3A_136 : memref<128x128xf32, #tpu.memory_space<hbm>>) target_semaphore(%run_scoped3A_127 : memref<!tpu.dma_semaphore, #tpu.memory_space<semaphore_mem>>)
        %dma_wait3A_140 = arith.constant 0 : i32
        %dma_wait3A_141 = arith.constant 0 : i32
        %dma_wait3A_142 = tpu.memref_slice %arg10[%dma_wait3A_140, %dma_wait3A_141] : memref<128x128xf32, #tpu.memory_space<vmem>> -> memref<128x128xf32, #tpu.memory_space<vmem>>
        %dma_wait3A_143 = arith.constant 0 : i32
        %dma_wait3A_144 = tpu.memref_slice %arg7[%run_scoped3A_99, %add3A_98, %dma_wait3A_143] : memref<2x10112x128xf32, #tpu.memory_space<hbm>> -> memref<1x128x128xf32, #tpu.memory_space<hbm>>
        %dma_wait3A_145 = tpu.memref_squeeze %dma_wait3A_144 : memref<1x128x128xf32, #tpu.memory_space<hbm>> -> memref<128x128xf32, #tpu.memory_space<hbm>>
        %dma_wait3A_146 = arith.constant 0 : i32
        %dma_wait3A_147 = tpu.memref_slice %arg7[%run_scoped3A_99, %add3A_98, %dma_wait3A_146] : memref<2x10112x128xf32, #tpu.memory_space<hbm>> -> memref<1x128x128xf32, #tpu.memory_space<hbm>>
        %dma_wait3A_148 = tpu.memref_squeeze %dma_wait3A_147 : memref<1x128x128xf32, #tpu.memory_space<hbm>> -> memref<128x128xf32, #tpu.memory_space<hbm>>
        %dma_wait3A_149 = arith.constant 0 : i32
        %dma_wait3A_150 = arith.constant 0 : i32
        %dma_wait3A_151 = tpu.memref_slice %arg10[%dma_wait3A_149, %dma_wait3A_150] : memref<128x128xf32, #tpu.memory_space<vmem>> -> memref<128x128xf32, #tpu.memory_space<vmem>>
        tpu.wait_dma2 semaphore(%run_scoped3A_127 : memref<!tpu.dma_semaphore, #tpu.memory_space<semaphore_mem>>) src(%dma_wait3A_151 : memref<128x128xf32, #tpu.memory_space<vmem>>) dst(%dma_wait3A_148 : memref<128x128xf32, #tpu.memory_space<hbm>>)
        tpu.yield
      }) : () -> ()
      %dma_start3A_100 = arith.constant 4 : i32
      %dma_start3A_101 = arith.constant 0 : i32
      %dma_start3A_102 = tpu.memref_slice %arg9[%dma_start3A_100, %dma_start3A_101] : memref<8x128xi32, #tpu.memory_space<vmem>> -> memref<1x128xi32, #tpu.memory_space<vmem>>
      %dma_start3A_103 = tpu.memref_squeeze %dma_start3A_102 : memref<1x128xi32, #tpu.memory_space<vmem>> -> memref<128xi32, #tpu.memory_space<vmem>>
      %dma_start3A_104 = arith.constant 0 : i32
      %dma_start3A_105 = arith.constant 0 : i32
      %dma_start3A_106 = tpu.memref_slice %arg12[%dma_start3A_104, %dma_start3A_105] : memref<10112x128xf32, #tpu.memory_space<vmem_shared>> -> memref<10112x128xf32, #tpu.memory_space<vmem_shared>>
      tpu.enqueue_indirect_dma source(%dma_start3A_106 : memref<10112x128xf32, #tpu.memory_space<vmem_shared>>) target(%arg10 : memref<128x128xf32, #tpu.memory_space<vmem>>) offsets(%dma_start3A_103 : memref<128xi32, #tpu.memory_space<vmem>>) semaphore(%arg13 : memref<!tpu.dma_semaphore, #tpu.memory_space<semaphore_mem>>)
      %dma_wait3A_107 = arith.constant 3 : i32
      %dma_wait3A_108 = arith.constant 0 : i32
      %dma_wait3A_109 = tpu.memref_slice %arg9[%dma_wait3A_107, %dma_wait3A_108] : memref<8x128xi32, #tpu.memory_space<vmem>> -> memref<1x128xi32, #tpu.memory_space<vmem>>
      %dma_wait3A_110 = tpu.memref_squeeze %dma_wait3A_109 : memref<1x128xi32, #tpu.memory_space<vmem>> -> memref<128xi32, #tpu.memory_space<vmem>>
      %dma_wait3A_111 = arith.constant 0 : i32
      %dma_wait3A_112 = arith.constant 0 : i32
      %dma_wait3A_113 = tpu.memref_slice %arg12[%dma_wait3A_111, %dma_wait3A_112] : memref<10112x128xf32, #tpu.memory_space<vmem_shared>> -> memref<10112x128xf32, #tpu.memory_space<vmem_shared>>
      tpu.wait_indirect_dma semaphore(%arg14 : memref<!tpu.dma_semaphore, #tpu.memory_space<semaphore_mem>>) src(%dma_wait3A_113 : memref<10112x128xf32, #tpu.memory_space<vmem_shared>>) dst(%arg11 : memref<128x128xf32, #tpu.memory_space<vmem>>)
      %add3A_114 = arith.constant 384 : i32
      %add3A_115 = arith.addi %mul3A_0, %add3A_114 : i32
      %run_scoped3A_116 = arith.constant 1 : i32
      "tpu.region"() ({
        %run_scoped3A_127 = tpu.sem_alloc : memref<!tpu.dma_semaphore, #tpu.memory_space<semaphore_mem>>
        %dma_start3A_128 = arith.constant 0 : i32
        %dma_start3A_129 = arith.constant 0 : i32
        %dma_start3A_130 = tpu.memref_slice %arg11[%dma_start3A_128, %dma_start3A_129] : memref<128x128xf32, #tpu.memory_space<vmem>> -> memref<128x128xf32, #tpu.memory_space<vmem>>
        %dma_start3A_131 = arith.constant 0 : i32
        %dma_start3A_132 = tpu.memref_slice %arg7[%run_scoped3A_116, %add3A_115, %dma_start3A_131] : memref<2x10112x128xf32, #tpu.memory_space<hbm>> -> memref<1x128x128xf32, #tpu.memory_space<hbm>>
        %dma_start3A_133 = tpu.memref_squeeze %dma_start3A_132 : memref<1x128x128xf32, #tpu.memory_space<hbm>> -> memref<128x128xf32, #tpu.memory_space<hbm>>
        %dma_start3A_134 = arith.constant 0 : i32
        %dma_start3A_135 = tpu.memref_slice %arg7[%run_scoped3A_116, %add3A_115, %dma_start3A_134] : memref<2x10112x128xf32, #tpu.memory_space<hbm>> -> memref<1x128x128xf32, #tpu.memory_space<hbm>>
        %dma_start3A_136 = tpu.memref_squeeze %dma_start3A_135 : memref<1x128x128xf32, #tpu.memory_space<hbm>> -> memref<128x128xf32, #tpu.memory_space<hbm>>
        %dma_start3A_137 = arith.constant 0 : i32
        %dma_start3A_138 = arith.constant 0 : i32
        %dma_start3A_139 = tpu.memref_slice %arg11[%dma_start3A_137, %dma_start3A_138] : memref<128x128xf32, #tpu.memory_space<vmem>> -> memref<128x128xf32, #tpu.memory_space<vmem>>
        tpu.enqueue_dma source(%dma_start3A_139 : memref<128x128xf32, #tpu.memory_space<vmem>>) target(%dma_start3A_136 : memref<128x128xf32, #tpu.memory_space<hbm>>) target_semaphore(%run_scoped3A_127 : memref<!tpu.dma_semaphore, #tpu.memory_space<semaphore_mem>>)
        %dma_wait3A_140 = arith.constant 0 : i32
        %dma_wait3A_141 = arith.constant 0 : i32
        %dma_wait3A_142 = tpu.memref_slice %arg11[%dma_wait3A_140, %dma_wait3A_141] : memref<128x128xf32, #tpu.memory_space<vmem>> -> memref<128x128xf32, #tpu.memory_space<vmem>>
        %dma_wait3A_143 = arith.constant 0 : i32
        %dma_wait3A_144 = tpu.memref_slice %arg7[%run_scoped3A_116, %add3A_115, %dma_wait3A_143] : memref<2x10112x128xf32, #tpu.memory_space<hbm>> -> memref<1x128x128xf32, #tpu.memory_space<hbm>>
        %dma_wait3A_145 = tpu.memref_squeeze %dma_wait3A_144 : memref<1x128x128xf32, #tpu.memory_space<hbm>> -> memref<128x128xf32, #tpu.memory_space<hbm>>
        %dma_wait3A_146 = arith.constant 0 : i32
        %dma_wait3A_147 = tpu.memref_slice %arg7[%run_scoped3A_116, %add3A_115, %dma_wait3A_146] : memref<2x10112x128xf32, #tpu.memory_space<hbm>> -> memref<1x128x128xf32, #tpu.memory_space<hbm>>
        %dma_wait3A_148 = tpu.memref_squeeze %dma_wait3A_147 : memref<1x128x128xf32, #tpu.memory_space<hbm>> -> memref<128x128xf32, #tpu.memory_space<hbm>>
        %dma_wait3A_149 = arith.constant 0 : i32
        %dma_wait3A_150 = arith.constant 0 : i32
        %dma_wait3A_151 = tpu.memref_slice %arg11[%dma_wait3A_149, %dma_wait3A_150] : memref<128x128xf32, #tpu.memory_space<vmem>> -> memref<128x128xf32, #tpu.memory_space<vmem>>
        tpu.wait_dma2 semaphore(%run_scoped3A_127 : memref<!tpu.dma_semaphore, #tpu.memory_space<semaphore_mem>>) src(%dma_wait3A_151 : memref<128x128xf32, #tpu.memory_space<vmem>>) dst(%dma_wait3A_148 : memref<128x128xf32, #tpu.memory_space<hbm>>)
        tpu.yield
      }) : () -> ()
      %dma_wait3A_117 = arith.constant 4 : i32
      %dma_wait3A_118 = arith.constant 0 : i32
      %dma_wait3A_119 = tpu.memref_slice %arg9[%dma_wait3A_117, %dma_wait3A_118] : memref<8x128xi32, #tpu.memory_space<vmem>> -> memref<1x128xi32, #tpu.memory_space<vmem>>
      %dma_wait3A_120 = tpu.memref_squeeze %dma_wait3A_119 : memref<1x128xi32, #tpu.memory_space<vmem>> -> memref<128xi32, #tpu.memory_space<vmem>>
      %dma_wait3A_121 = arith.constant 0 : i32
      %dma_wait3A_122 = arith.constant 0 : i32
      %dma_wait3A_123 = tpu.memref_slice %arg12[%dma_wait3A_121, %dma_wait3A_122] : memref<10112x128xf32, #tpu.memory_space<vmem_shared>> -> memref<10112x128xf32, #tpu.memory_space<vmem_shared>>
      tpu.wait_indirect_dma semaphore(%arg13 : memref<!tpu.dma_semaphore, #tpu.memory_space<semaphore_mem>>) src(%dma_wait3A_123 : memref<10112x128xf32, #tpu.memory_space<vmem_shared>>) dst(%arg10 : memref<128x128xf32, #tpu.memory_space<vmem>>)
      %add3A_124 = arith.constant 512 : i32
      %add3A_125 = arith.addi %mul3A_0, %add3A_124 : i32
      %run_scoped3A_126 = arith.constant 1 : i32
      "tpu.region"() ({
        %run_scoped3A_127 = tpu.sem_alloc : memref<!tpu.dma_semaphore, #tpu.memory_space<semaphore_mem>>
        %dma_start3A_128 = arith.constant 0 : i32
        %dma_start3A_129 = arith.constant 0 : i32
        %dma_start3A_130 = tpu.memref_slice %arg10[%dma_start3A_128, %dma_start3A_129] : memref<128x128xf32, #tpu.memory_space<vmem>> -> memref<120x128xf32, #tpu.memory_space<vmem>>
        %dma_start3A_131 = arith.constant 0 : i32
        %dma_start3A_132 = tpu.memref_slice %arg7[%run_scoped3A_126, %add3A_125, %dma_start3A_131] : memref<2x10112x128xf32, #tpu.memory_space<hbm>> -> memref<1x120x128xf32, #tpu.memory_space<hbm>>
        %dma_start3A_133 = tpu.memref_squeeze %dma_start3A_132 : memref<1x120x128xf32, #tpu.memory_space<hbm>> -> memref<120x128xf32, #tpu.memory_space<hbm>>
        %dma_start3A_134 = arith.constant 0 : i32
        %dma_start3A_135 = tpu.memref_slice %arg7[%run_scoped3A_126, %add3A_125, %dma_start3A_134] : memref<2x10112x128xf32, #tpu.memory_space<hbm>> -> memref<1x120x128xf32, #tpu.memory_space<hbm>>
        %dma_start3A_136 = tpu.memref_squeeze %dma_start3A_135 : memref<1x120x128xf32, #tpu.memory_space<hbm>> -> memref<120x128xf32, #tpu.memory_space<hbm>>
        %dma_start3A_137 = arith.constant 0 : i32
        %dma_start3A_138 = arith.constant 0 : i32
        %dma_start3A_139 = tpu.memref_slice %arg10[%dma_start3A_137, %dma_start3A_138] : memref<128x128xf32, #tpu.memory_space<vmem>> -> memref<120x128xf32, #tpu.memory_space<vmem>>
        tpu.enqueue_dma source(%dma_start3A_139 : memref<120x128xf32, #tpu.memory_space<vmem>>) target(%dma_start3A_136 : memref<120x128xf32, #tpu.memory_space<hbm>>) target_semaphore(%run_scoped3A_127 : memref<!tpu.dma_semaphore, #tpu.memory_space<semaphore_mem>>)
        %dma_wait3A_140 = arith.constant 0 : i32
        %dma_wait3A_141 = arith.constant 0 : i32
        %dma_wait3A_142 = tpu.memref_slice %arg10[%dma_wait3A_140, %dma_wait3A_141] : memref<128x128xf32, #tpu.memory_space<vmem>> -> memref<120x128xf32, #tpu.memory_space<vmem>>
        %dma_wait3A_143 = arith.constant 0 : i32
        %dma_wait3A_144 = tpu.memref_slice %arg7[%run_scoped3A_126, %add3A_125, %dma_wait3A_143] : memref<2x10112x128xf32, #tpu.memory_space<hbm>> -> memref<1x120x128xf32, #tpu.memory_space<hbm>>
        %dma_wait3A_145 = tpu.memref_squeeze %dma_wait3A_144 : memref<1x120x128xf32, #tpu.memory_space<hbm>> -> memref<120x128xf32, #tpu.memory_space<hbm>>
        %dma_wait3A_146 = arith.constant 0 : i32
        %dma_wait3A_147 = tpu.memref_slice %arg7[%run_scoped3A_126, %add3A_125, %dma_wait3A_146] : memref<2x10112x128xf32, #tpu.memory_space<hbm>> -> memref<1x120x128xf32, #tpu.memory_space<hbm>>
        %dma_wait3A_148 = tpu.memref_squeeze %dma_wait3A_147 : memref<1x120x128xf32, #tpu.memory_space<hbm>> -> memref<120x128xf32, #tpu.memory_space<hbm>>
        %dma_wait3A_149 = arith.constant 0 : i32
        %dma_wait3A_150 = arith.constant 0 : i32
        %dma_wait3A_151 = tpu.memref_slice %arg10[%dma_wait3A_149, %dma_wait3A_150] : memref<128x128xf32, #tpu.memory_space<vmem>> -> memref<120x128xf32, #tpu.memory_space<vmem>>
        tpu.wait_dma2 semaphore(%run_scoped3A_127 : memref<!tpu.dma_semaphore, #tpu.memory_space<semaphore_mem>>) src(%dma_wait3A_151 : memref<120x128xf32, #tpu.memory_space<vmem>>) dst(%dma_wait3A_148 : memref<120x128xf32, #tpu.memory_space<hbm>>)
        tpu.yield
      }) : () -> ()
    } else {
    }
    %eq3A_32 = arith.constant 1 : i32
    %eq3A_33 = arith.cmpi eq, %arg0, %eq3A_32 : i32
    %and3A_34 = arith.constant false
    %and3A_35 = arith.andi %eq3A_33, %and3A_34 : i1
    %convert_element_type3A_36 = arith.extui %and3A_35 : i1 to i32
    %cond3A_37 = arith.constant 0 : i32
    %cond3A_38 = arith.cmpi ne, %convert_element_type3A_36, %cond3A_37 : i32
    scf.if %cond3A_38 {
      %add3A = arith.constant 0 : i32
      %add3A_39 = arith.addi %mul3A_0, %add3A : i32
      %run_scoped3A = arith.constant 1 : i32
      "tpu.region"() ({
        %run_scoped3A_52 = tpu.sem_alloc : memref<!tpu.dma_semaphore, #tpu.memory_space<semaphore_mem>>
        %dma_start3A = arith.constant 0 : i32
        %dma_start3A_53 = arith.constant 0 : i32
        %dma_start3A_54 = tpu.memref_slice %arg10[%dma_start3A, %dma_start3A_53] : memref<128x128xf32, #tpu.memory_space<vmem>> -> memref<128x128xf32, #tpu.memory_space<vmem>>
        %dma_start3A_55 = arith.constant 0 : i32
        %dma_start3A_56 = tpu.memref_slice %arg7[%run_scoped3A, %add3A_39, %dma_start3A_55] : memref<2x10112x128xf32, #tpu.memory_space<hbm>> -> memref<1x128x128xf32, #tpu.memory_space<hbm>>
        %dma_start3A_57 = tpu.memref_squeeze %dma_start3A_56 : memref<1x128x128xf32, #tpu.memory_space<hbm>> -> memref<128x128xf32, #tpu.memory_space<hbm>>
        %dma_start3A_58 = arith.constant 0 : i32
        %dma_start3A_59 = tpu.memref_slice %arg7[%run_scoped3A, %add3A_39, %dma_start3A_58] : memref<2x10112x128xf32, #tpu.memory_space<hbm>> -> memref<1x128x128xf32, #tpu.memory_space<hbm>>
        %dma_start3A_60 = tpu.memref_squeeze %dma_start3A_59 : memref<1x128x128xf32, #tpu.memory_space<hbm>> -> memref<128x128xf32, #tpu.memory_space<hbm>>
        %dma_start3A_61 = arith.constant 0 : i32
        %dma_start3A_62 = arith.constant 0 : i32
        %dma_start3A_63 = tpu.memref_slice %arg10[%dma_start3A_61, %dma_start3A_62] : memref<128x128xf32, #tpu.memory_space<vmem>> -> memref<128x128xf32, #tpu.memory_space<vmem>>
        tpu.enqueue_dma source(%dma_start3A_63 : memref<128x128xf32, #tpu.memory_space<vmem>>) target(%dma_start3A_60 : memref<128x128xf32, #tpu.memory_space<hbm>>) target_semaphore(%run_scoped3A_52 : memref<!tpu.dma_semaphore, #tpu.memory_space<semaphore_mem>>)
        %dma_wait3A = arith.constant 0 : i32
        %dma_wait3A_64 = arith.constant 0 : i32
        %dma_wait3A_65 = tpu.memref_slice %arg10[%dma_wait3A, %dma_wait3A_64] : memref<128x128xf32, #tpu.memory_space<vmem>> -> memref<128x128xf32, #tpu.memory_space<vmem>>
        %dma_wait3A_66 = arith.constant 0 : i32
        %dma_wait3A_67 = tpu.memref_slice %arg7[%run_scoped3A, %add3A_39, %dma_wait3A_66] : memref<2x10112x128xf32, #tpu.memory_space<hbm>> -> memref<1x128x128xf32, #tpu.memory_space<hbm>>
        %dma_wait3A_68 = tpu.memref_squeeze %dma_wait3A_67 : memref<1x128x128xf32, #tpu.memory_space<hbm>> -> memref<128x128xf32, #tpu.memory_space<hbm>>
        %dma_wait3A_69 = arith.constant 0 : i32
        %dma_wait3A_70 = tpu.memref_slice %arg7[%run_scoped3A, %add3A_39, %dma_wait3A_69] : memref<2x10112x128xf32, #tpu.memory_space<hbm>> -> memref<1x128x128xf32, #tpu.memory_space<hbm>>
        %dma_wait3A_71 = tpu.memref_squeeze %dma_wait3A_70 : memref<1x128x128xf32, #tpu.memory_space<hbm>> -> memref<128x128xf32, #tpu.memory_space<hbm>>
        %dma_wait3A_72 = arith.constant 0 : i32
        %dma_wait3A_73 = arith.constant 0 : i32
        %dma_wait3A_74 = tpu.memref_slice %arg10[%dma_wait3A_72, %dma_wait3A_73] : memref<128x128xf32, #tpu.memory_space<vmem>> -> memref<128x128xf32, #tpu.memory_space<vmem>>
        tpu.wait_dma2 semaphore(%run_scoped3A_52 : memref<!tpu.dma_semaphore, #tpu.memory_space<semaphore_mem>>) src(%dma_wait3A_74 : memref<128x128xf32, #tpu.memory_space<vmem>>) dst(%dma_wait3A_71 : memref<128x128xf32, #tpu.memory_space<hbm>>)
        tpu.yield
      }) : () -> ()
      %add3A_40 = arith.constant 128 : i32
      %add3A_41 = arith.addi %mul3A_0, %add3A_40 : i32
      %run_scoped3A_42 = arith.constant 1 : i32
      "tpu.region"() ({
        %run_scoped3A_52 = tpu.sem_alloc : memref<!tpu.dma_semaphore, #tpu.memory_space<semaphore_mem>>
        %dma_start3A = arith.constant 0 : i32
        %dma_start3A_53 = arith.constant 0 : i32
        %dma_start3A_54 = tpu.memref_slice %arg10[%dma_start3A, %dma_start3A_53] : memref<128x128xf32, #tpu.memory_space<vmem>> -> memref<128x128xf32, #tpu.memory_space<vmem>>
        %dma_start3A_55 = arith.constant 0 : i32
        %dma_start3A_56 = tpu.memref_slice %arg7[%run_scoped3A_42, %add3A_41, %dma_start3A_55] : memref<2x10112x128xf32, #tpu.memory_space<hbm>> -> memref<1x128x128xf32, #tpu.memory_space<hbm>>
        %dma_start3A_57 = tpu.memref_squeeze %dma_start3A_56 : memref<1x128x128xf32, #tpu.memory_space<hbm>> -> memref<128x128xf32, #tpu.memory_space<hbm>>
        %dma_start3A_58 = arith.constant 0 : i32
        %dma_start3A_59 = tpu.memref_slice %arg7[%run_scoped3A_42, %add3A_41, %dma_start3A_58] : memref<2x10112x128xf32, #tpu.memory_space<hbm>> -> memref<1x128x128xf32, #tpu.memory_space<hbm>>
        %dma_start3A_60 = tpu.memref_squeeze %dma_start3A_59 : memref<1x128x128xf32, #tpu.memory_space<hbm>> -> memref<128x128xf32, #tpu.memory_space<hbm>>
        %dma_start3A_61 = arith.constant 0 : i32
        %dma_start3A_62 = arith.constant 0 : i32
        %dma_start3A_63 = tpu.memref_slice %arg10[%dma_start3A_61, %dma_start3A_62] : memref<128x128xf32, #tpu.memory_space<vmem>> -> memref<128x128xf32, #tpu.memory_space<vmem>>
        tpu.enqueue_dma source(%dma_start3A_63 : memref<128x128xf32, #tpu.memory_space<vmem>>) target(%dma_start3A_60 : memref<128x128xf32, #tpu.memory_space<hbm>>) target_semaphore(%run_scoped3A_52 : memref<!tpu.dma_semaphore, #tpu.memory_space<semaphore_mem>>)
        %dma_wait3A = arith.constant 0 : i32
        %dma_wait3A_64 = arith.constant 0 : i32
        %dma_wait3A_65 = tpu.memref_slice %arg10[%dma_wait3A, %dma_wait3A_64] : memref<128x128xf32, #tpu.memory_space<vmem>> -> memref<128x128xf32, #tpu.memory_space<vmem>>
        %dma_wait3A_66 = arith.constant 0 : i32
        %dma_wait3A_67 = tpu.memref_slice %arg7[%run_scoped3A_42, %add3A_41, %dma_wait3A_66] : memref<2x10112x128xf32, #tpu.memory_space<hbm>> -> memref<1x128x128xf32, #tpu.memory_space<hbm>>
        %dma_wait3A_68 = tpu.memref_squeeze %dma_wait3A_67 : memref<1x128x128xf32, #tpu.memory_space<hbm>> -> memref<128x128xf32, #tpu.memory_space<hbm>>
        %dma_wait3A_69 = arith.constant 0 : i32
        %dma_wait3A_70 = tpu.memref_slice %arg7[%run_scoped3A_42, %add3A_41, %dma_wait3A_69] : memref<2x10112x128xf32, #tpu.memory_space<hbm>> -> memref<1x128x128xf32, #tpu.memory_space<hbm>>
        %dma_wait3A_71 = tpu.memref_squeeze %dma_wait3A_70 : memref<1x128x128xf32, #tpu.memory_space<hbm>> -> memref<128x128xf32, #tpu.memory_space<hbm>>
        %dma_wait3A_72 = arith.constant 0 : i32
        %dma_wait3A_73 = arith.constant 0 : i32
        %dma_wait3A_74 = tpu.memref_slice %arg10[%dma_wait3A_72, %dma_wait3A_73] : memref<128x128xf32, #tpu.memory_space<vmem>> -> memref<128x128xf32, #tpu.memory_space<vmem>>
        tpu.wait_dma2 semaphore(%run_scoped3A_52 : memref<!tpu.dma_semaphore, #tpu.memory_space<semaphore_mem>>) src(%dma_wait3A_74 : memref<128x128xf32, #tpu.memory_space<vmem>>) dst(%dma_wait3A_71 : memref<128x128xf32, #tpu.memory_space<hbm>>)
        tpu.yield
      }) : () -> ()
      %add3A_43 = arith.constant 256 : i32
      %add3A_44 = arith.addi %mul3A_0, %add3A_43 : i32
      %run_scoped3A_45 = arith.constant 1 : i32
      "tpu.region"() ({
        %run_scoped3A_52 = tpu.sem_alloc : memref<!tpu.dma_semaphore, #tpu.memory_space<semaphore_mem>>
        %dma_start3A = arith.constant 0 : i32
        %dma_start3A_53 = arith.constant 0 : i32
        %dma_start3A_54 = tpu.memref_slice %arg10[%dma_start3A, %dma_start3A_53] : memref<128x128xf32, #tpu.memory_space<vmem>> -> memref<128x128xf32, #tpu.memory_space<vmem>>
        %dma_start3A_55 = arith.constant 0 : i32
        %dma_start3A_56 = tpu.memref_slice %arg7[%run_scoped3A_45, %add3A_44, %dma_start3A_55] : memref<2x10112x128xf32, #tpu.memory_space<hbm>> -> memref<1x128x128xf32, #tpu.memory_space<hbm>>
        %dma_start3A_57 = tpu.memref_squeeze %dma_start3A_56 : memref<1x128x128xf32, #tpu.memory_space<hbm>> -> memref<128x128xf32, #tpu.memory_space<hbm>>
        %dma_start3A_58 = arith.constant 0 : i32
        %dma_start3A_59 = tpu.memref_slice %arg7[%run_scoped3A_45, %add3A_44, %dma_start3A_58] : memref<2x10112x128xf32, #tpu.memory_space<hbm>> -> memref<1x128x128xf32, #tpu.memory_space<hbm>>
        %dma_start3A_60 = tpu.memref_squeeze %dma_start3A_59 : memref<1x128x128xf32, #tpu.memory_space<hbm>> -> memref<128x128xf32, #tpu.memory_space<hbm>>
        %dma_start3A_61 = arith.constant 0 : i32
        %dma_start3A_62 = arith.constant 0 : i32
        %dma_start3A_63 = tpu.memref_slice %arg10[%dma_start3A_61, %dma_start3A_62] : memref<128x128xf32, #tpu.memory_space<vmem>> -> memref<128x128xf32, #tpu.memory_space<vmem>>
        tpu.enqueue_dma source(%dma_start3A_63 : memref<128x128xf32, #tpu.memory_space<vmem>>) target(%dma_start3A_60 : memref<128x128xf32, #tpu.memory_space<hbm>>) target_semaphore(%run_scoped3A_52 : memref<!tpu.dma_semaphore, #tpu.memory_space<semaphore_mem>>)
        %dma_wait3A = arith.constant 0 : i32
        %dma_wait3A_64 = arith.constant 0 : i32
        %dma_wait3A_65 = tpu.memref_slice %arg10[%dma_wait3A, %dma_wait3A_64] : memref<128x128xf32, #tpu.memory_space<vmem>> -> memref<128x128xf32, #tpu.memory_space<vmem>>
        %dma_wait3A_66 = arith.constant 0 : i32
        %dma_wait3A_67 = tpu.memref_slice %arg7[%run_scoped3A_45, %add3A_44, %dma_wait3A_66] : memref<2x10112x128xf32, #tpu.memory_space<hbm>> -> memref<1x128x128xf32, #tpu.memory_space<hbm>>
        %dma_wait3A_68 = tpu.memref_squeeze %dma_wait3A_67 : memref<1x128x128xf32, #tpu.memory_space<hbm>> -> memref<128x128xf32, #tpu.memory_space<hbm>>
        %dma_wait3A_69 = arith.constant 0 : i32
        %dma_wait3A_70 = tpu.memref_slice %arg7[%run_scoped3A_45, %add3A_44, %dma_wait3A_69] : memref<2x10112x128xf32, #tpu.memory_space<hbm>> -> memref<1x128x128xf32, #tpu.memory_space<hbm>>
        %dma_wait3A_71 = tpu.memref_squeeze %dma_wait3A_70 : memref<1x128x128xf32, #tpu.memory_space<hbm>> -> memref<128x128xf32, #tpu.memory_space<hbm>>
        %dma_wait3A_72 = arith.constant 0 : i32
        %dma_wait3A_73 = arith.constant 0 : i32
        %dma_wait3A_74 = tpu.memref_slice %arg10[%dma_wait3A_72, %dma_wait3A_73] : memref<128x128xf32, #tpu.memory_space<vmem>> -> memref<128x128xf32, #tpu.memory_space<vmem>>
        tpu.wait_dma2 semaphore(%run_scoped3A_52 : memref<!tpu.dma_semaphore, #tpu.memory_space<semaphore_mem>>) src(%dma_wait3A_74 : memref<128x128xf32, #tpu.memory_space<vmem>>) dst(%dma_wait3A_71 : memref<128x128xf32, #tpu.memory_space<hbm>>)
        tpu.yield
      }) : () -> ()
      %add3A_46 = arith.constant 384 : i32
      %add3A_47 = arith.addi %mul3A_0, %add3A_46 : i32
      %run_scoped3A_48 = arith.constant 1 : i32
      "tpu.region"() ({
        %run_scoped3A_52 = tpu.sem_alloc : memref<!tpu.dma_semaphore, #tpu.memory_space<semaphore_mem>>
        %dma_start3A = arith.constant 0 : i32
        %dma_start3A_53 = arith.constant 0 : i32
        %dma_start3A_54 = tpu.memref_slice %arg10[%dma_start3A, %dma_start3A_53] : memref<128x128xf32, #tpu.memory_space<vmem>> -> memref<128x128xf32, #tpu.memory_space<vmem>>
        %dma_start3A_55 = arith.constant 0 : i32
        %dma_start3A_56 = tpu.memref_slice %arg7[%run_scoped3A_48, %add3A_47, %dma_start3A_55] : memref<2x10112x128xf32, #tpu.memory_space<hbm>> -> memref<1x128x128xf32, #tpu.memory_space<hbm>>
        %dma_start3A_57 = tpu.memref_squeeze %dma_start3A_56 : memref<1x128x128xf32, #tpu.memory_space<hbm>> -> memref<128x128xf32, #tpu.memory_space<hbm>>
        %dma_start3A_58 = arith.constant 0 : i32
        %dma_start3A_59 = tpu.memref_slice %arg7[%run_scoped3A_48, %add3A_47, %dma_start3A_58] : memref<2x10112x128xf32, #tpu.memory_space<hbm>> -> memref<1x128x128xf32, #tpu.memory_space<hbm>>
        %dma_start3A_60 = tpu.memref_squeeze %dma_start3A_59 : memref<1x128x128xf32, #tpu.memory_space<hbm>> -> memref<128x128xf32, #tpu.memory_space<hbm>>
        %dma_start3A_61 = arith.constant 0 : i32
        %dma_start3A_62 = arith.constant 0 : i32
        %dma_start3A_63 = tpu.memref_slice %arg10[%dma_start3A_61, %dma_start3A_62] : memref<128x128xf32, #tpu.memory_space<vmem>> -> memref<128x128xf32, #tpu.memory_space<vmem>>
        tpu.enqueue_dma source(%dma_start3A_63 : memref<128x128xf32, #tpu.memory_space<vmem>>) target(%dma_start3A_60 : memref<128x128xf32, #tpu.memory_space<hbm>>) target_semaphore(%run_scoped3A_52 : memref<!tpu.dma_semaphore, #tpu.memory_space<semaphore_mem>>)
        %dma_wait3A = arith.constant 0 : i32
        %dma_wait3A_64 = arith.constant 0 : i32
        %dma_wait3A_65 = tpu.memref_slice %arg10[%dma_wait3A, %dma_wait3A_64] : memref<128x128xf32, #tpu.memory_space<vmem>> -> memref<128x128xf32, #tpu.memory_space<vmem>>
        %dma_wait3A_66 = arith.constant 0 : i32
        %dma_wait3A_67 = tpu.memref_slice %arg7[%run_scoped3A_48, %add3A_47, %dma_wait3A_66] : memref<2x10112x128xf32, #tpu.memory_space<hbm>> -> memref<1x128x128xf32, #tpu.memory_space<hbm>>
        %dma_wait3A_68 = tpu.memref_squeeze %dma_wait3A_67 : memref<1x128x128xf32, #tpu.memory_space<hbm>> -> memref<128x128xf32, #tpu.memory_space<hbm>>
        %dma_wait3A_69 = arith.constant 0 : i32
        %dma_wait3A_70 = tpu.memref_slice %arg7[%run_scoped3A_48, %add3A_47, %dma_wait3A_69] : memref<2x10112x128xf32, #tpu.memory_space<hbm>> -> memref<1x128x128xf32, #tpu.memory_space<hbm>>
        %dma_wait3A_71 = tpu.memref_squeeze %dma_wait3A_70 : memref<1x128x128xf32, #tpu.memory_space<hbm>> -> memref<128x128xf32, #tpu.memory_space<hbm>>
        %dma_wait3A_72 = arith.constant 0 : i32
        %dma_wait3A_73 = arith.constant 0 : i32
        %dma_wait3A_74 = tpu.memref_slice %arg10[%dma_wait3A_72, %dma_wait3A_73] : memref<128x128xf32, #tpu.memory_space<vmem>> -> memref<128x128xf32, #tpu.memory_space<vmem>>
        tpu.wait_dma2 semaphore(%run_scoped3A_52 : memref<!tpu.dma_semaphore, #tpu.memory_space<semaphore_mem>>) src(%dma_wait3A_74 : memref<128x128xf32, #tpu.memory_space<vmem>>) dst(%dma_wait3A_71 : memref<128x128xf32, #tpu.memory_space<hbm>>)
        tpu.yield
      }) : () -> ()
      %add3A_49 = arith.constant 512 : i32
      %add3A_50 = arith.addi %mul3A_0, %add3A_49 : i32
      %run_scoped3A_51 = arith.constant 1 : i32
      "tpu.region"() ({
        %run_scoped3A_52 = tpu.sem_alloc : memref<!tpu.dma_semaphore, #tpu.memory_space<semaphore_mem>>
        %dma_start3A = arith.constant 0 : i32
        %dma_start3A_53 = arith.constant 0 : i32
        %dma_start3A_54 = tpu.memref_slice %arg10[%dma_start3A, %dma_start3A_53] : memref<128x128xf32, #tpu.memory_space<vmem>> -> memref<120x128xf32, #tpu.memory_space<vmem>>
        %dma_start3A_55 = arith.constant 0 : i32
        %dma_start3A_56 = tpu.memref_slice %arg7[%run_scoped3A_51, %add3A_50, %dma_start3A_55] : memref<2x10112x128xf32, #tpu.memory_space<hbm>> -> memref<1x120x128xf32, #tpu.memory_space<hbm>>
        %dma_start3A_57 = tpu.memref_squeeze %dma_start3A_56 : memref<1x120x128xf32, #tpu.memory_space<hbm>> -> memref<120x128xf32, #tpu.memory_space<hbm>>
        %dma_start3A_58 = arith.constant 0 : i32
        %dma_start3A_59 = tpu.memref_slice %arg7[%run_scoped3A_51, %add3A_50, %dma_start3A_58] : memref<2x10112x128xf32, #tpu.memory_space<hbm>> -> memref<1x120x128xf32, #tpu.memory_space<hbm>>
        %dma_start3A_60 = tpu.memref_squeeze %dma_start3A_59 : memref<1x120x128xf32, #tpu.memory_space<hbm>> -> memref<120x128xf32, #tpu.memory_space<hbm>>
        %dma_start3A_61 = arith.constant 0 : i32
        %dma_start3A_62 = arith.constant 0 : i32
        %dma_start3A_63 = tpu.memref_slice %arg10[%dma_start3A_61, %dma_start3A_62] : memref<128x128xf32, #tpu.memory_space<vmem>> -> memref<120x128xf32, #tpu.memory_space<vmem>>
        tpu.enqueue_dma source(%dma_start3A_63 : memref<120x128xf32, #tpu.memory_space<vmem>>) target(%dma_start3A_60 : memref<120x128xf32, #tpu.memory_space<hbm>>) target_semaphore(%run_scoped3A_52 : memref<!tpu.dma_semaphore, #tpu.memory_space<semaphore_mem>>)
        %dma_wait3A = arith.constant 0 : i32
        %dma_wait3A_64 = arith.constant 0 : i32
        %dma_wait3A_65 = tpu.memref_slice %arg10[%dma_wait3A, %dma_wait3A_64] : memref<128x128xf32, #tpu.memory_space<vmem>> -> memref<120x128xf32, #tpu.memory_space<vmem>>
        %dma_wait3A_66 = arith.constant 0 : i32
        %dma_wait3A_67 = tpu.memref_slice %arg7[%run_scoped3A_51, %add3A_50, %dma_wait3A_66] : memref<2x10112x128xf32, #tpu.memory_space<hbm>> -> memref<1x120x128xf32, #tpu.memory_space<hbm>>
        %dma_wait3A_68 = tpu.memref_squeeze %dma_wait3A_67 : memref<1x120x128xf32, #tpu.memory_space<hbm>> -> memref<120x128xf32, #tpu.memory_space<hbm>>
        %dma_wait3A_69 = arith.constant 0 : i32
        %dma_wait3A_70 = tpu.memref_slice %arg7[%run_scoped3A_51, %add3A_50, %dma_wait3A_69] : memref<2x10112x128xf32, #tpu.memory_space<hbm>> -> memref<1x120x128xf32, #tpu.memory_space<hbm>>
        %dma_wait3A_71 = tpu.memref_squeeze %dma_wait3A_70 : memref<1x120x128xf32, #tpu.memory_space<hbm>> -> memref<120x128xf32, #tpu.memory_space<hbm>>
        %dma_wait3A_72 = arith.constant 0 : i32
        %dma_wait3A_73 = arith.constant 0 : i32
        %dma_wait3A_74 = tpu.memref_slice %arg10[%dma_wait3A_72, %dma_wait3A_73] : memref<128x128xf32, #tpu.memory_space<vmem>> -> memref<120x128xf32, #tpu.memory_space<vmem>>
        tpu.wait_dma2 semaphore(%run_scoped3A_52 : memref<!tpu.dma_semaphore, #tpu.memory_space<semaphore_mem>>) src(%dma_wait3A_74 : memref<120x128xf32, #tpu.memory_space<vmem>>) dst(%dma_wait3A_71 : memref<120x128xf32, #tpu.memory_space<hbm>>)
        tpu.yield
      }) : () -> ()
    } else {
    }
    return
  }
}

#map = affine_map<(d0, d1) -> (0, 0)>
#map1 = affine_map<(d0, d1) -> (0, 0, 0, 0)>
#map2 = affine_map<(d0, d1) -> (0, 0, 0)>
module attributes {stable_mosaic.version = 14 : i64} {
  func.func @_agg_body(%arg0: i32, %arg1: i32, %arg2: memref<10000x128xf32, #tpu.memory_space<hbm>>, %arg3: memref<16x19x8x128xi32, #tpu.memory_space<hbm>>, %arg4: memref<16x19x8x128xi32, #tpu.memory_space<hbm>>, %arg5: memref<16x1x8x128xi32, #tpu.memory_space<hbm>>, %arg6: memref<16x1x8x128xi32, #tpu.memory_space<hbm>>, %arg7: memref<2x10112x128xf32, #tpu.memory_space<hbm>>, %arg8: memref<8x128xi32, #tpu.memory_space<vmem>>, %arg9: memref<8x128xi32, #tpu.memory_space<vmem>>, %arg10: memref<128x128xf32, #tpu.memory_space<vmem>>, %arg11: memref<128x128xf32, #tpu.memory_space<vmem>>, %arg12: memref<10112x128xf32, #tpu.memory_space<vmem_shared>>, %arg13: memref<!tpu.dma_semaphore, #tpu.memory_space<semaphore_mem>>, %arg14: memref<!tpu.dma_semaphore, #tpu.memory_space<semaphore_mem>>) attributes {dimension_semantics = [#tpu.dimension_semantics<core_parallel>, #tpu.dimension_semantics<subcore_parallel>], iteration_bounds = array<i64: 2, 16>, scalar_prefetch = 0 : i64, scratch_operands = 7 : i64, tpu.core_type = #tpu.core_type<sc_vector_subcore>, window_params = [{transform_indices = #map}, {transform_indices = #map1}, {transform_indices = #map1}, {transform_indices = #map1}, {transform_indices = #map1}, {transform_indices = #map2}]} {
    %mul3A = arith.constant 632 : i32
    %mul3A_0 = arith.muli %arg1, %mul3A : i32
    %scan3A = arith.constant 0 : i32
    %scan3A_1 = arith.constant 0 : i32
    %scan3A_2 = arith.constant 1024 : i32
    %scan3A_3 = arith.addi %scan3A_1, %scan3A_2 : i32
    %scan3A_4 = arith.constant 1 : i32
    %scan3A_5 = scf.for %scan3A_39 = %scan3A_1 to %scan3A_3 step %scan3A_4 iter_args(%scan3A_40 = %scan3A) -> (i32)  : i32 {
      %broadcast_in_dim3A = arith.constant 0.000000e+00 : f32
      %broadcast_in_dim3A_41 = vector.broadcast %broadcast_in_dim3A : f32 to vector<16xf32>
      %jit3A = arith.constant 8 : i32
      %div3A = arith.divsi %scan3A_39, %jit3A : i32
      %sign3A = arith.constant 0 : i32
      %sign3A_42 = arith.cmpi sgt, %scan3A_39, %sign3A : i32
      %sign3A_43 = arith.extui %sign3A_42 : i1 to i32
      %sign3A_44 = arith.constant 0 : i32
      %sign3A_45 = arith.cmpi slt, %scan3A_39, %sign3A_44 : i32
      %sign3A_46 = arith.extui %sign3A_45 : i1 to i32
      %sign3A_47 = arith.subi %sign3A_43, %sign3A_46 : i32
      %sign3A_48 = arith.constant 0 : i32
      %sign3A_49 = arith.cmpi sgt, %jit3A, %sign3A_48 : i32
      %sign3A_50 = arith.extui %sign3A_49 : i1 to i32
      %sign3A_51 = arith.constant 0 : i32
      %sign3A_52 = arith.cmpi slt, %jit3A, %sign3A_51 : i32
      %sign3A_53 = arith.extui %sign3A_52 : i1 to i32
      %sign3A_54 = arith.subi %sign3A_50, %sign3A_53 : i32
      %ne3A = arith.cmpi ne, %sign3A_47, %sign3A_54 : i32
      %rem3A = arith.remsi %scan3A_39, %jit3A : i32
      %ne3A_55 = arith.constant 0 : i32
      %ne3A_56 = arith.cmpi ne, %rem3A, %ne3A_55 : i32
      %and3A_57 = arith.andi %ne3A, %ne3A_56 : i1
      %sub3A = arith.constant 1 : i32
      %sub3A_58 = arith.subi %div3A, %sub3A : i32
      %select_n3A = arith.select %and3A_57, %sub3A_58, %div3A : i32
      %jit3A_59 = arith.constant 8 : i32
      %eq3A_60 = arith.constant 0 : i32
      %eq3A_61 = arith.cmpi eq, %jit3A_59, %eq3A_60 : i32
      %jit3A_62 = arith.constant 1 : i32
      %select_n3A_63 = arith.select %eq3A_61, %jit3A_62, %jit3A_59 : i32
      %rem3A_64 = arith.remsi %scan3A_39, %select_n3A_63 : i32
      %ne3A_65 = arith.constant 0 : i32
      %ne3A_66 = arith.cmpi ne, %rem3A_64, %ne3A_65 : i32
      %lt3A = arith.constant 0 : i32
      %lt3A_67 = arith.cmpi slt, %rem3A_64, %lt3A : i32
      %lt3A_68 = arith.constant 0 : i32
      %lt3A_69 = arith.cmpi slt, %select_n3A_63, %lt3A_68 : i32
      %ne3A_70 = arith.xori %lt3A_67, %lt3A_69 : i1
      %and3A_71 = arith.andi %ne3A_70, %ne3A_66 : i1
      %add3A = arith.addi %rem3A_64, %select_n3A_63 : i32
      %select_n3A_72 = arith.select %and3A_71, %add3A, %rem3A_64 : i32
      %mul3A_73 = arith.constant 16 : i32
      %mul3A_74 = arith.muli %select_n3A_72, %mul3A_73 : i32
      %swap3A = arith.index_cast %select_n3A : i32 to index
      %swap3A_75 = arith.index_cast %mul3A_74 : i32 to index
      %swap3A_76 = tpu.vector_load %arg10[%swap3A, %swap3A_75] {strides = array<i32>} : memref<128x128xf32, #tpu.memory_space<vmem>>, vector<16xf32>,
      tpu.vector_store %arg10[%swap3A, %swap3A_75], %broadcast_in_dim3A_41 {strides = array<i32>} : memref<128x128xf32, #tpu.memory_space<vmem>>, vector<16xf32>,
      %scan3A_77 = arith.constant 0 : i32
      scf.yield %scan3A_77 : i32
    }
    %scan3A_6 = arith.constant 1024 : i32
    %eq3A = arith.constant 0 : i32
    %eq3A_7 = arith.cmpi eq, %arg0, %eq3A : i32
    %or3A = arith.constant true
    %or3A_8 = arith.ori %eq3A_7, %or3A : i1
    %convert_element_type3A = arith.extui %or3A_8 : i1 to i32
    %cond3A = arith.constant 0 : i32
    %cond3A_9 = arith.cmpi ne, %convert_element_type3A, %cond3A : i32
    scf.if %cond3A_9 {
      %iota3A = tpu.iota {dimensions = array<i32: 0>} : vector<16xi32>
      %scan3A_39 = arith.constant 0 : i32
      %scan3A_40 = arith.constant 0 : i32
      %scan3A_41 = arith.constant 64 : i32
      %scan3A_42 = arith.addi %scan3A_40, %scan3A_41 : i32
      %scan3A_43 = arith.constant 1 : i32
      %scan3A_44 = scf.for %scan3A_50 = %scan3A_40 to %scan3A_42 step %scan3A_43 iter_args(%scan3A_51 = %scan3A_39) -> (i32)  : i32 {
        %mul3A_52 = arith.constant 16 : i32
        %mul3A_53 = arith.muli %scan3A_50, %mul3A_52 : i32
        %add3A = vector.broadcast %mul3A_53 : i32 to vector<16xi32>
        %add3A_54 = arith.addi %add3A, %iota3A : vector<16xi32>
        %min3A = arith.constant 631 : i32
        %min3A_55 = vector.broadcast %min3A : i32 to vector<16xi32>
        %min3A_56 = arith.minsi %add3A_54, %min3A_55 : vector<16xi32>
        %add3A_57 = vector.broadcast %mul3A_0 : i32 to vector<16xi32>
        %add3A_58 = arith.addi %add3A_57, %min3A_56 : vector<16xi32>
        %jit3A = arith.constant 8 : i32
        %div3A = arith.divsi %scan3A_50, %jit3A : i32
        %sign3A = arith.constant 0 : i32
        %sign3A_59 = arith.cmpi sgt, %scan3A_50, %sign3A : i32
        %sign3A_60 = arith.extui %sign3A_59 : i1 to i32
        %sign3A_61 = arith.constant 0 : i32
        %sign3A_62 = arith.cmpi slt, %scan3A_50, %sign3A_61 : i32
        %sign3A_63 = arith.extui %sign3A_62 : i1 to i32
        %sign3A_64 = arith.subi %sign3A_60, %sign3A_63 : i32
        %sign3A_65 = arith.constant 0 : i32
        %sign3A_66 = arith.cmpi sgt, %jit3A, %sign3A_65 : i32
        %sign3A_67 = arith.extui %sign3A_66 : i1 to i32
        %sign3A_68 = arith.constant 0 : i32
        %sign3A_69 = arith.cmpi slt, %jit3A, %sign3A_68 : i32
        %sign3A_70 = arith.extui %sign3A_69 : i1 to i32
        %sign3A_71 = arith.subi %sign3A_67, %sign3A_70 : i32
        %ne3A = arith.cmpi ne, %sign3A_64, %sign3A_71 : i32
        %rem3A = arith.remsi %scan3A_50, %jit3A : i32
        %ne3A_72 = arith.constant 0 : i32
        %ne3A_73 = arith.cmpi ne, %rem3A, %ne3A_72 : i32
        %and3A_74 = arith.andi %ne3A, %ne3A_73 : i1
        %sub3A = arith.constant 1 : i32
        %sub3A_75 = arith.subi %div3A, %sub3A : i32
        %select_n3A = arith.select %and3A_74, %sub3A_75, %div3A : i32
        %jit3A_76 = arith.constant 8 : i32
        %eq3A_77 = arith.constant 0 : i32
        %eq3A_78 = arith.cmpi eq, %jit3A_76, %eq3A_77 : i32
        %jit3A_79 = arith.constant 1 : i32
        %select_n3A_80 = arith.select %eq3A_78, %jit3A_79, %jit3A_76 : i32
        %rem3A_81 = arith.remsi %scan3A_50, %select_n3A_80 : i32
        %ne3A_82 = arith.constant 0 : i32
        %ne3A_83 = arith.cmpi ne, %rem3A_81, %ne3A_82 : i32
        %lt3A = arith.constant 0 : i32
        %lt3A_84 = arith.cmpi slt, %rem3A_81, %lt3A : i32
        %lt3A_85 = arith.constant 0 : i32
        %lt3A_86 = arith.cmpi slt, %select_n3A_80, %lt3A_85 : i32
        %ne3A_87 = arith.xori %lt3A_84, %lt3A_86 : i1
        %and3A_88 = arith.andi %ne3A_87, %ne3A_83 : i1
        %add3A_89 = arith.addi %rem3A_81, %select_n3A_80 : i32
        %select_n3A_90 = arith.select %and3A_88, %add3A_89, %rem3A_81 : i32
        %mul3A_91 = arith.constant 16 : i32
        %mul3A_92 = arith.muli %select_n3A_90, %mul3A_91 : i32
        %swap3A = arith.index_cast %select_n3A : i32 to index
        %swap3A_93 = arith.index_cast %mul3A_92 : i32 to index
        %swap3A_94 = tpu.vector_load %arg9[%swap3A, %swap3A_93] {strides = array<i32>} : memref<8x128xi32, #tpu.memory_space<vmem>>, vector<16xi32>,
        tpu.vector_store %arg9[%swap3A, %swap3A_93], %add3A_58 {strides = array<i32>} : memref<8x128xi32, #tpu.memory_space<vmem>>, vector<16xi32>,
        %scan3A_95 = arith.constant 0 : i32
        scf.yield %scan3A_95 : i32
      }
      %scan3A_45 = arith.constant 64 : i32
      %run_scoped3A = arith.constant 0 : i32
      "tpu.region"() ({
        %run_scoped3A_50 = tpu.sem_alloc : memref<!tpu.dma_semaphore, #tpu.memory_space<semaphore_mem>>
        %dma_start3A = arith.constant 0 : i32
        %dma_start3A_51 = tpu.memref_slice %arg9[%run_scoped3A, %dma_start3A] : memref<8x128xi32, #tpu.memory_space<vmem>> -> memref<1x128xi32, #tpu.memory_space<vmem>>
        %dma_start3A_52 = tpu.memref_squeeze %dma_start3A_51 : memref<1x128xi32, #tpu.memory_space<vmem>> -> memref<128xi32, #tpu.memory_space<vmem>>
        %dma_start3A_53 = arith.constant 0 : i32
        %dma_start3A_54 = arith.constant 0 : i32
        %dma_start3A_55 = tpu.memref_slice %arg12[%dma_start3A_53, %dma_start3A_54] : memref<10112x128xf32, #tpu.memory_space<vmem_shared>> -> memref<10112x128xf32, #tpu.memory_space<vmem_shared>>
        tpu.enqueue_indirect_dma source(%arg10 : memref<128x128xf32, #tpu.memory_space<vmem>>) target(%dma_start3A_55 : memref<10112x128xf32, #tpu.memory_space<vmem_shared>>) offsets(%dma_start3A_52 : memref<128xi32, #tpu.memory_space<vmem>>) semaphore(%run_scoped3A_50 : memref<!tpu.dma_semaphore, #tpu.memory_space<semaphore_mem>>)
        %dma_wait3A = arith.constant 0 : i32
        %dma_wait3A_56 = tpu.memref_slice %arg9[%run_scoped3A, %dma_wait3A] : memref<8x128xi32, #tpu.memory_space<vmem>> -> memref<1x128xi32, #tpu.memory_space<vmem>>
        %dma_wait3A_57 = tpu.memref_squeeze %dma_wait3A_56 : memref<1x128xi32, #tpu.memory_space<vmem>> -> memref<128xi32, #tpu.memory_space<vmem>>
        %dma_wait3A_58 = arith.constant 0 : i32
        %dma_wait3A_59 = arith.constant 0 : i32
        %dma_wait3A_60 = tpu.memref_slice %arg12[%dma_wait3A_58, %dma_wait3A_59] : memref<10112x128xf32, #tpu.memory_space<vmem_shared>> -> memref<10112x128xf32, #tpu.memory_space<vmem_shared>>
        tpu.wait_indirect_dma semaphore(%run_scoped3A_50 : memref<!tpu.dma_semaphore, #tpu.memory_space<semaphore_mem>>) src(%arg10 : memref<128x128xf32, #tpu.memory_space<vmem>>) dst(%dma_wait3A_60 : memref<10112x128xf32, #tpu.memory_space<vmem_shared>>)
        tpu.yield
      }) : () -> ()
      %run_scoped3A_46 = arith.constant 1 : i32
      "tpu.region"() ({
        %run_scoped3A_50 = tpu.sem_alloc : memref<!tpu.dma_semaphore, #tpu.memory_space<semaphore_mem>>
        %dma_start3A = arith.constant 0 : i32
        %dma_start3A_51 = tpu.memref_slice %arg9[%run_scoped3A_46, %dma_start3A] : memref<8x128xi32, #tpu.memory_space<vmem>> -> memref<1x128xi32, #tpu.memory_space<vmem>>
        %dma_start3A_52 = tpu.memref_squeeze %dma_start3A_51 : memref<1x128xi32, #tpu.memory_space<vmem>> -> memref<128xi32, #tpu.memory_space<vmem>>
        %dma_start3A_53 = arith.constant 0 : i32
        %dma_start3A_54 = arith.constant 0 : i32
        %dma_start3A_55 = tpu.memref_slice %arg12[%dma_start3A_53, %dma_start3A_54] : memref<10112x128xf32, #tpu.memory_space<vmem_shared>> -> memref<10112x128xf32, #tpu.memory_space<vmem_shared>>
        tpu.enqueue_indirect_dma source(%arg10 : memref<128x128xf32, #tpu.memory_space<vmem>>) target(%dma_start3A_55 : memref<10112x128xf32, #tpu.memory_space<vmem_shared>>) offsets(%dma_start3A_52 : memref<128xi32, #tpu.memory_space<vmem>>) semaphore(%run_scoped3A_50 : memref<!tpu.dma_semaphore, #tpu.memory_space<semaphore_mem>>)
        %dma_wait3A = arith.constant 0 : i32
        %dma_wait3A_56 = tpu.memref_slice %arg9[%run_scoped3A_46, %dma_wait3A] : memref<8x128xi32, #tpu.memory_space<vmem>> -> memref<1x128xi32, #tpu.memory_space<vmem>>
        %dma_wait3A_57 = tpu.memref_squeeze %dma_wait3A_56 : memref<1x128xi32, #tpu.memory_space<vmem>> -> memref<128xi32, #tpu.memory_space<vmem>>
        %dma_wait3A_58 = arith.constant 0 : i32
        %dma_wait3A_59 = arith.constant 0 : i32
        %dma_wait3A_60 = tpu.memref_slice %arg12[%dma_wait3A_58, %dma_wait3A_59] : memref<10112x128xf32, #tpu.memory_space<vmem_shared>> -> memref<10112x128xf32, #tpu.memory_space<vmem_shared>>
        tpu.wait_indirect_dma semaphore(%run_scoped3A_50 : memref<!tpu.dma_semaphore, #tpu.memory_space<semaphore_mem>>) src(%arg10 : memref<128x128xf32, #tpu.memory_space<vmem>>) dst(%dma_wait3A_60 : memref<10112x128xf32, #tpu.memory_space<vmem_shared>>)
        tpu.yield
      }) : () -> ()
      %run_scoped3A_47 = arith.constant 2 : i32
      "tpu.region"() ({
        %run_scoped3A_50 = tpu.sem_alloc : memref<!tpu.dma_semaphore, #tpu.memory_space<semaphore_mem>>
        %dma_start3A = arith.constant 0 : i32
        %dma_start3A_51 = tpu.memref_slice %arg9[%run_scoped3A_47, %dma_start3A] : memref<8x128xi32, #tpu.memory_space<vmem>> -> memref<1x128xi32, #tpu.memory_space<vmem>>
        %dma_start3A_52 = tpu.memref_squeeze %dma_start3A_51 : memref<1x128xi32, #tpu.memory_space<vmem>> -> memref<128xi32, #tpu.memory_space<vmem>>
        %dma_start3A_53 = arith.constant 0 : i32
        %dma_start3A_54 = arith.constant 0 : i32
        %dma_start3A_55 = tpu.memref_slice %arg12[%dma_start3A_53, %dma_start3A_54] : memref<10112x128xf32, #tpu.memory_space<vmem_shared>> -> memref<10112x128xf32, #tpu.memory_space<vmem_shared>>
        tpu.enqueue_indirect_dma source(%arg10 : memref<128x128xf32, #tpu.memory_space<vmem>>) target(%dma_start3A_55 : memref<10112x128xf32, #tpu.memory_space<vmem_shared>>) offsets(%dma_start3A_52 : memref<128xi32, #tpu.memory_space<vmem>>) semaphore(%run_scoped3A_50 : memref<!tpu.dma_semaphore, #tpu.memory_space<semaphore_mem>>)
        %dma_wait3A = arith.constant 0 : i32
        %dma_wait3A_56 = tpu.memref_slice %arg9[%run_scoped3A_47, %dma_wait3A] : memref<8x128xi32, #tpu.memory_space<vmem>> -> memref<1x128xi32, #tpu.memory_space<vmem>>
        %dma_wait3A_57 = tpu.memref_squeeze %dma_wait3A_56 : memref<1x128xi32, #tpu.memory_space<vmem>> -> memref<128xi32, #tpu.memory_space<vmem>>
        %dma_wait3A_58 = arith.constant 0 : i32
        %dma_wait3A_59 = arith.constant 0 : i32
        %dma_wait3A_60 = tpu.memref_slice %arg12[%dma_wait3A_58, %dma_wait3A_59] : memref<10112x128xf32, #tpu.memory_space<vmem_shared>> -> memref<10112x128xf32, #tpu.memory_space<vmem_shared>>
        tpu.wait_indirect_dma semaphore(%run_scoped3A_50 : memref<!tpu.dma_semaphore, #tpu.memory_space<semaphore_mem>>) src(%arg10 : memref<128x128xf32, #tpu.memory_space<vmem>>) dst(%dma_wait3A_60 : memref<10112x128xf32, #tpu.memory_space<vmem_shared>>)
        tpu.yield
      }) : () -> ()
      %run_scoped3A_48 = arith.constant 3 : i32
      "tpu.region"() ({
        %run_scoped3A_50 = tpu.sem_alloc : memref<!tpu.dma_semaphore, #tpu.memory_space<semaphore_mem>>
        %dma_start3A = arith.constant 0 : i32
        %dma_start3A_51 = tpu.memref_slice %arg9[%run_scoped3A_48, %dma_start3A] : memref<8x128xi32, #tpu.memory_space<vmem>> -> memref<1x128xi32, #tpu.memory_space<vmem>>
        %dma_start3A_52 = tpu.memref_squeeze %dma_start3A_51 : memref<1x128xi32, #tpu.memory_space<vmem>> -> memref<128xi32, #tpu.memory_space<vmem>>
        %dma_start3A_53 = arith.constant 0 : i32
        %dma_start3A_54 = arith.constant 0 : i32
        %dma_start3A_55 = tpu.memref_slice %arg12[%dma_start3A_53, %dma_start3A_54] : memref<10112x128xf32, #tpu.memory_space<vmem_shared>> -> memref<10112x128xf32, #tpu.memory_space<vmem_shared>>
        tpu.enqueue_indirect_dma source(%arg10 : memref<128x128xf32, #tpu.memory_space<vmem>>) target(%dma_start3A_55 : memref<10112x128xf32, #tpu.memory_space<vmem_shared>>) offsets(%dma_start3A_52 : memref<128xi32, #tpu.memory_space<vmem>>) semaphore(%run_scoped3A_50 : memref<!tpu.dma_semaphore, #tpu.memory_space<semaphore_mem>>)
        %dma_wait3A = arith.constant 0 : i32
        %dma_wait3A_56 = tpu.memref_slice %arg9[%run_scoped3A_48, %dma_wait3A] : memref<8x128xi32, #tpu.memory_space<vmem>> -> memref<1x128xi32, #tpu.memory_space<vmem>>
        %dma_wait3A_57 = tpu.memref_squeeze %dma_wait3A_56 : memref<1x128xi32, #tpu.memory_space<vmem>> -> memref<128xi32, #tpu.memory_space<vmem>>
        %dma_wait3A_58 = arith.constant 0 : i32
        %dma_wait3A_59 = arith.constant 0 : i32
        %dma_wait3A_60 = tpu.memref_slice %arg12[%dma_wait3A_58, %dma_wait3A_59] : memref<10112x128xf32, #tpu.memory_space<vmem_shared>> -> memref<10112x128xf32, #tpu.memory_space<vmem_shared>>
        tpu.wait_indirect_dma semaphore(%run_scoped3A_50 : memref<!tpu.dma_semaphore, #tpu.memory_space<semaphore_mem>>) src(%arg10 : memref<128x128xf32, #tpu.memory_space<vmem>>) dst(%dma_wait3A_60 : memref<10112x128xf32, #tpu.memory_space<vmem_shared>>)
        tpu.yield
      }) : () -> ()
      %run_scoped3A_49 = arith.constant 4 : i32
      "tpu.region"() ({
        %run_scoped3A_50 = tpu.sem_alloc : memref<!tpu.dma_semaphore, #tpu.memory_space<semaphore_mem>>
        %dma_start3A = arith.constant 0 : i32
        %dma_start3A_51 = tpu.memref_slice %arg9[%run_scoped3A_49, %dma_start3A] : memref<8x128xi32, #tpu.memory_space<vmem>> -> memref<1x128xi32, #tpu.memory_space<vmem>>
        %dma_start3A_52 = tpu.memref_squeeze %dma_start3A_51 : memref<1x128xi32, #tpu.memory_space<vmem>> -> memref<128xi32, #tpu.memory_space<vmem>>
        %dma_start3A_53 = arith.constant 0 : i32
        %dma_start3A_54 = arith.constant 0 : i32
        %dma_start3A_55 = tpu.memref_slice %arg12[%dma_start3A_53, %dma_start3A_54] : memref<10112x128xf32, #tpu.memory_space<vmem_shared>> -> memref<10112x128xf32, #tpu.memory_space<vmem_shared>>
        tpu.enqueue_indirect_dma source(%arg10 : memref<128x128xf32, #tpu.memory_space<vmem>>) target(%dma_start3A_55 : memref<10112x128xf32, #tpu.memory_space<vmem_shared>>) offsets(%dma_start3A_52 : memref<128xi32, #tpu.memory_space<vmem>>) semaphore(%run_scoped3A_50 : memref<!tpu.dma_semaphore, #tpu.memory_space<semaphore_mem>>)
        %dma_wait3A = arith.constant 0 : i32
        %dma_wait3A_56 = tpu.memref_slice %arg9[%run_scoped3A_49, %dma_wait3A] : memref<8x128xi32, #tpu.memory_space<vmem>> -> memref<1x128xi32, #tpu.memory_space<vmem>>
        %dma_wait3A_57 = tpu.memref_squeeze %dma_wait3A_56 : memref<1x128xi32, #tpu.memory_space<vmem>> -> memref<128xi32, #tpu.memory_space<vmem>>
        %dma_wait3A_58 = arith.constant 0 : i32
        %dma_wait3A_59 = arith.constant 0 : i32
        %dma_wait3A_60 = tpu.memref_slice %arg12[%dma_wait3A_58, %dma_wait3A_59] : memref<10112x128xf32, #tpu.memory_space<vmem_shared>> -> memref<10112x128xf32, #tpu.memory_space<vmem_shared>>
        tpu.wait_indirect_dma semaphore(%run_scoped3A_50 : memref<!tpu.dma_semaphore, #tpu.memory_space<semaphore_mem>>) src(%arg10 : memref<128x128xf32, #tpu.memory_space<vmem>>) dst(%dma_wait3A_60 : memref<10112x128xf32, #tpu.memory_space<vmem_shared>>)
        tpu.yield
      }) : () -> ()
    } else {
    }
    %barrier3A = arith.constant 0 : index
    tpu.barrier barrier_id(%barrier3A)
    %eq3A_10 = arith.constant 0 : i32
    %eq3A_11 = arith.cmpi eq, %arg0, %eq3A_10 : i32
    %convert_element_type3A_12 = arith.extui %eq3A_11 : i1 to i32
    %cond3A_13 = arith.constant 0 : i32
    %cond3A_14 = arith.cmpi ne, %convert_element_type3A_12, %cond3A_13 : i32
    scf.if %cond3A_14 {
      %scan3A_39 = arith.constant 0 : i32
      %scan3A_40 = arith.constant 0 : i32
      %scan3A_41 = arith.constant 19 : i32
      %scan3A_42 = arith.addi %scan3A_40, %scan3A_41 : i32
      %scan3A_43 = arith.constant 1 : i32
      %scan3A_44 = scf.for %scan3A_46 = %scan3A_40 to %scan3A_42 step %scan3A_43 iter_args(%scan3A_47 = %scan3A_39) -> (i32)  : i32 {
        "tpu.region"() ({
          %run_scoped3A_166 = tpu.sem_alloc : memref<!tpu.dma_semaphore, #tpu.memory_space<semaphore_mem>>
          %dma_start3A_167 = arith.constant 0 : i32
          %dma_start3A_168 = arith.constant 0 : i32
          %dma_start3A_169 = tpu.memref_slice %arg3[%arg1, %scan3A_46, %dma_start3A_167, %dma_start3A_168] : memref<16x19x8x128xi32, #tpu.memory_space<hbm>> -> memref<1x1x8x128xi32, #tpu.memory_space<hbm>>
          %dma_start3A_170 = tpu.memref_squeeze %dma_start3A_169 : memref<1x1x8x128xi32, #tpu.memory_space<hbm>> -> memref<8x128xi32, #tpu.memory_space<hbm>>
          %dma_start3A_171 = arith.constant 0 : i32
          %dma_start3A_172 = arith.constant 0 : i32
          %dma_start3A_173 = tpu.memref_slice %arg3[%arg1, %scan3A_46, %dma_start3A_171, %dma_start3A_172] : memref<16x19x8x128xi32, #tpu.memory_space<hbm>> -> memref<1x1x8x128xi32, #tpu.memory_space<hbm>>
          %dma_start3A_174 = tpu.memref_squeeze %dma_start3A_173 : memref<1x1x8x128xi32, #tpu.memory_space<hbm>> -> memref<8x128xi32, #tpu.memory_space<hbm>>
          tpu.enqueue_dma source(%dma_start3A_174 : memref<8x128xi32, #tpu.memory_space<hbm>>) target(%arg8 : memref<8x128xi32, #tpu.memory_space<vmem>>) target_semaphore(%run_scoped3A_166 : memref<!tpu.dma_semaphore, #tpu.memory_space<semaphore_mem>>)
          %dma_wait3A_175 = arith.constant 0 : i32
          %dma_wait3A_176 = arith.constant 0 : i32
          %dma_wait3A_177 = tpu.memref_slice %arg3[%arg1, %scan3A_46, %dma_wait3A_175, %dma_wait3A_176] : memref<16x19x8x128xi32, #tpu.memory_space<hbm>> -> memref<1x1x8x128xi32, #tpu.memory_space<hbm>>
          %dma_wait3A_178 = tpu.memref_squeeze %dma_wait3A_177 : memref<1x1x8x128xi32, #tpu.memory_space<hbm>> -> memref<8x128xi32, #tpu.memory_space<hbm>>
          %dma_wait3A_179 = arith.constant 0 : i32
          %dma_wait3A_180 = arith.constant 0 : i32
          %dma_wait3A_181 = tpu.memref_slice %arg3[%arg1, %scan3A_46, %dma_wait3A_179, %dma_wait3A_180] : memref<16x19x8x128xi32, #tpu.memory_space<hbm>> -> memref<1x1x8x128xi32, #tpu.memory_space<hbm>>
          %dma_wait3A_182 = tpu.memref_squeeze %dma_wait3A_181 : memref<1x1x8x128xi32, #tpu.memory_space<hbm>> -> memref<8x128xi32, #tpu.memory_space<hbm>>
          tpu.wait_dma2 semaphore(%run_scoped3A_166 : memref<!tpu.dma_semaphore, #tpu.memory_space<semaphore_mem>>) src(%dma_wait3A_182 : memref<8x128xi32, #tpu.memory_space<hbm>>) dst(%arg8 : memref<8x128xi32, #tpu.memory_space<vmem>>)
          tpu.yield
        }) : () -> ()
        "tpu.region"() ({
          %run_scoped3A_166 = tpu.sem_alloc : memref<!tpu.dma_semaphore, #tpu.memory_space<semaphore_mem>>
          %dma_start3A_167 = arith.constant 0 : i32
          %dma_start3A_168 = arith.constant 0 : i32
          %dma_start3A_169 = tpu.memref_slice %arg4[%arg1, %scan3A_46, %dma_start3A_167, %dma_start3A_168] : memref<16x19x8x128xi32, #tpu.memory_space<hbm>> -> memref<1x1x8x128xi32, #tpu.memory_space<hbm>>
          %dma_start3A_170 = tpu.memref_squeeze %dma_start3A_169 : memref<1x1x8x128xi32, #tpu.memory_space<hbm>> -> memref<8x128xi32, #tpu.memory_space<hbm>>
          %dma_start3A_171 = arith.constant 0 : i32
          %dma_start3A_172 = arith.constant 0 : i32
          %dma_start3A_173 = tpu.memref_slice %arg4[%arg1, %scan3A_46, %dma_start3A_171, %dma_start3A_172] : memref<16x19x8x128xi32, #tpu.memory_space<hbm>> -> memref<1x1x8x128xi32, #tpu.memory_space<hbm>>
          %dma_start3A_174 = tpu.memref_squeeze %dma_start3A_173 : memref<1x1x8x128xi32, #tpu.memory_space<hbm>> -> memref<8x128xi32, #tpu.memory_space<hbm>>
          tpu.enqueue_dma source(%dma_start3A_174 : memref<8x128xi32, #tpu.memory_space<hbm>>) target(%arg9 : memref<8x128xi32, #tpu.memory_space<vmem>>) target_semaphore(%run_scoped3A_166 : memref<!tpu.dma_semaphore, #tpu.memory_space<semaphore_mem>>)
          %dma_wait3A_175 = arith.constant 0 : i32
          %dma_wait3A_176 = arith.constant 0 : i32
          %dma_wait3A_177 = tpu.memref_slice %arg4[%arg1, %scan3A_46, %dma_wait3A_175, %dma_wait3A_176] : memref<16x19x8x128xi32, #tpu.memory_space<hbm>> -> memref<1x1x8x128xi32, #tpu.memory_space<hbm>>
          %dma_wait3A_178 = tpu.memref_squeeze %dma_wait3A_177 : memref<1x1x8x128xi32, #tpu.memory_space<hbm>> -> memref<8x128xi32, #tpu.memory_space<hbm>>
          %dma_wait3A_179 = arith.constant 0 : i32
          %dma_wait3A_180 = arith.constant 0 : i32
          %dma_wait3A_181 = tpu.memref_slice %arg4[%arg1, %scan3A_46, %dma_wait3A_179, %dma_wait3A_180] : memref<16x19x8x128xi32, #tpu.memory_space<hbm>> -> memref<1x1x8x128xi32, #tpu.memory_space<hbm>>
          %dma_wait3A_182 = tpu.memref_squeeze %dma_wait3A_181 : memref<1x1x8x128xi32, #tpu.memory_space<hbm>> -> memref<8x128xi32, #tpu.memory_space<hbm>>
          tpu.wait_dma2 semaphore(%run_scoped3A_166 : memref<!tpu.dma_semaphore, #tpu.memory_space<semaphore_mem>>) src(%dma_wait3A_182 : memref<8x128xi32, #tpu.memory_space<hbm>>) dst(%arg9 : memref<8x128xi32, #tpu.memory_space<vmem>>)
          tpu.yield
        }) : () -> ()
        %dma_start3A = arith.constant 0 : i32
        %dma_start3A_48 = arith.constant 0 : i32
        %dma_start3A_49 = tpu.memref_slice %arg8[%dma_start3A, %dma_start3A_48] : memref<8x128xi32, #tpu.memory_space<vmem>> -> memref<1x128xi32, #tpu.memory_space<vmem>>
        %dma_start3A_50 = tpu.memref_squeeze %dma_start3A_49 : memref<1x128xi32, #tpu.memory_space<vmem>> -> memref<128xi32, #tpu.memory_space<vmem>>
        %dma_start3A_51 = arith.constant 0 : i32
        %dma_start3A_52 = arith.constant 0 : i32
        %dma_start3A_53 = tpu.memref_slice %arg2[%dma_start3A_51, %dma_start3A_52] : memref<10000x128xf32, #tpu.memory_space<hbm>> -> memref<10000x128xf32, #tpu.memory_space<hbm>>
        tpu.enqueue_indirect_dma source(%dma_start3A_53 : memref<10000x128xf32, #tpu.memory_space<hbm>>) target(%arg10 : memref<128x128xf32, #tpu.memory_space<vmem>>) offsets(%dma_start3A_50 : memref<128xi32, #tpu.memory_space<vmem>>) semaphore(%arg13 : memref<!tpu.dma_semaphore, #tpu.memory_space<semaphore_mem>>)
        %dma_start3A_54 = arith.constant 1 : i32
        %dma_start3A_55 = arith.constant 0 : i32
        %dma_start3A_56 = tpu.memref_slice %arg8[%dma_start3A_54, %dma_start3A_55] : memref<8x128xi32, #tpu.memory_space<vmem>> -> memref<1x128xi32, #tpu.memory_space<vmem>>
        %dma_start3A_57 = tpu.memref_squeeze %dma_start3A_56 : memref<1x128xi32, #tpu.memory_space<vmem>> -> memref<128xi32, #tpu.memory_space<vmem>>
        %dma_start3A_58 = arith.constant 0 : i32
        %dma_start3A_59 = arith.constant 0 : i32
        %dma_start3A_60 = tpu.memref_slice %arg2[%dma_start3A_58, %dma_start3A_59] : memref<10000x128xf32, #tpu.memory_space<hbm>> -> memref<10000x128xf32, #tpu.memory_space<hbm>>
        tpu.enqueue_indirect_dma source(%dma_start3A_60 : memref<10000x128xf32, #tpu.memory_space<hbm>>) target(%arg11 : memref<128x128xf32, #tpu.memory_space<vmem>>) offsets(%dma_start3A_57 : memref<128xi32, #tpu.memory_space<vmem>>) semaphore(%arg14 : memref<!tpu.dma_semaphore, #tpu.memory_space<semaphore_mem>>)
        %dma_wait3A = arith.constant 0 : i32
        %dma_wait3A_61 = arith.constant 0 : i32
        %dma_wait3A_62 = tpu.memref_slice %arg8[%dma_wait3A, %dma_wait3A_61] : memref<8x128xi32, #tpu.memory_space<vmem>> -> memref<1x128xi32, #tpu.memory_space<vmem>>
        %dma_wait3A_63 = tpu.memref_squeeze %dma_wait3A_62 : memref<1x128xi32, #tpu.memory_space<vmem>> -> memref<128xi32, #tpu.memory_space<vmem>>
        %dma_wait3A_64 = arith.constant 0 : i32
        %dma_wait3A_65 = arith.constant 0 : i32
        %dma_wait3A_66 = tpu.memref_slice %arg2[%dma_wait3A_64, %dma_wait3A_65] : memref<10000x128xf32, #tpu.memory_space<hbm>> -> memref<10000x128xf32, #tpu.memory_space<hbm>>
        tpu.wait_indirect_dma semaphore(%arg13 : memref<!tpu.dma_semaphore, #tpu.memory_space<semaphore_mem>>) src(%dma_wait3A_66 : memref<10000x128xf32, #tpu.memory_space<hbm>>) dst(%arg10 : memref<128x128xf32, #tpu.memory_space<vmem>>)
        %run_scoped3A = arith.constant 0 : i32
        "tpu.region"() ({
          %run_scoped3A_166 = tpu.sem_alloc : memref<!tpu.dma_semaphore, #tpu.memory_space<semaphore_mem>>
          %dma_start3A_167 = arith.constant 0 : i32
          %dma_start3A_168 = tpu.memref_slice %arg9[%run_scoped3A, %dma_start3A_167] : memref<8x128xi32, #tpu.memory_space<vmem>> -> memref<1x128xi32, #tpu.memory_space<vmem>>
          %dma_start3A_169 = tpu.memref_squeeze %dma_start3A_168 : memref<1x128xi32, #tpu.memory_space<vmem>> -> memref<128xi32, #tpu.memory_space<vmem>>
          %dma_start3A_170 = arith.constant 0 : i32
          %dma_start3A_171 = arith.constant 0 : i32
          %dma_start3A_172 = tpu.memref_slice %arg12[%dma_start3A_170, %dma_start3A_171] : memref<10112x128xf32, #tpu.memory_space<vmem_shared>> -> memref<10112x128xf32, #tpu.memory_space<vmem_shared>>
          tpu.enqueue_indirect_dma source(%arg10 : memref<128x128xf32, #tpu.memory_space<vmem>>) target(%dma_start3A_172 : memref<10112x128xf32, #tpu.memory_space<vmem_shared>>) offsets(%dma_start3A_169 : memref<128xi32, #tpu.memory_space<vmem>>) semaphore(%run_scoped3A_166 : memref<!tpu.dma_semaphore, #tpu.memory_space<semaphore_mem>>) {add = true}
          %dma_wait3A_173 = arith.constant 0 : i32
          %dma_wait3A_174 = tpu.memref_slice %arg9[%run_scoped3A, %dma_wait3A_173] : memref<8x128xi32, #tpu.memory_space<vmem>> -> memref<1x128xi32, #tpu.memory_space<vmem>>
          %dma_wait3A_175 = tpu.memref_squeeze %dma_wait3A_174 : memref<1x128xi32, #tpu.memory_space<vmem>> -> memref<128xi32, #tpu.memory_space<vmem>>
          %dma_wait3A_176 = arith.constant 0 : i32
          %dma_wait3A_177 = arith.constant 0 : i32
          %dma_wait3A_178 = tpu.memref_slice %arg12[%dma_wait3A_176, %dma_wait3A_177] : memref<10112x128xf32, #tpu.memory_space<vmem_shared>> -> memref<10112x128xf32, #tpu.memory_space<vmem_shared>>
          tpu.wait_indirect_dma semaphore(%run_scoped3A_166 : memref<!tpu.dma_semaphore, #tpu.memory_space<semaphore_mem>>) src(%arg10 : memref<128x128xf32, #tpu.memory_space<vmem>>) dst(%dma_wait3A_178 : memref<10112x128xf32, #tpu.memory_space<vmem_shared>>)
          tpu.yield
        }) : () -> ()
        %dma_start3A_67 = arith.constant 2 : i32
        %dma_start3A_68 = arith.constant 0 : i32
        %dma_start3A_69 = tpu.memref_slice %arg8[%dma_start3A_67, %dma_start3A_68] : memref<8x128xi32, #tpu.memory_space<vmem>> -> memref<1x128xi32, #tpu.memory_space<vmem>>
        %dma_start3A_70 = tpu.memref_squeeze %dma_start3A_69 : memref<1x128xi32, #tpu.memory_space<vmem>> -> memref<128xi32, #tpu.memory_space<vmem>>
        %dma_start3A_71 = arith.constant 0 : i32
        %dma_start3A_72 = arith.constant 0 : i32
        %dma_start3A_73 = tpu.memref_slice %arg2[%dma_start3A_71, %dma_start3A_72] : memref<10000x128xf32, #tpu.memory_space<hbm>> -> memref<10000x128xf32, #tpu.memory_space<hbm>>
        tpu.enqueue_indirect_dma source(%dma_start3A_73 : memref<10000x128xf32, #tpu.memory_space<hbm>>) target(%arg10 : memref<128x128xf32, #tpu.memory_space<vmem>>) offsets(%dma_start3A_70 : memref<128xi32, #tpu.memory_space<vmem>>) semaphore(%arg13 : memref<!tpu.dma_semaphore, #tpu.memory_space<semaphore_mem>>)
        %dma_wait3A_74 = arith.constant 1 : i32
        %dma_wait3A_75 = arith.constant 0 : i32
        %dma_wait3A_76 = tpu.memref_slice %arg8[%dma_wait3A_74, %dma_wait3A_75] : memref<8x128xi32, #tpu.memory_space<vmem>> -> memref<1x128xi32, #tpu.memory_space<vmem>>
        %dma_wait3A_77 = tpu.memref_squeeze %dma_wait3A_76 : memref<1x128xi32, #tpu.memory_space<vmem>> -> memref<128xi32, #tpu.memory_space<vmem>>
        %dma_wait3A_78 = arith.constant 0 : i32
        %dma_wait3A_79 = arith.constant 0 : i32
        %dma_wait3A_80 = tpu.memref_slice %arg2[%dma_wait3A_78, %dma_wait3A_79] : memref<10000x128xf32, #tpu.memory_space<hbm>> -> memref<10000x128xf32, #tpu.memory_space<hbm>>
        tpu.wait_indirect_dma semaphore(%arg14 : memref<!tpu.dma_semaphore, #tpu.memory_space<semaphore_mem>>) src(%dma_wait3A_80 : memref<10000x128xf32, #tpu.memory_space<hbm>>) dst(%arg11 : memref<128x128xf32, #tpu.memory_space<vmem>>)
        %run_scoped3A_81 = arith.constant 1 : i32
        "tpu.region"() ({
          %run_scoped3A_166 = tpu.sem_alloc : memref<!tpu.dma_semaphore, #tpu.memory_space<semaphore_mem>>
          %dma_start3A_167 = arith.constant 0 : i32
          %dma_start3A_168 = tpu.memref_slice %arg9[%run_scoped3A_81, %dma_start3A_167] : memref<8x128xi32, #tpu.memory_space<vmem>> -> memref<1x128xi32, #tpu.memory_space<vmem>>
          %dma_start3A_169 = tpu.memref_squeeze %dma_start3A_168 : memref<1x128xi32, #tpu.memory_space<vmem>> -> memref<128xi32, #tpu.memory_space<vmem>>
          %dma_start3A_170 = arith.constant 0 : i32
          %dma_start3A_171 = arith.constant 0 : i32
          %dma_start3A_172 = tpu.memref_slice %arg12[%dma_start3A_170, %dma_start3A_171] : memref<10112x128xf32, #tpu.memory_space<vmem_shared>> -> memref<10112x128xf32, #tpu.memory_space<vmem_shared>>
          tpu.enqueue_indirect_dma source(%arg11 : memref<128x128xf32, #tpu.memory_space<vmem>>) target(%dma_start3A_172 : memref<10112x128xf32, #tpu.memory_space<vmem_shared>>) offsets(%dma_start3A_169 : memref<128xi32, #tpu.memory_space<vmem>>) semaphore(%run_scoped3A_166 : memref<!tpu.dma_semaphore, #tpu.memory_space<semaphore_mem>>) {add = true}
          %dma_wait3A_173 = arith.constant 0 : i32
          %dma_wait3A_174 = tpu.memref_slice %arg9[%run_scoped3A_81, %dma_wait3A_173] : memref<8x128xi32, #tpu.memory_space<vmem>> -> memref<1x128xi32, #tpu.memory_space<vmem>>
          %dma_wait3A_175 = tpu.memref_squeeze %dma_wait3A_174 : memref<1x128xi32, #tpu.memory_space<vmem>> -> memref<128xi32, #tpu.memory_space<vmem>>
          %dma_wait3A_176 = arith.constant 0 : i32
          %dma_wait3A_177 = arith.constant 0 : i32
          %dma_wait3A_178 = tpu.memref_slice %arg12[%dma_wait3A_176, %dma_wait3A_177] : memref<10112x128xf32, #tpu.memory_space<vmem_shared>> -> memref<10112x128xf32, #tpu.memory_space<vmem_shared>>
          tpu.wait_indirect_dma semaphore(%run_scoped3A_166 : memref<!tpu.dma_semaphore, #tpu.memory_space<semaphore_mem>>) src(%arg11 : memref<128x128xf32, #tpu.memory_space<vmem>>) dst(%dma_wait3A_178 : memref<10112x128xf32, #tpu.memory_space<vmem_shared>>)
          tpu.yield
        }) : () -> ()
        %dma_start3A_82 = arith.constant 3 : i32
        %dma_start3A_83 = arith.constant 0 : i32
        %dma_start3A_84 = tpu.memref_slice %arg8[%dma_start3A_82, %dma_start3A_83] : memref<8x128xi32, #tpu.memory_space<vmem>> -> memref<1x128xi32, #tpu.memory_space<vmem>>
        %dma_start3A_85 = tpu.memref_squeeze %dma_start3A_84 : memref<1x128xi32, #tpu.memory_space<vmem>> -> memref<128xi32, #tpu.memory_space<vmem>>
        %dma_start3A_86 = arith.constant 0 : i32
        %dma_start3A_87 = arith.constant 0 : i32
        %dma_start3A_88 = tpu.memref_slice %arg2[%dma_start3A_86, %dma_start3A_87] : memref<10000x128xf32, #tpu.memory_space<hbm>> -> memref<10000x128xf32, #tpu.memory_space<hbm>>
        tpu.enqueue_indirect_dma source(%dma_start3A_88 : memref<10000x128xf32, #tpu.memory_space<hbm>>) target(%arg11 : memref<128x128xf32, #tpu.memory_space<vmem>>) offsets(%dma_start3A_85 : memref<128xi32, #tpu.memory_space<vmem>>) semaphore(%arg14 : memref<!tpu.dma_semaphore, #tpu.memory_space<semaphore_mem>>)
        %dma_wait3A_89 = arith.constant 2 : i32
        %dma_wait3A_90 = arith.constant 0 : i32
        %dma_wait3A_91 = tpu.memref_slice %arg8[%dma_wait3A_89, %dma_wait3A_90] : memref<8x128xi32, #tpu.memory_space<vmem>> -> memref<1x128xi32, #tpu.memory_space<vmem>>
        %dma_wait3A_92 = tpu.memref_squeeze %dma_wait3A_91 : memref<1x128xi32, #tpu.memory_space<vmem>> -> memref<128xi32, #tpu.memory_space<vmem>>
        %dma_wait3A_93 = arith.constant 0 : i32
        %dma_wait3A_94 = arith.constant 0 : i32
        %dma_wait3A_95 = tpu.memref_slice %arg2[%dma_wait3A_93, %dma_wait3A_94] : memref<10000x128xf32, #tpu.memory_space<hbm>> -> memref<10000x128xf32, #tpu.memory_space<hbm>>
        tpu.wait_indirect_dma semaphore(%arg13 : memref<!tpu.dma_semaphore, #tpu.memory_space<semaphore_mem>>) src(%dma_wait3A_95 : memref<10000x128xf32, #tpu.memory_space<hbm>>) dst(%arg10 : memref<128x128xf32, #tpu.memory_space<vmem>>)
        %run_scoped3A_96 = arith.constant 2 : i32
        "tpu.region"() ({
          %run_scoped3A_166 = tpu.sem_alloc : memref<!tpu.dma_semaphore, #tpu.memory_space<semaphore_mem>>
          %dma_start3A_167 = arith.constant 0 : i32
          %dma_start3A_168 = tpu.memref_slice %arg9[%run_scoped3A_96, %dma_start3A_167] : memref<8x128xi32, #tpu.memory_space<vmem>> -> memref<1x128xi32, #tpu.memory_space<vmem>>
          %dma_start3A_169 = tpu.memref_squeeze %dma_start3A_168 : memref<1x128xi32, #tpu.memory_space<vmem>> -> memref<128xi32, #tpu.memory_space<vmem>>
          %dma_start3A_170 = arith.constant 0 : i32
          %dma_start3A_171 = arith.constant 0 : i32
          %dma_start3A_172 = tpu.memref_slice %arg12[%dma_start3A_170, %dma_start3A_171] : memref<10112x128xf32, #tpu.memory_space<vmem_shared>> -> memref<10112x128xf32, #tpu.memory_space<vmem_shared>>
          tpu.enqueue_indirect_dma source(%arg10 : memref<128x128xf32, #tpu.memory_space<vmem>>) target(%dma_start3A_172 : memref<10112x128xf32, #tpu.memory_space<vmem_shared>>) offsets(%dma_start3A_169 : memref<128xi32, #tpu.memory_space<vmem>>) semaphore(%run_scoped3A_166 : memref<!tpu.dma_semaphore, #tpu.memory_space<semaphore_mem>>) {add = true}
          %dma_wait3A_173 = arith.constant 0 : i32
          %dma_wait3A_174 = tpu.memref_slice %arg9[%run_scoped3A_96, %dma_wait3A_173] : memref<8x128xi32, #tpu.memory_space<vmem>> -> memref<1x128xi32, #tpu.memory_space<vmem>>
          %dma_wait3A_175 = tpu.memref_squeeze %dma_wait3A_174 : memref<1x128xi32, #tpu.memory_space<vmem>> -> memref<128xi32, #tpu.memory_space<vmem>>
          %dma_wait3A_176 = arith.constant 0 : i32
          %dma_wait3A_177 = arith.constant 0 : i32
          %dma_wait3A_178 = tpu.memref_slice %arg12[%dma_wait3A_176, %dma_wait3A_177] : memref<10112x128xf32, #tpu.memory_space<vmem_shared>> -> memref<10112x128xf32, #tpu.memory_space<vmem_shared>>
          tpu.wait_indirect_dma semaphore(%run_scoped3A_166 : memref<!tpu.dma_semaphore, #tpu.memory_space<semaphore_mem>>) src(%arg10 : memref<128x128xf32, #tpu.memory_space<vmem>>) dst(%dma_wait3A_178 : memref<10112x128xf32, #tpu.memory_space<vmem_shared>>)
          tpu.yield
        }) : () -> ()
        %dma_start3A_97 = arith.constant 4 : i32
        %dma_start3A_98 = arith.constant 0 : i32
        %dma_start3A_99 = tpu.memref_slice %arg8[%dma_start3A_97, %dma_start3A_98] : memref<8x128xi32, #tpu.memory_space<vmem>> -> memref<1x128xi32, #tpu.memory_space<vmem>>
        %dma_start3A_100 = tpu.memref_squeeze %dma_start3A_99 : memref<1x128xi32, #tpu.memory_space<vmem>> -> memref<128xi32, #tpu.memory_space<vmem>>
        %dma_start3A_101 = arith.constant 0 : i32
        %dma_start3A_102 = arith.constant 0 : i32
        %dma_start3A_103 = tpu.memref_slice %arg2[%dma_start3A_101, %dma_start3A_102] : memref<10000x128xf32, #tpu.memory_space<hbm>> -> memref<10000x128xf32, #tpu.memory_space<hbm>>
        tpu.enqueue_indirect_dma source(%dma_start3A_103 : memref<10000x128xf32, #tpu.memory_space<hbm>>) target(%arg10 : memref<128x128xf32, #tpu.memory_space<vmem>>) offsets(%dma_start3A_100 : memref<128xi32, #tpu.memory_space<vmem>>) semaphore(%arg13 : memref<!tpu.dma_semaphore, #tpu.memory_space<semaphore_mem>>)
        %dma_wait3A_104 = arith.constant 3 : i32
        %dma_wait3A_105 = arith.constant 0 : i32
        %dma_wait3A_106 = tpu.memref_slice %arg8[%dma_wait3A_104, %dma_wait3A_105] : memref<8x128xi32, #tpu.memory_space<vmem>> -> memref<1x128xi32, #tpu.memory_space<vmem>>
        %dma_wait3A_107 = tpu.memref_squeeze %dma_wait3A_106 : memref<1x128xi32, #tpu.memory_space<vmem>> -> memref<128xi32, #tpu.memory_space<vmem>>
        %dma_wait3A_108 = arith.constant 0 : i32
        %dma_wait3A_109 = arith.constant 0 : i32
        %dma_wait3A_110 = tpu.memref_slice %arg2[%dma_wait3A_108, %dma_wait3A_109] : memref<10000x128xf32, #tpu.memory_space<hbm>> -> memref<10000x128xf32, #tpu.memory_space<hbm>>
        tpu.wait_indirect_dma semaphore(%arg14 : memref<!tpu.dma_semaphore, #tpu.memory_space<semaphore_mem>>) src(%dma_wait3A_110 : memref<10000x128xf32, #tpu.memory_space<hbm>>) dst(%arg11 : memref<128x128xf32, #tpu.memory_space<vmem>>)
        %run_scoped3A_111 = arith.constant 3 : i32
        "tpu.region"() ({
          %run_scoped3A_166 = tpu.sem_alloc : memref<!tpu.dma_semaphore, #tpu.memory_space<semaphore_mem>>
          %dma_start3A_167 = arith.constant 0 : i32
          %dma_start3A_168 = tpu.memref_slice %arg9[%run_scoped3A_111, %dma_start3A_167] : memref<8x128xi32, #tpu.memory_space<vmem>> -> memref<1x128xi32, #tpu.memory_space<vmem>>
          %dma_start3A_169 = tpu.memref_squeeze %dma_start3A_168 : memref<1x128xi32, #tpu.memory_space<vmem>> -> memref<128xi32, #tpu.memory_space<vmem>>
          %dma_start3A_170 = arith.constant 0 : i32
          %dma_start3A_171 = arith.constant 0 : i32
          %dma_start3A_172 = tpu.memref_slice %arg12[%dma_start3A_170, %dma_start3A_171] : memref<10112x128xf32, #tpu.memory_space<vmem_shared>> -> memref<10112x128xf32, #tpu.memory_space<vmem_shared>>
          tpu.enqueue_indirect_dma source(%arg11 : memref<128x128xf32, #tpu.memory_space<vmem>>) target(%dma_start3A_172 : memref<10112x128xf32, #tpu.memory_space<vmem_shared>>) offsets(%dma_start3A_169 : memref<128xi32, #tpu.memory_space<vmem>>) semaphore(%run_scoped3A_166 : memref<!tpu.dma_semaphore, #tpu.memory_space<semaphore_mem>>) {add = true}
          %dma_wait3A_173 = arith.constant 0 : i32
          %dma_wait3A_174 = tpu.memref_slice %arg9[%run_scoped3A_111, %dma_wait3A_173] : memref<8x128xi32, #tpu.memory_space<vmem>> -> memref<1x128xi32, #tpu.memory_space<vmem>>
          %dma_wait3A_175 = tpu.memref_squeeze %dma_wait3A_174 : memref<1x128xi32, #tpu.memory_space<vmem>> -> memref<128xi32, #tpu.memory_space<vmem>>
          %dma_wait3A_176 = arith.constant 0 : i32
          %dma_wait3A_177 = arith.constant 0 : i32
          %dma_wait3A_178 = tpu.memref_slice %arg12[%dma_wait3A_176, %dma_wait3A_177] : memref<10112x128xf32, #tpu.memory_space<vmem_shared>> -> memref<10112x128xf32, #tpu.memory_space<vmem_shared>>
          tpu.wait_indirect_dma semaphore(%run_scoped3A_166 : memref<!tpu.dma_semaphore, #tpu.memory_space<semaphore_mem>>) src(%arg11 : memref<128x128xf32, #tpu.memory_space<vmem>>) dst(%dma_wait3A_178 : memref<10112x128xf32, #tpu.memory_space<vmem_shared>>)
          tpu.yield
        }) : () -> ()
        %dma_start3A_112 = arith.constant 5 : i32
        %dma_start3A_113 = arith.constant 0 : i32
        %dma_start3A_114 = tpu.memref_slice %arg8[%dma_start3A_112, %dma_start3A_113] : memref<8x128xi32, #tpu.memory_space<vmem>> -> memref<1x128xi32, #tpu.memory_space<vmem>>
        %dma_start3A_115 = tpu.memref_squeeze %dma_start3A_114 : memref<1x128xi32, #tpu.memory_space<vmem>> -> memref<128xi32, #tpu.memory_space<vmem>>
        %dma_start3A_116 = arith.constant 0 : i32
        %dma_start3A_117 = arith.constant 0 : i32
        %dma_start3A_118 = tpu.memref_slice %arg2[%dma_start3A_116, %dma_start3A_117] : memref<10000x128xf32, #tpu.memory_space<hbm>> -> memref<10000x128xf32, #tpu.memory_space<hbm>>
        tpu.enqueue_indirect_dma source(%dma_start3A_118 : memref<10000x128xf32, #tpu.memory_space<hbm>>) target(%arg11 : memref<128x128xf32, #tpu.memory_space<vmem>>) offsets(%dma_start3A_115 : memref<128xi32, #tpu.memory_space<vmem>>) semaphore(%arg14 : memref<!tpu.dma_semaphore, #tpu.memory_space<semaphore_mem>>)
        %dma_wait3A_119 = arith.constant 4 : i32
        %dma_wait3A_120 = arith.constant 0 : i32
        %dma_wait3A_121 = tpu.memref_slice %arg8[%dma_wait3A_119, %dma_wait3A_120] : memref<8x128xi32, #tpu.memory_space<vmem>> -> memref<1x128xi32, #tpu.memory_space<vmem>>
        %dma_wait3A_122 = tpu.memref_squeeze %dma_wait3A_121 : memref<1x128xi32, #tpu.memory_space<vmem>> -> memref<128xi32, #tpu.memory_space<vmem>>
        %dma_wait3A_123 = arith.constant 0 : i32
        %dma_wait3A_124 = arith.constant 0 : i32
        %dma_wait3A_125 = tpu.memref_slice %arg2[%dma_wait3A_123, %dma_wait3A_124] : memref<10000x128xf32, #tpu.memory_space<hbm>> -> memref<10000x128xf32, #tpu.memory_space<hbm>>
        tpu.wait_indirect_dma semaphore(%arg13 : memref<!tpu.dma_semaphore, #tpu.memory_space<semaphore_mem>>) src(%dma_wait3A_125 : memref<10000x128xf32, #tpu.memory_space<hbm>>) dst(%arg10 : memref<128x128xf32, #tpu.memory_space<vmem>>)
        %run_scoped3A_126 = arith.constant 4 : i32
        "tpu.region"() ({
          %run_scoped3A_166 = tpu.sem_alloc : memref<!tpu.dma_semaphore, #tpu.memory_space<semaphore_mem>>
          %dma_start3A_167 = arith.constant 0 : i32
          %dma_start3A_168 = tpu.memref_slice %arg9[%run_scoped3A_126, %dma_start3A_167] : memref<8x128xi32, #tpu.memory_space<vmem>> -> memref<1x128xi32, #tpu.memory_space<vmem>>
          %dma_start3A_169 = tpu.memref_squeeze %dma_start3A_168 : memref<1x128xi32, #tpu.memory_space<vmem>> -> memref<128xi32, #tpu.memory_space<vmem>>
          %dma_start3A_170 = arith.constant 0 : i32
          %dma_start3A_171 = arith.constant 0 : i32
          %dma_start3A_172 = tpu.memref_slice %arg12[%dma_start3A_170, %dma_start3A_171] : memref<10112x128xf32, #tpu.memory_space<vmem_shared>> -> memref<10112x128xf32, #tpu.memory_space<vmem_shared>>
          tpu.enqueue_indirect_dma source(%arg10 : memref<128x128xf32, #tpu.memory_space<vmem>>) target(%dma_start3A_172 : memref<10112x128xf32, #tpu.memory_space<vmem_shared>>) offsets(%dma_start3A_169 : memref<128xi32, #tpu.memory_space<vmem>>) semaphore(%run_scoped3A_166 : memref<!tpu.dma_semaphore, #tpu.memory_space<semaphore_mem>>) {add = true}
          %dma_wait3A_173 = arith.constant 0 : i32
          %dma_wait3A_174 = tpu.memref_slice %arg9[%run_scoped3A_126, %dma_wait3A_173] : memref<8x128xi32, #tpu.memory_space<vmem>> -> memref<1x128xi32, #tpu.memory_space<vmem>>
          %dma_wait3A_175 = tpu.memref_squeeze %dma_wait3A_174 : memref<1x128xi32, #tpu.memory_space<vmem>> -> memref<128xi32, #tpu.memory_space<vmem>>
          %dma_wait3A_176 = arith.constant 0 : i32
          %dma_wait3A_177 = arith.constant 0 : i32
          %dma_wait3A_178 = tpu.memref_slice %arg12[%dma_wait3A_176, %dma_wait3A_177] : memref<10112x128xf32, #tpu.memory_space<vmem_shared>> -> memref<10112x128xf32, #tpu.memory_space<vmem_shared>>
          tpu.wait_indirect_dma semaphore(%run_scoped3A_166 : memref<!tpu.dma_semaphore, #tpu.memory_space<semaphore_mem>>) src(%arg10 : memref<128x128xf32, #tpu.memory_space<vmem>>) dst(%dma_wait3A_178 : memref<10112x128xf32, #tpu.memory_space<vmem_shared>>)
          tpu.yield
        }) : () -> ()
        %dma_start3A_127 = arith.constant 6 : i32
        %dma_start3A_128 = arith.constant 0 : i32
        %dma_start3A_129 = tpu.memref_slice %arg8[%dma_start3A_127, %dma_start3A_128] : memref<8x128xi32, #tpu.memory_space<vmem>> -> memref<1x128xi32, #tpu.memory_space<vmem>>
        %dma_start3A_130 = tpu.memref_squeeze %dma_start3A_129 : memref<1x128xi32, #tpu.memory_space<vmem>> -> memref<128xi32, #tpu.memory_space<vmem>>
        %dma_start3A_131 = arith.constant 0 : i32
        %dma_start3A_132 = arith.constant 0 : i32
        %dma_start3A_133 = tpu.memref_slice %arg2[%dma_start3A_131, %dma_start3A_132] : memref<10000x128xf32, #tpu.memory_space<hbm>> -> memref<10000x128xf32, #tpu.memory_space<hbm>>
        tpu.enqueue_indirect_dma source(%dma_start3A_133 : memref<10000x128xf32, #tpu.memory_space<hbm>>) target(%arg10 : memref<128x128xf32, #tpu.memory_space<vmem>>) offsets(%dma_start3A_130 : memref<128xi32, #tpu.memory_space<vmem>>) semaphore(%arg13 : memref<!tpu.dma_semaphore, #tpu.memory_space<semaphore_mem>>)
        %dma_wait3A_134 = arith.constant 5 : i32
        %dma_wait3A_135 = arith.constant 0 : i32
        %dma_wait3A_136 = tpu.memref_slice %arg8[%dma_wait3A_134, %dma_wait3A_135] : memref<8x128xi32, #tpu.memory_space<vmem>> -> memref<1x128xi32, #tpu.memory_space<vmem>>
        %dma_wait3A_137 = tpu.memref_squeeze %dma_wait3A_136 : memref<1x128xi32, #tpu.memory_space<vmem>> -> memref<128xi32, #tpu.memory_space<vmem>>
        %dma_wait3A_138 = arith.constant 0 : i32
        %dma_wait3A_139 = arith.constant 0 : i32
        %dma_wait3A_140 = tpu.memref_slice %arg2[%dma_wait3A_138, %dma_wait3A_139] : memref<10000x128xf32, #tpu.memory_space<hbm>> -> memref<10000x128xf32, #tpu.memory_space<hbm>>
        tpu.wait_indirect_dma semaphore(%arg14 : memref<!tpu.dma_semaphore, #tpu.memory_space<semaphore_mem>>) src(%dma_wait3A_140 : memref<10000x128xf32, #tpu.memory_space<hbm>>) dst(%arg11 : memref<128x128xf32, #tpu.memory_space<vmem>>)
        %run_scoped3A_141 = arith.constant 5 : i32
        "tpu.region"() ({
          %run_scoped3A_166 = tpu.sem_alloc : memref<!tpu.dma_semaphore, #tpu.memory_space<semaphore_mem>>
          %dma_start3A_167 = arith.constant 0 : i32
          %dma_start3A_168 = tpu.memref_slice %arg9[%run_scoped3A_141, %dma_start3A_167] : memref<8x128xi32, #tpu.memory_space<vmem>> -> memref<1x128xi32, #tpu.memory_space<vmem>>
          %dma_start3A_169 = tpu.memref_squeeze %dma_start3A_168 : memref<1x128xi32, #tpu.memory_space<vmem>> -> memref<128xi32, #tpu.memory_space<vmem>>
          %dma_start3A_170 = arith.constant 0 : i32
          %dma_start3A_171 = arith.constant 0 : i32
          %dma_start3A_172 = tpu.memref_slice %arg12[%dma_start3A_170, %dma_start3A_171] : memref<10112x128xf32, #tpu.memory_space<vmem_shared>> -> memref<10112x128xf32, #tpu.memory_space<vmem_shared>>
          tpu.enqueue_indirect_dma source(%arg11 : memref<128x128xf32, #tpu.memory_space<vmem>>) target(%dma_start3A_172 : memref<10112x128xf32, #tpu.memory_space<vmem_shared>>) offsets(%dma_start3A_169 : memref<128xi32, #tpu.memory_space<vmem>>) semaphore(%run_scoped3A_166 : memref<!tpu.dma_semaphore, #tpu.memory_space<semaphore_mem>>) {add = true}
          %dma_wait3A_173 = arith.constant 0 : i32
          %dma_wait3A_174 = tpu.memref_slice %arg9[%run_scoped3A_141, %dma_wait3A_173] : memref<8x128xi32, #tpu.memory_space<vmem>> -> memref<1x128xi32, #tpu.memory_space<vmem>>
          %dma_wait3A_175 = tpu.memref_squeeze %dma_wait3A_174 : memref<1x128xi32, #tpu.memory_space<vmem>> -> memref<128xi32, #tpu.memory_space<vmem>>
          %dma_wait3A_176 = arith.constant 0 : i32
          %dma_wait3A_177 = arith.constant 0 : i32
          %dma_wait3A_178 = tpu.memref_slice %arg12[%dma_wait3A_176, %dma_wait3A_177] : memref<10112x128xf32, #tpu.memory_space<vmem_shared>> -> memref<10112x128xf32, #tpu.memory_space<vmem_shared>>
          tpu.wait_indirect_dma semaphore(%run_scoped3A_166 : memref<!tpu.dma_semaphore, #tpu.memory_space<semaphore_mem>>) src(%arg11 : memref<128x128xf32, #tpu.memory_space<vmem>>) dst(%dma_wait3A_178 : memref<10112x128xf32, #tpu.memory_space<vmem_shared>>)
          tpu.yield
        }) : () -> ()
        %dma_start3A_142 = arith.constant 7 : i32
        %dma_start3A_143 = arith.constant 0 : i32
        %dma_start3A_144 = tpu.memref_slice %arg8[%dma_start3A_142, %dma_start3A_143] : memref<8x128xi32, #tpu.memory_space<vmem>> -> memref<1x128xi32, #tpu.memory_space<vmem>>
        %dma_start3A_145 = tpu.memref_squeeze %dma_start3A_144 : memref<1x128xi32, #tpu.memory_space<vmem>> -> memref<128xi32, #tpu.memory_space<vmem>>
        %dma_start3A_146 = arith.constant 0 : i32
        %dma_start3A_147 = arith.constant 0 : i32
        %dma_start3A_148 = tpu.memref_slice %arg2[%dma_start3A_146, %dma_start3A_147] : memref<10000x128xf32, #tpu.memory_space<hbm>> -> memref<10000x128xf32, #tpu.memory_space<hbm>>
        tpu.enqueue_indirect_dma source(%dma_start3A_148 : memref<10000x128xf32, #tpu.memory_space<hbm>>) target(%arg11 : memref<128x128xf32, #tpu.memory_space<vmem>>) offsets(%dma_start3A_145 : memref<128xi32, #tpu.memory_space<vmem>>) semaphore(%arg14 : memref<!tpu.dma_semaphore, #tpu.memory_space<semaphore_mem>>)
        %dma_wait3A_149 = arith.constant 6 : i32
        %dma_wait3A_150 = arith.constant 0 : i32
        %dma_wait3A_151 = tpu.memref_slice %arg8[%dma_wait3A_149, %dma_wait3A_150] : memref<8x128xi32, #tpu.memory_space<vmem>> -> memref<1x128xi32, #tpu.memory_space<vmem>>
        %dma_wait3A_152 = tpu.memref_squeeze %dma_wait3A_151 : memref<1x128xi32, #tpu.memory_space<vmem>> -> memref<128xi32, #tpu.memory_space<vmem>>
        %dma_wait3A_153 = arith.constant 0 : i32
        %dma_wait3A_154 = arith.constant 0 : i32
        %dma_wait3A_155 = tpu.memref_slice %arg2[%dma_wait3A_153, %dma_wait3A_154] : memref<10000x128xf32, #tpu.memory_space<hbm>> -> memref<10000x128xf32, #tpu.memory_space<hbm>>
        tpu.wait_indirect_dma semaphore(%arg13 : memref<!tpu.dma_semaphore, #tpu.memory_space<semaphore_mem>>) src(%dma_wait3A_155 : memref<10000x128xf32, #tpu.memory_space<hbm>>) dst(%arg10 : memref<128x128xf32, #tpu.memory_space<vmem>>)
        %run_scoped3A_156 = arith.constant 6 : i32
        "tpu.region"() ({
          %run_scoped3A_166 = tpu.sem_alloc : memref<!tpu.dma_semaphore, #tpu.memory_space<semaphore_mem>>
          %dma_start3A_167 = arith.constant 0 : i32
          %dma_start3A_168 = tpu.memref_slice %arg9[%run_scoped3A_156, %dma_start3A_167] : memref<8x128xi32, #tpu.memory_space<vmem>> -> memref<1x128xi32, #tpu.memory_space<vmem>>
          %dma_start3A_169 = tpu.memref_squeeze %dma_start3A_168 : memref<1x128xi32, #tpu.memory_space<vmem>> -> memref<128xi32, #tpu.memory_space<vmem>>
          %dma_start3A_170 = arith.constant 0 : i32
          %dma_start3A_171 = arith.constant 0 : i32
          %dma_start3A_172 = tpu.memref_slice %arg12[%dma_start3A_170, %dma_start3A_171] : memref<10112x128xf32, #tpu.memory_space<vmem_shared>> -> memref<10112x128xf32, #tpu.memory_space<vmem_shared>>
          tpu.enqueue_indirect_dma source(%arg10 : memref<128x128xf32, #tpu.memory_space<vmem>>) target(%dma_start3A_172 : memref<10112x128xf32, #tpu.memory_space<vmem_shared>>) offsets(%dma_start3A_169 : memref<128xi32, #tpu.memory_space<vmem>>) semaphore(%run_scoped3A_166 : memref<!tpu.dma_semaphore, #tpu.memory_space<semaphore_mem>>) {add = true}
          %dma_wait3A_173 = arith.constant 0 : i32
          %dma_wait3A_174 = tpu.memref_slice %arg9[%run_scoped3A_156, %dma_wait3A_173] : memref<8x128xi32, #tpu.memory_space<vmem>> -> memref<1x128xi32, #tpu.memory_space<vmem>>
          %dma_wait3A_175 = tpu.memref_squeeze %dma_wait3A_174 : memref<1x128xi32, #tpu.memory_space<vmem>> -> memref<128xi32, #tpu.memory_space<vmem>>
          %dma_wait3A_176 = arith.constant 0 : i32
          %dma_wait3A_177 = arith.constant 0 : i32
          %dma_wait3A_178 = tpu.memref_slice %arg12[%dma_wait3A_176, %dma_wait3A_177] : memref<10112x128xf32, #tpu.memory_space<vmem_shared>> -> memref<10112x128xf32, #tpu.memory_space<vmem_shared>>
          tpu.wait_indirect_dma semaphore(%run_scoped3A_166 : memref<!tpu.dma_semaphore, #tpu.memory_space<semaphore_mem>>) src(%arg10 : memref<128x128xf32, #tpu.memory_space<vmem>>) dst(%dma_wait3A_178 : memref<10112x128xf32, #tpu.memory_space<vmem_shared>>)
          tpu.yield
        }) : () -> ()
        %dma_wait3A_157 = arith.constant 7 : i32
        %dma_wait3A_158 = arith.constant 0 : i32
        %dma_wait3A_159 = tpu.memref_slice %arg8[%dma_wait3A_157, %dma_wait3A_158] : memref<8x128xi32, #tpu.memory_space<vmem>> -> memref<1x128xi32, #tpu.memory_space<vmem>>
        %dma_wait3A_160 = tpu.memref_squeeze %dma_wait3A_159 : memref<1x128xi32, #tpu.memory_space<vmem>> -> memref<128xi32, #tpu.memory_space<vmem>>
        %dma_wait3A_161 = arith.constant 0 : i32
        %dma_wait3A_162 = arith.constant 0 : i32
        %dma_wait3A_163 = tpu.memref_slice %arg2[%dma_wait3A_161, %dma_wait3A_162] : memref<10000x128xf32, #tpu.memory_space<hbm>> -> memref<10000x128xf32, #tpu.memory_space<hbm>>
        tpu.wait_indirect_dma semaphore(%arg14 : memref<!tpu.dma_semaphore, #tpu.memory_space<semaphore_mem>>) src(%dma_wait3A_163 : memref<10000x128xf32, #tpu.memory_space<hbm>>) dst(%arg11 : memref<128x128xf32, #tpu.memory_space<vmem>>)
        %run_scoped3A_164 = arith.constant 7 : i32
        "tpu.region"() ({
          %run_scoped3A_166 = tpu.sem_alloc : memref<!tpu.dma_semaphore, #tpu.memory_space<semaphore_mem>>
          %dma_start3A_167 = arith.constant 0 : i32
          %dma_start3A_168 = tpu.memref_slice %arg9[%run_scoped3A_164, %dma_start3A_167] : memref<8x128xi32, #tpu.memory_space<vmem>> -> memref<1x128xi32, #tpu.memory_space<vmem>>
          %dma_start3A_169 = tpu.memref_squeeze %dma_start3A_168 : memref<1x128xi32, #tpu.memory_space<vmem>> -> memref<128xi32, #tpu.memory_space<vmem>>
          %dma_start3A_170 = arith.constant 0 : i32
          %dma_start3A_171 = arith.constant 0 : i32
          %dma_start3A_172 = tpu.memref_slice %arg12[%dma_start3A_170, %dma_start3A_171] : memref<10112x128xf32, #tpu.memory_space<vmem_shared>> -> memref<10112x128xf32, #tpu.memory_space<vmem_shared>>
          tpu.enqueue_indirect_dma source(%arg11 : memref<128x128xf32, #tpu.memory_space<vmem>>) target(%dma_start3A_172 : memref<10112x128xf32, #tpu.memory_space<vmem_shared>>) offsets(%dma_start3A_169 : memref<128xi32, #tpu.memory_space<vmem>>) semaphore(%run_scoped3A_166 : memref<!tpu.dma_semaphore, #tpu.memory_space<semaphore_mem>>) {add = true}
          %dma_wait3A_173 = arith.constant 0 : i32
          %dma_wait3A_174 = tpu.memref_slice %arg9[%run_scoped3A_164, %dma_wait3A_173] : memref<8x128xi32, #tpu.memory_space<vmem>> -> memref<1x128xi32, #tpu.memory_space<vmem>>
          %dma_wait3A_175 = tpu.memref_squeeze %dma_wait3A_174 : memref<1x128xi32, #tpu.memory_space<vmem>> -> memref<128xi32, #tpu.memory_space<vmem>>
          %dma_wait3A_176 = arith.constant 0 : i32
          %dma_wait3A_177 = arith.constant 0 : i32
          %dma_wait3A_178 = tpu.memref_slice %arg12[%dma_wait3A_176, %dma_wait3A_177] : memref<10112x128xf32, #tpu.memory_space<vmem_shared>> -> memref<10112x128xf32, #tpu.memory_space<vmem_shared>>
          tpu.wait_indirect_dma semaphore(%run_scoped3A_166 : memref<!tpu.dma_semaphore, #tpu.memory_space<semaphore_mem>>) src(%arg11 : memref<128x128xf32, #tpu.memory_space<vmem>>) dst(%dma_wait3A_178 : memref<10112x128xf32, #tpu.memory_space<vmem_shared>>)
          tpu.yield
        }) : () -> ()
        %scan3A_165 = arith.constant 0 : i32
        scf.yield %scan3A_165 : i32
      }
      %scan3A_45 = arith.constant 19 : i32
    } else {
    }
    %eq3A_15 = arith.constant 1 : i32
    %eq3A_16 = arith.cmpi eq, %arg0, %eq3A_15 : i32
    %convert_element_type3A_17 = arith.extui %eq3A_16 : i1 to i32
    %cond3A_18 = arith.constant 0 : i32
    %cond3A_19 = arith.cmpi ne, %convert_element_type3A_17, %cond3A_18 : i32
    scf.if %cond3A_19 {
      %scan3A_39 = arith.constant 0 : i32
      %scan3A_40 = arith.constant 0 : i32
      "tpu.region"() ({
        %run_scoped3A_160 = tpu.sem_alloc : memref<!tpu.dma_semaphore, #tpu.memory_space<semaphore_mem>>
        %dma_start3A_161 = arith.constant 0 : i32
        %dma_start3A_162 = arith.constant 0 : i32
        %dma_start3A_163 = tpu.memref_slice %arg5[%arg1, %scan3A_40, %dma_start3A_161, %dma_start3A_162] : memref<16x1x8x128xi32, #tpu.memory_space<hbm>> -> memref<1x1x8x128xi32, #tpu.memory_space<hbm>>
        %dma_start3A_164 = tpu.memref_squeeze %dma_start3A_163 : memref<1x1x8x128xi32, #tpu.memory_space<hbm>> -> memref<8x128xi32, #tpu.memory_space<hbm>>
        %dma_start3A_165 = arith.constant 0 : i32
        %dma_start3A_166 = arith.constant 0 : i32
        %dma_start3A_167 = tpu.memref_slice %arg5[%arg1, %scan3A_40, %dma_start3A_165, %dma_start3A_166] : memref<16x1x8x128xi32, #tpu.memory_space<hbm>> -> memref<1x1x8x128xi32, #tpu.memory_space<hbm>>
        %dma_start3A_168 = tpu.memref_squeeze %dma_start3A_167 : memref<1x1x8x128xi32, #tpu.memory_space<hbm>> -> memref<8x128xi32, #tpu.memory_space<hbm>>
        tpu.enqueue_dma source(%dma_start3A_168 : memref<8x128xi32, #tpu.memory_space<hbm>>) target(%arg8 : memref<8x128xi32, #tpu.memory_space<vmem>>) target_semaphore(%run_scoped3A_160 : memref<!tpu.dma_semaphore, #tpu.memory_space<semaphore_mem>>)
        %dma_wait3A_169 = arith.constant 0 : i32
        %dma_wait3A_170 = arith.constant 0 : i32
        %dma_wait3A_171 = tpu.memref_slice %arg5[%arg1, %scan3A_40, %dma_wait3A_169, %dma_wait3A_170] : memref<16x1x8x128xi32, #tpu.memory_space<hbm>> -> memref<1x1x8x128xi32, #tpu.memory_space<hbm>>
        %dma_wait3A_172 = tpu.memref_squeeze %dma_wait3A_171 : memref<1x1x8x128xi32, #tpu.memory_space<hbm>> -> memref<8x128xi32, #tpu.memory_space<hbm>>
        %dma_wait3A_173 = arith.constant 0 : i32
        %dma_wait3A_174 = arith.constant 0 : i32
        %dma_wait3A_175 = tpu.memref_slice %arg5[%arg1, %scan3A_40, %dma_wait3A_173, %dma_wait3A_174] : memref<16x1x8x128xi32, #tpu.memory_space<hbm>> -> memref<1x1x8x128xi32, #tpu.memory_space<hbm>>
        %dma_wait3A_176 = tpu.memref_squeeze %dma_wait3A_175 : memref<1x1x8x128xi32, #tpu.memory_space<hbm>> -> memref<8x128xi32, #tpu.memory_space<hbm>>
        tpu.wait_dma2 semaphore(%run_scoped3A_160 : memref<!tpu.dma_semaphore, #tpu.memory_space<semaphore_mem>>) src(%dma_wait3A_176 : memref<8x128xi32, #tpu.memory_space<hbm>>) dst(%arg8 : memref<8x128xi32, #tpu.memory_space<vmem>>)
        tpu.yield
      }) : () -> ()
      "tpu.region"() ({
        %run_scoped3A_160 = tpu.sem_alloc : memref<!tpu.dma_semaphore, #tpu.memory_space<semaphore_mem>>
        %dma_start3A_161 = arith.constant 0 : i32
        %dma_start3A_162 = arith.constant 0 : i32
        %dma_start3A_163 = tpu.memref_slice %arg6[%arg1, %scan3A_40, %dma_start3A_161, %dma_start3A_162] : memref<16x1x8x128xi32, #tpu.memory_space<hbm>> -> memref<1x1x8x128xi32, #tpu.memory_space<hbm>>
        %dma_start3A_164 = tpu.memref_squeeze %dma_start3A_163 : memref<1x1x8x128xi32, #tpu.memory_space<hbm>> -> memref<8x128xi32, #tpu.memory_space<hbm>>
        %dma_start3A_165 = arith.constant 0 : i32
        %dma_start3A_166 = arith.constant 0 : i32
        %dma_start3A_167 = tpu.memref_slice %arg6[%arg1, %scan3A_40, %dma_start3A_165, %dma_start3A_166] : memref<16x1x8x128xi32, #tpu.memory_space<hbm>> -> memref<1x1x8x128xi32, #tpu.memory_space<hbm>>
        %dma_start3A_168 = tpu.memref_squeeze %dma_start3A_167 : memref<1x1x8x128xi32, #tpu.memory_space<hbm>> -> memref<8x128xi32, #tpu.memory_space<hbm>>
        tpu.enqueue_dma source(%dma_start3A_168 : memref<8x128xi32, #tpu.memory_space<hbm>>) target(%arg9 : memref<8x128xi32, #tpu.memory_space<vmem>>) target_semaphore(%run_scoped3A_160 : memref<!tpu.dma_semaphore, #tpu.memory_space<semaphore_mem>>)
        %dma_wait3A_169 = arith.constant 0 : i32
        %dma_wait3A_170 = arith.constant 0 : i32
        %dma_wait3A_171 = tpu.memref_slice %arg6[%arg1, %scan3A_40, %dma_wait3A_169, %dma_wait3A_170] : memref<16x1x8x128xi32, #tpu.memory_space<hbm>> -> memref<1x1x8x128xi32, #tpu.memory_space<hbm>>
        %dma_wait3A_172 = tpu.memref_squeeze %dma_wait3A_171 : memref<1x1x8x128xi32, #tpu.memory_space<hbm>> -> memref<8x128xi32, #tpu.memory_space<hbm>>
        %dma_wait3A_173 = arith.constant 0 : i32
        %dma_wait3A_174 = arith.constant 0 : i32
        %dma_wait3A_175 = tpu.memref_slice %arg6[%arg1, %scan3A_40, %dma_wait3A_173, %dma_wait3A_174] : memref<16x1x8x128xi32, #tpu.memory_space<hbm>> -> memref<1x1x8x128xi32, #tpu.memory_space<hbm>>
        %dma_wait3A_176 = tpu.memref_squeeze %dma_wait3A_175 : memref<1x1x8x128xi32, #tpu.memory_space<hbm>> -> memref<8x128xi32, #tpu.memory_space<hbm>>
        tpu.wait_dma2 semaphore(%run_scoped3A_160 : memref<!tpu.dma_semaphore, #tpu.memory_space<semaphore_mem>>) src(%dma_wait3A_176 : memref<8x128xi32, #tpu.memory_space<hbm>>) dst(%arg9 : memref<8x128xi32, #tpu.memory_space<vmem>>)
        tpu.yield
      }) : () -> ()
      %dma_start3A = arith.constant 0 : i32
      %dma_start3A_41 = arith.constant 0 : i32
      %dma_start3A_42 = tpu.memref_slice %arg8[%dma_start3A, %dma_start3A_41] : memref<8x128xi32, #tpu.memory_space<vmem>> -> memref<1x128xi32, #tpu.memory_space<vmem>>
      %dma_start3A_43 = tpu.memref_squeeze %dma_start3A_42 : memref<1x128xi32, #tpu.memory_space<vmem>> -> memref<128xi32, #tpu.memory_space<vmem>>
      %dma_start3A_44 = arith.constant 0 : i32
      %dma_start3A_45 = arith.constant 0 : i32
      %dma_start3A_46 = tpu.memref_slice %arg2[%dma_start3A_44, %dma_start3A_45] : memref<10000x128xf32, #tpu.memory_space<hbm>> -> memref<10000x128xf32, #tpu.memory_space<hbm>>
      tpu.enqueue_indirect_dma source(%dma_start3A_46 : memref<10000x128xf32, #tpu.memory_space<hbm>>) target(%arg10 : memref<128x128xf32, #tpu.memory_space<vmem>>) offsets(%dma_start3A_43 : memref<128xi32, #tpu.memory_space<vmem>>) semaphore(%arg13 : memref<!tpu.dma_semaphore, #tpu.memory_space<semaphore_mem>>)
      %dma_start3A_47 = arith.constant 1 : i32
      %dma_start3A_48 = arith.constant 0 : i32
      %dma_start3A_49 = tpu.memref_slice %arg8[%dma_start3A_47, %dma_start3A_48] : memref<8x128xi32, #tpu.memory_space<vmem>> -> memref<1x128xi32, #tpu.memory_space<vmem>>
      %dma_start3A_50 = tpu.memref_squeeze %dma_start3A_49 : memref<1x128xi32, #tpu.memory_space<vmem>> -> memref<128xi32, #tpu.memory_space<vmem>>
      %dma_start3A_51 = arith.constant 0 : i32
      %dma_start3A_52 = arith.constant 0 : i32
      %dma_start3A_53 = tpu.memref_slice %arg2[%dma_start3A_51, %dma_start3A_52] : memref<10000x128xf32, #tpu.memory_space<hbm>> -> memref<10000x128xf32, #tpu.memory_space<hbm>>
      tpu.enqueue_indirect_dma source(%dma_start3A_53 : memref<10000x128xf32, #tpu.memory_space<hbm>>) target(%arg11 : memref<128x128xf32, #tpu.memory_space<vmem>>) offsets(%dma_start3A_50 : memref<128xi32, #tpu.memory_space<vmem>>) semaphore(%arg14 : memref<!tpu.dma_semaphore, #tpu.memory_space<semaphore_mem>>)
      %dma_wait3A = arith.constant 0 : i32
      %dma_wait3A_54 = arith.constant 0 : i32
      %dma_wait3A_55 = tpu.memref_slice %arg8[%dma_wait3A, %dma_wait3A_54] : memref<8x128xi32, #tpu.memory_space<vmem>> -> memref<1x128xi32, #tpu.memory_space<vmem>>
      %dma_wait3A_56 = tpu.memref_squeeze %dma_wait3A_55 : memref<1x128xi32, #tpu.memory_space<vmem>> -> memref<128xi32, #tpu.memory_space<vmem>>
      %dma_wait3A_57 = arith.constant 0 : i32
      %dma_wait3A_58 = arith.constant 0 : i32
      %dma_wait3A_59 = tpu.memref_slice %arg2[%dma_wait3A_57, %dma_wait3A_58] : memref<10000x128xf32, #tpu.memory_space<hbm>> -> memref<10000x128xf32, #tpu.memory_space<hbm>>
      tpu.wait_indirect_dma semaphore(%arg13 : memref<!tpu.dma_semaphore, #tpu.memory_space<semaphore_mem>>) src(%dma_wait3A_59 : memref<10000x128xf32, #tpu.memory_space<hbm>>) dst(%arg10 : memref<128x128xf32, #tpu.memory_space<vmem>>)
      %run_scoped3A = arith.constant 0 : i32
      "tpu.region"() ({
        %run_scoped3A_160 = tpu.sem_alloc : memref<!tpu.dma_semaphore, #tpu.memory_space<semaphore_mem>>
        %dma_start3A_161 = arith.constant 0 : i32
        %dma_start3A_162 = tpu.memref_slice %arg9[%run_scoped3A, %dma_start3A_161] : memref<8x128xi32, #tpu.memory_space<vmem>> -> memref<1x128xi32, #tpu.memory_space<vmem>>
        %dma_start3A_163 = tpu.memref_squeeze %dma_start3A_162 : memref<1x128xi32, #tpu.memory_space<vmem>> -> memref<128xi32, #tpu.memory_space<vmem>>
        %dma_start3A_164 = arith.constant 0 : i32
        %dma_start3A_165 = arith.constant 0 : i32
        %dma_start3A_166 = tpu.memref_slice %arg12[%dma_start3A_164, %dma_start3A_165] : memref<10112x128xf32, #tpu.memory_space<vmem_shared>> -> memref<10112x128xf32, #tpu.memory_space<vmem_shared>>
        tpu.enqueue_indirect_dma source(%arg10 : memref<128x128xf32, #tpu.memory_space<vmem>>) target(%dma_start3A_166 : memref<10112x128xf32, #tpu.memory_space<vmem_shared>>) offsets(%dma_start3A_163 : memref<128xi32, #tpu.memory_space<vmem>>) semaphore(%run_scoped3A_160 : memref<!tpu.dma_semaphore, #tpu.memory_space<semaphore_mem>>) {add = true}
        %dma_wait3A_167 = arith.constant 0 : i32
        %dma_wait3A_168 = tpu.memref_slice %arg9[%run_scoped3A, %dma_wait3A_167] : memref<8x128xi32, #tpu.memory_space<vmem>> -> memref<1x128xi32, #tpu.memory_space<vmem>>
        %dma_wait3A_169 = tpu.memref_squeeze %dma_wait3A_168 : memref<1x128xi32, #tpu.memory_space<vmem>> -> memref<128xi32, #tpu.memory_space<vmem>>
        %dma_wait3A_170 = arith.constant 0 : i32
        %dma_wait3A_171 = arith.constant 0 : i32
        %dma_wait3A_172 = tpu.memref_slice %arg12[%dma_wait3A_170, %dma_wait3A_171] : memref<10112x128xf32, #tpu.memory_space<vmem_shared>> -> memref<10112x128xf32, #tpu.memory_space<vmem_shared>>
        tpu.wait_indirect_dma semaphore(%run_scoped3A_160 : memref<!tpu.dma_semaphore, #tpu.memory_space<semaphore_mem>>) src(%arg10 : memref<128x128xf32, #tpu.memory_space<vmem>>) dst(%dma_wait3A_172 : memref<10112x128xf32, #tpu.memory_space<vmem_shared>>)
        tpu.yield
      }) : () -> ()
      %dma_start3A_60 = arith.constant 2 : i32
      %dma_start3A_61 = arith.constant 0 : i32
      %dma_start3A_62 = tpu.memref_slice %arg8[%dma_start3A_60, %dma_start3A_61] : memref<8x128xi32, #tpu.memory_space<vmem>> -> memref<1x128xi32, #tpu.memory_space<vmem>>
      %dma_start3A_63 = tpu.memref_squeeze %dma_start3A_62 : memref<1x128xi32, #tpu.memory_space<vmem>> -> memref<128xi32, #tpu.memory_space<vmem>>
      %dma_start3A_64 = arith.constant 0 : i32
      %dma_start3A_65 = arith.constant 0 : i32
      %dma_start3A_66 = tpu.memref_slice %arg2[%dma_start3A_64, %dma_start3A_65] : memref<10000x128xf32, #tpu.memory_space<hbm>> -> memref<10000x128xf32, #tpu.memory_space<hbm>>
      tpu.enqueue_indirect_dma source(%dma_start3A_66 : memref<10000x128xf32, #tpu.memory_space<hbm>>) target(%arg10 : memref<128x128xf32, #tpu.memory_space<vmem>>) offsets(%dma_start3A_63 : memref<128xi32, #tpu.memory_space<vmem>>) semaphore(%arg13 : memref<!tpu.dma_semaphore, #tpu.memory_space<semaphore_mem>>)
      %dma_wait3A_67 = arith.constant 1 : i32
      %dma_wait3A_68 = arith.constant 0 : i32
      %dma_wait3A_69 = tpu.memref_slice %arg8[%dma_wait3A_67, %dma_wait3A_68] : memref<8x128xi32, #tpu.memory_space<vmem>> -> memref<1x128xi32, #tpu.memory_space<vmem>>
      %dma_wait3A_70 = tpu.memref_squeeze %dma_wait3A_69 : memref<1x128xi32, #tpu.memory_space<vmem>> -> memref<128xi32, #tpu.memory_space<vmem>>
      %dma_wait3A_71 = arith.constant 0 : i32
      %dma_wait3A_72 = arith.constant 0 : i32
      %dma_wait3A_73 = tpu.memref_slice %arg2[%dma_wait3A_71, %dma_wait3A_72] : memref<10000x128xf32, #tpu.memory_space<hbm>> -> memref<10000x128xf32, #tpu.memory_space<hbm>>
      tpu.wait_indirect_dma semaphore(%arg14 : memref<!tpu.dma_semaphore, #tpu.memory_space<semaphore_mem>>) src(%dma_wait3A_73 : memref<10000x128xf32, #tpu.memory_space<hbm>>) dst(%arg11 : memref<128x128xf32, #tpu.memory_space<vmem>>)
      %run_scoped3A_74 = arith.constant 1 : i32
      "tpu.region"() ({
        %run_scoped3A_160 = tpu.sem_alloc : memref<!tpu.dma_semaphore, #tpu.memory_space<semaphore_mem>>
        %dma_start3A_161 = arith.constant 0 : i32
        %dma_start3A_162 = tpu.memref_slice %arg9[%run_scoped3A_74, %dma_start3A_161] : memref<8x128xi32, #tpu.memory_space<vmem>> -> memref<1x128xi32, #tpu.memory_space<vmem>>
        %dma_start3A_163 = tpu.memref_squeeze %dma_start3A_162 : memref<1x128xi32, #tpu.memory_space<vmem>> -> memref<128xi32, #tpu.memory_space<vmem>>
        %dma_start3A_164 = arith.constant 0 : i32
        %dma_start3A_165 = arith.constant 0 : i32
        %dma_start3A_166 = tpu.memref_slice %arg12[%dma_start3A_164, %dma_start3A_165] : memref<10112x128xf32, #tpu.memory_space<vmem_shared>> -> memref<10112x128xf32, #tpu.memory_space<vmem_shared>>
        tpu.enqueue_indirect_dma source(%arg11 : memref<128x128xf32, #tpu.memory_space<vmem>>) target(%dma_start3A_166 : memref<10112x128xf32, #tpu.memory_space<vmem_shared>>) offsets(%dma_start3A_163 : memref<128xi32, #tpu.memory_space<vmem>>) semaphore(%run_scoped3A_160 : memref<!tpu.dma_semaphore, #tpu.memory_space<semaphore_mem>>) {add = true}
        %dma_wait3A_167 = arith.constant 0 : i32
        %dma_wait3A_168 = tpu.memref_slice %arg9[%run_scoped3A_74, %dma_wait3A_167] : memref<8x128xi32, #tpu.memory_space<vmem>> -> memref<1x128xi32, #tpu.memory_space<vmem>>
        %dma_wait3A_169 = tpu.memref_squeeze %dma_wait3A_168 : memref<1x128xi32, #tpu.memory_space<vmem>> -> memref<128xi32, #tpu.memory_space<vmem>>
        %dma_wait3A_170 = arith.constant 0 : i32
        %dma_wait3A_171 = arith.constant 0 : i32
        %dma_wait3A_172 = tpu.memref_slice %arg12[%dma_wait3A_170, %dma_wait3A_171] : memref<10112x128xf32, #tpu.memory_space<vmem_shared>> -> memref<10112x128xf32, #tpu.memory_space<vmem_shared>>
        tpu.wait_indirect_dma semaphore(%run_scoped3A_160 : memref<!tpu.dma_semaphore, #tpu.memory_space<semaphore_mem>>) src(%arg11 : memref<128x128xf32, #tpu.memory_space<vmem>>) dst(%dma_wait3A_172 : memref<10112x128xf32, #tpu.memory_space<vmem_shared>>)
        tpu.yield
      }) : () -> ()
      %dma_start3A_75 = arith.constant 3 : i32
      %dma_start3A_76 = arith.constant 0 : i32
      %dma_start3A_77 = tpu.memref_slice %arg8[%dma_start3A_75, %dma_start3A_76] : memref<8x128xi32, #tpu.memory_space<vmem>> -> memref<1x128xi32, #tpu.memory_space<vmem>>
      %dma_start3A_78 = tpu.memref_squeeze %dma_start3A_77 : memref<1x128xi32, #tpu.memory_space<vmem>> -> memref<128xi32, #tpu.memory_space<vmem>>
      %dma_start3A_79 = arith.constant 0 : i32
      %dma_start3A_80 = arith.constant 0 : i32
      %dma_start3A_81 = tpu.memref_slice %arg2[%dma_start3A_79, %dma_start3A_80] : memref<10000x128xf32, #tpu.memory_space<hbm>> -> memref<10000x128xf32, #tpu.memory_space<hbm>>
      tpu.enqueue_indirect_dma source(%dma_start3A_81 : memref<10000x128xf32, #tpu.memory_space<hbm>>) target(%arg11 : memref<128x128xf32, #tpu.memory_space<vmem>>) offsets(%dma_start3A_78 : memref<128xi32, #tpu.memory_space<vmem>>) semaphore(%arg14 : memref<!tpu.dma_semaphore, #tpu.memory_space<semaphore_mem>>)
      %dma_wait3A_82 = arith.constant 2 : i32
      %dma_wait3A_83 = arith.constant 0 : i32
      %dma_wait3A_84 = tpu.memref_slice %arg8[%dma_wait3A_82, %dma_wait3A_83] : memref<8x128xi32, #tpu.memory_space<vmem>> -> memref<1x128xi32, #tpu.memory_space<vmem>>
      %dma_wait3A_85 = tpu.memref_squeeze %dma_wait3A_84 : memref<1x128xi32, #tpu.memory_space<vmem>> -> memref<128xi32, #tpu.memory_space<vmem>>
      %dma_wait3A_86 = arith.constant 0 : i32
      %dma_wait3A_87 = arith.constant 0 : i32
      %dma_wait3A_88 = tpu.memref_slice %arg2[%dma_wait3A_86, %dma_wait3A_87] : memref<10000x128xf32, #tpu.memory_space<hbm>> -> memref<10000x128xf32, #tpu.memory_space<hbm>>
      tpu.wait_indirect_dma semaphore(%arg13 : memref<!tpu.dma_semaphore, #tpu.memory_space<semaphore_mem>>) src(%dma_wait3A_88 : memref<10000x128xf32, #tpu.memory_space<hbm>>) dst(%arg10 : memref<128x128xf32, #tpu.memory_space<vmem>>)
      %run_scoped3A_89 = arith.constant 2 : i32
      "tpu.region"() ({
        %run_scoped3A_160 = tpu.sem_alloc : memref<!tpu.dma_semaphore, #tpu.memory_space<semaphore_mem>>
        %dma_start3A_161 = arith.constant 0 : i32
        %dma_start3A_162 = tpu.memref_slice %arg9[%run_scoped3A_89, %dma_start3A_161] : memref<8x128xi32, #tpu.memory_space<vmem>> -> memref<1x128xi32, #tpu.memory_space<vmem>>
        %dma_start3A_163 = tpu.memref_squeeze %dma_start3A_162 : memref<1x128xi32, #tpu.memory_space<vmem>> -> memref<128xi32, #tpu.memory_space<vmem>>
        %dma_start3A_164 = arith.constant 0 : i32
        %dma_start3A_165 = arith.constant 0 : i32
        %dma_start3A_166 = tpu.memref_slice %arg12[%dma_start3A_164, %dma_start3A_165] : memref<10112x128xf32, #tpu.memory_space<vmem_shared>> -> memref<10112x128xf32, #tpu.memory_space<vmem_shared>>
        tpu.enqueue_indirect_dma source(%arg10 : memref<128x128xf32, #tpu.memory_space<vmem>>) target(%dma_start3A_166 : memref<10112x128xf32, #tpu.memory_space<vmem_shared>>) offsets(%dma_start3A_163 : memref<128xi32, #tpu.memory_space<vmem>>) semaphore(%run_scoped3A_160 : memref<!tpu.dma_semaphore, #tpu.memory_space<semaphore_mem>>) {add = true}
        %dma_wait3A_167 = arith.constant 0 : i32
        %dma_wait3A_168 = tpu.memref_slice %arg9[%run_scoped3A_89, %dma_wait3A_167] : memref<8x128xi32, #tpu.memory_space<vmem>> -> memref<1x128xi32, #tpu.memory_space<vmem>>
        %dma_wait3A_169 = tpu.memref_squeeze %dma_wait3A_168 : memref<1x128xi32, #tpu.memory_space<vmem>> -> memref<128xi32, #tpu.memory_space<vmem>>
        %dma_wait3A_170 = arith.constant 0 : i32
        %dma_wait3A_171 = arith.constant 0 : i32
        %dma_wait3A_172 = tpu.memref_slice %arg12[%dma_wait3A_170, %dma_wait3A_171] : memref<10112x128xf32, #tpu.memory_space<vmem_shared>> -> memref<10112x128xf32, #tpu.memory_space<vmem_shared>>
        tpu.wait_indirect_dma semaphore(%run_scoped3A_160 : memref<!tpu.dma_semaphore, #tpu.memory_space<semaphore_mem>>) src(%arg10 : memref<128x128xf32, #tpu.memory_space<vmem>>) dst(%dma_wait3A_172 : memref<10112x128xf32, #tpu.memory_space<vmem_shared>>)
        tpu.yield
      }) : () -> ()
      %dma_start3A_90 = arith.constant 4 : i32
      %dma_start3A_91 = arith.constant 0 : i32
      %dma_start3A_92 = tpu.memref_slice %arg8[%dma_start3A_90, %dma_start3A_91] : memref<8x128xi32, #tpu.memory_space<vmem>> -> memref<1x128xi32, #tpu.memory_space<vmem>>
      %dma_start3A_93 = tpu.memref_squeeze %dma_start3A_92 : memref<1x128xi32, #tpu.memory_space<vmem>> -> memref<128xi32, #tpu.memory_space<vmem>>
      %dma_start3A_94 = arith.constant 0 : i32
      %dma_start3A_95 = arith.constant 0 : i32
      %dma_start3A_96 = tpu.memref_slice %arg2[%dma_start3A_94, %dma_start3A_95] : memref<10000x128xf32, #tpu.memory_space<hbm>> -> memref<10000x128xf32, #tpu.memory_space<hbm>>
      tpu.enqueue_indirect_dma source(%dma_start3A_96 : memref<10000x128xf32, #tpu.memory_space<hbm>>) target(%arg10 : memref<128x128xf32, #tpu.memory_space<vmem>>) offsets(%dma_start3A_93 : memref<128xi32, #tpu.memory_space<vmem>>) semaphore(%arg13 : memref<!tpu.dma_semaphore, #tpu.memory_space<semaphore_mem>>)
      %dma_wait3A_97 = arith.constant 3 : i32
      %dma_wait3A_98 = arith.constant 0 : i32
      %dma_wait3A_99 = tpu.memref_slice %arg8[%dma_wait3A_97, %dma_wait3A_98] : memref<8x128xi32, #tpu.memory_space<vmem>> -> memref<1x128xi32, #tpu.memory_space<vmem>>
      %dma_wait3A_100 = tpu.memref_squeeze %dma_wait3A_99 : memref<1x128xi32, #tpu.memory_space<vmem>> -> memref<128xi32, #tpu.memory_space<vmem>>
      %dma_wait3A_101 = arith.constant 0 : i32
      %dma_wait3A_102 = arith.constant 0 : i32
      %dma_wait3A_103 = tpu.memref_slice %arg2[%dma_wait3A_101, %dma_wait3A_102] : memref<10000x128xf32, #tpu.memory_space<hbm>> -> memref<10000x128xf32, #tpu.memory_space<hbm>>
      tpu.wait_indirect_dma semaphore(%arg14 : memref<!tpu.dma_semaphore, #tpu.memory_space<semaphore_mem>>) src(%dma_wait3A_103 : memref<10000x128xf32, #tpu.memory_space<hbm>>) dst(%arg11 : memref<128x128xf32, #tpu.memory_space<vmem>>)
      %run_scoped3A_104 = arith.constant 3 : i32
      "tpu.region"() ({
        %run_scoped3A_160 = tpu.sem_alloc : memref<!tpu.dma_semaphore, #tpu.memory_space<semaphore_mem>>
        %dma_start3A_161 = arith.constant 0 : i32
        %dma_start3A_162 = tpu.memref_slice %arg9[%run_scoped3A_104, %dma_start3A_161] : memref<8x128xi32, #tpu.memory_space<vmem>> -> memref<1x128xi32, #tpu.memory_space<vmem>>
        %dma_start3A_163 = tpu.memref_squeeze %dma_start3A_162 : memref<1x128xi32, #tpu.memory_space<vmem>> -> memref<128xi32, #tpu.memory_space<vmem>>
        %dma_start3A_164 = arith.constant 0 : i32
        %dma_start3A_165 = arith.constant 0 : i32
        %dma_start3A_166 = tpu.memref_slice %arg12[%dma_start3A_164, %dma_start3A_165] : memref<10112x128xf32, #tpu.memory_space<vmem_shared>> -> memref<10112x128xf32, #tpu.memory_space<vmem_shared>>
        tpu.enqueue_indirect_dma source(%arg11 : memref<128x128xf32, #tpu.memory_space<vmem>>) target(%dma_start3A_166 : memref<10112x128xf32, #tpu.memory_space<vmem_shared>>) offsets(%dma_start3A_163 : memref<128xi32, #tpu.memory_space<vmem>>) semaphore(%run_scoped3A_160 : memref<!tpu.dma_semaphore, #tpu.memory_space<semaphore_mem>>) {add = true}
        %dma_wait3A_167 = arith.constant 0 : i32
        %dma_wait3A_168 = tpu.memref_slice %arg9[%run_scoped3A_104, %dma_wait3A_167] : memref<8x128xi32, #tpu.memory_space<vmem>> -> memref<1x128xi32, #tpu.memory_space<vmem>>
        %dma_wait3A_169 = tpu.memref_squeeze %dma_wait3A_168 : memref<1x128xi32, #tpu.memory_space<vmem>> -> memref<128xi32, #tpu.memory_space<vmem>>
        %dma_wait3A_170 = arith.constant 0 : i32
        %dma_wait3A_171 = arith.constant 0 : i32
        %dma_wait3A_172 = tpu.memref_slice %arg12[%dma_wait3A_170, %dma_wait3A_171] : memref<10112x128xf32, #tpu.memory_space<vmem_shared>> -> memref<10112x128xf32, #tpu.memory_space<vmem_shared>>
        tpu.wait_indirect_dma semaphore(%run_scoped3A_160 : memref<!tpu.dma_semaphore, #tpu.memory_space<semaphore_mem>>) src(%arg11 : memref<128x128xf32, #tpu.memory_space<vmem>>) dst(%dma_wait3A_172 : memref<10112x128xf32, #tpu.memory_space<vmem_shared>>)
        tpu.yield
      }) : () -> ()
      %dma_start3A_105 = arith.constant 5 : i32
      %dma_start3A_106 = arith.constant 0 : i32
      %dma_start3A_107 = tpu.memref_slice %arg8[%dma_start3A_105, %dma_start3A_106] : memref<8x128xi32, #tpu.memory_space<vmem>> -> memref<1x128xi32, #tpu.memory_space<vmem>>
      %dma_start3A_108 = tpu.memref_squeeze %dma_start3A_107 : memref<1x128xi32, #tpu.memory_space<vmem>> -> memref<128xi32, #tpu.memory_space<vmem>>
      %dma_start3A_109 = arith.constant 0 : i32
      %dma_start3A_110 = arith.constant 0 : i32
      %dma_start3A_111 = tpu.memref_slice %arg2[%dma_start3A_109, %dma_start3A_110] : memref<10000x128xf32, #tpu.memory_space<hbm>> -> memref<10000x128xf32, #tpu.memory_space<hbm>>
      tpu.enqueue_indirect_dma source(%dma_start3A_111 : memref<10000x128xf32, #tpu.memory_space<hbm>>) target(%arg11 : memref<128x128xf32, #tpu.memory_space<vmem>>) offsets(%dma_start3A_108 : memref<128xi32, #tpu.memory_space<vmem>>) semaphore(%arg14 : memref<!tpu.dma_semaphore, #tpu.memory_space<semaphore_mem>>)
      %dma_wait3A_112 = arith.constant 4 : i32
      %dma_wait3A_113 = arith.constant 0 : i32
      %dma_wait3A_114 = tpu.memref_slice %arg8[%dma_wait3A_112, %dma_wait3A_113] : memref<8x128xi32, #tpu.memory_space<vmem>> -> memref<1x128xi32, #tpu.memory_space<vmem>>
      %dma_wait3A_115 = tpu.memref_squeeze %dma_wait3A_114 : memref<1x128xi32, #tpu.memory_space<vmem>> -> memref<128xi32, #tpu.memory_space<vmem>>
      %dma_wait3A_116 = arith.constant 0 : i32
      %dma_wait3A_117 = arith.constant 0 : i32
      %dma_wait3A_118 = tpu.memref_slice %arg2[%dma_wait3A_116, %dma_wait3A_117] : memref<10000x128xf32, #tpu.memory_space<hbm>> -> memref<10000x128xf32, #tpu.memory_space<hbm>>
      tpu.wait_indirect_dma semaphore(%arg13 : memref<!tpu.dma_semaphore, #tpu.memory_space<semaphore_mem>>) src(%dma_wait3A_118 : memref<10000x128xf32, #tpu.memory_space<hbm>>) dst(%arg10 : memref<128x128xf32, #tpu.memory_space<vmem>>)
      %run_scoped3A_119 = arith.constant 4 : i32
      "tpu.region"() ({
        %run_scoped3A_160 = tpu.sem_alloc : memref<!tpu.dma_semaphore, #tpu.memory_space<semaphore_mem>>
        %dma_start3A_161 = arith.constant 0 : i32
        %dma_start3A_162 = tpu.memref_slice %arg9[%run_scoped3A_119, %dma_start3A_161] : memref<8x128xi32, #tpu.memory_space<vmem>> -> memref<1x128xi32, #tpu.memory_space<vmem>>
        %dma_start3A_163 = tpu.memref_squeeze %dma_start3A_162 : memref<1x128xi32, #tpu.memory_space<vmem>> -> memref<128xi32, #tpu.memory_space<vmem>>
        %dma_start3A_164 = arith.constant 0 : i32
        %dma_start3A_165 = arith.constant 0 : i32
        %dma_start3A_166 = tpu.memref_slice %arg12[%dma_start3A_164, %dma_start3A_165] : memref<10112x128xf32, #tpu.memory_space<vmem_shared>> -> memref<10112x128xf32, #tpu.memory_space<vmem_shared>>
        tpu.enqueue_indirect_dma source(%arg10 : memref<128x128xf32, #tpu.memory_space<vmem>>) target(%dma_start3A_166 : memref<10112x128xf32, #tpu.memory_space<vmem_shared>>) offsets(%dma_start3A_163 : memref<128xi32, #tpu.memory_space<vmem>>) semaphore(%run_scoped3A_160 : memref<!tpu.dma_semaphore, #tpu.memory_space<semaphore_mem>>) {add = true}
        %dma_wait3A_167 = arith.constant 0 : i32
        %dma_wait3A_168 = tpu.memref_slice %arg9[%run_scoped3A_119, %dma_wait3A_167] : memref<8x128xi32, #tpu.memory_space<vmem>> -> memref<1x128xi32, #tpu.memory_space<vmem>>
        %dma_wait3A_169 = tpu.memref_squeeze %dma_wait3A_168 : memref<1x128xi32, #tpu.memory_space<vmem>> -> memref<128xi32, #tpu.memory_space<vmem>>
        %dma_wait3A_170 = arith.constant 0 : i32
        %dma_wait3A_171 = arith.constant 0 : i32
        %dma_wait3A_172 = tpu.memref_slice %arg12[%dma_wait3A_170, %dma_wait3A_171] : memref<10112x128xf32, #tpu.memory_space<vmem_shared>> -> memref<10112x128xf32, #tpu.memory_space<vmem_shared>>
        tpu.wait_indirect_dma semaphore(%run_scoped3A_160 : memref<!tpu.dma_semaphore, #tpu.memory_space<semaphore_mem>>) src(%arg10 : memref<128x128xf32, #tpu.memory_space<vmem>>) dst(%dma_wait3A_172 : memref<10112x128xf32, #tpu.memory_space<vmem_shared>>)
        tpu.yield
      }) : () -> ()
      %dma_start3A_120 = arith.constant 6 : i32
      %dma_start3A_121 = arith.constant 0 : i32
      %dma_start3A_122 = tpu.memref_slice %arg8[%dma_start3A_120, %dma_start3A_121] : memref<8x128xi32, #tpu.memory_space<vmem>> -> memref<1x128xi32, #tpu.memory_space<vmem>>
      %dma_start3A_123 = tpu.memref_squeeze %dma_start3A_122 : memref<1x128xi32, #tpu.memory_space<vmem>> -> memref<128xi32, #tpu.memory_space<vmem>>
      %dma_start3A_124 = arith.constant 0 : i32
      %dma_start3A_125 = arith.constant 0 : i32
      %dma_start3A_126 = tpu.memref_slice %arg2[%dma_start3A_124, %dma_start3A_125] : memref<10000x128xf32, #tpu.memory_space<hbm>> -> memref<10000x128xf32, #tpu.memory_space<hbm>>
      tpu.enqueue_indirect_dma source(%dma_start3A_126 : memref<10000x128xf32, #tpu.memory_space<hbm>>) target(%arg10 : memref<128x128xf32, #tpu.memory_space<vmem>>) offsets(%dma_start3A_123 : memref<128xi32, #tpu.memory_space<vmem>>) semaphore(%arg13 : memref<!tpu.dma_semaphore, #tpu.memory_space<semaphore_mem>>)
      %dma_wait3A_127 = arith.constant 5 : i32
      %dma_wait3A_128 = arith.constant 0 : i32
      %dma_wait3A_129 = tpu.memref_slice %arg8[%dma_wait3A_127, %dma_wait3A_128] : memref<8x128xi32, #tpu.memory_space<vmem>> -> memref<1x128xi32, #tpu.memory_space<vmem>>
      %dma_wait3A_130 = tpu.memref_squeeze %dma_wait3A_129 : memref<1x128xi32, #tpu.memory_space<vmem>> -> memref<128xi32, #tpu.memory_space<vmem>>
      %dma_wait3A_131 = arith.constant 0 : i32
      %dma_wait3A_132 = arith.constant 0 : i32
      %dma_wait3A_133 = tpu.memref_slice %arg2[%dma_wait3A_131, %dma_wait3A_132] : memref<10000x128xf32, #tpu.memory_space<hbm>> -> memref<10000x128xf32, #tpu.memory_space<hbm>>
      tpu.wait_indirect_dma semaphore(%arg14 : memref<!tpu.dma_semaphore, #tpu.memory_space<semaphore_mem>>) src(%dma_wait3A_133 : memref<10000x128xf32, #tpu.memory_space<hbm>>) dst(%arg11 : memref<128x128xf32, #tpu.memory_space<vmem>>)
      %run_scoped3A_134 = arith.constant 5 : i32
      "tpu.region"() ({
        %run_scoped3A_160 = tpu.sem_alloc : memref<!tpu.dma_semaphore, #tpu.memory_space<semaphore_mem>>
        %dma_start3A_161 = arith.constant 0 : i32
        %dma_start3A_162 = tpu.memref_slice %arg9[%run_scoped3A_134, %dma_start3A_161] : memref<8x128xi32, #tpu.memory_space<vmem>> -> memref<1x128xi32, #tpu.memory_space<vmem>>
        %dma_start3A_163 = tpu.memref_squeeze %dma_start3A_162 : memref<1x128xi32, #tpu.memory_space<vmem>> -> memref<128xi32, #tpu.memory_space<vmem>>
        %dma_start3A_164 = arith.constant 0 : i32
        %dma_start3A_165 = arith.constant 0 : i32
        %dma_start3A_166 = tpu.memref_slice %arg12[%dma_start3A_164, %dma_start3A_165] : memref<10112x128xf32, #tpu.memory_space<vmem_shared>> -> memref<10112x128xf32, #tpu.memory_space<vmem_shared>>
        tpu.enqueue_indirect_dma source(%arg11 : memref<128x128xf32, #tpu.memory_space<vmem>>) target(%dma_start3A_166 : memref<10112x128xf32, #tpu.memory_space<vmem_shared>>) offsets(%dma_start3A_163 : memref<128xi32, #tpu.memory_space<vmem>>) semaphore(%run_scoped3A_160 : memref<!tpu.dma_semaphore, #tpu.memory_space<semaphore_mem>>) {add = true}
        %dma_wait3A_167 = arith.constant 0 : i32
        %dma_wait3A_168 = tpu.memref_slice %arg9[%run_scoped3A_134, %dma_wait3A_167] : memref<8x128xi32, #tpu.memory_space<vmem>> -> memref<1x128xi32, #tpu.memory_space<vmem>>
        %dma_wait3A_169 = tpu.memref_squeeze %dma_wait3A_168 : memref<1x128xi32, #tpu.memory_space<vmem>> -> memref<128xi32, #tpu.memory_space<vmem>>
        %dma_wait3A_170 = arith.constant 0 : i32
        %dma_wait3A_171 = arith.constant 0 : i32
        %dma_wait3A_172 = tpu.memref_slice %arg12[%dma_wait3A_170, %dma_wait3A_171] : memref<10112x128xf32, #tpu.memory_space<vmem_shared>> -> memref<10112x128xf32, #tpu.memory_space<vmem_shared>>
        tpu.wait_indirect_dma semaphore(%run_scoped3A_160 : memref<!tpu.dma_semaphore, #tpu.memory_space<semaphore_mem>>) src(%arg11 : memref<128x128xf32, #tpu.memory_space<vmem>>) dst(%dma_wait3A_172 : memref<10112x128xf32, #tpu.memory_space<vmem_shared>>)
        tpu.yield
      }) : () -> ()
      %dma_start3A_135 = arith.constant 7 : i32
      %dma_start3A_136 = arith.constant 0 : i32
      %dma_start3A_137 = tpu.memref_slice %arg8[%dma_start3A_135, %dma_start3A_136] : memref<8x128xi32, #tpu.memory_space<vmem>> -> memref<1x128xi32, #tpu.memory_space<vmem>>
      %dma_start3A_138 = tpu.memref_squeeze %dma_start3A_137 : memref<1x128xi32, #tpu.memory_space<vmem>> -> memref<128xi32, #tpu.memory_space<vmem>>
      %dma_start3A_139 = arith.constant 0 : i32
      %dma_start3A_140 = arith.constant 0 : i32
      %dma_start3A_141 = tpu.memref_slice %arg2[%dma_start3A_139, %dma_start3A_140] : memref<10000x128xf32, #tpu.memory_space<hbm>> -> memref<10000x128xf32, #tpu.memory_space<hbm>>
      tpu.enqueue_indirect_dma source(%dma_start3A_141 : memref<10000x128xf32, #tpu.memory_space<hbm>>) target(%arg11 : memref<128x128xf32, #tpu.memory_space<vmem>>) offsets(%dma_start3A_138 : memref<128xi32, #tpu.memory_space<vmem>>) semaphore(%arg14 : memref<!tpu.dma_semaphore, #tpu.memory_space<semaphore_mem>>)
      %dma_wait3A_142 = arith.constant 6 : i32
      %dma_wait3A_143 = arith.constant 0 : i32
      %dma_wait3A_144 = tpu.memref_slice %arg8[%dma_wait3A_142, %dma_wait3A_143] : memref<8x128xi32, #tpu.memory_space<vmem>> -> memref<1x128xi32, #tpu.memory_space<vmem>>
      %dma_wait3A_145 = tpu.memref_squeeze %dma_wait3A_144 : memref<1x128xi32, #tpu.memory_space<vmem>> -> memref<128xi32, #tpu.memory_space<vmem>>
      %dma_wait3A_146 = arith.constant 0 : i32
      %dma_wait3A_147 = arith.constant 0 : i32
      %dma_wait3A_148 = tpu.memref_slice %arg2[%dma_wait3A_146, %dma_wait3A_147] : memref<10000x128xf32, #tpu.memory_space<hbm>> -> memref<10000x128xf32, #tpu.memory_space<hbm>>
      tpu.wait_indirect_dma semaphore(%arg13 : memref<!tpu.dma_semaphore, #tpu.memory_space<semaphore_mem>>) src(%dma_wait3A_148 : memref<10000x128xf32, #tpu.memory_space<hbm>>) dst(%arg10 : memref<128x128xf32, #tpu.memory_space<vmem>>)
      %run_scoped3A_149 = arith.constant 6 : i32
      "tpu.region"() ({
        %run_scoped3A_160 = tpu.sem_alloc : memref<!tpu.dma_semaphore, #tpu.memory_space<semaphore_mem>>
        %dma_start3A_161 = arith.constant 0 : i32
        %dma_start3A_162 = tpu.memref_slice %arg9[%run_scoped3A_149, %dma_start3A_161] : memref<8x128xi32, #tpu.memory_space<vmem>> -> memref<1x128xi32, #tpu.memory_space<vmem>>
        %dma_start3A_163 = tpu.memref_squeeze %dma_start3A_162 : memref<1x128xi32, #tpu.memory_space<vmem>> -> memref<128xi32, #tpu.memory_space<vmem>>
        %dma_start3A_164 = arith.constant 0 : i32
        %dma_start3A_165 = arith.constant 0 : i32
        %dma_start3A_166 = tpu.memref_slice %arg12[%dma_start3A_164, %dma_start3A_165] : memref<10112x128xf32, #tpu.memory_space<vmem_shared>> -> memref<10112x128xf32, #tpu.memory_space<vmem_shared>>
        tpu.enqueue_indirect_dma source(%arg10 : memref<128x128xf32, #tpu.memory_space<vmem>>) target(%dma_start3A_166 : memref<10112x128xf32, #tpu.memory_space<vmem_shared>>) offsets(%dma_start3A_163 : memref<128xi32, #tpu.memory_space<vmem>>) semaphore(%run_scoped3A_160 : memref<!tpu.dma_semaphore, #tpu.memory_space<semaphore_mem>>) {add = true}
        %dma_wait3A_167 = arith.constant 0 : i32
        %dma_wait3A_168 = tpu.memref_slice %arg9[%run_scoped3A_149, %dma_wait3A_167] : memref<8x128xi32, #tpu.memory_space<vmem>> -> memref<1x128xi32, #tpu.memory_space<vmem>>
        %dma_wait3A_169 = tpu.memref_squeeze %dma_wait3A_168 : memref<1x128xi32, #tpu.memory_space<vmem>> -> memref<128xi32, #tpu.memory_space<vmem>>
        %dma_wait3A_170 = arith.constant 0 : i32
        %dma_wait3A_171 = arith.constant 0 : i32
        %dma_wait3A_172 = tpu.memref_slice %arg12[%dma_wait3A_170, %dma_wait3A_171] : memref<10112x128xf32, #tpu.memory_space<vmem_shared>> -> memref<10112x128xf32, #tpu.memory_space<vmem_shared>>
        tpu.wait_indirect_dma semaphore(%run_scoped3A_160 : memref<!tpu.dma_semaphore, #tpu.memory_space<semaphore_mem>>) src(%arg10 : memref<128x128xf32, #tpu.memory_space<vmem>>) dst(%dma_wait3A_172 : memref<10112x128xf32, #tpu.memory_space<vmem_shared>>)
        tpu.yield
      }) : () -> ()
      %dma_wait3A_150 = arith.constant 7 : i32
      %dma_wait3A_151 = arith.constant 0 : i32
      %dma_wait3A_152 = tpu.memref_slice %arg8[%dma_wait3A_150, %dma_wait3A_151] : memref<8x128xi32, #tpu.memory_space<vmem>> -> memref<1x128xi32, #tpu.memory_space<vmem>>
      %dma_wait3A_153 = tpu.memref_squeeze %dma_wait3A_152 : memref<1x128xi32, #tpu.memory_space<vmem>> -> memref<128xi32, #tpu.memory_space<vmem>>
      %dma_wait3A_154 = arith.constant 0 : i32
      %dma_wait3A_155 = arith.constant 0 : i32
      %dma_wait3A_156 = tpu.memref_slice %arg2[%dma_wait3A_154, %dma_wait3A_155] : memref<10000x128xf32, #tpu.memory_space<hbm>> -> memref<10000x128xf32, #tpu.memory_space<hbm>>
      tpu.wait_indirect_dma semaphore(%arg14 : memref<!tpu.dma_semaphore, #tpu.memory_space<semaphore_mem>>) src(%dma_wait3A_156 : memref<10000x128xf32, #tpu.memory_space<hbm>>) dst(%arg11 : memref<128x128xf32, #tpu.memory_space<vmem>>)
      %run_scoped3A_157 = arith.constant 7 : i32
      "tpu.region"() ({
        %run_scoped3A_160 = tpu.sem_alloc : memref<!tpu.dma_semaphore, #tpu.memory_space<semaphore_mem>>
        %dma_start3A_161 = arith.constant 0 : i32
        %dma_start3A_162 = tpu.memref_slice %arg9[%run_scoped3A_157, %dma_start3A_161] : memref<8x128xi32, #tpu.memory_space<vmem>> -> memref<1x128xi32, #tpu.memory_space<vmem>>
        %dma_start3A_163 = tpu.memref_squeeze %dma_start3A_162 : memref<1x128xi32, #tpu.memory_space<vmem>> -> memref<128xi32, #tpu.memory_space<vmem>>
        %dma_start3A_164 = arith.constant 0 : i32
        %dma_start3A_165 = arith.constant 0 : i32
        %dma_start3A_166 = tpu.memref_slice %arg12[%dma_start3A_164, %dma_start3A_165] : memref<10112x128xf32, #tpu.memory_space<vmem_shared>> -> memref<10112x128xf32, #tpu.memory_space<vmem_shared>>
        tpu.enqueue_indirect_dma source(%arg11 : memref<128x128xf32, #tpu.memory_space<vmem>>) target(%dma_start3A_166 : memref<10112x128xf32, #tpu.memory_space<vmem_shared>>) offsets(%dma_start3A_163 : memref<128xi32, #tpu.memory_space<vmem>>) semaphore(%run_scoped3A_160 : memref<!tpu.dma_semaphore, #tpu.memory_space<semaphore_mem>>) {add = true}
        %dma_wait3A_167 = arith.constant 0 : i32
        %dma_wait3A_168 = tpu.memref_slice %arg9[%run_scoped3A_157, %dma_wait3A_167] : memref<8x128xi32, #tpu.memory_space<vmem>> -> memref<1x128xi32, #tpu.memory_space<vmem>>
        %dma_wait3A_169 = tpu.memref_squeeze %dma_wait3A_168 : memref<1x128xi32, #tpu.memory_space<vmem>> -> memref<128xi32, #tpu.memory_space<vmem>>
        %dma_wait3A_170 = arith.constant 0 : i32
        %dma_wait3A_171 = arith.constant 0 : i32
        %dma_wait3A_172 = tpu.memref_slice %arg12[%dma_wait3A_170, %dma_wait3A_171] : memref<10112x128xf32, #tpu.memory_space<vmem_shared>> -> memref<10112x128xf32, #tpu.memory_space<vmem_shared>>
        tpu.wait_indirect_dma semaphore(%run_scoped3A_160 : memref<!tpu.dma_semaphore, #tpu.memory_space<semaphore_mem>>) src(%arg11 : memref<128x128xf32, #tpu.memory_space<vmem>>) dst(%dma_wait3A_172 : memref<10112x128xf32, #tpu.memory_space<vmem_shared>>)
        tpu.yield
      }) : () -> ()
      %scan3A_158 = arith.constant 0 : i32
      %scan3A_159 = arith.constant 1 : i32
    } else {
    }
    %barrier3A_20 = arith.constant 0 : index
    tpu.barrier barrier_id(%barrier3A_20)
    %eq3A_21 = arith.constant 0 : i32
    %eq3A_22 = arith.cmpi eq, %arg0, %eq3A_21 : i32
    %convert_element_type3A_23 = arith.extui %eq3A_22 : i1 to i32
    %cond3A_24 = arith.constant 0 : i32
    %cond3A_25 = arith.cmpi ne, %convert_element_type3A_23, %cond3A_24 : i32
    scf.if %cond3A_25 {
      %iota3A = tpu.iota {dimensions = array<i32: 0>} : vector<16xi32>
      %scan3A_39 = arith.constant 0 : i32
      %scan3A_40 = arith.constant 0 : i32
      %scan3A_41 = arith.constant 64 : i32
      %scan3A_42 = arith.addi %scan3A_40, %scan3A_41 : i32
      %scan3A_43 = arith.constant 1 : i32
      %scan3A_44 = scf.for %scan3A_127 = %scan3A_40 to %scan3A_42 step %scan3A_43 iter_args(%scan3A_128 = %scan3A_39) -> (i32)  : i32 {
        %mul3A_129 = arith.constant 16 : i32
        %mul3A_130 = arith.muli %scan3A_127, %mul3A_129 : i32
        %add3A_131 = vector.broadcast %mul3A_130 : i32 to vector<16xi32>
        %add3A_132 = arith.addi %add3A_131, %iota3A : vector<16xi32>
        %min3A = arith.constant 631 : i32
        %min3A_133 = vector.broadcast %min3A : i32 to vector<16xi32>
        %min3A_134 = arith.minsi %add3A_132, %min3A_133 : vector<16xi32>
        %add3A_135 = vector.broadcast %mul3A_0 : i32 to vector<16xi32>
        %add3A_136 = arith.addi %add3A_135, %min3A_134 : vector<16xi32>
        %jit3A = arith.constant 8 : i32
        %div3A = arith.divsi %scan3A_127, %jit3A : i32
        %sign3A = arith.constant 0 : i32
        %sign3A_137 = arith.cmpi sgt, %scan3A_127, %sign3A : i32
        %sign3A_138 = arith.extui %sign3A_137 : i1 to i32
        %sign3A_139 = arith.constant 0 : i32
        %sign3A_140 = arith.cmpi slt, %scan3A_127, %sign3A_139 : i32
        %sign3A_141 = arith.extui %sign3A_140 : i1 to i32
        %sign3A_142 = arith.subi %sign3A_138, %sign3A_141 : i32
        %sign3A_143 = arith.constant 0 : i32
        %sign3A_144 = arith.cmpi sgt, %jit3A, %sign3A_143 : i32
        %sign3A_145 = arith.extui %sign3A_144 : i1 to i32
        %sign3A_146 = arith.constant 0 : i32
        %sign3A_147 = arith.cmpi slt, %jit3A, %sign3A_146 : i32
        %sign3A_148 = arith.extui %sign3A_147 : i1 to i32
        %sign3A_149 = arith.subi %sign3A_145, %sign3A_148 : i32
        %ne3A = arith.cmpi ne, %sign3A_142, %sign3A_149 : i32
        %rem3A = arith.remsi %scan3A_127, %jit3A : i32
        %ne3A_150 = arith.constant 0 : i32
        %ne3A_151 = arith.cmpi ne, %rem3A, %ne3A_150 : i32
        %and3A_152 = arith.andi %ne3A, %ne3A_151 : i1
        %sub3A = arith.constant 1 : i32
        %sub3A_153 = arith.subi %div3A, %sub3A : i32
        %select_n3A = arith.select %and3A_152, %sub3A_153, %div3A : i32
        %jit3A_154 = arith.constant 8 : i32
        %eq3A_155 = arith.constant 0 : i32
        %eq3A_156 = arith.cmpi eq, %jit3A_154, %eq3A_155 : i32
        %jit3A_157 = arith.constant 1 : i32
        %select_n3A_158 = arith.select %eq3A_156, %jit3A_157, %jit3A_154 : i32
        %rem3A_159 = arith.remsi %scan3A_127, %select_n3A_158 : i32
        %ne3A_160 = arith.constant 0 : i32
        %ne3A_161 = arith.cmpi ne, %rem3A_159, %ne3A_160 : i32
        %lt3A = arith.constant 0 : i32
        %lt3A_162 = arith.cmpi slt, %rem3A_159, %lt3A : i32
        %lt3A_163 = arith.constant 0 : i32
        %lt3A_164 = arith.cmpi slt, %select_n3A_158, %lt3A_163 : i32
        %ne3A_165 = arith.xori %lt3A_162, %lt3A_164 : i1
        %and3A_166 = arith.andi %ne3A_165, %ne3A_161 : i1
        %add3A_167 = arith.addi %rem3A_159, %select_n3A_158 : i32
        %select_n3A_168 = arith.select %and3A_166, %add3A_167, %rem3A_159 : i32
        %mul3A_169 = arith.constant 16 : i32
        %mul3A_170 = arith.muli %select_n3A_168, %mul3A_169 : i32
        %swap3A = arith.index_cast %select_n3A : i32 to index
        %swap3A_171 = arith.index_cast %mul3A_170 : i32 to index
        %swap3A_172 = tpu.vector_load %arg9[%swap3A, %swap3A_171] {strides = array<i32>} : memref<8x128xi32, #tpu.memory_space<vmem>>, vector<16xi32>,
        tpu.vector_store %arg9[%swap3A, %swap3A_171], %add3A_136 {strides = array<i32>} : memref<8x128xi32, #tpu.memory_space<vmem>>, vector<16xi32>,
        %scan3A_173 = arith.constant 0 : i32
        scf.yield %scan3A_173 : i32
      }
      %scan3A_45 = arith.constant 64 : i32
      %dma_start3A = arith.constant 0 : i32
      %dma_start3A_46 = arith.constant 0 : i32
      %dma_start3A_47 = tpu.memref_slice %arg9[%dma_start3A, %dma_start3A_46] : memref<8x128xi32, #tpu.memory_space<vmem>> -> memref<1x128xi32, #tpu.memory_space<vmem>>
      %dma_start3A_48 = tpu.memref_squeeze %dma_start3A_47 : memref<1x128xi32, #tpu.memory_space<vmem>> -> memref<128xi32, #tpu.memory_space<vmem>>
      %dma_start3A_49 = arith.constant 0 : i32
      %dma_start3A_50 = arith.constant 0 : i32
      %dma_start3A_51 = tpu.memref_slice %arg12[%dma_start3A_49, %dma_start3A_50] : memref<10112x128xf32, #tpu.memory_space<vmem_shared>> -> memref<10112x128xf32, #tpu.memory_space<vmem_shared>>
      tpu.enqueue_indirect_dma source(%dma_start3A_51 : memref<10112x128xf32, #tpu.memory_space<vmem_shared>>) target(%arg10 : memref<128x128xf32, #tpu.memory_space<vmem>>) offsets(%dma_start3A_48 : memref<128xi32, #tpu.memory_space<vmem>>) semaphore(%arg13 : memref<!tpu.dma_semaphore, #tpu.memory_space<semaphore_mem>>)
      %dma_start3A_52 = arith.constant 1 : i32
      %dma_start3A_53 = arith.constant 0 : i32
      %dma_start3A_54 = tpu.memref_slice %arg9[%dma_start3A_52, %dma_start3A_53] : memref<8x128xi32, #tpu.memory_space<vmem>> -> memref<1x128xi32, #tpu.memory_space<vmem>>
      %dma_start3A_55 = tpu.memref_squeeze %dma_start3A_54 : memref<1x128xi32, #tpu.memory_space<vmem>> -> memref<128xi32, #tpu.memory_space<vmem>>
      %dma_start3A_56 = arith.constant 0 : i32
      %dma_start3A_57 = arith.constant 0 : i32
      %dma_start3A_58 = tpu.memref_slice %arg12[%dma_start3A_56, %dma_start3A_57] : memref<10112x128xf32, #tpu.memory_space<vmem_shared>> -> memref<10112x128xf32, #tpu.memory_space<vmem_shared>>
      tpu.enqueue_indirect_dma source(%dma_start3A_58 : memref<10112x128xf32, #tpu.memory_space<vmem_shared>>) target(%arg11 : memref<128x128xf32, #tpu.memory_space<vmem>>) offsets(%dma_start3A_55 : memref<128xi32, #tpu.memory_space<vmem>>) semaphore(%arg14 : memref<!tpu.dma_semaphore, #tpu.memory_space<semaphore_mem>>)
      %dma_wait3A = arith.constant 0 : i32
      %dma_wait3A_59 = arith.constant 0 : i32
      %dma_wait3A_60 = tpu.memref_slice %arg9[%dma_wait3A, %dma_wait3A_59] : memref<8x128xi32, #tpu.memory_space<vmem>> -> memref<1x128xi32, #tpu.memory_space<vmem>>
      %dma_wait3A_61 = tpu.memref_squeeze %dma_wait3A_60 : memref<1x128xi32, #tpu.memory_space<vmem>> -> memref<128xi32, #tpu.memory_space<vmem>>
      %dma_wait3A_62 = arith.constant 0 : i32
      %dma_wait3A_63 = arith.constant 0 : i32
      %dma_wait3A_64 = tpu.memref_slice %arg12[%dma_wait3A_62, %dma_wait3A_63] : memref<10112x128xf32, #tpu.memory_space<vmem_shared>> -> memref<10112x128xf32, #tpu.memory_space<vmem_shared>>
      tpu.wait_indirect_dma semaphore(%arg13 : memref<!tpu.dma_semaphore, #tpu.memory_space<semaphore_mem>>) src(%dma_wait3A_64 : memref<10112x128xf32, #tpu.memory_space<vmem_shared>>) dst(%arg10 : memref<128x128xf32, #tpu.memory_space<vmem>>)
      %add3A = arith.constant 0 : i32
      %add3A_65 = arith.addi %mul3A_0, %add3A : i32
      %run_scoped3A = arith.constant 0 : i32
      "tpu.region"() ({
        %run_scoped3A_127 = tpu.sem_alloc : memref<!tpu.dma_semaphore, #tpu.memory_space<semaphore_mem>>
        %dma_start3A_128 = arith.constant 0 : i32
        %dma_start3A_129 = arith.constant 0 : i32
        %dma_start3A_130 = tpu.memref_slice %arg10[%dma_start3A_128, %dma_start3A_129] : memref<128x128xf32, #tpu.memory_space<vmem>> -> memref<128x128xf32, #tpu.memory_space<vmem>>
        %dma_start3A_131 = arith.constant 0 : i32
        %dma_start3A_132 = tpu.memref_slice %arg7[%run_scoped3A, %add3A_65, %dma_start3A_131] : memref<2x10112x128xf32, #tpu.memory_space<hbm>> -> memref<1x128x128xf32, #tpu.memory_space<hbm>>
        %dma_start3A_133 = tpu.memref_squeeze %dma_start3A_132 : memref<1x128x128xf32, #tpu.memory_space<hbm>> -> memref<128x128xf32, #tpu.memory_space<hbm>>
        %dma_start3A_134 = arith.constant 0 : i32
        %dma_start3A_135 = tpu.memref_slice %arg7[%run_scoped3A, %add3A_65, %dma_start3A_134] : memref<2x10112x128xf32, #tpu.memory_space<hbm>> -> memref<1x128x128xf32, #tpu.memory_space<hbm>>
        %dma_start3A_136 = tpu.memref_squeeze %dma_start3A_135 : memref<1x128x128xf32, #tpu.memory_space<hbm>> -> memref<128x128xf32, #tpu.memory_space<hbm>>
        %dma_start3A_137 = arith.constant 0 : i32
        %dma_start3A_138 = arith.constant 0 : i32
        %dma_start3A_139 = tpu.memref_slice %arg10[%dma_start3A_137, %dma_start3A_138] : memref<128x128xf32, #tpu.memory_space<vmem>> -> memref<128x128xf32, #tpu.memory_space<vmem>>
        tpu.enqueue_dma source(%dma_start3A_139 : memref<128x128xf32, #tpu.memory_space<vmem>>) target(%dma_start3A_136 : memref<128x128xf32, #tpu.memory_space<hbm>>) target_semaphore(%run_scoped3A_127 : memref<!tpu.dma_semaphore, #tpu.memory_space<semaphore_mem>>)
        %dma_wait3A_140 = arith.constant 0 : i32
        %dma_wait3A_141 = arith.constant 0 : i32
        %dma_wait3A_142 = tpu.memref_slice %arg10[%dma_wait3A_140, %dma_wait3A_141] : memref<128x128xf32, #tpu.memory_space<vmem>> -> memref<128x128xf32, #tpu.memory_space<vmem>>
        %dma_wait3A_143 = arith.constant 0 : i32
        %dma_wait3A_144 = tpu.memref_slice %arg7[%run_scoped3A, %add3A_65, %dma_wait3A_143] : memref<2x10112x128xf32, #tpu.memory_space<hbm>> -> memref<1x128x128xf32, #tpu.memory_space<hbm>>
        %dma_wait3A_145 = tpu.memref_squeeze %dma_wait3A_144 : memref<1x128x128xf32, #tpu.memory_space<hbm>> -> memref<128x128xf32, #tpu.memory_space<hbm>>
        %dma_wait3A_146 = arith.constant 0 : i32
        %dma_wait3A_147 = tpu.memref_slice %arg7[%run_scoped3A, %add3A_65, %dma_wait3A_146] : memref<2x10112x128xf32, #tpu.memory_space<hbm>> -> memref<1x128x128xf32, #tpu.memory_space<hbm>>
        %dma_wait3A_148 = tpu.memref_squeeze %dma_wait3A_147 : memref<1x128x128xf32, #tpu.memory_space<hbm>> -> memref<128x128xf32, #tpu.memory_space<hbm>>
        %dma_wait3A_149 = arith.constant 0 : i32
        %dma_wait3A_150 = arith.constant 0 : i32
        %dma_wait3A_151 = tpu.memref_slice %arg10[%dma_wait3A_149, %dma_wait3A_150] : memref<128x128xf32, #tpu.memory_space<vmem>> -> memref<128x128xf32, #tpu.memory_space<vmem>>
        tpu.wait_dma2 semaphore(%run_scoped3A_127 : memref<!tpu.dma_semaphore, #tpu.memory_space<semaphore_mem>>) src(%dma_wait3A_151 : memref<128x128xf32, #tpu.memory_space<vmem>>) dst(%dma_wait3A_148 : memref<128x128xf32, #tpu.memory_space<hbm>>)
        tpu.yield
      }) : () -> ()
      %dma_start3A_66 = arith.constant 2 : i32
      %dma_start3A_67 = arith.constant 0 : i32
      %dma_start3A_68 = tpu.memref_slice %arg9[%dma_start3A_66, %dma_start3A_67] : memref<8x128xi32, #tpu.memory_space<vmem>> -> memref<1x128xi32, #tpu.memory_space<vmem>>
      %dma_start3A_69 = tpu.memref_squeeze %dma_start3A_68 : memref<1x128xi32, #tpu.memory_space<vmem>> -> memref<128xi32, #tpu.memory_space<vmem>>
      %dma_start3A_70 = arith.constant 0 : i32
      %dma_start3A_71 = arith.constant 0 : i32
      %dma_start3A_72 = tpu.memref_slice %arg12[%dma_start3A_70, %dma_start3A_71] : memref<10112x128xf32, #tpu.memory_space<vmem_shared>> -> memref<10112x128xf32, #tpu.memory_space<vmem_shared>>
      tpu.enqueue_indirect_dma source(%dma_start3A_72 : memref<10112x128xf32, #tpu.memory_space<vmem_shared>>) target(%arg10 : memref<128x128xf32, #tpu.memory_space<vmem>>) offsets(%dma_start3A_69 : memref<128xi32, #tpu.memory_space<vmem>>) semaphore(%arg13 : memref<!tpu.dma_semaphore, #tpu.memory_space<semaphore_mem>>)
      %dma_wait3A_73 = arith.constant 1 : i32
      %dma_wait3A_74 = arith.constant 0 : i32
      %dma_wait3A_75 = tpu.memref_slice %arg9[%dma_wait3A_73, %dma_wait3A_74] : memref<8x128xi32, #tpu.memory_space<vmem>> -> memref<1x128xi32, #tpu.memory_space<vmem>>
      %dma_wait3A_76 = tpu.memref_squeeze %dma_wait3A_75 : memref<1x128xi32, #tpu.memory_space<vmem>> -> memref<128xi32, #tpu.memory_space<vmem>>
      %dma_wait3A_77 = arith.constant 0 : i32
      %dma_wait3A_78 = arith.constant 0 : i32
      %dma_wait3A_79 = tpu.memref_slice %arg12[%dma_wait3A_77, %dma_wait3A_78] : memref<10112x128xf32, #tpu.memory_space<vmem_shared>> -> memref<10112x128xf32, #tpu.memory_space<vmem_shared>>
      tpu.wait_indirect_dma semaphore(%arg14 : memref<!tpu.dma_semaphore, #tpu.memory_space<semaphore_mem>>) src(%dma_wait3A_79 : memref<10112x128xf32, #tpu.memory_space<vmem_shared>>) dst(%arg11 : memref<128x128xf32, #tpu.memory_space<vmem>>)
      %add3A_80 = arith.constant 128 : i32
      %add3A_81 = arith.addi %mul3A_0, %add3A_80 : i32
      %run_scoped3A_82 = arith.constant 0 : i32
      "tpu.region"() ({
        %run_scoped3A_127 = tpu.sem_alloc : memref<!tpu.dma_semaphore, #tpu.memory_space<semaphore_mem>>
        %dma_start3A_128 = arith.constant 0 : i32
        %dma_start3A_129 = arith.constant 0 : i32
        %dma_start3A_130 = tpu.memref_slice %arg11[%dma_start3A_128, %dma_start3A_129] : memref<128x128xf32, #tpu.memory_space<vmem>> -> memref<128x128xf32, #tpu.memory_space<vmem>>
        %dma_start3A_131 = arith.constant 0 : i32
        %dma_start3A_132 = tpu.memref_slice %arg7[%run_scoped3A_82, %add3A_81, %dma_start3A_131] : memref<2x10112x128xf32, #tpu.memory_space<hbm>> -> memref<1x128x128xf32, #tpu.memory_space<hbm>>
        %dma_start3A_133 = tpu.memref_squeeze %dma_start3A_132 : memref<1x128x128xf32, #tpu.memory_space<hbm>> -> memref<128x128xf32, #tpu.memory_space<hbm>>
        %dma_start3A_134 = arith.constant 0 : i32
        %dma_start3A_135 = tpu.memref_slice %arg7[%run_scoped3A_82, %add3A_81, %dma_start3A_134] : memref<2x10112x128xf32, #tpu.memory_space<hbm>> -> memref<1x128x128xf32, #tpu.memory_space<hbm>>
        %dma_start3A_136 = tpu.memref_squeeze %dma_start3A_135 : memref<1x128x128xf32, #tpu.memory_space<hbm>> -> memref<128x128xf32, #tpu.memory_space<hbm>>
        %dma_start3A_137 = arith.constant 0 : i32
        %dma_start3A_138 = arith.constant 0 : i32
        %dma_start3A_139 = tpu.memref_slice %arg11[%dma_start3A_137, %dma_start3A_138] : memref<128x128xf32, #tpu.memory_space<vmem>> -> memref<128x128xf32, #tpu.memory_space<vmem>>
        tpu.enqueue_dma source(%dma_start3A_139 : memref<128x128xf32, #tpu.memory_space<vmem>>) target(%dma_start3A_136 : memref<128x128xf32, #tpu.memory_space<hbm>>) target_semaphore(%run_scoped3A_127 : memref<!tpu.dma_semaphore, #tpu.memory_space<semaphore_mem>>)
        %dma_wait3A_140 = arith.constant 0 : i32
        %dma_wait3A_141 = arith.constant 0 : i32
        %dma_wait3A_142 = tpu.memref_slice %arg11[%dma_wait3A_140, %dma_wait3A_141] : memref<128x128xf32, #tpu.memory_space<vmem>> -> memref<128x128xf32, #tpu.memory_space<vmem>>
        %dma_wait3A_143 = arith.constant 0 : i32
        %dma_wait3A_144 = tpu.memref_slice %arg7[%run_scoped3A_82, %add3A_81, %dma_wait3A_143] : memref<2x10112x128xf32, #tpu.memory_space<hbm>> -> memref<1x128x128xf32, #tpu.memory_space<hbm>>
        %dma_wait3A_145 = tpu.memref_squeeze %dma_wait3A_144 : memref<1x128x128xf32, #tpu.memory_space<hbm>> -> memref<128x128xf32, #tpu.memory_space<hbm>>
        %dma_wait3A_146 = arith.constant 0 : i32
        %dma_wait3A_147 = tpu.memref_slice %arg7[%run_scoped3A_82, %add3A_81, %dma_wait3A_146] : memref<2x10112x128xf32, #tpu.memory_space<hbm>> -> memref<1x128x128xf32, #tpu.memory_space<hbm>>
        %dma_wait3A_148 = tpu.memref_squeeze %dma_wait3A_147 : memref<1x128x128xf32, #tpu.memory_space<hbm>> -> memref<128x128xf32, #tpu.memory_space<hbm>>
        %dma_wait3A_149 = arith.constant 0 : i32
        %dma_wait3A_150 = arith.constant 0 : i32
        %dma_wait3A_151 = tpu.memref_slice %arg11[%dma_wait3A_149, %dma_wait3A_150] : memref<128x128xf32, #tpu.memory_space<vmem>> -> memref<128x128xf32, #tpu.memory_space<vmem>>
        tpu.wait_dma2 semaphore(%run_scoped3A_127 : memref<!tpu.dma_semaphore, #tpu.memory_space<semaphore_mem>>) src(%dma_wait3A_151 : memref<128x128xf32, #tpu.memory_space<vmem>>) dst(%dma_wait3A_148 : memref<128x128xf32, #tpu.memory_space<hbm>>)
        tpu.yield
      }) : () -> ()
      %dma_start3A_83 = arith.constant 3 : i32
      %dma_start3A_84 = arith.constant 0 : i32
      %dma_start3A_85 = tpu.memref_slice %arg9[%dma_start3A_83, %dma_start3A_84] : memref<8x128xi32, #tpu.memory_space<vmem>> -> memref<1x128xi32, #tpu.memory_space<vmem>>
      %dma_start3A_86 = tpu.memref_squeeze %dma_start3A_85 : memref<1x128xi32, #tpu.memory_space<vmem>> -> memref<128xi32, #tpu.memory_space<vmem>>
      %dma_start3A_87 = arith.constant 0 : i32
      %dma_start3A_88 = arith.constant 0 : i32
      %dma_start3A_89 = tpu.memref_slice %arg12[%dma_start3A_87, %dma_start3A_88] : memref<10112x128xf32, #tpu.memory_space<vmem_shared>> -> memref<10112x128xf32, #tpu.memory_space<vmem_shared>>
      tpu.enqueue_indirect_dma source(%dma_start3A_89 : memref<10112x128xf32, #tpu.memory_space<vmem_shared>>) target(%arg11 : memref<128x128xf32, #tpu.memory_space<vmem>>) offsets(%dma_start3A_86 : memref<128xi32, #tpu.memory_space<vmem>>) semaphore(%arg14 : memref<!tpu.dma_semaphore, #tpu.memory_space<semaphore_mem>>)
      %dma_wait3A_90 = arith.constant 2 : i32
      %dma_wait3A_91 = arith.constant 0 : i32
      %dma_wait3A_92 = tpu.memref_slice %arg9[%dma_wait3A_90, %dma_wait3A_91] : memref<8x128xi32, #tpu.memory_space<vmem>> -> memref<1x128xi32, #tpu.memory_space<vmem>>
      %dma_wait3A_93 = tpu.memref_squeeze %dma_wait3A_92 : memref<1x128xi32, #tpu.memory_space<vmem>> -> memref<128xi32, #tpu.memory_space<vmem>>
      %dma_wait3A_94 = arith.constant 0 : i32
      %dma_wait3A_95 = arith.constant 0 : i32
      %dma_wait3A_96 = tpu.memref_slice %arg12[%dma_wait3A_94, %dma_wait3A_95] : memref<10112x128xf32, #tpu.memory_space<vmem_shared>> -> memref<10112x128xf32, #tpu.memory_space<vmem_shared>>
      tpu.wait_indirect_dma semaphore(%arg13 : memref<!tpu.dma_semaphore, #tpu.memory_space<semaphore_mem>>) src(%dma_wait3A_96 : memref<10112x128xf32, #tpu.memory_space<vmem_shared>>) dst(%arg10 : memref<128x128xf32, #tpu.memory_space<vmem>>)
      %add3A_97 = arith.constant 256 : i32
      %add3A_98 = arith.addi %mul3A_0, %add3A_97 : i32
      %run_scoped3A_99 = arith.constant 0 : i32
      "tpu.region"() ({
        %run_scoped3A_127 = tpu.sem_alloc : memref<!tpu.dma_semaphore, #tpu.memory_space<semaphore_mem>>
        %dma_start3A_128 = arith.constant 0 : i32
        %dma_start3A_129 = arith.constant 0 : i32
        %dma_start3A_130 = tpu.memref_slice %arg10[%dma_start3A_128, %dma_start3A_129] : memref<128x128xf32, #tpu.memory_space<vmem>> -> memref<128x128xf32, #tpu.memory_space<vmem>>
        %dma_start3A_131 = arith.constant 0 : i32
        %dma_start3A_132 = tpu.memref_slice %arg7[%run_scoped3A_99, %add3A_98, %dma_start3A_131] : memref<2x10112x128xf32, #tpu.memory_space<hbm>> -> memref<1x128x128xf32, #tpu.memory_space<hbm>>
        %dma_start3A_133 = tpu.memref_squeeze %dma_start3A_132 : memref<1x128x128xf32, #tpu.memory_space<hbm>> -> memref<128x128xf32, #tpu.memory_space<hbm>>
        %dma_start3A_134 = arith.constant 0 : i32
        %dma_start3A_135 = tpu.memref_slice %arg7[%run_scoped3A_99, %add3A_98, %dma_start3A_134] : memref<2x10112x128xf32, #tpu.memory_space<hbm>> -> memref<1x128x128xf32, #tpu.memory_space<hbm>>
        %dma_start3A_136 = tpu.memref_squeeze %dma_start3A_135 : memref<1x128x128xf32, #tpu.memory_space<hbm>> -> memref<128x128xf32, #tpu.memory_space<hbm>>
        %dma_start3A_137 = arith.constant 0 : i32
        %dma_start3A_138 = arith.constant 0 : i32
        %dma_start3A_139 = tpu.memref_slice %arg10[%dma_start3A_137, %dma_start3A_138] : memref<128x128xf32, #tpu.memory_space<vmem>> -> memref<128x128xf32, #tpu.memory_space<vmem>>
        tpu.enqueue_dma source(%dma_start3A_139 : memref<128x128xf32, #tpu.memory_space<vmem>>) target(%dma_start3A_136 : memref<128x128xf32, #tpu.memory_space<hbm>>) target_semaphore(%run_scoped3A_127 : memref<!tpu.dma_semaphore, #tpu.memory_space<semaphore_mem>>)
        %dma_wait3A_140 = arith.constant 0 : i32
        %dma_wait3A_141 = arith.constant 0 : i32
        %dma_wait3A_142 = tpu.memref_slice %arg10[%dma_wait3A_140, %dma_wait3A_141] : memref<128x128xf32, #tpu.memory_space<vmem>> -> memref<128x128xf32, #tpu.memory_space<vmem>>
        %dma_wait3A_143 = arith.constant 0 : i32
        %dma_wait3A_144 = tpu.memref_slice %arg7[%run_scoped3A_99, %add3A_98, %dma_wait3A_143] : memref<2x10112x128xf32, #tpu.memory_space<hbm>> -> memref<1x128x128xf32, #tpu.memory_space<hbm>>
        %dma_wait3A_145 = tpu.memref_squeeze %dma_wait3A_144 : memref<1x128x128xf32, #tpu.memory_space<hbm>> -> memref<128x128xf32, #tpu.memory_space<hbm>>
        %dma_wait3A_146 = arith.constant 0 : i32
        %dma_wait3A_147 = tpu.memref_slice %arg7[%run_scoped3A_99, %add3A_98, %dma_wait3A_146] : memref<2x10112x128xf32, #tpu.memory_space<hbm>> -> memref<1x128x128xf32, #tpu.memory_space<hbm>>
        %dma_wait3A_148 = tpu.memref_squeeze %dma_wait3A_147 : memref<1x128x128xf32, #tpu.memory_space<hbm>> -> memref<128x128xf32, #tpu.memory_space<hbm>>
        %dma_wait3A_149 = arith.constant 0 : i32
        %dma_wait3A_150 = arith.constant 0 : i32
        %dma_wait3A_151 = tpu.memref_slice %arg10[%dma_wait3A_149, %dma_wait3A_150] : memref<128x128xf32, #tpu.memory_space<vmem>> -> memref<128x128xf32, #tpu.memory_space<vmem>>
        tpu.wait_dma2 semaphore(%run_scoped3A_127 : memref<!tpu.dma_semaphore, #tpu.memory_space<semaphore_mem>>) src(%dma_wait3A_151 : memref<128x128xf32, #tpu.memory_space<vmem>>) dst(%dma_wait3A_148 : memref<128x128xf32, #tpu.memory_space<hbm>>)
        tpu.yield
      }) : () -> ()
      %dma_start3A_100 = arith.constant 4 : i32
      %dma_start3A_101 = arith.constant 0 : i32
      %dma_start3A_102 = tpu.memref_slice %arg9[%dma_start3A_100, %dma_start3A_101] : memref<8x128xi32, #tpu.memory_space<vmem>> -> memref<1x128xi32, #tpu.memory_space<vmem>>
      %dma_start3A_103 = tpu.memref_squeeze %dma_start3A_102 : memref<1x128xi32, #tpu.memory_space<vmem>> -> memref<128xi32, #tpu.memory_space<vmem>>
      %dma_start3A_104 = arith.constant 0 : i32
      %dma_start3A_105 = arith.constant 0 : i32
      %dma_start3A_106 = tpu.memref_slice %arg12[%dma_start3A_104, %dma_start3A_105] : memref<10112x128xf32, #tpu.memory_space<vmem_shared>> -> memref<10112x128xf32, #tpu.memory_space<vmem_shared>>
      tpu.enqueue_indirect_dma source(%dma_start3A_106 : memref<10112x128xf32, #tpu.memory_space<vmem_shared>>) target(%arg10 : memref<128x128xf32, #tpu.memory_space<vmem>>) offsets(%dma_start3A_103 : memref<128xi32, #tpu.memory_space<vmem>>) semaphore(%arg13 : memref<!tpu.dma_semaphore, #tpu.memory_space<semaphore_mem>>)
      %dma_wait3A_107 = arith.constant 3 : i32
      %dma_wait3A_108 = arith.constant 0 : i32
      %dma_wait3A_109 = tpu.memref_slice %arg9[%dma_wait3A_107, %dma_wait3A_108] : memref<8x128xi32, #tpu.memory_space<vmem>> -> memref<1x128xi32, #tpu.memory_space<vmem>>
      %dma_wait3A_110 = tpu.memref_squeeze %dma_wait3A_109 : memref<1x128xi32, #tpu.memory_space<vmem>> -> memref<128xi32, #tpu.memory_space<vmem>>
      %dma_wait3A_111 = arith.constant 0 : i32
      %dma_wait3A_112 = arith.constant 0 : i32
      %dma_wait3A_113 = tpu.memref_slice %arg12[%dma_wait3A_111, %dma_wait3A_112] : memref<10112x128xf32, #tpu.memory_space<vmem_shared>> -> memref<10112x128xf32, #tpu.memory_space<vmem_shared>>
      tpu.wait_indirect_dma semaphore(%arg14 : memref<!tpu.dma_semaphore, #tpu.memory_space<semaphore_mem>>) src(%dma_wait3A_113 : memref<10112x128xf32, #tpu.memory_space<vmem_shared>>) dst(%arg11 : memref<128x128xf32, #tpu.memory_space<vmem>>)
      %add3A_114 = arith.constant 384 : i32
      %add3A_115 = arith.addi %mul3A_0, %add3A_114 : i32
      %run_scoped3A_116 = arith.constant 0 : i32
      "tpu.region"() ({
        %run_scoped3A_127 = tpu.sem_alloc : memref<!tpu.dma_semaphore, #tpu.memory_space<semaphore_mem>>
        %dma_start3A_128 = arith.constant 0 : i32
        %dma_start3A_129 = arith.constant 0 : i32
        %dma_start3A_130 = tpu.memref_slice %arg11[%dma_start3A_128, %dma_start3A_129] : memref<128x128xf32, #tpu.memory_space<vmem>> -> memref<128x128xf32, #tpu.memory_space<vmem>>
        %dma_start3A_131 = arith.constant 0 : i32
        %dma_start3A_132 = tpu.memref_slice %arg7[%run_scoped3A_116, %add3A_115, %dma_start3A_131] : memref<2x10112x128xf32, #tpu.memory_space<hbm>> -> memref<1x128x128xf32, #tpu.memory_space<hbm>>
        %dma_start3A_133 = tpu.memref_squeeze %dma_start3A_132 : memref<1x128x128xf32, #tpu.memory_space<hbm>> -> memref<128x128xf32, #tpu.memory_space<hbm>>
        %dma_start3A_134 = arith.constant 0 : i32
        %dma_start3A_135 = tpu.memref_slice %arg7[%run_scoped3A_116, %add3A_115, %dma_start3A_134] : memref<2x10112x128xf32, #tpu.memory_space<hbm>> -> memref<1x128x128xf32, #tpu.memory_space<hbm>>
        %dma_start3A_136 = tpu.memref_squeeze %dma_start3A_135 : memref<1x128x128xf32, #tpu.memory_space<hbm>> -> memref<128x128xf32, #tpu.memory_space<hbm>>
        %dma_start3A_137 = arith.constant 0 : i32
        %dma_start3A_138 = arith.constant 0 : i32
        %dma_start3A_139 = tpu.memref_slice %arg11[%dma_start3A_137, %dma_start3A_138] : memref<128x128xf32, #tpu.memory_space<vmem>> -> memref<128x128xf32, #tpu.memory_space<vmem>>
        tpu.enqueue_dma source(%dma_start3A_139 : memref<128x128xf32, #tpu.memory_space<vmem>>) target(%dma_start3A_136 : memref<128x128xf32, #tpu.memory_space<hbm>>) target_semaphore(%run_scoped3A_127 : memref<!tpu.dma_semaphore, #tpu.memory_space<semaphore_mem>>)
        %dma_wait3A_140 = arith.constant 0 : i32
        %dma_wait3A_141 = arith.constant 0 : i32
        %dma_wait3A_142 = tpu.memref_slice %arg11[%dma_wait3A_140, %dma_wait3A_141] : memref<128x128xf32, #tpu.memory_space<vmem>> -> memref<128x128xf32, #tpu.memory_space<vmem>>
        %dma_wait3A_143 = arith.constant 0 : i32
        %dma_wait3A_144 = tpu.memref_slice %arg7[%run_scoped3A_116, %add3A_115, %dma_wait3A_143] : memref<2x10112x128xf32, #tpu.memory_space<hbm>> -> memref<1x128x128xf32, #tpu.memory_space<hbm>>
        %dma_wait3A_145 = tpu.memref_squeeze %dma_wait3A_144 : memref<1x128x128xf32, #tpu.memory_space<hbm>> -> memref<128x128xf32, #tpu.memory_space<hbm>>
        %dma_wait3A_146 = arith.constant 0 : i32
        %dma_wait3A_147 = tpu.memref_slice %arg7[%run_scoped3A_116, %add3A_115, %dma_wait3A_146] : memref<2x10112x128xf32, #tpu.memory_space<hbm>> -> memref<1x128x128xf32, #tpu.memory_space<hbm>>
        %dma_wait3A_148 = tpu.memref_squeeze %dma_wait3A_147 : memref<1x128x128xf32, #tpu.memory_space<hbm>> -> memref<128x128xf32, #tpu.memory_space<hbm>>
        %dma_wait3A_149 = arith.constant 0 : i32
        %dma_wait3A_150 = arith.constant 0 : i32
        %dma_wait3A_151 = tpu.memref_slice %arg11[%dma_wait3A_149, %dma_wait3A_150] : memref<128x128xf32, #tpu.memory_space<vmem>> -> memref<128x128xf32, #tpu.memory_space<vmem>>
        tpu.wait_dma2 semaphore(%run_scoped3A_127 : memref<!tpu.dma_semaphore, #tpu.memory_space<semaphore_mem>>) src(%dma_wait3A_151 : memref<128x128xf32, #tpu.memory_space<vmem>>) dst(%dma_wait3A_148 : memref<128x128xf32, #tpu.memory_space<hbm>>)
        tpu.yield
      }) : () -> ()
      %dma_wait3A_117 = arith.constant 4 : i32
      %dma_wait3A_118 = arith.constant 0 : i32
      %dma_wait3A_119 = tpu.memref_slice %arg9[%dma_wait3A_117, %dma_wait3A_118] : memref<8x128xi32, #tpu.memory_space<vmem>> -> memref<1x128xi32, #tpu.memory_space<vmem>>
      %dma_wait3A_120 = tpu.memref_squeeze %dma_wait3A_119 : memref<1x128xi32, #tpu.memory_space<vmem>> -> memref<128xi32, #tpu.memory_space<vmem>>
      %dma_wait3A_121 = arith.constant 0 : i32
      %dma_wait3A_122 = arith.constant 0 : i32
      %dma_wait3A_123 = tpu.memref_slice %arg12[%dma_wait3A_121, %dma_wait3A_122] : memref<10112x128xf32, #tpu.memory_space<vmem_shared>> -> memref<10112x128xf32, #tpu.memory_space<vmem_shared>>
      tpu.wait_indirect_dma semaphore(%arg13 : memref<!tpu.dma_semaphore, #tpu.memory_space<semaphore_mem>>) src(%dma_wait3A_123 : memref<10112x128xf32, #tpu.memory_space<vmem_shared>>) dst(%arg10 : memref<128x128xf32, #tpu.memory_space<vmem>>)
      %add3A_124 = arith.constant 512 : i32
      %add3A_125 = arith.addi %mul3A_0, %add3A_124 : i32
      %run_scoped3A_126 = arith.constant 0 : i32
      "tpu.region"() ({
        %run_scoped3A_127 = tpu.sem_alloc : memref<!tpu.dma_semaphore, #tpu.memory_space<semaphore_mem>>
        %dma_start3A_128 = arith.constant 0 : i32
        %dma_start3A_129 = arith.constant 0 : i32
        %dma_start3A_130 = tpu.memref_slice %arg10[%dma_start3A_128, %dma_start3A_129] : memref<128x128xf32, #tpu.memory_space<vmem>> -> memref<120x128xf32, #tpu.memory_space<vmem>>
        %dma_start3A_131 = arith.constant 0 : i32
        %dma_start3A_132 = tpu.memref_slice %arg7[%run_scoped3A_126, %add3A_125, %dma_start3A_131] : memref<2x10112x128xf32, #tpu.memory_space<hbm>> -> memref<1x120x128xf32, #tpu.memory_space<hbm>>
        %dma_start3A_133 = tpu.memref_squeeze %dma_start3A_132 : memref<1x120x128xf32, #tpu.memory_space<hbm>> -> memref<120x128xf32, #tpu.memory_space<hbm>>
        %dma_start3A_134 = arith.constant 0 : i32
        %dma_start3A_135 = tpu.memref_slice %arg7[%run_scoped3A_126, %add3A_125, %dma_start3A_134] : memref<2x10112x128xf32, #tpu.memory_space<hbm>> -> memref<1x120x128xf32, #tpu.memory_space<hbm>>
        %dma_start3A_136 = tpu.memref_squeeze %dma_start3A_135 : memref<1x120x128xf32, #tpu.memory_space<hbm>> -> memref<120x128xf32, #tpu.memory_space<hbm>>
        %dma_start3A_137 = arith.constant 0 : i32
        %dma_start3A_138 = arith.constant 0 : i32
        %dma_start3A_139 = tpu.memref_slice %arg10[%dma_start3A_137, %dma_start3A_138] : memref<128x128xf32, #tpu.memory_space<vmem>> -> memref<120x128xf32, #tpu.memory_space<vmem>>
        tpu.enqueue_dma source(%dma_start3A_139 : memref<120x128xf32, #tpu.memory_space<vmem>>) target(%dma_start3A_136 : memref<120x128xf32, #tpu.memory_space<hbm>>) target_semaphore(%run_scoped3A_127 : memref<!tpu.dma_semaphore, #tpu.memory_space<semaphore_mem>>)
        %dma_wait3A_140 = arith.constant 0 : i32
        %dma_wait3A_141 = arith.constant 0 : i32
        %dma_wait3A_142 = tpu.memref_slice %arg10[%dma_wait3A_140, %dma_wait3A_141] : memref<128x128xf32, #tpu.memory_space<vmem>> -> memref<120x128xf32, #tpu.memory_space<vmem>>
        %dma_wait3A_143 = arith.constant 0 : i32
        %dma_wait3A_144 = tpu.memref_slice %arg7[%run_scoped3A_126, %add3A_125, %dma_wait3A_143] : memref<2x10112x128xf32, #tpu.memory_space<hbm>> -> memref<1x120x128xf32, #tpu.memory_space<hbm>>
        %dma_wait3A_145 = tpu.memref_squeeze %dma_wait3A_144 : memref<1x120x128xf32, #tpu.memory_space<hbm>> -> memref<120x128xf32, #tpu.memory_space<hbm>>
        %dma_wait3A_146 = arith.constant 0 : i32
        %dma_wait3A_147 = tpu.memref_slice %arg7[%run_scoped3A_126, %add3A_125, %dma_wait3A_146] : memref<2x10112x128xf32, #tpu.memory_space<hbm>> -> memref<1x120x128xf32, #tpu.memory_space<hbm>>
        %dma_wait3A_148 = tpu.memref_squeeze %dma_wait3A_147 : memref<1x120x128xf32, #tpu.memory_space<hbm>> -> memref<120x128xf32, #tpu.memory_space<hbm>>
        %dma_wait3A_149 = arith.constant 0 : i32
        %dma_wait3A_150 = arith.constant 0 : i32
        %dma_wait3A_151 = tpu.memref_slice %arg10[%dma_wait3A_149, %dma_wait3A_150] : memref<128x128xf32, #tpu.memory_space<vmem>> -> memref<120x128xf32, #tpu.memory_space<vmem>>
        tpu.wait_dma2 semaphore(%run_scoped3A_127 : memref<!tpu.dma_semaphore, #tpu.memory_space<semaphore_mem>>) src(%dma_wait3A_151 : memref<120x128xf32, #tpu.memory_space<vmem>>) dst(%dma_wait3A_148 : memref<120x128xf32, #tpu.memory_space<hbm>>)
        tpu.yield
      }) : () -> ()
    } else {
    }
    %eq3A_26 = arith.constant 1 : i32
    %eq3A_27 = arith.cmpi eq, %arg0, %eq3A_26 : i32
    %and3A = arith.constant true
    %and3A_28 = arith.andi %eq3A_27, %and3A : i1
    %convert_element_type3A_29 = arith.extui %and3A_28 : i1 to i32
    %cond3A_30 = arith.constant 0 : i32
    %cond3A_31 = arith.cmpi ne, %convert_element_type3A_29, %cond3A_30 : i32
    scf.if %cond3A_31 {
      %iota3A = tpu.iota {dimensions = array<i32: 0>} : vector<16xi32>
      %scan3A_39 = arith.constant 0 : i32
      %scan3A_40 = arith.constant 0 : i32
      %scan3A_41 = arith.constant 64 : i32
      %scan3A_42 = arith.addi %scan3A_40, %scan3A_41 : i32
      %scan3A_43 = arith.constant 1 : i32
      %scan3A_44 = scf.for %scan3A_127 = %scan3A_40 to %scan3A_42 step %scan3A_43 iter_args(%scan3A_128 = %scan3A_39) -> (i32)  : i32 {
        %mul3A_129 = arith.constant 16 : i32
        %mul3A_130 = arith.muli %scan3A_127, %mul3A_129 : i32
        %add3A_131 = vector.broadcast %mul3A_130 : i32 to vector<16xi32>
        %add3A_132 = arith.addi %add3A_131, %iota3A : vector<16xi32>
        %min3A = arith.constant 631 : i32
        %min3A_133 = vector.broadcast %min3A : i32 to vector<16xi32>
        %min3A_134 = arith.minsi %add3A_132, %min3A_133 : vector<16xi32>
        %add3A_135 = vector.broadcast %mul3A_0 : i32 to vector<16xi32>
        %add3A_136 = arith.addi %add3A_135, %min3A_134 : vector<16xi32>
        %jit3A = arith.constant 8 : i32
        %div3A = arith.divsi %scan3A_127, %jit3A : i32
        %sign3A = arith.constant 0 : i32
        %sign3A_137 = arith.cmpi sgt, %scan3A_127, %sign3A : i32
        %sign3A_138 = arith.extui %sign3A_137 : i1 to i32
        %sign3A_139 = arith.constant 0 : i32
        %sign3A_140 = arith.cmpi slt, %scan3A_127, %sign3A_139 : i32
        %sign3A_141 = arith.extui %sign3A_140 : i1 to i32
        %sign3A_142 = arith.subi %sign3A_138, %sign3A_141 : i32
        %sign3A_143 = arith.constant 0 : i32
        %sign3A_144 = arith.cmpi sgt, %jit3A, %sign3A_143 : i32
        %sign3A_145 = arith.extui %sign3A_144 : i1 to i32
        %sign3A_146 = arith.constant 0 : i32
        %sign3A_147 = arith.cmpi slt, %jit3A, %sign3A_146 : i32
        %sign3A_148 = arith.extui %sign3A_147 : i1 to i32
        %sign3A_149 = arith.subi %sign3A_145, %sign3A_148 : i32
        %ne3A = arith.cmpi ne, %sign3A_142, %sign3A_149 : i32
        %rem3A = arith.remsi %scan3A_127, %jit3A : i32
        %ne3A_150 = arith.constant 0 : i32
        %ne3A_151 = arith.cmpi ne, %rem3A, %ne3A_150 : i32
        %and3A_152 = arith.andi %ne3A, %ne3A_151 : i1
        %sub3A = arith.constant 1 : i32
        %sub3A_153 = arith.subi %div3A, %sub3A : i32
        %select_n3A = arith.select %and3A_152, %sub3A_153, %div3A : i32
        %jit3A_154 = arith.constant 8 : i32
        %eq3A_155 = arith.constant 0 : i32
        %eq3A_156 = arith.cmpi eq, %jit3A_154, %eq3A_155 : i32
        %jit3A_157 = arith.constant 1 : i32
        %select_n3A_158 = arith.select %eq3A_156, %jit3A_157, %jit3A_154 : i32
        %rem3A_159 = arith.remsi %scan3A_127, %select_n3A_158 : i32
        %ne3A_160 = arith.constant 0 : i32
        %ne3A_161 = arith.cmpi ne, %rem3A_159, %ne3A_160 : i32
        %lt3A = arith.constant 0 : i32
        %lt3A_162 = arith.cmpi slt, %rem3A_159, %lt3A : i32
        %lt3A_163 = arith.constant 0 : i32
        %lt3A_164 = arith.cmpi slt, %select_n3A_158, %lt3A_163 : i32
        %ne3A_165 = arith.xori %lt3A_162, %lt3A_164 : i1
        %and3A_166 = arith.andi %ne3A_165, %ne3A_161 : i1
        %add3A_167 = arith.addi %rem3A_159, %select_n3A_158 : i32
        %select_n3A_168 = arith.select %and3A_166, %add3A_167, %rem3A_159 : i32
        %mul3A_169 = arith.constant 16 : i32
        %mul3A_170 = arith.muli %select_n3A_168, %mul3A_169 : i32
        %swap3A = arith.index_cast %select_n3A : i32 to index
        %swap3A_171 = arith.index_cast %mul3A_170 : i32 to index
        %swap3A_172 = tpu.vector_load %arg9[%swap3A, %swap3A_171] {strides = array<i32>} : memref<8x128xi32, #tpu.memory_space<vmem>>, vector<16xi32>,
        tpu.vector_store %arg9[%swap3A, %swap3A_171], %add3A_136 {strides = array<i32>} : memref<8x128xi32, #tpu.memory_space<vmem>>, vector<16xi32>,
        %scan3A_173 = arith.constant 0 : i32
        scf.yield %scan3A_173 : i32
      }
      %scan3A_45 = arith.constant 64 : i32
      %dma_start3A = arith.constant 0 : i32
      %dma_start3A_46 = arith.constant 0 : i32
      %dma_start3A_47 = tpu.memref_slice %arg9[%dma_start3A, %dma_start3A_46] : memref<8x128xi32, #tpu.memory_space<vmem>> -> memref<1x128xi32, #tpu.memory_space<vmem>>
      %dma_start3A_48 = tpu.memref_squeeze %dma_start3A_47 : memref<1x128xi32, #tpu.memory_space<vmem>> -> memref<128xi32, #tpu.memory_space<vmem>>
      %dma_start3A_49 = arith.constant 0 : i32
      %dma_start3A_50 = arith.constant 0 : i32
      %dma_start3A_51 = tpu.memref_slice %arg12[%dma_start3A_49, %dma_start3A_50] : memref<10112x128xf32, #tpu.memory_space<vmem_shared>> -> memref<10112x128xf32, #tpu.memory_space<vmem_shared>>
      tpu.enqueue_indirect_dma source(%dma_start3A_51 : memref<10112x128xf32, #tpu.memory_space<vmem_shared>>) target(%arg10 : memref<128x128xf32, #tpu.memory_space<vmem>>) offsets(%dma_start3A_48 : memref<128xi32, #tpu.memory_space<vmem>>) semaphore(%arg13 : memref<!tpu.dma_semaphore, #tpu.memory_space<semaphore_mem>>)
      %dma_start3A_52 = arith.constant 1 : i32
      %dma_start3A_53 = arith.constant 0 : i32
      %dma_start3A_54 = tpu.memref_slice %arg9[%dma_start3A_52, %dma_start3A_53] : memref<8x128xi32, #tpu.memory_space<vmem>> -> memref<1x128xi32, #tpu.memory_space<vmem>>
      %dma_start3A_55 = tpu.memref_squeeze %dma_start3A_54 : memref<1x128xi32, #tpu.memory_space<vmem>> -> memref<128xi32, #tpu.memory_space<vmem>>
      %dma_start3A_56 = arith.constant 0 : i32
      %dma_start3A_57 = arith.constant 0 : i32
      %dma_start3A_58 = tpu.memref_slice %arg12[%dma_start3A_56, %dma_start3A_57] : memref<10112x128xf32, #tpu.memory_space<vmem_shared>> -> memref<10112x128xf32, #tpu.memory_space<vmem_shared>>
      tpu.enqueue_indirect_dma source(%dma_start3A_58 : memref<10112x128xf32, #tpu.memory_space<vmem_shared>>) target(%arg11 : memref<128x128xf32, #tpu.memory_space<vmem>>) offsets(%dma_start3A_55 : memref<128xi32, #tpu.memory_space<vmem>>) semaphore(%arg14 : memref<!tpu.dma_semaphore, #tpu.memory_space<semaphore_mem>>)
      %dma_wait3A = arith.constant 0 : i32
      %dma_wait3A_59 = arith.constant 0 : i32
      %dma_wait3A_60 = tpu.memref_slice %arg9[%dma_wait3A, %dma_wait3A_59] : memref<8x128xi32, #tpu.memory_space<vmem>> -> memref<1x128xi32, #tpu.memory_space<vmem>>
      %dma_wait3A_61 = tpu.memref_squeeze %dma_wait3A_60 : memref<1x128xi32, #tpu.memory_space<vmem>> -> memref<128xi32, #tpu.memory_space<vmem>>
      %dma_wait3A_62 = arith.constant 0 : i32
      %dma_wait3A_63 = arith.constant 0 : i32
      %dma_wait3A_64 = tpu.memref_slice %arg12[%dma_wait3A_62, %dma_wait3A_63] : memref<10112x128xf32, #tpu.memory_space<vmem_shared>> -> memref<10112x128xf32, #tpu.memory_space<vmem_shared>>
      tpu.wait_indirect_dma semaphore(%arg13 : memref<!tpu.dma_semaphore, #tpu.memory_space<semaphore_mem>>) src(%dma_wait3A_64 : memref<10112x128xf32, #tpu.memory_space<vmem_shared>>) dst(%arg10 : memref<128x128xf32, #tpu.memory_space<vmem>>)
      %add3A = arith.constant 0 : i32
      %add3A_65 = arith.addi %mul3A_0, %add3A : i32
      %run_scoped3A = arith.constant 1 : i32
      "tpu.region"() ({
        %run_scoped3A_127 = tpu.sem_alloc : memref<!tpu.dma_semaphore, #tpu.memory_space<semaphore_mem>>
        %dma_start3A_128 = arith.constant 0 : i32
        %dma_start3A_129 = arith.constant 0 : i32
        %dma_start3A_130 = tpu.memref_slice %arg10[%dma_start3A_128, %dma_start3A_129] : memref<128x128xf32, #tpu.memory_space<vmem>> -> memref<128x128xf32, #tpu.memory_space<vmem>>
        %dma_start3A_131 = arith.constant 0 : i32
        %dma_start3A_132 = tpu.memref_slice %arg7[%run_scoped3A, %add3A_65, %dma_start3A_131] : memref<2x10112x128xf32, #tpu.memory_space<hbm>> -> memref<1x128x128xf32, #tpu.memory_space<hbm>>
        %dma_start3A_133 = tpu.memref_squeeze %dma_start3A_132 : memref<1x128x128xf32, #tpu.memory_space<hbm>> -> memref<128x128xf32, #tpu.memory_space<hbm>>
        %dma_start3A_134 = arith.constant 0 : i32
        %dma_start3A_135 = tpu.memref_slice %arg7[%run_scoped3A, %add3A_65, %dma_start3A_134] : memref<2x10112x128xf32, #tpu.memory_space<hbm>> -> memref<1x128x128xf32, #tpu.memory_space<hbm>>
        %dma_start3A_136 = tpu.memref_squeeze %dma_start3A_135 : memref<1x128x128xf32, #tpu.memory_space<hbm>> -> memref<128x128xf32, #tpu.memory_space<hbm>>
        %dma_start3A_137 = arith.constant 0 : i32
        %dma_start3A_138 = arith.constant 0 : i32
        %dma_start3A_139 = tpu.memref_slice %arg10[%dma_start3A_137, %dma_start3A_138] : memref<128x128xf32, #tpu.memory_space<vmem>> -> memref<128x128xf32, #tpu.memory_space<vmem>>
        tpu.enqueue_dma source(%dma_start3A_139 : memref<128x128xf32, #tpu.memory_space<vmem>>) target(%dma_start3A_136 : memref<128x128xf32, #tpu.memory_space<hbm>>) target_semaphore(%run_scoped3A_127 : memref<!tpu.dma_semaphore, #tpu.memory_space<semaphore_mem>>)
        %dma_wait3A_140 = arith.constant 0 : i32
        %dma_wait3A_141 = arith.constant 0 : i32
        %dma_wait3A_142 = tpu.memref_slice %arg10[%dma_wait3A_140, %dma_wait3A_141] : memref<128x128xf32, #tpu.memory_space<vmem>> -> memref<128x128xf32, #tpu.memory_space<vmem>>
        %dma_wait3A_143 = arith.constant 0 : i32
        %dma_wait3A_144 = tpu.memref_slice %arg7[%run_scoped3A, %add3A_65, %dma_wait3A_143] : memref<2x10112x128xf32, #tpu.memory_space<hbm>> -> memref<1x128x128xf32, #tpu.memory_space<hbm>>
        %dma_wait3A_145 = tpu.memref_squeeze %dma_wait3A_144 : memref<1x128x128xf32, #tpu.memory_space<hbm>> -> memref<128x128xf32, #tpu.memory_space<hbm>>
        %dma_wait3A_146 = arith.constant 0 : i32
        %dma_wait3A_147 = tpu.memref_slice %arg7[%run_scoped3A, %add3A_65, %dma_wait3A_146] : memref<2x10112x128xf32, #tpu.memory_space<hbm>> -> memref<1x128x128xf32, #tpu.memory_space<hbm>>
        %dma_wait3A_148 = tpu.memref_squeeze %dma_wait3A_147 : memref<1x128x128xf32, #tpu.memory_space<hbm>> -> memref<128x128xf32, #tpu.memory_space<hbm>>
        %dma_wait3A_149 = arith.constant 0 : i32
        %dma_wait3A_150 = arith.constant 0 : i32
        %dma_wait3A_151 = tpu.memref_slice %arg10[%dma_wait3A_149, %dma_wait3A_150] : memref<128x128xf32, #tpu.memory_space<vmem>> -> memref<128x128xf32, #tpu.memory_space<vmem>>
        tpu.wait_dma2 semaphore(%run_scoped3A_127 : memref<!tpu.dma_semaphore, #tpu.memory_space<semaphore_mem>>) src(%dma_wait3A_151 : memref<128x128xf32, #tpu.memory_space<vmem>>) dst(%dma_wait3A_148 : memref<128x128xf32, #tpu.memory_space<hbm>>)
        tpu.yield
      }) : () -> ()
      %dma_start3A_66 = arith.constant 2 : i32
      %dma_start3A_67 = arith.constant 0 : i32
      %dma_start3A_68 = tpu.memref_slice %arg9[%dma_start3A_66, %dma_start3A_67] : memref<8x128xi32, #tpu.memory_space<vmem>> -> memref<1x128xi32, #tpu.memory_space<vmem>>
      %dma_start3A_69 = tpu.memref_squeeze %dma_start3A_68 : memref<1x128xi32, #tpu.memory_space<vmem>> -> memref<128xi32, #tpu.memory_space<vmem>>
      %dma_start3A_70 = arith.constant 0 : i32
      %dma_start3A_71 = arith.constant 0 : i32
      %dma_start3A_72 = tpu.memref_slice %arg12[%dma_start3A_70, %dma_start3A_71] : memref<10112x128xf32, #tpu.memory_space<vmem_shared>> -> memref<10112x128xf32, #tpu.memory_space<vmem_shared>>
      tpu.enqueue_indirect_dma source(%dma_start3A_72 : memref<10112x128xf32, #tpu.memory_space<vmem_shared>>) target(%arg10 : memref<128x128xf32, #tpu.memory_space<vmem>>) offsets(%dma_start3A_69 : memref<128xi32, #tpu.memory_space<vmem>>) semaphore(%arg13 : memref<!tpu.dma_semaphore, #tpu.memory_space<semaphore_mem>>)
      %dma_wait3A_73 = arith.constant 1 : i32
      %dma_wait3A_74 = arith.constant 0 : i32
      %dma_wait3A_75 = tpu.memref_slice %arg9[%dma_wait3A_73, %dma_wait3A_74] : memref<8x128xi32, #tpu.memory_space<vmem>> -> memref<1x128xi32, #tpu.memory_space<vmem>>
      %dma_wait3A_76 = tpu.memref_squeeze %dma_wait3A_75 : memref<1x128xi32, #tpu.memory_space<vmem>> -> memref<128xi32, #tpu.memory_space<vmem>>
      %dma_wait3A_77 = arith.constant 0 : i32
      %dma_wait3A_78 = arith.constant 0 : i32
      %dma_wait3A_79 = tpu.memref_slice %arg12[%dma_wait3A_77, %dma_wait3A_78] : memref<10112x128xf32, #tpu.memory_space<vmem_shared>> -> memref<10112x128xf32, #tpu.memory_space<vmem_shared>>
      tpu.wait_indirect_dma semaphore(%arg14 : memref<!tpu.dma_semaphore, #tpu.memory_space<semaphore_mem>>) src(%dma_wait3A_79 : memref<10112x128xf32, #tpu.memory_space<vmem_shared>>) dst(%arg11 : memref<128x128xf32, #tpu.memory_space<vmem>>)
      %add3A_80 = arith.constant 128 : i32
      %add3A_81 = arith.addi %mul3A_0, %add3A_80 : i32
      %run_scoped3A_82 = arith.constant 1 : i32
      "tpu.region"() ({
        %run_scoped3A_127 = tpu.sem_alloc : memref<!tpu.dma_semaphore, #tpu.memory_space<semaphore_mem>>
        %dma_start3A_128 = arith.constant 0 : i32
        %dma_start3A_129 = arith.constant 0 : i32
        %dma_start3A_130 = tpu.memref_slice %arg11[%dma_start3A_128, %dma_start3A_129] : memref<128x128xf32, #tpu.memory_space<vmem>> -> memref<128x128xf32, #tpu.memory_space<vmem>>
        %dma_start3A_131 = arith.constant 0 : i32
        %dma_start3A_132 = tpu.memref_slice %arg7[%run_scoped3A_82, %add3A_81, %dma_start3A_131] : memref<2x10112x128xf32, #tpu.memory_space<hbm>> -> memref<1x128x128xf32, #tpu.memory_space<hbm>>
        %dma_start3A_133 = tpu.memref_squeeze %dma_start3A_132 : memref<1x128x128xf32, #tpu.memory_space<hbm>> -> memref<128x128xf32, #tpu.memory_space<hbm>>
        %dma_start3A_134 = arith.constant 0 : i32
        %dma_start3A_135 = tpu.memref_slice %arg7[%run_scoped3A_82, %add3A_81, %dma_start3A_134] : memref<2x10112x128xf32, #tpu.memory_space<hbm>> -> memref<1x128x128xf32, #tpu.memory_space<hbm>>
        %dma_start3A_136 = tpu.memref_squeeze %dma_start3A_135 : memref<1x128x128xf32, #tpu.memory_space<hbm>> -> memref<128x128xf32, #tpu.memory_space<hbm>>
        %dma_start3A_137 = arith.constant 0 : i32
        %dma_start3A_138 = arith.constant 0 : i32
        %dma_start3A_139 = tpu.memref_slice %arg11[%dma_start3A_137, %dma_start3A_138] : memref<128x128xf32, #tpu.memory_space<vmem>> -> memref<128x128xf32, #tpu.memory_space<vmem>>
        tpu.enqueue_dma source(%dma_start3A_139 : memref<128x128xf32, #tpu.memory_space<vmem>>) target(%dma_start3A_136 : memref<128x128xf32, #tpu.memory_space<hbm>>) target_semaphore(%run_scoped3A_127 : memref<!tpu.dma_semaphore, #tpu.memory_space<semaphore_mem>>)
        %dma_wait3A_140 = arith.constant 0 : i32
        %dma_wait3A_141 = arith.constant 0 : i32
        %dma_wait3A_142 = tpu.memref_slice %arg11[%dma_wait3A_140, %dma_wait3A_141] : memref<128x128xf32, #tpu.memory_space<vmem>> -> memref<128x128xf32, #tpu.memory_space<vmem>>
        %dma_wait3A_143 = arith.constant 0 : i32
        %dma_wait3A_144 = tpu.memref_slice %arg7[%run_scoped3A_82, %add3A_81, %dma_wait3A_143] : memref<2x10112x128xf32, #tpu.memory_space<hbm>> -> memref<1x128x128xf32, #tpu.memory_space<hbm>>
        %dma_wait3A_145 = tpu.memref_squeeze %dma_wait3A_144 : memref<1x128x128xf32, #tpu.memory_space<hbm>> -> memref<128x128xf32, #tpu.memory_space<hbm>>
        %dma_wait3A_146 = arith.constant 0 : i32
        %dma_wait3A_147 = tpu.memref_slice %arg7[%run_scoped3A_82, %add3A_81, %dma_wait3A_146] : memref<2x10112x128xf32, #tpu.memory_space<hbm>> -> memref<1x128x128xf32, #tpu.memory_space<hbm>>
        %dma_wait3A_148 = tpu.memref_squeeze %dma_wait3A_147 : memref<1x128x128xf32, #tpu.memory_space<hbm>> -> memref<128x128xf32, #tpu.memory_space<hbm>>
        %dma_wait3A_149 = arith.constant 0 : i32
        %dma_wait3A_150 = arith.constant 0 : i32
        %dma_wait3A_151 = tpu.memref_slice %arg11[%dma_wait3A_149, %dma_wait3A_150] : memref<128x128xf32, #tpu.memory_space<vmem>> -> memref<128x128xf32, #tpu.memory_space<vmem>>
        tpu.wait_dma2 semaphore(%run_scoped3A_127 : memref<!tpu.dma_semaphore, #tpu.memory_space<semaphore_mem>>) src(%dma_wait3A_151 : memref<128x128xf32, #tpu.memory_space<vmem>>) dst(%dma_wait3A_148 : memref<128x128xf32, #tpu.memory_space<hbm>>)
        tpu.yield
      }) : () -> ()
      %dma_start3A_83 = arith.constant 3 : i32
      %dma_start3A_84 = arith.constant 0 : i32
      %dma_start3A_85 = tpu.memref_slice %arg9[%dma_start3A_83, %dma_start3A_84] : memref<8x128xi32, #tpu.memory_space<vmem>> -> memref<1x128xi32, #tpu.memory_space<vmem>>
      %dma_start3A_86 = tpu.memref_squeeze %dma_start3A_85 : memref<1x128xi32, #tpu.memory_space<vmem>> -> memref<128xi32, #tpu.memory_space<vmem>>
      %dma_start3A_87 = arith.constant 0 : i32
      %dma_start3A_88 = arith.constant 0 : i32
      %dma_start3A_89 = tpu.memref_slice %arg12[%dma_start3A_87, %dma_start3A_88] : memref<10112x128xf32, #tpu.memory_space<vmem_shared>> -> memref<10112x128xf32, #tpu.memory_space<vmem_shared>>
      tpu.enqueue_indirect_dma source(%dma_start3A_89 : memref<10112x128xf32, #tpu.memory_space<vmem_shared>>) target(%arg11 : memref<128x128xf32, #tpu.memory_space<vmem>>) offsets(%dma_start3A_86 : memref<128xi32, #tpu.memory_space<vmem>>) semaphore(%arg14 : memref<!tpu.dma_semaphore, #tpu.memory_space<semaphore_mem>>)
      %dma_wait3A_90 = arith.constant 2 : i32
      %dma_wait3A_91 = arith.constant 0 : i32
      %dma_wait3A_92 = tpu.memref_slice %arg9[%dma_wait3A_90, %dma_wait3A_91] : memref<8x128xi32, #tpu.memory_space<vmem>> -> memref<1x128xi32, #tpu.memory_space<vmem>>
      %dma_wait3A_93 = tpu.memref_squeeze %dma_wait3A_92 : memref<1x128xi32, #tpu.memory_space<vmem>> -> memref<128xi32, #tpu.memory_space<vmem>>
      %dma_wait3A_94 = arith.constant 0 : i32
      %dma_wait3A_95 = arith.constant 0 : i32
      %dma_wait3A_96 = tpu.memref_slice %arg12[%dma_wait3A_94, %dma_wait3A_95] : memref<10112x128xf32, #tpu.memory_space<vmem_shared>> -> memref<10112x128xf32, #tpu.memory_space<vmem_shared>>
      tpu.wait_indirect_dma semaphore(%arg13 : memref<!tpu.dma_semaphore, #tpu.memory_space<semaphore_mem>>) src(%dma_wait3A_96 : memref<10112x128xf32, #tpu.memory_space<vmem_shared>>) dst(%arg10 : memref<128x128xf32, #tpu.memory_space<vmem>>)
      %add3A_97 = arith.constant 256 : i32
      %add3A_98 = arith.addi %mul3A_0, %add3A_97 : i32
      %run_scoped3A_99 = arith.constant 1 : i32
      "tpu.region"() ({
        %run_scoped3A_127 = tpu.sem_alloc : memref<!tpu.dma_semaphore, #tpu.memory_space<semaphore_mem>>
        %dma_start3A_128 = arith.constant 0 : i32
        %dma_start3A_129 = arith.constant 0 : i32
        %dma_start3A_130 = tpu.memref_slice %arg10[%dma_start3A_128, %dma_start3A_129] : memref<128x128xf32, #tpu.memory_space<vmem>> -> memref<128x128xf32, #tpu.memory_space<vmem>>
        %dma_start3A_131 = arith.constant 0 : i32
        %dma_start3A_132 = tpu.memref_slice %arg7[%run_scoped3A_99, %add3A_98, %dma_start3A_131] : memref<2x10112x128xf32, #tpu.memory_space<hbm>> -> memref<1x128x128xf32, #tpu.memory_space<hbm>>
        %dma_start3A_133 = tpu.memref_squeeze %dma_start3A_132 : memref<1x128x128xf32, #tpu.memory_space<hbm>> -> memref<128x128xf32, #tpu.memory_space<hbm>>
        %dma_start3A_134 = arith.constant 0 : i32
        %dma_start3A_135 = tpu.memref_slice %arg7[%run_scoped3A_99, %add3A_98, %dma_start3A_134] : memref<2x10112x128xf32, #tpu.memory_space<hbm>> -> memref<1x128x128xf32, #tpu.memory_space<hbm>>
        %dma_start3A_136 = tpu.memref_squeeze %dma_start3A_135 : memref<1x128x128xf32, #tpu.memory_space<hbm>> -> memref<128x128xf32, #tpu.memory_space<hbm>>
        %dma_start3A_137 = arith.constant 0 : i32
        %dma_start3A_138 = arith.constant 0 : i32
        %dma_start3A_139 = tpu.memref_slice %arg10[%dma_start3A_137, %dma_start3A_138] : memref<128x128xf32, #tpu.memory_space<vmem>> -> memref<128x128xf32, #tpu.memory_space<vmem>>
        tpu.enqueue_dma source(%dma_start3A_139 : memref<128x128xf32, #tpu.memory_space<vmem>>) target(%dma_start3A_136 : memref<128x128xf32, #tpu.memory_space<hbm>>) target_semaphore(%run_scoped3A_127 : memref<!tpu.dma_semaphore, #tpu.memory_space<semaphore_mem>>)
        %dma_wait3A_140 = arith.constant 0 : i32
        %dma_wait3A_141 = arith.constant 0 : i32
        %dma_wait3A_142 = tpu.memref_slice %arg10[%dma_wait3A_140, %dma_wait3A_141] : memref<128x128xf32, #tpu.memory_space<vmem>> -> memref<128x128xf32, #tpu.memory_space<vmem>>
        %dma_wait3A_143 = arith.constant 0 : i32
        %dma_wait3A_144 = tpu.memref_slice %arg7[%run_scoped3A_99, %add3A_98, %dma_wait3A_143] : memref<2x10112x128xf32, #tpu.memory_space<hbm>> -> memref<1x128x128xf32, #tpu.memory_space<hbm>>
        %dma_wait3A_145 = tpu.memref_squeeze %dma_wait3A_144 : memref<1x128x128xf32, #tpu.memory_space<hbm>> -> memref<128x128xf32, #tpu.memory_space<hbm>>
        %dma_wait3A_146 = arith.constant 0 : i32
        %dma_wait3A_147 = tpu.memref_slice %arg7[%run_scoped3A_99, %add3A_98, %dma_wait3A_146] : memref<2x10112x128xf32, #tpu.memory_space<hbm>> -> memref<1x128x128xf32, #tpu.memory_space<hbm>>
        %dma_wait3A_148 = tpu.memref_squeeze %dma_wait3A_147 : memref<1x128x128xf32, #tpu.memory_space<hbm>> -> memref<128x128xf32, #tpu.memory_space<hbm>>
        %dma_wait3A_149 = arith.constant 0 : i32
        %dma_wait3A_150 = arith.constant 0 : i32
        %dma_wait3A_151 = tpu.memref_slice %arg10[%dma_wait3A_149, %dma_wait3A_150] : memref<128x128xf32, #tpu.memory_space<vmem>> -> memref<128x128xf32, #tpu.memory_space<vmem>>
        tpu.wait_dma2 semaphore(%run_scoped3A_127 : memref<!tpu.dma_semaphore, #tpu.memory_space<semaphore_mem>>) src(%dma_wait3A_151 : memref<128x128xf32, #tpu.memory_space<vmem>>) dst(%dma_wait3A_148 : memref<128x128xf32, #tpu.memory_space<hbm>>)
        tpu.yield
      }) : () -> ()
      %dma_start3A_100 = arith.constant 4 : i32
      %dma_start3A_101 = arith.constant 0 : i32
      %dma_start3A_102 = tpu.memref_slice %arg9[%dma_start3A_100, %dma_start3A_101] : memref<8x128xi32, #tpu.memory_space<vmem>> -> memref<1x128xi32, #tpu.memory_space<vmem>>
      %dma_start3A_103 = tpu.memref_squeeze %dma_start3A_102 : memref<1x128xi32, #tpu.memory_space<vmem>> -> memref<128xi32, #tpu.memory_space<vmem>>
      %dma_start3A_104 = arith.constant 0 : i32
      %dma_start3A_105 = arith.constant 0 : i32
      %dma_start3A_106 = tpu.memref_slice %arg12[%dma_start3A_104, %dma_start3A_105] : memref<10112x128xf32, #tpu.memory_space<vmem_shared>> -> memref<10112x128xf32, #tpu.memory_space<vmem_shared>>
      tpu.enqueue_indirect_dma source(%dma_start3A_106 : memref<10112x128xf32, #tpu.memory_space<vmem_shared>>) target(%arg10 : memref<128x128xf32, #tpu.memory_space<vmem>>) offsets(%dma_start3A_103 : memref<128xi32, #tpu.memory_space<vmem>>) semaphore(%arg13 : memref<!tpu.dma_semaphore, #tpu.memory_space<semaphore_mem>>)
      %dma_wait3A_107 = arith.constant 3 : i32
      %dma_wait3A_108 = arith.constant 0 : i32
      %dma_wait3A_109 = tpu.memref_slice %arg9[%dma_wait3A_107, %dma_wait3A_108] : memref<8x128xi32, #tpu.memory_space<vmem>> -> memref<1x128xi32, #tpu.memory_space<vmem>>
      %dma_wait3A_110 = tpu.memref_squeeze %dma_wait3A_109 : memref<1x128xi32, #tpu.memory_space<vmem>> -> memref<128xi32, #tpu.memory_space<vmem>>
      %dma_wait3A_111 = arith.constant 0 : i32
      %dma_wait3A_112 = arith.constant 0 : i32
      %dma_wait3A_113 = tpu.memref_slice %arg12[%dma_wait3A_111, %dma_wait3A_112] : memref<10112x128xf32, #tpu.memory_space<vmem_shared>> -> memref<10112x128xf32, #tpu.memory_space<vmem_shared>>
      tpu.wait_indirect_dma semaphore(%arg14 : memref<!tpu.dma_semaphore, #tpu.memory_space<semaphore_mem>>) src(%dma_wait3A_113 : memref<10112x128xf32, #tpu.memory_space<vmem_shared>>) dst(%arg11 : memref<128x128xf32, #tpu.memory_space<vmem>>)
      %add3A_114 = arith.constant 384 : i32
      %add3A_115 = arith.addi %mul3A_0, %add3A_114 : i32
      %run_scoped3A_116 = arith.constant 1 : i32
      "tpu.region"() ({
        %run_scoped3A_127 = tpu.sem_alloc : memref<!tpu.dma_semaphore, #tpu.memory_space<semaphore_mem>>
        %dma_start3A_128 = arith.constant 0 : i32
        %dma_start3A_129 = arith.constant 0 : i32
        %dma_start3A_130 = tpu.memref_slice %arg11[%dma_start3A_128, %dma_start3A_129] : memref<128x128xf32, #tpu.memory_space<vmem>> -> memref<128x128xf32, #tpu.memory_space<vmem>>
        %dma_start3A_131 = arith.constant 0 : i32
        %dma_start3A_132 = tpu.memref_slice %arg7[%run_scoped3A_116, %add3A_115, %dma_start3A_131] : memref<2x10112x128xf32, #tpu.memory_space<hbm>> -> memref<1x128x128xf32, #tpu.memory_space<hbm>>
        %dma_start3A_133 = tpu.memref_squeeze %dma_start3A_132 : memref<1x128x128xf32, #tpu.memory_space<hbm>> -> memref<128x128xf32, #tpu.memory_space<hbm>>
        %dma_start3A_134 = arith.constant 0 : i32
        %dma_start3A_135 = tpu.memref_slice %arg7[%run_scoped3A_116, %add3A_115, %dma_start3A_134] : memref<2x10112x128xf32, #tpu.memory_space<hbm>> -> memref<1x128x128xf32, #tpu.memory_space<hbm>>
        %dma_start3A_136 = tpu.memref_squeeze %dma_start3A_135 : memref<1x128x128xf32, #tpu.memory_space<hbm>> -> memref<128x128xf32, #tpu.memory_space<hbm>>
        %dma_start3A_137 = arith.constant 0 : i32
        %dma_start3A_138 = arith.constant 0 : i32
        %dma_start3A_139 = tpu.memref_slice %arg11[%dma_start3A_137, %dma_start3A_138] : memref<128x128xf32, #tpu.memory_space<vmem>> -> memref<128x128xf32, #tpu.memory_space<vmem>>
        tpu.enqueue_dma source(%dma_start3A_139 : memref<128x128xf32, #tpu.memory_space<vmem>>) target(%dma_start3A_136 : memref<128x128xf32, #tpu.memory_space<hbm>>) target_semaphore(%run_scoped3A_127 : memref<!tpu.dma_semaphore, #tpu.memory_space<semaphore_mem>>)
        %dma_wait3A_140 = arith.constant 0 : i32
        %dma_wait3A_141 = arith.constant 0 : i32
        %dma_wait3A_142 = tpu.memref_slice %arg11[%dma_wait3A_140, %dma_wait3A_141] : memref<128x128xf32, #tpu.memory_space<vmem>> -> memref<128x128xf32, #tpu.memory_space<vmem>>
        %dma_wait3A_143 = arith.constant 0 : i32
        %dma_wait3A_144 = tpu.memref_slice %arg7[%run_scoped3A_116, %add3A_115, %dma_wait3A_143] : memref<2x10112x128xf32, #tpu.memory_space<hbm>> -> memref<1x128x128xf32, #tpu.memory_space<hbm>>
        %dma_wait3A_145 = tpu.memref_squeeze %dma_wait3A_144 : memref<1x128x128xf32, #tpu.memory_space<hbm>> -> memref<128x128xf32, #tpu.memory_space<hbm>>
        %dma_wait3A_146 = arith.constant 0 : i32
        %dma_wait3A_147 = tpu.memref_slice %arg7[%run_scoped3A_116, %add3A_115, %dma_wait3A_146] : memref<2x10112x128xf32, #tpu.memory_space<hbm>> -> memref<1x128x128xf32, #tpu.memory_space<hbm>>
        %dma_wait3A_148 = tpu.memref_squeeze %dma_wait3A_147 : memref<1x128x128xf32, #tpu.memory_space<hbm>> -> memref<128x128xf32, #tpu.memory_space<hbm>>
        %dma_wait3A_149 = arith.constant 0 : i32
        %dma_wait3A_150 = arith.constant 0 : i32
        %dma_wait3A_151 = tpu.memref_slice %arg11[%dma_wait3A_149, %dma_wait3A_150] : memref<128x128xf32, #tpu.memory_space<vmem>> -> memref<128x128xf32, #tpu.memory_space<vmem>>
        tpu.wait_dma2 semaphore(%run_scoped3A_127 : memref<!tpu.dma_semaphore, #tpu.memory_space<semaphore_mem>>) src(%dma_wait3A_151 : memref<128x128xf32, #tpu.memory_space<vmem>>) dst(%dma_wait3A_148 : memref<128x128xf32, #tpu.memory_space<hbm>>)
        tpu.yield
      }) : () -> ()
      %dma_wait3A_117 = arith.constant 4 : i32
      %dma_wait3A_118 = arith.constant 0 : i32
      %dma_wait3A_119 = tpu.memref_slice %arg9[%dma_wait3A_117, %dma_wait3A_118] : memref<8x128xi32, #tpu.memory_space<vmem>> -> memref<1x128xi32, #tpu.memory_space<vmem>>
      %dma_wait3A_120 = tpu.memref_squeeze %dma_wait3A_119 : memref<1x128xi32, #tpu.memory_space<vmem>> -> memref<128xi32, #tpu.memory_space<vmem>>
      %dma_wait3A_121 = arith.constant 0 : i32
      %dma_wait3A_122 = arith.constant 0 : i32
      %dma_wait3A_123 = tpu.memref_slice %arg12[%dma_wait3A_121, %dma_wait3A_122] : memref<10112x128xf32, #tpu.memory_space<vmem_shared>> -> memref<10112x128xf32, #tpu.memory_space<vmem_shared>>
      tpu.wait_indirect_dma semaphore(%arg13 : memref<!tpu.dma_semaphore, #tpu.memory_space<semaphore_mem>>) src(%dma_wait3A_123 : memref<10112x128xf32, #tpu.memory_space<vmem_shared>>) dst(%arg10 : memref<128x128xf32, #tpu.memory_space<vmem>>)
      %add3A_124 = arith.constant 512 : i32
      %add3A_125 = arith.addi %mul3A_0, %add3A_124 : i32
      %run_scoped3A_126 = arith.constant 1 : i32
      "tpu.region"() ({
        %run_scoped3A_127 = tpu.sem_alloc : memref<!tpu.dma_semaphore, #tpu.memory_space<semaphore_mem>>
        %dma_start3A_128 = arith.constant 0 : i32
        %dma_start3A_129 = arith.constant 0 : i32
        %dma_start3A_130 = tpu.memref_slice %arg10[%dma_start3A_128, %dma_start3A_129] : memref<128x128xf32, #tpu.memory_space<vmem>> -> memref<120x128xf32, #tpu.memory_space<vmem>>
        %dma_start3A_131 = arith.constant 0 : i32
        %dma_start3A_132 = tpu.memref_slice %arg7[%run_scoped3A_126, %add3A_125, %dma_start3A_131] : memref<2x10112x128xf32, #tpu.memory_space<hbm>> -> memref<1x120x128xf32, #tpu.memory_space<hbm>>
        %dma_start3A_133 = tpu.memref_squeeze %dma_start3A_132 : memref<1x120x128xf32, #tpu.memory_space<hbm>> -> memref<120x128xf32, #tpu.memory_space<hbm>>
        %dma_start3A_134 = arith.constant 0 : i32
        %dma_start3A_135 = tpu.memref_slice %arg7[%run_scoped3A_126, %add3A_125, %dma_start3A_134] : memref<2x10112x128xf32, #tpu.memory_space<hbm>> -> memref<1x120x128xf32, #tpu.memory_space<hbm>>
        %dma_start3A_136 = tpu.memref_squeeze %dma_start3A_135 : memref<1x120x128xf32, #tpu.memory_space<hbm>> -> memref<120x128xf32, #tpu.memory_space<hbm>>
        %dma_start3A_137 = arith.constant 0 : i32
        %dma_start3A_138 = arith.constant 0 : i32
        %dma_start3A_139 = tpu.memref_slice %arg10[%dma_start3A_137, %dma_start3A_138] : memref<128x128xf32, #tpu.memory_space<vmem>> -> memref<120x128xf32, #tpu.memory_space<vmem>>
        tpu.enqueue_dma source(%dma_start3A_139 : memref<120x128xf32, #tpu.memory_space<vmem>>) target(%dma_start3A_136 : memref<120x128xf32, #tpu.memory_space<hbm>>) target_semaphore(%run_scoped3A_127 : memref<!tpu.dma_semaphore, #tpu.memory_space<semaphore_mem>>)
        %dma_wait3A_140 = arith.constant 0 : i32
        %dma_wait3A_141 = arith.constant 0 : i32
        %dma_wait3A_142 = tpu.memref_slice %arg10[%dma_wait3A_140, %dma_wait3A_141] : memref<128x128xf32, #tpu.memory_space<vmem>> -> memref<120x128xf32, #tpu.memory_space<vmem>>
        %dma_wait3A_143 = arith.constant 0 : i32
        %dma_wait3A_144 = tpu.memref_slice %arg7[%run_scoped3A_126, %add3A_125, %dma_wait3A_143] : memref<2x10112x128xf32, #tpu.memory_space<hbm>> -> memref<1x120x128xf32, #tpu.memory_space<hbm>>
        %dma_wait3A_145 = tpu.memref_squeeze %dma_wait3A_144 : memref<1x120x128xf32, #tpu.memory_space<hbm>> -> memref<120x128xf32, #tpu.memory_space<hbm>>
        %dma_wait3A_146 = arith.constant 0 : i32
        %dma_wait3A_147 = tpu.memref_slice %arg7[%run_scoped3A_126, %add3A_125, %dma_wait3A_146] : memref<2x10112x128xf32, #tpu.memory_space<hbm>> -> memref<1x120x128xf32, #tpu.memory_space<hbm>>
        %dma_wait3A_148 = tpu.memref_squeeze %dma_wait3A_147 : memref<1x120x128xf32, #tpu.memory_space<hbm>> -> memref<120x128xf32, #tpu.memory_space<hbm>>
        %dma_wait3A_149 = arith.constant 0 : i32
        %dma_wait3A_150 = arith.constant 0 : i32
        %dma_wait3A_151 = tpu.memref_slice %arg10[%dma_wait3A_149, %dma_wait3A_150] : memref<128x128xf32, #tpu.memory_space<vmem>> -> memref<120x128xf32, #tpu.memory_space<vmem>>
        tpu.wait_dma2 semaphore(%run_scoped3A_127 : memref<!tpu.dma_semaphore, #tpu.memory_space<semaphore_mem>>) src(%dma_wait3A_151 : memref<120x128xf32, #tpu.memory_space<vmem>>) dst(%dma_wait3A_148 : memref<120x128xf32, #tpu.memory_space<hbm>>)
        tpu.yield
      }) : () -> ()
    } else {
    }
    %eq3A_32 = arith.constant 1 : i32
    %eq3A_33 = arith.cmpi eq, %arg0, %eq3A_32 : i32
    %and3A_34 = arith.constant false
    %and3A_35 = arith.andi %eq3A_33, %and3A_34 : i1
    %convert_element_type3A_36 = arith.extui %and3A_35 : i1 to i32
    %cond3A_37 = arith.constant 0 : i32
    %cond3A_38 = arith.cmpi ne, %convert_element_type3A_36, %cond3A_37 : i32
    scf.if %cond3A_38 {
      %add3A = arith.constant 0 : i32
      %add3A_39 = arith.addi %mul3A_0, %add3A : i32
      %run_scoped3A = arith.constant 1 : i32
      "tpu.region"() ({
        %run_scoped3A_52 = tpu.sem_alloc : memref<!tpu.dma_semaphore, #tpu.memory_space<semaphore_mem>>
        %dma_start3A = arith.constant 0 : i32
        %dma_start3A_53 = arith.constant 0 : i32
        %dma_start3A_54 = tpu.memref_slice %arg10[%dma_start3A, %dma_start3A_53] : memref<128x128xf32, #tpu.memory_space<vmem>> -> memref<128x128xf32, #tpu.memory_space<vmem>>
        %dma_start3A_55 = arith.constant 0 : i32
        %dma_start3A_56 = tpu.memref_slice %arg7[%run_scoped3A, %add3A_39, %dma_start3A_55] : memref<2x10112x128xf32, #tpu.memory_space<hbm>> -> memref<1x128x128xf32, #tpu.memory_space<hbm>>
        %dma_start3A_57 = tpu.memref_squeeze %dma_start3A_56 : memref<1x128x128xf32, #tpu.memory_space<hbm>> -> memref<128x128xf32, #tpu.memory_space<hbm>>
        %dma_start3A_58 = arith.constant 0 : i32
        %dma_start3A_59 = tpu.memref_slice %arg7[%run_scoped3A, %add3A_39, %dma_start3A_58] : memref<2x10112x128xf32, #tpu.memory_space<hbm>> -> memref<1x128x128xf32, #tpu.memory_space<hbm>>
        %dma_start3A_60 = tpu.memref_squeeze %dma_start3A_59 : memref<1x128x128xf32, #tpu.memory_space<hbm>> -> memref<128x128xf32, #tpu.memory_space<hbm>>
        %dma_start3A_61 = arith.constant 0 : i32
        %dma_start3A_62 = arith.constant 0 : i32
        %dma_start3A_63 = tpu.memref_slice %arg10[%dma_start3A_61, %dma_start3A_62] : memref<128x128xf32, #tpu.memory_space<vmem>> -> memref<128x128xf32, #tpu.memory_space<vmem>>
        tpu.enqueue_dma source(%dma_start3A_63 : memref<128x128xf32, #tpu.memory_space<vmem>>) target(%dma_start3A_60 : memref<128x128xf32, #tpu.memory_space<hbm>>) target_semaphore(%run_scoped3A_52 : memref<!tpu.dma_semaphore, #tpu.memory_space<semaphore_mem>>)
        %dma_wait3A = arith.constant 0 : i32
        %dma_wait3A_64 = arith.constant 0 : i32
        %dma_wait3A_65 = tpu.memref_slice %arg10[%dma_wait3A, %dma_wait3A_64] : memref<128x128xf32, #tpu.memory_space<vmem>> -> memref<128x128xf32, #tpu.memory_space<vmem>>
        %dma_wait3A_66 = arith.constant 0 : i32
        %dma_wait3A_67 = tpu.memref_slice %arg7[%run_scoped3A, %add3A_39, %dma_wait3A_66] : memref<2x10112x128xf32, #tpu.memory_space<hbm>> -> memref<1x128x128xf32, #tpu.memory_space<hbm>>
        %dma_wait3A_68 = tpu.memref_squeeze %dma_wait3A_67 : memref<1x128x128xf32, #tpu.memory_space<hbm>> -> memref<128x128xf32, #tpu.memory_space<hbm>>
        %dma_wait3A_69 = arith.constant 0 : i32
        %dma_wait3A_70 = tpu.memref_slice %arg7[%run_scoped3A, %add3A_39, %dma_wait3A_69] : memref<2x10112x128xf32, #tpu.memory_space<hbm>> -> memref<1x128x128xf32, #tpu.memory_space<hbm>>
        %dma_wait3A_71 = tpu.memref_squeeze %dma_wait3A_70 : memref<1x128x128xf32, #tpu.memory_space<hbm>> -> memref<128x128xf32, #tpu.memory_space<hbm>>
        %dma_wait3A_72 = arith.constant 0 : i32
        %dma_wait3A_73 = arith.constant 0 : i32
        %dma_wait3A_74 = tpu.memref_slice %arg10[%dma_wait3A_72, %dma_wait3A_73] : memref<128x128xf32, #tpu.memory_space<vmem>> -> memref<128x128xf32, #tpu.memory_space<vmem>>
        tpu.wait_dma2 semaphore(%run_scoped3A_52 : memref<!tpu.dma_semaphore, #tpu.memory_space<semaphore_mem>>) src(%dma_wait3A_74 : memref<128x128xf32, #tpu.memory_space<vmem>>) dst(%dma_wait3A_71 : memref<128x128xf32, #tpu.memory_space<hbm>>)
        tpu.yield
      }) : () -> ()
      %add3A_40 = arith.constant 128 : i32
      %add3A_41 = arith.addi %mul3A_0, %add3A_40 : i32
      %run_scoped3A_42 = arith.constant 1 : i32
      "tpu.region"() ({
        %run_scoped3A_52 = tpu.sem_alloc : memref<!tpu.dma_semaphore, #tpu.memory_space<semaphore_mem>>
        %dma_start3A = arith.constant 0 : i32
        %dma_start3A_53 = arith.constant 0 : i32
        %dma_start3A_54 = tpu.memref_slice %arg10[%dma_start3A, %dma_start3A_53] : memref<128x128xf32, #tpu.memory_space<vmem>> -> memref<128x128xf32, #tpu.memory_space<vmem>>
        %dma_start3A_55 = arith.constant 0 : i32
        %dma_start3A_56 = tpu.memref_slice %arg7[%run_scoped3A_42, %add3A_41, %dma_start3A_55] : memref<2x10112x128xf32, #tpu.memory_space<hbm>> -> memref<1x128x128xf32, #tpu.memory_space<hbm>>
        %dma_start3A_57 = tpu.memref_squeeze %dma_start3A_56 : memref<1x128x128xf32, #tpu.memory_space<hbm>> -> memref<128x128xf32, #tpu.memory_space<hbm>>
        %dma_start3A_58 = arith.constant 0 : i32
        %dma_start3A_59 = tpu.memref_slice %arg7[%run_scoped3A_42, %add3A_41, %dma_start3A_58] : memref<2x10112x128xf32, #tpu.memory_space<hbm>> -> memref<1x128x128xf32, #tpu.memory_space<hbm>>
        %dma_start3A_60 = tpu.memref_squeeze %dma_start3A_59 : memref<1x128x128xf32, #tpu.memory_space<hbm>> -> memref<128x128xf32, #tpu.memory_space<hbm>>
        %dma_start3A_61 = arith.constant 0 : i32
        %dma_start3A_62 = arith.constant 0 : i32
        %dma_start3A_63 = tpu.memref_slice %arg10[%dma_start3A_61, %dma_start3A_62] : memref<128x128xf32, #tpu.memory_space<vmem>> -> memref<128x128xf32, #tpu.memory_space<vmem>>
        tpu.enqueue_dma source(%dma_start3A_63 : memref<128x128xf32, #tpu.memory_space<vmem>>) target(%dma_start3A_60 : memref<128x128xf32, #tpu.memory_space<hbm>>) target_semaphore(%run_scoped3A_52 : memref<!tpu.dma_semaphore, #tpu.memory_space<semaphore_mem>>)
        %dma_wait3A = arith.constant 0 : i32
        %dma_wait3A_64 = arith.constant 0 : i32
        %dma_wait3A_65 = tpu.memref_slice %arg10[%dma_wait3A, %dma_wait3A_64] : memref<128x128xf32, #tpu.memory_space<vmem>> -> memref<128x128xf32, #tpu.memory_space<vmem>>
        %dma_wait3A_66 = arith.constant 0 : i32
        %dma_wait3A_67 = tpu.memref_slice %arg7[%run_scoped3A_42, %add3A_41, %dma_wait3A_66] : memref<2x10112x128xf32, #tpu.memory_space<hbm>> -> memref<1x128x128xf32, #tpu.memory_space<hbm>>
        %dma_wait3A_68 = tpu.memref_squeeze %dma_wait3A_67 : memref<1x128x128xf32, #tpu.memory_space<hbm>> -> memref<128x128xf32, #tpu.memory_space<hbm>>
        %dma_wait3A_69 = arith.constant 0 : i32
        %dma_wait3A_70 = tpu.memref_slice %arg7[%run_scoped3A_42, %add3A_41, %dma_wait3A_69] : memref<2x10112x128xf32, #tpu.memory_space<hbm>> -> memref<1x128x128xf32, #tpu.memory_space<hbm>>
        %dma_wait3A_71 = tpu.memref_squeeze %dma_wait3A_70 : memref<1x128x128xf32, #tpu.memory_space<hbm>> -> memref<128x128xf32, #tpu.memory_space<hbm>>
        %dma_wait3A_72 = arith.constant 0 : i32
        %dma_wait3A_73 = arith.constant 0 : i32
        %dma_wait3A_74 = tpu.memref_slice %arg10[%dma_wait3A_72, %dma_wait3A_73] : memref<128x128xf32, #tpu.memory_space<vmem>> -> memref<128x128xf32, #tpu.memory_space<vmem>>
        tpu.wait_dma2 semaphore(%run_scoped3A_52 : memref<!tpu.dma_semaphore, #tpu.memory_space<semaphore_mem>>) src(%dma_wait3A_74 : memref<128x128xf32, #tpu.memory_space<vmem>>) dst(%dma_wait3A_71 : memref<128x128xf32, #tpu.memory_space<hbm>>)
        tpu.yield
      }) : () -> ()
      %add3A_43 = arith.constant 256 : i32
      %add3A_44 = arith.addi %mul3A_0, %add3A_43 : i32
      %run_scoped3A_45 = arith.constant 1 : i32
      "tpu.region"() ({
        %run_scoped3A_52 = tpu.sem_alloc : memref<!tpu.dma_semaphore, #tpu.memory_space<semaphore_mem>>
        %dma_start3A = arith.constant 0 : i32
        %dma_start3A_53 = arith.constant 0 : i32
        %dma_start3A_54 = tpu.memref_slice %arg10[%dma_start3A, %dma_start3A_53] : memref<128x128xf32, #tpu.memory_space<vmem>> -> memref<128x128xf32, #tpu.memory_space<vmem>>
        %dma_start3A_55 = arith.constant 0 : i32
        %dma_start3A_56 = tpu.memref_slice %arg7[%run_scoped3A_45, %add3A_44, %dma_start3A_55] : memref<2x10112x128xf32, #tpu.memory_space<hbm>> -> memref<1x128x128xf32, #tpu.memory_space<hbm>>
        %dma_start3A_57 = tpu.memref_squeeze %dma_start3A_56 : memref<1x128x128xf32, #tpu.memory_space<hbm>> -> memref<128x128xf32, #tpu.memory_space<hbm>>
        %dma_start3A_58 = arith.constant 0 : i32
        %dma_start3A_59 = tpu.memref_slice %arg7[%run_scoped3A_45, %add3A_44, %dma_start3A_58] : memref<2x10112x128xf32, #tpu.memory_space<hbm>> -> memref<1x128x128xf32, #tpu.memory_space<hbm>>
        %dma_start3A_60 = tpu.memref_squeeze %dma_start3A_59 : memref<1x128x128xf32, #tpu.memory_space<hbm>> -> memref<128x128xf32, #tpu.memory_space<hbm>>
        %dma_start3A_61 = arith.constant 0 : i32
        %dma_start3A_62 = arith.constant 0 : i32
        %dma_start3A_63 = tpu.memref_slice %arg10[%dma_start3A_61, %dma_start3A_62] : memref<128x128xf32, #tpu.memory_space<vmem>> -> memref<128x128xf32, #tpu.memory_space<vmem>>
        tpu.enqueue_dma source(%dma_start3A_63 : memref<128x128xf32, #tpu.memory_space<vmem>>) target(%dma_start3A_60 : memref<128x128xf32, #tpu.memory_space<hbm>>) target_semaphore(%run_scoped3A_52 : memref<!tpu.dma_semaphore, #tpu.memory_space<semaphore_mem>>)
        %dma_wait3A = arith.constant 0 : i32
        %dma_wait3A_64 = arith.constant 0 : i32
        %dma_wait3A_65 = tpu.memref_slice %arg10[%dma_wait3A, %dma_wait3A_64] : memref<128x128xf32, #tpu.memory_space<vmem>> -> memref<128x128xf32, #tpu.memory_space<vmem>>
        %dma_wait3A_66 = arith.constant 0 : i32
        %dma_wait3A_67 = tpu.memref_slice %arg7[%run_scoped3A_45, %add3A_44, %dma_wait3A_66] : memref<2x10112x128xf32, #tpu.memory_space<hbm>> -> memref<1x128x128xf32, #tpu.memory_space<hbm>>
        %dma_wait3A_68 = tpu.memref_squeeze %dma_wait3A_67 : memref<1x128x128xf32, #tpu.memory_space<hbm>> -> memref<128x128xf32, #tpu.memory_space<hbm>>
        %dma_wait3A_69 = arith.constant 0 : i32
        %dma_wait3A_70 = tpu.memref_slice %arg7[%run_scoped3A_45, %add3A_44, %dma_wait3A_69] : memref<2x10112x128xf32, #tpu.memory_space<hbm>> -> memref<1x128x128xf32, #tpu.memory_space<hbm>>
        %dma_wait3A_71 = tpu.memref_squeeze %dma_wait3A_70 : memref<1x128x128xf32, #tpu.memory_space<hbm>> -> memref<128x128xf32, #tpu.memory_space<hbm>>
        %dma_wait3A_72 = arith.constant 0 : i32
        %dma_wait3A_73 = arith.constant 0 : i32
        %dma_wait3A_74 = tpu.memref_slice %arg10[%dma_wait3A_72, %dma_wait3A_73] : memref<128x128xf32, #tpu.memory_space<vmem>> -> memref<128x128xf32, #tpu.memory_space<vmem>>
        tpu.wait_dma2 semaphore(%run_scoped3A_52 : memref<!tpu.dma_semaphore, #tpu.memory_space<semaphore_mem>>) src(%dma_wait3A_74 : memref<128x128xf32, #tpu.memory_space<vmem>>) dst(%dma_wait3A_71 : memref<128x128xf32, #tpu.memory_space<hbm>>)
        tpu.yield
      }) : () -> ()
      %add3A_46 = arith.constant 384 : i32
      %add3A_47 = arith.addi %mul3A_0, %add3A_46 : i32
      %run_scoped3A_48 = arith.constant 1 : i32
      "tpu.region"() ({
        %run_scoped3A_52 = tpu.sem_alloc : memref<!tpu.dma_semaphore, #tpu.memory_space<semaphore_mem>>
        %dma_start3A = arith.constant 0 : i32
        %dma_start3A_53 = arith.constant 0 : i32
        %dma_start3A_54 = tpu.memref_slice %arg10[%dma_start3A, %dma_start3A_53] : memref<128x128xf32, #tpu.memory_space<vmem>> -> memref<128x128xf32, #tpu.memory_space<vmem>>
        %dma_start3A_55 = arith.constant 0 : i32
        %dma_start3A_56 = tpu.memref_slice %arg7[%run_scoped3A_48, %add3A_47, %dma_start3A_55] : memref<2x10112x128xf32, #tpu.memory_space<hbm>> -> memref<1x128x128xf32, #tpu.memory_space<hbm>>
        %dma_start3A_57 = tpu.memref_squeeze %dma_start3A_56 : memref<1x128x128xf32, #tpu.memory_space<hbm>> -> memref<128x128xf32, #tpu.memory_space<hbm>>
        %dma_start3A_58 = arith.constant 0 : i32
        %dma_start3A_59 = tpu.memref_slice %arg7[%run_scoped3A_48, %add3A_47, %dma_start3A_58] : memref<2x10112x128xf32, #tpu.memory_space<hbm>> -> memref<1x128x128xf32, #tpu.memory_space<hbm>>
        %dma_start3A_60 = tpu.memref_squeeze %dma_start3A_59 : memref<1x128x128xf32, #tpu.memory_space<hbm>> -> memref<128x128xf32, #tpu.memory_space<hbm>>
        %dma_start3A_61 = arith.constant 0 : i32
        %dma_start3A_62 = arith.constant 0 : i32
        %dma_start3A_63 = tpu.memref_slice %arg10[%dma_start3A_61, %dma_start3A_62] : memref<128x128xf32, #tpu.memory_space<vmem>> -> memref<128x128xf32, #tpu.memory_space<vmem>>
        tpu.enqueue_dma source(%dma_start3A_63 : memref<128x128xf32, #tpu.memory_space<vmem>>) target(%dma_start3A_60 : memref<128x128xf32, #tpu.memory_space<hbm>>) target_semaphore(%run_scoped3A_52 : memref<!tpu.dma_semaphore, #tpu.memory_space<semaphore_mem>>)
        %dma_wait3A = arith.constant 0 : i32
        %dma_wait3A_64 = arith.constant 0 : i32
        %dma_wait3A_65 = tpu.memref_slice %arg10[%dma_wait3A, %dma_wait3A_64] : memref<128x128xf32, #tpu.memory_space<vmem>> -> memref<128x128xf32, #tpu.memory_space<vmem>>
        %dma_wait3A_66 = arith.constant 0 : i32
        %dma_wait3A_67 = tpu.memref_slice %arg7[%run_scoped3A_48, %add3A_47, %dma_wait3A_66] : memref<2x10112x128xf32, #tpu.memory_space<hbm>> -> memref<1x128x128xf32, #tpu.memory_space<hbm>>
        %dma_wait3A_68 = tpu.memref_squeeze %dma_wait3A_67 : memref<1x128x128xf32, #tpu.memory_space<hbm>> -> memref<128x128xf32, #tpu.memory_space<hbm>>
        %dma_wait3A_69 = arith.constant 0 : i32
        %dma_wait3A_70 = tpu.memref_slice %arg7[%run_scoped3A_48, %add3A_47, %dma_wait3A_69] : memref<2x10112x128xf32, #tpu.memory_space<hbm>> -> memref<1x128x128xf32, #tpu.memory_space<hbm>>
        %dma_wait3A_71 = tpu.memref_squeeze %dma_wait3A_70 : memref<1x128x128xf32, #tpu.memory_space<hbm>> -> memref<128x128xf32, #tpu.memory_space<hbm>>
        %dma_wait3A_72 = arith.constant 0 : i32
        %dma_wait3A_73 = arith.constant 0 : i32
        %dma_wait3A_74 = tpu.memref_slice %arg10[%dma_wait3A_72, %dma_wait3A_73] : memref<128x128xf32, #tpu.memory_space<vmem>> -> memref<128x128xf32, #tpu.memory_space<vmem>>
        tpu.wait_dma2 semaphore(%run_scoped3A_52 : memref<!tpu.dma_semaphore, #tpu.memory_space<semaphore_mem>>) src(%dma_wait3A_74 : memref<128x128xf32, #tpu.memory_space<vmem>>) dst(%dma_wait3A_71 : memref<128x128xf32, #tpu.memory_space<hbm>>)
        tpu.yield
      }) : () -> ()
      %add3A_49 = arith.constant 512 : i32
      %add3A_50 = arith.addi %mul3A_0, %add3A_49 : i32
      %run_scoped3A_51 = arith.constant 1 : i32
      "tpu.region"() ({
        %run_scoped3A_52 = tpu.sem_alloc : memref<!tpu.dma_semaphore, #tpu.memory_space<semaphore_mem>>
        %dma_start3A = arith.constant 0 : i32
        %dma_start3A_53 = arith.constant 0 : i32
        %dma_start3A_54 = tpu.memref_slice %arg10[%dma_start3A, %dma_start3A_53] : memref<128x128xf32, #tpu.memory_space<vmem>> -> memref<120x128xf32, #tpu.memory_space<vmem>>
        %dma_start3A_55 = arith.constant 0 : i32
        %dma_start3A_56 = tpu.memref_slice %arg7[%run_scoped3A_51, %add3A_50, %dma_start3A_55] : memref<2x10112x128xf32, #tpu.memory_space<hbm>> -> memref<1x120x128xf32, #tpu.memory_space<hbm>>
        %dma_start3A_57 = tpu.memref_squeeze %dma_start3A_56 : memref<1x120x128xf32, #tpu.memory_space<hbm>> -> memref<120x128xf32, #tpu.memory_space<hbm>>
        %dma_start3A_58 = arith.constant 0 : i32
        %dma_start3A_59 = tpu.memref_slice %arg7[%run_scoped3A_51, %add3A_50, %dma_start3A_58] : memref<2x10112x128xf32, #tpu.memory_space<hbm>> -> memref<1x120x128xf32, #tpu.memory_space<hbm>>
        %dma_start3A_60 = tpu.memref_squeeze %dma_start3A_59 : memref<1x120x128xf32, #tpu.memory_space<hbm>> -> memref<120x128xf32, #tpu.memory_space<hbm>>
        %dma_start3A_61 = arith.constant 0 : i32
        %dma_start3A_62 = arith.constant 0 : i32
        %dma_start3A_63 = tpu.memref_slice %arg10[%dma_start3A_61, %dma_start3A_62] : memref<128x128xf32, #tpu.memory_space<vmem>> -> memref<120x128xf32, #tpu.memory_space<vmem>>
        tpu.enqueue_dma source(%dma_start3A_63 : memref<120x128xf32, #tpu.memory_space<vmem>>) target(%dma_start3A_60 : memref<120x128xf32, #tpu.memory_space<hbm>>) target_semaphore(%run_scoped3A_52 : memref<!tpu.dma_semaphore, #tpu.memory_space<semaphore_mem>>)
        %dma_wait3A = arith.constant 0 : i32
        %dma_wait3A_64 = arith.constant 0 : i32
        %dma_wait3A_65 = tpu.memref_slice %arg10[%dma_wait3A, %dma_wait3A_64] : memref<128x128xf32, #tpu.memory_space<vmem>> -> memref<120x128xf32, #tpu.memory_space<vmem>>
        %dma_wait3A_66 = arith.constant 0 : i32
        %dma_wait3A_67 = tpu.memref_slice %arg7[%run_scoped3A_51, %add3A_50, %dma_wait3A_66] : memref<2x10112x128xf32, #tpu.memory_space<hbm>> -> memref<1x120x128xf32, #tpu.memory_space<hbm>>
        %dma_wait3A_68 = tpu.memref_squeeze %dma_wait3A_67 : memref<1x120x128xf32, #tpu.memory_space<hbm>> -> memref<120x128xf32, #tpu.memory_space<hbm>>
        %dma_wait3A_69 = arith.constant 0 : i32
        %dma_wait3A_70 = tpu.memref_slice %arg7[%run_scoped3A_51, %add3A_50, %dma_wait3A_69] : memref<2x10112x128xf32, #tpu.memory_space<hbm>> -> memref<1x120x128xf32, #tpu.memory_space<hbm>>
        %dma_wait3A_71 = tpu.memref_squeeze %dma_wait3A_70 : memref<1x120x128xf32, #tpu.memory_space<hbm>> -> memref<120x128xf32, #tpu.memory_space<hbm>>
        %dma_wait3A_72 = arith.constant 0 : i32
        %dma_wait3A_73 = arith.constant 0 : i32
        %dma_wait3A_74 = tpu.memref_slice %arg10[%dma_wait3A_72, %dma_wait3A_73] : memref<128x128xf32, #tpu.memory_space<vmem>> -> memref<120x128xf32, #tpu.memory_space<vmem>>
        tpu.wait_dma2 semaphore(%run_scoped3A_52 : memref<!tpu.dma_semaphore, #tpu.memory_space<semaphore_mem>>) src(%dma_wait3A_74 : memref<120x128xf32, #tpu.memory_space<vmem>>) dst(%dma_wait3A_71 : memref<120x128xf32, #tpu.memory_space<hbm>>)
        tpu.yield
      }) : () -> ()
    } else {
    }
    return
  }
}

#map = affine_map<(d0, d1) -> (0)>
module attributes {stable_mosaic.version = 14 : i64} {
  func.func @_deg_body(%arg0: i32, %arg1: i32, %arg2: memref<327680xi32, #tpu.memory_space<hbm>>, %arg3: memref<323584xf32, #tpu.memory_space<hbm>>, %arg4: memref<10240xi32, #tpu.memory_space<vmem>>, %arg5: memref<10112xf32, #tpu.memory_space<vmem>>) attributes {dimension_semantics = [#tpu.dimension_semantics<core_parallel>, #tpu.dimension_semantics<subcore_parallel>], iteration_bounds = array<i64: 2, 16>, scalar_prefetch = 0 : i64, scratch_operands = 2 : i64, tpu.core_type = #tpu.core_type<sc_vector_subcore>, window_params = [{transform_indices = #map}, {transform_indices = #map}]} {
    %mul3A = arith.constant 16 : i32
    %mul3A_0 = arith.muli %arg0, %mul3A : i32
    %add3A = arith.addi %mul3A_0, %arg1 : i32
    %mul3A_1 = arith.constant 10240 : i32
    %mul3A_2 = arith.muli %add3A, %mul3A_1 : i32
    "tpu.region"() ({
      %run_scoped3A = tpu.sem_alloc : memref<!tpu.dma_semaphore, #tpu.memory_space<semaphore_mem>>
      %dma_start3A = tpu.memref_slice %arg2[%mul3A_2] : memref<327680xi32, #tpu.memory_space<hbm>> -> memref<10240xi32, #tpu.memory_space<hbm>>
      %dma_start3A_19 = tpu.memref_slice %arg2[%mul3A_2] : memref<327680xi32, #tpu.memory_space<hbm>> -> memref<10240xi32, #tpu.memory_space<hbm>>
      tpu.enqueue_dma source(%dma_start3A_19 : memref<10240xi32, #tpu.memory_space<hbm>>) target(%arg4 : memref<10240xi32, #tpu.memory_space<vmem>>) target_semaphore(%run_scoped3A : memref<!tpu.dma_semaphore, #tpu.memory_space<semaphore_mem>>)
      %dma_wait3A = tpu.memref_slice %arg2[%mul3A_2] : memref<327680xi32, #tpu.memory_space<hbm>> -> memref<10240xi32, #tpu.memory_space<hbm>>
      %dma_wait3A_20 = tpu.memref_slice %arg2[%mul3A_2] : memref<327680xi32, #tpu.memory_space<hbm>> -> memref<10240xi32, #tpu.memory_space<hbm>>
      tpu.wait_dma2 semaphore(%run_scoped3A : memref<!tpu.dma_semaphore, #tpu.memory_space<semaphore_mem>>) src(%dma_wait3A_20 : memref<10240xi32, #tpu.memory_space<hbm>>) dst(%arg4 : memref<10240xi32, #tpu.memory_space<vmem>>)
      tpu.yield
    }) : () -> ()
    %scan3A = arith.constant 0 : i32
    %scan3A_3 = arith.constant 0 : i32
    %scan3A_4 = arith.constant 632 : i32
    %scan3A_5 = arith.addi %scan3A_3, %scan3A_4 : i32
    %scan3A_6 = arith.constant 1 : i32
    %scan3A_7 = scf.for %scan3A_19 = %scan3A_3 to %scan3A_5 step %scan3A_6 iter_args(%scan3A_20 = %scan3A) -> (i32)  : i32 {
      %broadcast_in_dim3A_21 = arith.constant 0.000000e+00 : f32
      %broadcast_in_dim3A_22 = vector.broadcast %broadcast_in_dim3A_21 : f32 to vector<16xf32>
      %mul3A_23 = arith.constant 16 : i32
      %mul3A_24 = arith.muli %scan3A_19, %mul3A_23 : i32
      %swap3A = arith.index_cast %mul3A_24 : i32 to index
      %swap3A_25 = tpu.vector_load %arg5[%swap3A] {strides = array<i32>} : memref<10112xf32, #tpu.memory_space<vmem>>, vector<16xf32>,
      tpu.vector_store %arg5[%swap3A], %broadcast_in_dim3A_22 {strides = array<i32>} : memref<10112xf32, #tpu.memory_space<vmem>>, vector<16xf32>,
      %scan3A_26 = arith.constant 0 : i32
      scf.yield %scan3A_26 : i32
    }
    %scan3A_8 = arith.constant 632 : i32
    %broadcast_in_dim3A = arith.constant 1.000000e+00 : f32
    %broadcast_in_dim3A_9 = vector.broadcast %broadcast_in_dim3A : f32 to vector<16xf32>
    %scan3A_10 = arith.constant 0 : i32
    %scan3A_11 = arith.constant 0 : i32
    %scan3A_12 = arith.constant 640 : i32
    %scan3A_13 = arith.addi %scan3A_11, %scan3A_12 : i32
    %scan3A_14 = arith.constant 1 : i32
    %scan3A_15 = scf.for %scan3A_19 = %scan3A_11 to %scan3A_13 step %scan3A_14 iter_args(%scan3A_20 = %scan3A_10) -> (i32)  : i32 {
      %mul3A_21 = arith.constant 16 : i32
      %mul3A_22 = arith.muli %scan3A_19, %mul3A_21 : i32
      %get3A = arith.index_cast %mul3A_22 : i32 to index
      %get3A_23 = tpu.vector_load %arg4[%get3A] {strides = array<i32>} : memref<10240xi32, #tpu.memory_space<vmem>>, vector<16xi32>,
      tpu.vector_store_idx %arg5[%get3A_23], %broadcast_in_dim3A_9 {add = true} : memref<10112xf32, #tpu.memory_space<vmem>>[vector<16xi32>], vector<16xf32>,
      %scan3A_24 = arith.constant 0 : i32
      scf.yield %scan3A_24 : i32
    }
    %scan3A_16 = arith.constant 640 : i32
    %mul3A_17 = arith.constant 10112 : i32
    %mul3A_18 = arith.muli %add3A, %mul3A_17 : i32
    "tpu.region"() ({
      %run_scoped3A = tpu.sem_alloc : memref<!tpu.dma_semaphore, #tpu.memory_space<semaphore_mem>>
      %dma_start3A = tpu.memref_slice %arg3[%mul3A_18] : memref<323584xf32, #tpu.memory_space<hbm>> -> memref<10112xf32, #tpu.memory_space<hbm>>
      %dma_start3A_19 = tpu.memref_slice %arg3[%mul3A_18] : memref<323584xf32, #tpu.memory_space<hbm>> -> memref<10112xf32, #tpu.memory_space<hbm>>
      tpu.enqueue_dma source(%arg5 : memref<10112xf32, #tpu.memory_space<vmem>>) target(%dma_start3A_19 : memref<10112xf32, #tpu.memory_space<hbm>>) target_semaphore(%run_scoped3A : memref<!tpu.dma_semaphore, #tpu.memory_space<semaphore_mem>>)
      %dma_wait3A = tpu.memref_slice %arg3[%mul3A_18] : memref<323584xf32, #tpu.memory_space<hbm>> -> memref<10112xf32, #tpu.memory_space<hbm>>
      %dma_wait3A_20 = tpu.memref_slice %arg3[%mul3A_18] : memref<323584xf32, #tpu.memory_space<hbm>> -> memref<10112xf32, #tpu.memory_space<hbm>>
      tpu.wait_dma2 semaphore(%run_scoped3A : memref<!tpu.dma_semaphore, #tpu.memory_space<semaphore_mem>>) src(%arg5 : memref<10112xf32, #tpu.memory_space<vmem>>) dst(%dma_wait3A_20 : memref<10112xf32, #tpu.memory_space<hbm>>)
      tpu.yield
    }) : () -> ()
    return
  }
}

module attributes {stable_mosaic.version = 14 : i64} {
  func.func @_tc1_body(%arg0: i32, %arg1: memref<1000x32xf32, #tpu.memory_space<vmem>>, %arg2: memref<1000x128xf32, #tpu.memory_space<vmem>>, %arg3: memref<128x128xf32, #tpu.memory_space<vmem>>, %arg4: memref<1000x128xf32, #tpu.memory_space<vmem>>) attributes {dimension_semantics = [#tpu.dimension_semantics<arbitrary>], iteration_bounds = array<i64: 10>, scalar_prefetch = 0 : i64, scratch_operands = 0 : i64, tpu.core_type = #tpu.core_type<tc>, window_params = [{transform_indices = @transform_0, window_bounds = array<i64: 1000, 32>}, {transform_indices = @transform_1, window_bounds = array<i64: 1000, 128>}, {pipeline_mode = #tpu.pipeline_mode<synchronous>, transform_indices = @transform_2, window_bounds = array<i64: 128, 128>}, {transform_indices = @transform_3, window_bounds = array<i64: 1000, 128>}]} {
    %get3A = arith.constant 0 : index
    %get3A_0 = arith.constant 0 : index
    %get3A_1 = vector.load %arg2[%get3A, %get3A_0] : memref<1000x128xf32, #tpu.memory_space<vmem>>, vector<1000x128xf32>
    %get3A_2 = arith.constant 0 : index
    %get3A_3 = arith.constant 0 : index
    %get3A_4 = vector.load %arg3[%get3A_2, %get3A_3] : memref<128x128xf32, #tpu.memory_space<vmem>>, vector<128x128xf32>
    %dot_general3A = arith.constant dense<0.000000e+00> : vector<1000x128xf32>
    %dot_general3A_5 = tpu.matmul %get3A_1, %get3A_4, %dot_general3A {dimension_numbers = #tpu.dot_dimension_numbers<[1], [0], [0], [1], [0, 0, 1, 1], [], []>, transpose_lhs_hint = false} : vector<1000x128xf32>, vector<128x128xf32>, vector<1000x128xf32> -> vector<1000x128xf32>
    %get3A_6 = arith.constant 0 : index
    %get3A_7 = arith.constant 0 : index
    %get3A_8 = vector.load %arg1[%get3A_6, %get3A_7] : memref<1000x32xf32, #tpu.memory_space<vmem>>, vector<1000x32xf32>
    %reduce_sum3A = arith.constant dense<0.000000e+00> : vector<1000xf32>
    %reduce_sum3A_9 = vector.multi_reduction <add>, %get3A_8, %reduce_sum3A [1] : vector<1000x32xf32> to vector<1000xf32>
    %broadcast_in_dim3A = vector.shape_cast %reduce_sum3A_9 : vector<1000xf32> to vector<1000x1xf32>
    %add3A = arith.constant 1.000000e+00 : f32
    %add3A_10 = vector.broadcast %add3A : f32 to vector<1000x1xf32>
    %add3A_11 = arith.addf %broadcast_in_dim3A, %add3A_10 : vector<1000x1xf32>
    %rsqrt3A = math.rsqrt %add3A_11 : vector<1000x1xf32>
    %mul3A = vector.broadcast %rsqrt3A : vector<1000x1xf32> to vector<1000x128xf32>
    %mul3A_12 = arith.mulf %mul3A, %dot_general3A_5 : vector<1000x128xf32>
    %swap3A = arith.constant 0 : index
    %swap3A_13 = arith.constant 0 : index
    %swap3A_14 = vector.load %arg4[%swap3A, %swap3A_13] : memref<1000x128xf32, #tpu.memory_space<vmem>>, vector<1000x128xf32>
    tpu.vector_store %arg4[%swap3A, %swap3A_13], %mul3A_12 {strides = array<i32>} : memref<1000x128xf32, #tpu.memory_space<vmem>>, vector<1000x128xf32>,
    return
  }
  func.func @transform_0(%arg0: i32) -> (i32, i32) {
    %c0_i32 = arith.constant 0 : i32
    %c0_i32_0 = arith.constant 0 : i32
    return %arg0, %c0_i32 : i32, i32
  }
  func.func @transform_1(%arg0: i32) -> (i32, i32) {
    %c0_i32 = arith.constant 0 : i32
    %c0_i32_0 = arith.constant 0 : i32
    return %arg0, %c0_i32 : i32, i32
  }
  func.func @transform_2(%arg0: i32) -> (i32, i32) {
    %c0_i32 = arith.constant 0 : i32
    %c0_i32_0 = arith.constant 0 : i32
    %c0_i32_1 = arith.constant 0 : i32
    return %c0_i32, %c0_i32_0 : i32, i32
  }
  func.func @transform_3(%arg0: i32) -> (i32, i32) {
    %c0_i32 = arith.constant 0 : i32
    %c0_i32_0 = arith.constant 0 : i32
    return %arg0, %c0_i32 : i32, i32
  }
}

module attributes {stable_mosaic.version = 14 : i64} {
  func.func @_tc2_body(%arg0: i32, %arg1: memref<1000x32xf32, #tpu.memory_space<vmem>>, %arg2: memref<2x1000x128xf32, #tpu.memory_space<vmem>>, %arg3: memref<1000x128xf32, #tpu.memory_space<vmem>>, %arg4: memref<128x128xf32, #tpu.memory_space<vmem>>, %arg5: memref<1x128xf32, #tpu.memory_space<vmem>>, %arg6: memref<1000x128xf32, #tpu.memory_space<vmem>>) attributes {dimension_semantics = [#tpu.dimension_semantics<arbitrary>], iteration_bounds = array<i64: 10>, scalar_prefetch = 0 : i64, scratch_operands = 0 : i64, tpu.core_type = #tpu.core_type<tc>, window_params = [{transform_indices = @transform_0, window_bounds = array<i64: 1000, 32>}, {transform_indices = @transform_1, window_bounds = array<i64: 2, 1000, 128>}, {transform_indices = @transform_2, window_bounds = array<i64: 1000, 128>}, {pipeline_mode = #tpu.pipeline_mode<synchronous>, transform_indices = @transform_3, window_bounds = array<i64: 128, 128>}, {pipeline_mode = #tpu.pipeline_mode<synchronous>, transform_indices = @transform_4, window_bounds = array<i64: 1, 128>}, {transform_indices = @transform_5, window_bounds = array<i64: 1000, 128>}]} {
    %get3A = arith.constant 0 : index
    %get3A_0 = arith.constant 0 : index
    %get3A_1 = vector.load %arg1[%get3A, %get3A_0] : memref<1000x32xf32, #tpu.memory_space<vmem>>, vector<1000x32xf32>
    %reduce_sum3A = arith.constant dense<0.000000e+00> : vector<1000xf32>
    %reduce_sum3A_2 = vector.multi_reduction <add>, %get3A_1, %reduce_sum3A [1] : vector<1000x32xf32> to vector<1000xf32>
    %broadcast_in_dim3A = vector.shape_cast %reduce_sum3A_2 : vector<1000xf32> to vector<1000x1xf32>
    %add3A = arith.constant 1.000000e+00 : f32
    %add3A_3 = vector.broadcast %add3A : f32 to vector<1000x1xf32>
    %add3A_4 = arith.addf %broadcast_in_dim3A, %add3A_3 : vector<1000x1xf32>
    %rsqrt3A = math.rsqrt %add3A_4 : vector<1000x1xf32>
    %get3A_5 = arith.constant 0 : index
    %get3A_6 = arith.constant 0 : index
    %get3A_7 = arith.constant 0 : index
    %get3A_8 = vector.load %arg2[%get3A_5, %get3A_6, %get3A_7] : memref<2x1000x128xf32, #tpu.memory_space<vmem>>, vector<1x1000x128xf32>
    %get3A_9 = vector.shape_cast %get3A_8 : vector<1x1000x128xf32> to vector<1000x128xf32>
    %get3A_10 = arith.constant 1 : index
    %get3A_11 = arith.constant 0 : index
    %get3A_12 = arith.constant 0 : index
    %get3A_13 = vector.load %arg2[%get3A_10, %get3A_11, %get3A_12] : memref<2x1000x128xf32, #tpu.memory_space<vmem>>, vector<1x1000x128xf32>
    %get3A_14 = vector.shape_cast %get3A_13 : vector<1x1000x128xf32> to vector<1000x128xf32>
    %add3A_15 = arith.addf %get3A_9, %get3A_14 : vector<1000x128xf32>
    %get3A_16 = arith.constant 0 : index
    %get3A_17 = arith.constant 0 : index
    %get3A_18 = vector.load %arg3[%get3A_16, %get3A_17] : memref<1000x128xf32, #tpu.memory_space<vmem>>, vector<1000x128xf32>
    %add3A_19 = arith.addf %add3A_15, %get3A_18 : vector<1000x128xf32>
    %mul3A = vector.broadcast %rsqrt3A : vector<1000x1xf32> to vector<1000x128xf32>
    %mul3A_20 = arith.mulf %mul3A, %add3A_19 : vector<1000x128xf32>
    %get3A_21 = arith.constant 0 : index
    %get3A_22 = arith.constant 0 : index
    %get3A_23 = vector.load %arg5[%get3A_21, %get3A_22] : memref<1x128xf32, #tpu.memory_space<vmem>>, vector<1x128xf32>
    %add3A_24 = vector.broadcast %get3A_23 : vector<1x128xf32> to vector<1000x128xf32>
    %add3A_25 = arith.addf %mul3A_20, %add3A_24 : vector<1000x128xf32>
    %get3A_26 = arith.constant 0 : index
    %get3A_27 = arith.constant 0 : index
    %get3A_28 = vector.load %arg4[%get3A_26, %get3A_27] : memref<128x128xf32, #tpu.memory_space<vmem>>, vector<128x128xf32>
    %dot_general3A = arith.constant dense<0.000000e+00> : vector<1000x128xf32>
    %dot_general3A_29 = tpu.matmul %add3A_25, %get3A_28, %dot_general3A {dimension_numbers = #tpu.dot_dimension_numbers<[1], [0], [0], [1], [0, 0, 1, 1], [], []>, transpose_lhs_hint = false} : vector<1000x128xf32>, vector<128x128xf32>, vector<1000x128xf32> -> vector<1000x128xf32>
    %mul3A_30 = vector.broadcast %rsqrt3A : vector<1000x1xf32> to vector<1000x128xf32>
    %mul3A_31 = arith.mulf %mul3A_30, %dot_general3A_29 : vector<1000x128xf32>
    %swap3A = arith.constant 0 : index
    %swap3A_32 = arith.constant 0 : index
    %swap3A_33 = vector.load %arg6[%swap3A, %swap3A_32] : memref<1000x128xf32, #tpu.memory_space<vmem>>, vector<1000x128xf32>
    tpu.vector_store %arg6[%swap3A, %swap3A_32], %mul3A_31 {strides = array<i32>} : memref<1000x128xf32, #tpu.memory_space<vmem>>, vector<1000x128xf32>,
    return
  }
  func.func @transform_0(%arg0: i32) -> (i32, i32) {
    %c0_i32 = arith.constant 0 : i32
    %c0_i32_0 = arith.constant 0 : i32
    return %arg0, %c0_i32 : i32, i32
  }
  func.func @transform_1(%arg0: i32) -> (i32, i32, i32) {
    %c0_i32 = arith.constant 0 : i32
    %c0_i32_0 = arith.constant 0 : i32
    %c0_i32_1 = arith.constant 0 : i32
    return %c0_i32, %arg0, %c0_i32_0 : i32, i32, i32
  }
  func.func @transform_2(%arg0: i32) -> (i32, i32) {
    %c0_i32 = arith.constant 0 : i32
    %c0_i32_0 = arith.constant 0 : i32
    return %arg0, %c0_i32 : i32, i32
  }
  func.func @transform_3(%arg0: i32) -> (i32, i32) {
    %c0_i32 = arith.constant 0 : i32
    %c0_i32_0 = arith.constant 0 : i32
    %c0_i32_1 = arith.constant 0 : i32
    return %c0_i32, %c0_i32_0 : i32, i32
  }
  func.func @transform_4(%arg0: i32) -> (i32, i32) {
    %c0_i32 = arith.constant 0 : i32
    %c0_i32_0 = arith.constant 0 : i32
    %c0_i32_1 = arith.constant 0 : i32
    return %c0_i32, %c0_i32_0 : i32, i32
  }
  func.func @transform_5(%arg0: i32) -> (i32, i32) {
    %c0_i32 = arith.constant 0 : i32
    %c0_i32_0 = arith.constant 0 : i32
    return %arg0, %c0_i32 : i32, i32
  }
}

module attributes {stable_mosaic.version = 14 : i64} {
  func.func @_tc3_body(%arg0: i32, %arg1: memref<1000x32xf32, #tpu.memory_space<vmem>>, %arg2: memref<2x1000x128xf32, #tpu.memory_space<vmem>>, %arg3: memref<1000x128xf32, #tpu.memory_space<vmem>>, %arg4: memref<1x128xf32, #tpu.memory_space<vmem>>, %arg5: memref<1000x128xf32, #tpu.memory_space<vmem>>) attributes {dimension_semantics = [#tpu.dimension_semantics<arbitrary>], iteration_bounds = array<i64: 10>, scalar_prefetch = 0 : i64, scratch_operands = 0 : i64, tpu.core_type = #tpu.core_type<tc>, window_params = [{transform_indices = @transform_0, window_bounds = array<i64: 1000, 32>}, {transform_indices = @transform_1, window_bounds = array<i64: 2, 1000, 128>}, {transform_indices = @transform_2, window_bounds = array<i64: 1000, 128>}, {pipeline_mode = #tpu.pipeline_mode<synchronous>, transform_indices = @transform_3, window_bounds = array<i64: 1, 128>}, {transform_indices = @transform_4, window_bounds = array<i64: 1000, 128>}]} {
    %get3A = arith.constant 0 : index
    %get3A_0 = arith.constant 0 : index
    %get3A_1 = vector.load %arg1[%get3A, %get3A_0] : memref<1000x32xf32, #tpu.memory_space<vmem>>, vector<1000x32xf32>
    %reduce_sum3A = arith.constant dense<0.000000e+00> : vector<1000xf32>
    %reduce_sum3A_2 = vector.multi_reduction <add>, %get3A_1, %reduce_sum3A [1] : vector<1000x32xf32> to vector<1000xf32>
    %broadcast_in_dim3A = vector.shape_cast %reduce_sum3A_2 : vector<1000xf32> to vector<1000x1xf32>
    %add3A = arith.constant 1.000000e+00 : f32
    %add3A_3 = vector.broadcast %add3A : f32 to vector<1000x1xf32>
    %add3A_4 = arith.addf %broadcast_in_dim3A, %add3A_3 : vector<1000x1xf32>
    %rsqrt3A = math.rsqrt %add3A_4 : vector<1000x1xf32>
    %get3A_5 = arith.constant 0 : index
    %get3A_6 = arith.constant 0 : index
    %get3A_7 = arith.constant 0 : index
    %get3A_8 = vector.load %arg2[%get3A_5, %get3A_6, %get3A_7] : memref<2x1000x128xf32, #tpu.memory_space<vmem>>, vector<1x1000x128xf32>
    %get3A_9 = vector.shape_cast %get3A_8 : vector<1x1000x128xf32> to vector<1000x128xf32>
    %get3A_10 = arith.constant 1 : index
    %get3A_11 = arith.constant 0 : index
    %get3A_12 = arith.constant 0 : index
    %get3A_13 = vector.load %arg2[%get3A_10, %get3A_11, %get3A_12] : memref<2x1000x128xf32, #tpu.memory_space<vmem>>, vector<1x1000x128xf32>
    %get3A_14 = vector.shape_cast %get3A_13 : vector<1x1000x128xf32> to vector<1000x128xf32>
    %add3A_15 = arith.addf %get3A_9, %get3A_14 : vector<1000x128xf32>
    %get3A_16 = arith.constant 0 : index
    %get3A_17 = arith.constant 0 : index
    %get3A_18 = vector.load %arg3[%get3A_16, %get3A_17] : memref<1000x128xf32, #tpu.memory_space<vmem>>, vector<1000x128xf32>
    %add3A_19 = arith.addf %add3A_15, %get3A_18 : vector<1000x128xf32>
    %mul3A = vector.broadcast %rsqrt3A : vector<1000x1xf32> to vector<1000x128xf32>
    %mul3A_20 = arith.mulf %mul3A, %add3A_19 : vector<1000x128xf32>
    %get3A_21 = arith.constant 0 : index
    %get3A_22 = arith.constant 0 : index
    %get3A_23 = vector.load %arg4[%get3A_21, %get3A_22] : memref<1x128xf32, #tpu.memory_space<vmem>>, vector<1x128xf32>
    %add3A_24 = vector.broadcast %get3A_23 : vector<1x128xf32> to vector<1000x128xf32>
    %add3A_25 = arith.addf %mul3A_20, %add3A_24 : vector<1000x128xf32>
    %max3A = arith.constant 0.000000e+00 : f32
    %max3A_26 = vector.broadcast %max3A : f32 to vector<1000x128xf32>
    %max3A_27 = arith.maximumf %add3A_25, %max3A_26 : vector<1000x128xf32>
    %swap3A = arith.constant 0 : index
    %swap3A_28 = arith.constant 0 : index
    %swap3A_29 = vector.load %arg5[%swap3A, %swap3A_28] : memref<1000x128xf32, #tpu.memory_space<vmem>>, vector<1000x128xf32>
    tpu.vector_store %arg5[%swap3A, %swap3A_28], %max3A_27 {strides = array<i32>} : memref<1000x128xf32, #tpu.memory_space<vmem>>, vector<1000x128xf32>,
    return
  }
  func.func @transform_0(%arg0: i32) -> (i32, i32) {
    %c0_i32 = arith.constant 0 : i32
    %c0_i32_0 = arith.constant 0 : i32
    return %arg0, %c0_i32 : i32, i32
  }
  func.func @transform_1(%arg0: i32) -> (i32, i32, i32) {
    %c0_i32 = arith.constant 0 : i32
    %c0_i32_0 = arith.constant 0 : i32
    %c0_i32_1 = arith.constant 0 : i32
    return %c0_i32, %arg0, %c0_i32_0 : i32, i32, i32
  }
  func.func @transform_2(%arg0: i32) -> (i32, i32) {
    %c0_i32 = arith.constant 0 : i32
    %c0_i32_0 = arith.constant 0 : i32
    return %arg0, %c0_i32 : i32, i32
  }
  func.func @transform_3(%arg0: i32) -> (i32, i32) {
    %c0_i32 = arith.constant 0 : i32
    %c0_i32_0 = arith.constant 0 : i32
    %c0_i32_1 = arith.constant 0 : i32
    return %c0_i32, %c0_i32_0 : i32, i32
  }
  func.func @transform_4(%arg0: i32) -> (i32, i32) {
    %c0_i32 = arith.constant 0 : i32
    %c0_i32_0 = arith.constant 0 : i32
    return %arg0, %c0_i32 : i32, i32
  }
}

</mosaic_0001>

<sc_bundles>
// kernel: kernel.11.cloned.1.call-start
scs
__scs_entry_jumppad:
0x0: {  	(pc) =	sbr.rel $0x88, $3  }
0x1: {  	(tag) =	ssettag $0x0;
	lr =	simm.s32 $0x1  }
0x2: {  	[smem:$0x3F9B] =	sst lr;
	_ =	strace $0xD0000000  }
0x3: {  	_ = 	snop  }
0x4: {  	_ = 	snop  }
0x5: {  	_ = 	snop  }
0x6: {  	_ = 	snop  }
0x7: {  	_ = 	snop  }
__scs_overlays_trampoline_lowered:
0x8: {  	[smem:$0x3FAA] =	sst s0  }
0x9: {  	[smem:$0x3FAB] =	sst s1  }
0xa: {  	[smem:$0x3FAC] =	sst s2  }
0xb: {  	[smem:$0x3FAD] =	sst s3  }
0xc: {  	[smem:$0x3FAE] =	sst s4  }
0xd: {  	[smem:$0x3FAF] =	sst s5  }
0xe: {  	[smem:$0x3FB0] =	sst s6  }
0xf: {  	[smem:$0x3FB1] =	sst s7  }
0x10: {  	[smem:$0x3FB2] =	sst s8  }
0x11: {  	[smem:$0x3FB3] =	sst s9;
	s0 =	simm.s32 @!p0 $0x0  }
0x12: {  	s1 =	sld [smem:$0x3F99];
	s0 =	simm.s32 @p0 $0x1  }
0x13: {  	[smem:$0x3FB4] =	sst s0;
	s0 =	simm.s32 @!p1 $0x0  }
0x14: {  	s2 =	sld [smem:$0x3F98];
	s0 =	simm.s32 @p1 $0x1  }
0x15: {  	[smem:$0x3FB5] =	sst s0;
	s0 =	simm.s32 @!p2 $0x0  }
0x16: {  	s3 =	sld [smem:$0x3FDB];
	s0 =	simm.s32 @p2 $0x1  }
0x17: {  	s4 =	simm.s32 $0x1BF5;
	[smem:$0x3FB7] =	sst s0  }
0x18: {  	s0 =	sld [smem:$0x3F9A];
	_ =	swait.ge [sflag:s4], $0x0  }
0x19: {  	s7 =	sld [smem:$0x3F9B]  }
0x1a: {  	s8 =	sadd.s32 $0xFFFFE003, lr  }
0x1b: {  	s9 =	sadd.s32 $0xFFFFFEF7, lr;
	s5 =	simm.s32 $0xFFFFFFFF;
	p2 =	slt.u32 s8, $0xFFFFF086  }
0x1c: {  	p1 =	slt.u32 s9, $0xF7A;
	s5 =	simm.s32 @!p2 $0x0  }
0x1d: {  	s5 =	simm.s32 @p1 $0x1;
	p0 =	seq.s32 s7, s2  }
0x1e: {  	s7 =	smul.u32 @!p0 $0xF7A, s2;
	p2 =	seq.s32 @!p0 s5, $0x0  }
0x1f: {  	s9 =	smul.u32 $0xF7A, s1;
	s8 =	simm.s32 @!p0 $0x1BF5;
	p2 =	por !p2, p0  }
0x20: {  	[sflag:s8] =	ssyncset.s32 @!p0 $0xFFFFF086;
	s6 =	sadd.s32 @!p0 s3, s7;
	s7 =	simm.s32 @!p0 $0x108  }
0x21: {  	s3 =	sadd.s32 s3, s9;
	s6 =	sadd.s32 @!p0 $0x88, s6;
	s7 =	simm.s32 @p2 $0x1082  }
0x22: {  	[simem:s7], [sflag:s8] =	dma.local @!p0 [hbm:s6], $0xF7A  }
0x23: {  	s9 =	sor.u32 $0xD0000000, s2;
	s6 =	simm.s32 $0x108;
	_ =	swait.ge @!p0 [sflag:s8], $0x0  }
0x24: {  	s3 =	sadd.s32 $0x88, s3;
	s6 =	simm.s32 @!p1 $0x1082;
	[sflag:s4] =	ssyncset.s32 $0xFFFFF086  }
0x25: {  	[simem:s6], [sflag:s4] =	dma.local [hbm:s3], $0xF7A  }
0x26: {  	[smem:$0x3F9B] =	sst s1;
	(tag) =	ssettag s2;
	_ =	strace s9  }
0x27: {  	s1 =	sld [smem:$0x3FAB]  }
0x28: {  	s2 =	sld [smem:$0x3FAC]  }
0x29: {  	s4 =	sld [smem:$0x3FAE]  }
0x2a: {  	p0 =	seq.s32 s5, $0x0;
	s5 =	sld [smem:$0x3FAF]  }
0x2b: {  	s6 =	sld [smem:$0x3FB0]  }
0x2c: {  	s7 =	sld [smem:$0x3FB1]  }
0x2d: {  	s3 =	simm.s32 $0x108;
	s8 =	sld [smem:$0x3FB2]  }
0x2e: {  	s3 =	simm.s32 @!p0 $0x1082;
	s9 =	sld [smem:$0x3FB3]  }
0x2f: {  	lr =	sadd.s32 s0, s3;
	s0 =	sld [smem:$0x3FAA]  }
0x30: {  	s3 =	sld [smem:$0x3FAD]  }
0x31: {  	[smem:$0x3FB6] =	sst s10  }
0x32: {  	s10 =	sld [smem:$0x3FB4];
	_ =	sdelay $0x3  }
0x33: {  	p0 =	seq.s32 s10, $0x1;
	s10 =	sld [smem:$0x3FB6];
	_ =	sdelay $0x3  }
0x34: {  	[smem:$0x3FB6] =	sst s10  }
0x35: {  	s10 =	sld [smem:$0x3FB5];
	_ =	sdelay $0x3  }
0x36: {  	p1 =	seq.s32 s10, $0x1;
	s10 =	sld [smem:$0x3FB6];
	_ =	sdelay $0x3  }
0x37: {  	[smem:$0x3FB6] =	sst s10  }
0x38: {  	s10 =	sld [smem:$0x3FB7]  }
0x39: {  	_ = 	snop;
	(pc) =	sbr.ind lr, $3  }
0x3a: {  	_ = 	snop  }
0x3b: {  	_ = 	snop  }
0x3c: {  	p2 =	seq.s32 s10, $0x1;
	s10 =	sld [smem:$0x3FB6]  }
0x3d: {  	_ =	shalt  }
0x3e: {  	_ =	shalt  }
0x3f: {  	_ =	shalt  }
0x40: {  	_ =	shalt  }
0x41: {  	_ =	shalt  }
0x42: {  	_ =	shalt  }
0x43: {  	_ =	shalt  }
0x44: {  	_ =	shalt  }
0x45: {  	_ =	shalt  }
0x46: {  	_ =	shalt  }
0x47: {  	_ =	shalt  }
0x48: {  	_ =	shalt  }
0x49: {  	_ =	shalt  }
0x4a: {  	_ =	shalt  }
0x4b: {  	_ =	shalt  }
0x4c: {  	_ =	shalt  }
0x4d: {  	_ =	shalt  }
0x4e: {  	_ =	shalt  }
0x4f: {  	_ =	shalt  }
0x50: {  	_ =	shalt  }
0x51: {  	_ =	shalt  }
0x52: {  	_ =	shalt  }
0x53: {  	_ =	shalt  }
0x54: {  	_ =	shalt  }
0x55: {  	_ =	shalt  }
0x56: {  	_ =	shalt  }
0x57: {  	_ =	shalt  }
0x58: {  	_ =	shalt  }
0x59: {  	_ =	shalt  }
0x5a: {  	_ =	shalt  }
0x5b: {  	_ =	shalt  }
0x5c: {  	_ =	shalt  }
0x5d: {  	_ =	shalt  }
0x5e: {  	_ =	shalt  }
0x5f: {  	_ =	shalt  }
0x60: {  	_ =	shalt  }
0x61: {  	_ =	shalt  }
0x62: {  	_ =	shalt  }
0x63: {  	_ =	shalt  }
0x64: {  	_ =	shalt  }
0x65: {  	_ =	shalt  }
0x66: {  	_ =	shalt  }
0x67: {  	_ =	shalt  }
0x68: {  	_ =	shalt  }
0x69: {  	_ =	shalt  }
0x6a: {  	_ =	shalt  }
0x6b: {  	_ =	shalt  }
0x6c: {  	_ =	shalt  }
0x6d: {  	_ =	shalt  }
0x6e: {  	_ =	shalt  }
0x6f: {  	_ =	shalt  }
0x70: {  	_ =	shalt  }
0x71: {  	_ =	shalt  }
0x72: {  	_ =	shalt  }
0x73: {  	_ =	shalt  }
0x74: {  	_ =	shalt  }
0x75: {  	_ =	shalt  }
0x76: {  	_ =	shalt  }
0x77: {  	_ =	shalt  }
0x78: {  	_ =	shalt  }
0x79: {  	_ =	shalt  }
0x7a: {  	_ =	shalt  }
0x7b: {  	_ =	shalt  }
0x7c: {  	_ =	shalt  }
0x7d: {  	_ =	shalt  }
0x7e: {  	_ =	shalt  }
0x7f: {  	_ =	shalt  }
0x80: {  	_ =	shalt  }
0x81: {  	_ =	shalt  }
0x82: {  	_ =	shalt  }
0x83: {  	_ =	shalt  }
0x84: {  	_ =	shalt  }
0x85: {  	_ =	shalt  }
0x86: {  	_ =	shalt  }
0x87: {  	_ =	shalt  }
.Lfunc_end0:
.L_simem_size_0:
called_computation.1_lowered:
.L_overlay_start_0:
0x88: {  	s2 =	sld [smem:$0x3FD9]  }
0x89: {  	s3 =	sld [smem:$0x3FFE];
	_ =	sdelay $0x1  }
0x8a: {  	s1 =	srdreg.scid  }
0x8b: {  	s0 =	sand.u32 $0x1, s1  }
0x8c: {  	s17 =	sshll.u32 s0, $0xA;
	s2 =	sadd.s32 s3, s2  }
0x8d: {  	s2 =	sadd.s32 s2, s17  }
0x8e: {  	[smem:$0x3FC2] =	sst s2  }
0x8f: {  	_ = 	snop  }
0x90: {  	s2 =	sld [smem:$0x3FD0];
	(tm) =	ssettm $0x1  }
0x91: {  	s18 =	sld [smem:$0x3FFB];
	_ =	sdelay $0x3  }
0x92: {  	_ =	strace s18  }
0x93: {  	s3 =	sld [smem:$0x3FFC];
	_ =	sdelay $0x3  }
0x94: {  	_ =	strace s3  }
0x95: {  	s3 =	sld [smem:$0x3FFD];
	_ =	sdelay $0x3  }
0x96: {  	_ =	strace s3  }
0x97: {  	_ =	strace $0x8FFFFFFF  }
0x98: {  	s19 =	sld [smem:$0x3FDB];
	_ =	sdelay $0x1  }
0x99: {  	s4 =	simm.s32 $_scs_section_size  }
0x9a: {  	s5 =	simm.s32 $_size__tile_overlayer_lowered;
	s6 =	simm.s32 $_tile_overlayer_lowered  }
0x9b: {  	s22 =	simm.s32 $0x1BFF;
	s21 =	sshll.u32 s6, $0x1;
	s3 =	sadd.s32 s4, s19  }
0x9c: {  	s7 =	simm.s32 $0x0;
	s20 =	sshll.u32 s5, $0x1;
	s5 =	sadd.s32 s21, s3  }
0x9d: {  	[timem:s7], [sflag:s22] =	dma.local [hbm:s5], s20  }
0x9e: {  	_ =	swait.ge [sflag:s22], s20  }
0x9f: {  	s4 =	ssub.s32 $0x0, s20;
	[sflag:s22] =	ssyncset.done $0x0  }
0xa0: {  	[sflag:s22] =	ssyncadd.s32 s4;
	_ =	sdelay $0x1  }
0xa1: {  	s23 =	simm.s32 $0x1B8B  }
0xa2: {  	_ =	swait.ge [sflag:s23], $0x1  }
0xa3: {  	[sflag:s23] =	ssyncset.done $0x0  }
0xa4: {  	s25 =	simm.s32 $0x1B8E;
	s24 =	sld [smem:$0x3FFE];
	[sflag:s23] =	ssyncadd.s32 $0xFFFFFFFF  }
0xa5: {  	s26 =	simm.s32 $execute0_lowered;
	[smem:$0x3FD2] =	sst s25  }
0xa6: {  	s5 =	sshll.u32 s26, $0x1;
	_ =	strace $0x80000049;
	[dreg:$0x1] =	wrdreg $0xFFFFFFFF  }
0xa7: {  	s28 =	simm.s32 $_size_execute0_lowered;
	s3 =	sadd.s32 s3, s5;
	[dreg:$0x0] =	wrdreg $0x0  }
0xa8: {  	s5 =	sshll.u32 s28, $0x1;
	[dreg:$0x2] =	wrdreg s3  }
0xa9: {  	[dreg:$0x3] =	wrdreg s5  }
0xaa: {  	[dreg:$0x4] =	wrdreg $0xC0  }
0xab: {  	_ =	task [dreg:s7], $0x5FFFF  }
0xac: {  	[dreg:$0x1] =	wrdreg $0xFFFFFFFF  }
0xad: {  	[dreg:$0x0] =	wrdreg $0x60  }
0xae: {  	[dreg:$0x2] =	wrdreg s2  }
0xaf: {  	[dreg:$0x3] =	wrdreg s24  }
0xb0: {  	[dreg:$0x4] =	wrdreg $0x88000  }
0xb1: {  	[dreg:$0x5] =	wrdreg $0x9  }
0xb2: {  	_ =	task.clear_ibuf [dreg:s7], $0x6FFFF;
	_ =	strace $0x90000049  }
0xb3: {  	s29 =	simm.s32 $0x9;
	_ =	strace $0x8000004B  }
0xb4: {  	_ =	swait.ge [sflag:s29], $0x1  }
0xb5: {  	[sflag:s29] =	ssyncadd.s32 $0xFFFFFFFF  }
0xb6: {  	_ =	strace $0x9000004B  }
0xb7: {  	_ =	sfence  }
0xb8: {  	s30 =	sld [smem:$0x0];
	_ =	sdelay $0x2  }
0xb9: {  	s31 =	sshll.u32 s1, $0xD;
	s1 =	sshrl.u32 s1, $0x2  }
0xba: {  	s3 =	sand.u32 $0x4000, s31;
	s1 =	sadd.s32 s1, s30  }
0xbb: {  	s0 =	sor.u32 s3, s0;
	s1 =	sshll.u32 s1, $0x11  }
0xbc: {  	s0 =	sor.u32 s1, s0  }
0xbd: {  	s0 =	sadd.s32 $0x8F2B, s0  }
0xbe: {  	[sflag:s0] =	ssyncadd.remote.s32 $0x1  }
0xbf: {  	_ =	sfence.sel $0xFFFF  }
0xc0: {  	[dreg:$0x0] =	wrdreg $0xFFFFFFFF;
	(pc) =	sbr.abs _section_cstart, $3  }
0xc1: {  	[dreg:$0x1] =	wrdreg $0xFFFFFFFF  }
0xc2: {  	_ =	task.clear_ibuf [dreg:s7], $0x2FFFF;
	_ =	strace $0x9FFFFFFF  }
0xc3: {  	(tm) =	ssettm $0x7FFFFFFF  }
tec
execute0_lowered:
.L_overlay_start_1:
0x0: {  	(tag) =	ssettag $0x1  }
0x1: {  	s1 =	rddreg [dreg:$0x0]  }
0x2: {  	s0 =	rddreg [dreg:$0x1]  }
0x3: {  	s3 =	rddreg [dreg:$0x2]  }
0x4: {  	s4 =	simm.s32 $0x0;
	s9 =	stileid.u32;
	s2 =	srdreg.scid  }
0x5: {  	s28 =	simm.s32 $0x580;
	s29 =	simm.s32 $0x600;
	s30 =	simm.s32 $0x4800  }
0x6: {  	s31 =	simm.s32 $0x1;
	s10 =	simm.s32 $0x680;
	s11 =	simm.s32 $0x380  }
0x7: {  	s13 =	simm.s32 $0x780;
	[smem:$0x7FF] =	sst s4;
	s5 =	smul.u32 $0x980, s9  }
0x8: {  	s2 =	sand.u32 $0x1, s2;
	s6 =	sshll.u32 s9, $0x7;
	s17 =	smul.u32 $0x2780, s9  }
0x9: {  	s15 =	smul.u32 $0x13C00, s9;
	_ =	strace $0x8000004A;
	s6 =	sadd.s32 s6, s0  }
0xa: {  	s5 =	sadd.s32 s5, s0;
	s0 =	sadd.s32 $0x20800, s0;
	[dreg:$0x7] =	wrdreg s17  }
0xb: {  	s12 =	smul.u32 $0x278, s9;
	s16 =	sadd.s32 $0xC800, s6;
	[dreg:$0x4] =	wrdreg s0  }
0xc: {  	s9 =	simm.s32 $0x300;
	s6 =	sadd.s32 $0xD000, s6;
	[dreg:$0x5] =	wrdreg s16  }
0xd: {  	s7 =	ssub.s32 $0x2, s2;
	s18 =	sadd.s32 $0x4000, s15;
	[dreg:$0x6] =	wrdreg s6  }
0xe: {  	p0 =	sne.s32 s2, $0x0;
	s19 =	sadd.s32 $0x8000, s15;
	[dreg:$0x8] =	wrdreg s18  }
0xf: {  	s2 =	simm.s32 $0x2;
	s20 =	sadd.s32 $0xC000, s15;
	[dreg:$0x9] =	wrdreg s19  }
0x10: {  	s8 =	sshrl.u32 s7, $0x1;
	s21 =	sadd.s32 $0x10000, s15;
	[dreg:$0xa] =	wrdreg s20  }
0x11: {  	s22 =	sshrl.u32 s15, $0x3;
	s23 =	sadd.s32 $0x140000, s15;
	[dreg:$0xb] =	wrdreg s21  }
0x12: {  	s24 =	sadd.s32 $0x144000, s15;
	s25 =	sadd.s32 $0x148000, s15;
	[dreg:$0xd] =	wrdreg s23  }
0x13: {  	s26 =	sadd.s32 $0x14C000, s15;
	v0 =	vmov s12;
	s12 =	simm.s32 $0x700;
	[dreg:$0xe] =	wrdreg s24  }
0x14: {  	s14 =	ssub.s32 s7, s8;
	s6 =	sadd.s32 $0x27800, s22;
	[dreg:$0xf] =	wrdreg s25  }
0x15: {  	[dreg:$0x10] =	wrdreg s26;
	s19 =	sadd.s32 $0xD800, s5;
	s20 =	sadd.s32 $0x17000, s5  }
.Ltmp0:
0x16: {  	s21 =	simm.s32 $0x80;
	s22 =	simm.s32 $0x400;
	(pc) =	sbr.rel .LBB2_1-.Ltmp0, $4  }
0x17: {  	s23 =	simm.s32 $0x800;
	s24 =	simm.s32 $0x3;
	s25 =	simm.s32 $0x480  }
0x18: {  	s26 =	simm.s32 $0x500;
	s7 =	simm.s32 $0x200;
	s8 =	simm.s32 $0x280  }
0x19: {  	[dreg:$0xc] =	wrdreg s6;
	s0 =	smax.u32 s14, $0x1;
	s6 =	simm.s32 $0x180  }
0x1a: {  	v1 =	vimm.f32 $0.0e+00;
	v2 =	vlaneseq.u32;
	s14 =	simm.s32 $0x0;
	[dreg:$0x11] =	wrdreg s0;
	s0 =	simm.s32 $0x100  }
.LBB2_13:
0x1b: {  	[tilespmem:s5+$0x400] =	vst v3;
	s5 =	rddreg [dreg:$0xc]  }
0x1c: {  	s18 =	rddreg [dreg:$0xd]  }
0x1d: {  	s17 =	rddreg [dreg:$0xe]  }
0x1e: {  	s16 =	rddreg [dreg:$0xf]  }
0x1f: {  	s15 =	rddreg [dreg:$0x10]  }
0x20: {  	[dreg:$0x12] =	wrdreg s15;
	s15 =	smov.u32 s14  }
.LBB2_14:
0x21: {  	[tilespmem:s23], [sflag:$0x1] =	stream.indirect.gather [spmem:s3], $0x80, s22, s21, $0xb8;
	[tilespmem:$0x1C400] =	vst v63  }
0x22: {  	_ = 	snop  }
0x23: {  	[tilespmem:s30], [sflag:$0x2] =	stream.indirect.gather [spmem:s3], $0x80, s25, s21, $0xb8;
	[tilespmem:$0x1C400] =	vst v63  }
0x24: {  	_ =	swait.ge [sflag:s31], $0x4000  }
0x25: {  	[sflag:s31] =	ssyncset.done $0x0;
	s14 =	rddreg [dreg:$0x4]  }
0x26: {  	s5 =	sadd.s32 s14, s5;
	[sflag:s31] =	ssyncadd.s32 $0xFFFFC000  }
0x27: {  	[hbm4b:s5+s4] =	stream.linear.scatter [tilespmem:s23], [sflag:$0x3], $0x4000, $0x38;
	[tilespmem:$0x1C400] =	vst v63  }
0x28: {  	_ =	swait.ge [sflag:s24], $0x4000  }
0x29: {  	[sflag:s24] =	ssyncset.done $0x0  }
0x2a: {  	[sflag:s24] =	ssyncadd.s32 $0xFFFFC000  }
0x2b: {  	[tilespmem:s23], [sflag:$0x1] =	stream.indirect.gather [spmem:s3], $0x80, s26, s21, $0xb8;
	[tilespmem:$0x1C400] =	vst v63  }
0x2c: {  	_ =	swait.ge [sflag:s2], $0x4000  }
0x2d: {  	s18 =	sshrl.u32 s18, $0x3;
	[sflag:s2] =	ssyncset.done $0x0  }
0x2e: {  	s5 =	sadd.s32 s14, s18;
	[sflag:s2] =	ssyncadd.s32 $0xFFFFC000  }
0x2f: {  	[hbm4b:s5+s4] =	stream.linear.scatter [tilespmem:s30], [sflag:$0x3], $0x4000, $0x38;
	[tilespmem:$0x1C400] =	vst v63  }
0x30: {  	_ =	swait.ge [sflag:s24], $0x4000  }
0x31: {  	[sflag:s24] =	ssyncset.done $0x0  }
0x32: {  	[sflag:s24] =	ssyncadd.s32 $0xFFFFC000  }
0x33: {  	[tilespmem:s30], [sflag:$0x2] =	stream.indirect.gather [spmem:s3], $0x80, s28, s21, $0xb8;
	[tilespmem:$0x1C400] =	vst v63  }
0x34: {  	_ =	swait.ge [sflag:s31], $0x4000  }
0x35: {  	s18 =	sshrl.u32 s17, $0x3;
	[sflag:s31] =	ssyncset.done $0x0  }
0x36: {  	s5 =	sadd.s32 s14, s18;
	[sflag:s31] =	ssyncadd.s32 $0xFFFFC000  }
0x37: {  	[hbm4b:s5+s4] =	stream.linear.scatter [tilespmem:s23], [sflag:$0x3], $0x4000, $0x38;
	[tilespmem:$0x1C400] =	vst v63  }
0x38: {  	_ =	swait.ge [sflag:s24], $0x4000  }
0x39: {  	[sflag:s24] =	ssyncset.done $0x0  }
0x3a: {  	[sflag:s24] =	ssyncadd.s32 $0xFFFFC000  }
0x3b: {  	[tilespmem:s23], [sflag:$0x1] =	stream.indirect.gather [spmem:s3], $0x80, s29, s21, $0xb8;
	[tilespmem:$0x1C400] =	vst v63  }
0x3c: {  	_ =	swait.ge [sflag:s2], $0x4000  }
0x3d: {  	s16 =	sshrl.u32 s16, $0x3;
	[sflag:s2] =	ssyncset.done $0x0  }
0x3e: {  	s5 =	sadd.s32 s14, s16;
	[sflag:s2] =	ssyncadd.s32 $0xFFFFC000  }
0x3f: {  	[hbm4b:s5+s4] =	stream.linear.scatter [tilespmem:s30], [sflag:$0x3], $0x4000, $0x38;
	[tilespmem:$0x1C400] =	vst v63  }
0x40: {  	_ =	swait.ge [sflag:s24], $0x4000  }
0x41: {  	[sflag:s24] =	ssyncset.done $0x0  }
0x42: {  	[sflag:s24] =	ssyncadd.s32 $0xFFFFC000  }
0x43: {  	_ =	swait.ge [sflag:s31], $0x4000  }
0x44: {  	s17 =	rddreg [dreg:$0x12]  }
0x45: {  	[sflag:s31] =	ssyncset.done $0x0;
	s5 =	sshrl.u32 s17, $0x3  }
0x46: {  	[sflag:s31] =	ssyncadd.s32 $0xFFFFC000;
	s5 =	sadd.s32 s14, s5  }
0x47: {  	[hbm4b:s5+s4] =	stream.linear.scatter [tilespmem:s23], [sflag:$0x3], $0x3C00, $0x38;
	[tilespmem:$0x1C400] =	vst v63  }
0x48: {  	_ =	swait.ge [sflag:s24], $0x3C00  }
0x49: {  	s14 =	sadd.s32 $0x1, s15;
	s18 =	rddreg [dreg:$0x11]  }
0x4a: {  	p1 =	sne.s32 s14, s18  }
.Ltmp1:
0x4b: {  	_ = 	snop;
	(pc) =	sbr.rel @!p1 .LBB2_15-.Ltmp1, $3  }
0x4c: {  	_ =	sdelay $0x1  }
0x4d: {  	[sflag:s24] =	ssyncset.done $0x0  }
0x4e: {  	[sflag:s24] =	ssyncadd.s32 $0xFFFFC400  }
.LBB2_1:
0x4f: {  	s5 =	simm.s32 $0x0;
	s15 =	simm.s32 $0x0  }
.LBB2_2:
0x50: {  	p1 =	sne.s32 s15, $0xFFC0  }
.Ltmp2:
0x51: {  	_ = 	snop;
	(pc) =	sbr.rel @p1 .LBB2_2-.Ltmp2, $4  }
0x52: {  	s16 =	sand.u32 $0xFE00, s15  }
0x53: {  	s17 =	sand.u32 $0x70, s5;
	s16 =	sshrl.u32 s16, $0x2  }
0x54: {  	s16 =	sor.u32 s17, s16  }
0x55: {  	s5 =	sadd.s32 $0x10, s5;
	s15 =	sadd.s32 $0x40, s15;
	[tilespmem:s16+$0x800] =	vst v1  }
0x56: {  	s15 =	simm.s32 $0x0  }
0x57: {  	v3 =	vor.u32 s15, v2  }
0x58: {  	s5 =	sand.u32 $0xE00, s15;
	vm0 =	vlt.s32 v3, $0x277  }
0x59: {  	s17 =	sand.u32 $0x70, s15;
	s5 =	sshrl.u32 s5, $0x2;
	v3 =	vnsel vm0, $0x277, v3  }
0x5a: {  	s16 =	simm.s32 $0x40;
	s5 =	sor.u32 s17, s5;
	v3 =	vadd.s32 v0, v3  }
.LBB2_4:
0x5b: {  	p1 =	sne.s32 s16, $0xFC0  }
0x5c: {  	[tilespmem:s5+$0x400] =	vst v3;
	s15 =	sadd.s32 $0x10, s15;
	s5 =	smov.u32 s16;
	s16 =	sadd.s32 $0x40, s16  }
.Ltmp3:
0x5d: {  	(pc) =	sbr.rel @p1 .LBB2_4-.Ltmp3, $4  }
0x5e: {  	v3 =	vor.u32 s15, v2  }
0x5f: {  	s5 =	sand.u32 $0xE00, s5;
	vm0 =	vlt.s32 v3, $0x277  }
0x60: {  	s17 =	sand.u32 $0x70, s15;
	s5 =	sshrl.u32 s5, $0x2;
	v3 =	vnsel vm0, $0x277, v3  }
0x61: {  	s5 =	sor.u32 s17, s5;
	v3 =	vadd.s32 v0, v3  }
0x62: {  	[tilespmem:s5+$0x400] =	vst v3  }
0x63: {  	[spmem:s3] =	stream.indirect.scatter [tilespmem:s23], [sflag:$0x3], $0x80, s22, s21, $0xb8;
	[tilespmem:$0x1C400] =	vst v63  }
0x64: {  	_ =	swait.ge [sflag:s24], $0x4000  }
0x65: {  	[sflag:s24] =	ssyncset.done $0x0  }
0x66: {  	[sflag:s24] =	ssyncadd.s32 $0xFFFFC000  }
0x67: {  	[spmem:s3] =	stream.indirect.scatter [tilespmem:s23], [sflag:$0x3], $0x80, s25, s21, $0xb8;
	[tilespmem:$0x1C400] =	vst v63  }
0x68: {  	_ =	swait.ge [sflag:s24], $0x4000  }
0x69: {  	[sflag:s24] =	ssyncset.done $0x0  }
0x6a: {  	[sflag:s24] =	ssyncadd.s32 $0xFFFFC000  }
0x6b: {  	[spmem:s3] =	stream.indirect.scatter [tilespmem:s23], [sflag:$0x3], $0x80, s26, s21, $0xb8;
	[tilespmem:$0x1C400] =	vst v63  }
0x6c: {  	_ =	swait.ge [sflag:s24], $0x4000  }
0x6d: {  	[sflag:s24] =	ssyncset.done $0x0  }
0x6e: {  	[sflag:s24] =	ssyncadd.s32 $0xFFFFC000  }
0x6f: {  	[spmem:s3] =	stream.indirect.scatter [tilespmem:s23], [sflag:$0x3], $0x80, s28, s21, $0xb8;
	[tilespmem:$0x1C400] =	vst v63  }
0x70: {  	_ =	swait.ge [sflag:s24], $0x4000  }
0x71: {  	[sflag:s24] =	ssyncset.done $0x0  }
0x72: {  	[sflag:s24] =	ssyncadd.s32 $0xFFFFC000  }
0x73: {  	[spmem:s3] =	stream.indirect.scatter [tilespmem:s23], [sflag:$0x3], $0x80, s29, s21, $0xb8;
	[tilespmem:$0x1C400] =	vst v63  }
.Ltmp4:
0x74: {  	_ =	swait.ge [sflag:s24], $0x4000;
	(pc) =	sbr.rel @p0 .LBB2_11-.Ltmp4, $4  }
0x75: {  	[sflag:s24] =	ssyncset.done $0x0  }
0x76: {  	[sflag:s24] =	ssyncadd.s32 $0xFFFFC000  }
0x77: {  	[bflag:$0x0] =	sbarrier.arrive $0xFFFF  }
0x78: {  	s15 =	simm.s32 $0x0  }
0x79: {  	s5 =	sadd.s32 $0x0, s20  }
0x7a: {  	[tilespmem:s4], [sflag:$0x3] =	stream.linear.gather [hbm4b:s5+s4], $0x400, $0x38;
	[tilespmem:$0x1C400] =	vst v63  }
0x7b: {  	_ =	swait.ge [sflag:s24], $0x400  }
0x7c: {  	[sflag:s24] =	ssyncset.done $0x0  }
0x7d: {  	s18 =	sadd.s32 $0x0, s19;
	[sflag:s24] =	ssyncadd.s32 $0xFFFFFC00  }
0x7e: {  	[tilespmem:s22], [sflag:$0x3] =	stream.linear.gather [hbm4b:s18+s4], $0x400, $0x38;
	[tilespmem:$0x1C400] =	vst v63  }
0x7f: {  	_ =	swait.ge [sflag:s24], $0x400  }
0x80: {  	[sflag:s24] =	ssyncset.done $0x0  }
0x81: {  	[sflag:s24] =	ssyncadd.s32 $0xFFFFFC00  }
0x82: {  	[tilespmem:s23], [sflag:$0x1] =	stream.indirect.gather [hbm4b:s1+s21], $0x80, s4, s21, $0xb8;
	[tilespmem:$0x1C400] =	vst v63  }
0x83: {  	_ = 	snop  }
0x84: {  	[tilespmem:s30], [sflag:$0x2] =	stream.indirect.gather [hbm4b:s1+s21], $0x80, s21, s21, $0xb8;
	[tilespmem:$0x1C400] =	vst v63  }
0x85: {  	_ =	swait.ge [sflag:s31], $0x4000  }
0x86: {  	[sflag:s31] =	ssyncset.done $0x0  }
0x87: {  	[sflag:s31] =	ssyncadd.s32 $0xFFFFC000  }
0x88: {  	[spmem:s3] =	stream.indirect.scatter.add.f32 [tilespmem:s23], [sflag:$0x3], $0x80, s22, s21, $0xb8;
	[tilespmem:$0x1C400] =	vst v63  }
0x89: {  	_ =	swait.ge [sflag:s24], $0x4000  }
0x8a: {  	[sflag:s24] =	ssyncset.done $0x0  }
0x8b: {  	[sflag:s24] =	ssyncadd.s32 $0xFFFFC000  }
0x8c: {  	[tilespmem:s23], [sflag:$0x1] =	stream.indirect.gather [hbm4b:s1+s21], $0x80, s0, s21, $0xb8;
	[tilespmem:$0x1C400] =	vst v63  }
0x8d: {  	_ =	swait.ge [sflag:s2], $0x4000  }
0x8e: {  	[sflag:s2] =	ssyncset.done $0x0  }
0x8f: {  	[sflag:s2] =	ssyncadd.s32 $0xFFFFC000  }
0x90: {  	[spmem:s3] =	stream.indirect.scatter.add.f32 [tilespmem:s30], [sflag:$0x3], $0x80, s25, s21, $0xb8;
	[tilespmem:$0x1C400] =	vst v63  }
0x91: {  	_ =	swait.ge [sflag:s24], $0x4000  }
0x92: {  	[sflag:s24] =	ssyncset.done $0x0  }
0x93: {  	[sflag:s24] =	ssyncadd.s32 $0xFFFFC000  }
0x94: {  	[tilespmem:s30], [sflag:$0x2] =	stream.indirect.gather [hbm4b:s1+s21], $0x80, s6, s21, $0xb8;
	[tilespmem:$0x1C400] =	vst v63  }
0x95: {  	_ =	swait.ge [sflag:s31], $0x4000  }
0x96: {  	[sflag:s31] =	ssyncset.done $0x0  }
0x97: {  	[sflag:s31] =	ssyncadd.s32 $0xFFFFC000  }
0x98: {  	[spmem:s3] =	stream.indirect.scatter.add.f32 [tilespmem:s23], [sflag:$0x3], $0x80, s26, s21, $0xb8;
	[tilespmem:$0x1C400] =	vst v63  }
0x99: {  	_ =	swait.ge [sflag:s24], $0x4000  }
0x9a: {  	[sflag:s24] =	ssyncset.done $0x0  }
0x9b: {  	[sflag:s24] =	ssyncadd.s32 $0xFFFFC000  }
0x9c: {  	[tilespmem:s23], [sflag:$0x1] =	stream.indirect.gather [hbm4b:s1+s21], $0x80, s7, s21, $0xb8;
	[tilespmem:$0x1C400] =	vst v63  }
0x9d: {  	_ =	swait.ge [sflag:s2], $0x4000  }
0x9e: {  	[sflag:s2] =	ssyncset.done $0x0  }
0x9f: {  	[sflag:s2] =	ssyncadd.s32 $0xFFFFC000  }
0xa0: {  	[spmem:s3] =	stream.indirect.scatter.add.f32 [tilespmem:s30], [sflag:$0x3], $0x80, s28, s21, $0xb8;
	[tilespmem:$0x1C400] =	vst v63  }
0xa1: {  	_ =	swait.ge [sflag:s24], $0x4000  }
0xa2: {  	[sflag:s24] =	ssyncset.done $0x0  }
0xa3: {  	[sflag:s24] =	ssyncadd.s32 $0xFFFFC000  }
0xa4: {  	[tilespmem:s30], [sflag:$0x2] =	stream.indirect.gather [hbm4b:s1+s21], $0x80, s8, s21, $0xb8;
	[tilespmem:$0x1C400] =	vst v63  }
0xa5: {  	_ =	swait.ge [sflag:s31], $0x4000  }
0xa6: {  	[sflag:s31] =	ssyncset.done $0x0  }
0xa7: {  	[sflag:s31] =	ssyncadd.s32 $0xFFFFC000  }
0xa8: {  	[spmem:s3] =	stream.indirect.scatter.add.f32 [tilespmem:s23], [sflag:$0x3], $0x80, s29, s21, $0xb8;
	[tilespmem:$0x1C400] =	vst v63  }
0xa9: {  	_ =	swait.ge [sflag:s24], $0x4000  }
0xaa: {  	[sflag:s24] =	ssyncset.done $0x0  }
0xab: {  	[sflag:s24] =	ssyncadd.s32 $0xFFFFC000  }
0xac: {  	[tilespmem:s23], [sflag:$0x1] =	stream.indirect.gather [hbm4b:s1+s21], $0x80, s9, s21, $0xb8;
	[tilespmem:$0x1C400] =	vst v63  }
0xad: {  	_ =	swait.ge [sflag:s2], $0x4000  }
0xae: {  	[sflag:s2] =	ssyncset.done $0x0  }
0xaf: {  	[sflag:s2] =	ssyncadd.s32 $0xFFFFC000  }
0xb0: {  	[spmem:s3] =	stream.indirect.scatter.add.f32 [tilespmem:s30], [sflag:$0x3], $0x80, s10, s21, $0xb8;
	[tilespmem:$0x1C400] =	vst v63  }
0xb1: {  	_ =	swait.ge [sflag:s24], $0x4000  }
0xb2: {  	[sflag:s24] =	ssyncset.done $0x0  }
0xb3: {  	[sflag:s24] =	ssyncadd.s32 $0xFFFFC000  }
0xb4: {  	[tilespmem:s30], [sflag:$0x2] =	stream.indirect.gather [hbm4b:s1+s21], $0x80, s11, s21, $0xb8;
	[tilespmem:$0x1C400] =	vst v63  }
0xb5: {  	_ =	swait.ge [sflag:s31], $0x4000  }
0xb6: {  	[sflag:s31] =	ssyncset.done $0x0  }
0xb7: {  	[sflag:s31] =	ssyncadd.s32 $0xFFFFC000  }
0xb8: {  	[spmem:s3] =	stream.indirect.scatter.add.f32 [tilespmem:s23], [sflag:$0x3], $0x80, s12, s21, $0xb8;
	[tilespmem:$0x1C400] =	vst v63  }
0xb9: {  	_ =	swait.ge [sflag:s24], $0x4000  }
0xba: {  	[sflag:s24] =	ssyncset.done $0x0  }
0xbb: {  	[sflag:s24] =	ssyncadd.s32 $0xFFFFC000  }
0xbc: {  	_ =	swait.ge [sflag:s2], $0x4000  }
0xbd: {  	[sflag:s2] =	ssyncset.done $0x0  }
0xbe: {  	[sflag:s2] =	ssyncadd.s32 $0xFFFFC000  }
0xbf: {  	[spmem:s3] =	stream.indirect.scatter.add.f32 [tilespmem:s30], [sflag:$0x3], $0x80, s13, s21, $0xb8;
	[tilespmem:$0x1C400] =	vst v63  }
0xc0: {  	_ =	swait.ge [sflag:s24], $0x4000  }
0xc1: {  	s15 =	simm.s32 $0x80;
	s5 =	simm.s32 $0x100;
	[sflag:s24] =	ssyncset.done $0x0  }
.LBB2_7:
0xc2: {  	s17 =	sadd.s32 s15, s20  }
0xc3: {  	[sflag:s24] =	ssyncadd.s32 $0xFFFFC000;
	s18 =	smov.u32 s5;
	s16 =	sadd.s32 $0x80, s5  }
0xc4: {  	[tilespmem:s4], [sflag:$0x3] =	stream.linear.gather [hbm4b:s17+s4], $0x400, $0x38;
	[tilespmem:$0x1C400] =	vst v63  }
0xc5: {  	p1 =	sne.s32 s5, $0x900;
	_ =	swait.ge [sflag:s24], $0x400  }
0xc6: {  	[sflag:s24] =	ssyncset.done $0x0  }
0xc7: {  	s5 =	sadd.s32 s15, s19;
	s15 =	smov.u32 s18;
	[sflag:s24] =	ssyncadd.s32 $0xFFFFFC00  }
0xc8: {  	[tilespmem:s22], [sflag:$0x3] =	stream.linear.gather [hbm4b:s5+s4], $0x400, $0x38;
	[tilespmem:$0x1C400] =	vst v63  }
0xc9: {  	_ =	swait.ge [sflag:s24], $0x400  }
0xca: {  	[sflag:s24] =	ssyncset.done $0x0  }
0xcb: {  	[sflag:s24] =	ssyncadd.s32 $0xFFFFFC00  }
0xcc: {  	[tilespmem:s23], [sflag:$0x1] =	stream.indirect.gather [hbm4b:s1+s21], $0x80, s4, s21, $0xb8;
	[tilespmem:$0x1C400] =	vst v63  }
0xcd: {  	_ = 	snop  }
0xce: {  	[tilespmem:s30], [sflag:$0x2] =	stream.indirect.gather [hbm4b:s1+s21], $0x80, s21, s21, $0xb8;
	[tilespmem:$0x1C400] =	vst v63  }
0xcf: {  	_ =	swait.ge [sflag:s31], $0x4000  }
0xd0: {  	[sflag:s31] =	ssyncset.done $0x0  }
0xd1: {  	[sflag:s31] =	ssyncadd.s32 $0xFFFFC000  }
0xd2: {  	[spmem:s3] =	stream.indirect.scatter.add.f32 [tilespmem:s23], [sflag:$0x3], $0x80, s22, s21, $0xb8;
	[tilespmem:$0x1C400] =	vst v63  }
0xd3: {  	_ =	swait.ge [sflag:s24], $0x4000  }
0xd4: {  	[sflag:s24] =	ssyncset.done $0x0  }
0xd5: {  	[sflag:s24] =	ssyncadd.s32 $0xFFFFC000  }
0xd6: {  	[tilespmem:s23], [sflag:$0x1] =	stream.indirect.gather [hbm4b:s1+s21], $0x80, s0, s21, $0xb8;
	[tilespmem:$0x1C400] =	vst v63  }
0xd7: {  	_ =	swait.ge [sflag:s2], $0x4000  }
0xd8: {  	[sflag:s2] =	ssyncset.done $0x0  }
0xd9: {  	[sflag:s2] =	ssyncadd.s32 $0xFFFFC000  }
0xda: {  	[spmem:s3] =	stream.indirect.scatter.add.f32 [tilespmem:s30], [sflag:$0x3], $0x80, s25, s21, $0xb8;
	[tilespmem:$0x1C400] =	vst v63  }
0xdb: {  	_ =	swait.ge [sflag:s24], $0x4000  }
0xdc: {  	[sflag:s24] =	ssyncset.done $0x0  }
0xdd: {  	[sflag:s24] =	ssyncadd.s32 $0xFFFFC000  }
0xde: {  	[tilespmem:s30], [sflag:$0x2] =	stream.indirect.gather [hbm4b:s1+s21], $0x80, s6, s21, $0xb8;
	[tilespmem:$0x1C400] =	vst v63  }
0xdf: {  	_ =	swait.ge [sflag:s31], $0x4000  }
0xe0: {  	[sflag:s31] =	ssyncset.done $0x0  }
0xe1: {  	[sflag:s31] =	ssyncadd.s32 $0xFFFFC000  }
0xe2: {  	[spmem:s3] =	stream.indirect.scatter.add.f32 [tilespmem:s23], [sflag:$0x3], $0x80, s26, s21, $0xb8;
	[tilespmem:$0x1C400] =	vst v63  }
0xe3: {  	_ =	swait.ge [sflag:s24], $0x4000  }
0xe4: {  	[sflag:s24] =	ssyncset.done $0x0  }
0xe5: {  	[sflag:s24] =	ssyncadd.s32 $0xFFFFC000  }
0xe6: {  	[tilespmem:s23], [sflag:$0x1] =	stream.indirect.gather [hbm4b:s1+s21], $0x80, s7, s21, $0xb8;
	[tilespmem:$0x1C400] =	vst v63  }
0xe7: {  	_ =	swait.ge [sflag:s2], $0x4000  }
0xe8: {  	[sflag:s2] =	ssyncset.done $0x0  }
0xe9: {  	[sflag:s2] =	ssyncadd.s32 $0xFFFFC000  }
0xea: {  	[spmem:s3] =	stream.indirect.scatter.add.f32 [tilespmem:s30], [sflag:$0x3], $0x80, s28, s21, $0xb8;
	[tilespmem:$0x1C400] =	vst v63  }
0xeb: {  	_ =	swait.ge [sflag:s24], $0x4000  }
0xec: {  	[sflag:s24] =	ssyncset.done $0x0  }
0xed: {  	[sflag:s24] =	ssyncadd.s32 $0xFFFFC000  }
0xee: {  	[tilespmem:s30], [sflag:$0x2] =	stream.indirect.gather [hbm4b:s1+s21], $0x80, s8, s21, $0xb8;
	[tilespmem:$0x1C400] =	vst v63  }
0xef: {  	_ =	swait.ge [sflag:s31], $0x4000  }
0xf0: {  	[sflag:s31] =	ssyncset.done $0x0  }
0xf1: {  	[sflag:s31] =	ssyncadd.s32 $0xFFFFC000  }
0xf2: {  	[spmem:s3] =	stream.indirect.scatter.add.f32 [tilespmem:s23], [sflag:$0x3], $0x80, s29, s21, $0xb8;
	[tilespmem:$0x1C400] =	vst v63  }
0xf3: {  	_ =	swait.ge [sflag:s24], $0x4000  }
0xf4: {  	[sflag:s24] =	ssyncset.done $0x0  }
0xf5: {  	[sflag:s24] =	ssyncadd.s32 $0xFFFFC000  }
0xf6: {  	[tilespmem:s23], [sflag:$0x1] =	stream.indirect.gather [hbm4b:s1+s21], $0x80, s9, s21, $0xb8;
	[tilespmem:$0x1C400] =	vst v63  }
0xf7: {  	_ =	swait.ge [sflag:s2], $0x4000  }
0xf8: {  	[sflag:s2] =	ssyncset.done $0x0  }
0xf9: {  	[sflag:s2] =	ssyncadd.s32 $0xFFFFC000  }
0xfa: {  	[spmem:s3] =	stream.indirect.scatter.add.f32 [tilespmem:s30], [sflag:$0x3], $0x80, s10, s21, $0xb8;
	[tilespmem:$0x1C400] =	vst v63  }
0xfb: {  	_ =	swait.ge [sflag:s24], $0x4000  }
0xfc: {  	[sflag:s24] =	ssyncset.done $0x0  }
0xfd: {  	[sflag:s24] =	ssyncadd.s32 $0xFFFFC000  }
0xfe: {  	[tilespmem:s30], [sflag:$0x2] =	stream.indirect.gather [hbm4b:s1+s21], $0x80, s11, s21, $0xb8;
	[tilespmem:$0x1C400] =	vst v63  }
0xff: {  	_ =	swait.ge [sflag:s31], $0x4000  }
0x100: {  	[sflag:s31] =	ssyncset.done $0x0  }
0x101: {  	[sflag:s31] =	ssyncadd.s32 $0xFFFFC000  }
0x102: {  	[spmem:s3] =	stream.indirect.scatter.add.f32 [tilespmem:s23], [sflag:$0x3], $0x80, s12, s21, $0xb8;
	[tilespmem:$0x1C400] =	vst v63  }
0x103: {  	_ =	swait.ge [sflag:s24], $0x4000  }
0x104: {  	[sflag:s24] =	ssyncset.done $0x0  }
0x105: {  	[sflag:s24] =	ssyncadd.s32 $0xFFFFC000  }
0x106: {  	_ =	swait.ge [sflag:s2], $0x4000  }
.Ltmp5:
0x107: {  	[sflag:s2] =	ssyncset.done $0x0;
	(pc) =	sbr.rel @p1 .LBB2_7-.Ltmp5, $4  }
0x108: {  	[sflag:s2] =	ssyncadd.s32 $0xFFFFC000  }
0x109: {  	[spmem:s3] =	stream.indirect.scatter.add.f32 [tilespmem:s30], [sflag:$0x3], $0x80, s13, s21, $0xb8;
	[tilespmem:$0x1C400] =	vst v63  }
0x10a: {  	_ =	swait.ge [sflag:s24], $0x4000  }
0x10b: {  	s5 =	smov.u32 s16;
	[sflag:s24] =	ssyncset.done $0x0  }
0x10c: {  	s5 =	sadd.s32 s15, s20;
	[sflag:s24] =	ssyncadd.s32 $0xFFFFC000  }
0x10d: {  	[tilespmem:s4], [sflag:$0x3] =	stream.linear.gather [hbm4b:s5+s4], $0x400, $0x38;
	[tilespmem:$0x1C400] =	vst v63  }
0x10e: {  	_ =	swait.ge [sflag:s24], $0x400  }
0x10f: {  	[sflag:s24] =	ssyncset.done $0x0  }
0x110: {  	s17 =	sadd.s32 s15, s19;
	[sflag:s24] =	ssyncadd.s32 $0xFFFFFC00  }
0x111: {  	[tilespmem:s22], [sflag:$0x3] =	stream.linear.gather [hbm4b:s17+s4], $0x400, $0x38;
	[tilespmem:$0x1C400] =	vst v63  }
0x112: {  	_ =	swait.ge [sflag:s24], $0x400  }
0x113: {  	[sflag:s24] =	ssyncset.done $0x0  }
0x114: {  	[sflag:s24] =	ssyncadd.s32 $0xFFFFFC00  }
0x115: {  	[tilespmem:s23], [sflag:$0x1] =	stream.indirect.gather [hbm4b:s1+s21], $0x80, s4, s21, $0xb8;
	[tilespmem:$0x1C400] =	vst v63  }
0x116: {  	_ = 	snop  }
0x117: {  	[tilespmem:s30], [sflag:$0x2] =	stream.indirect.gather [hbm4b:s1+s21], $0x80, s21, s21, $0xb8;
	[tilespmem:$0x1C400] =	vst v63  }
0x118: {  	_ =	swait.ge [sflag:s31], $0x4000  }
0x119: {  	[sflag:s31] =	ssyncset.done $0x0  }
0x11a: {  	[sflag:s31] =	ssyncadd.s32 $0xFFFFC000  }
0x11b: {  	[spmem:s3] =	stream.indirect.scatter.add.f32 [tilespmem:s23], [sflag:$0x3], $0x80, s22, s21, $0xb8;
	[tilespmem:$0x1C400] =	vst v63  }
0x11c: {  	_ =	swait.ge [sflag:s24], $0x4000  }
0x11d: {  	[sflag:s24] =	ssyncset.done $0x0  }
0x11e: {  	[sflag:s24] =	ssyncadd.s32 $0xFFFFC000  }
0x11f: {  	[tilespmem:s23], [sflag:$0x1] =	stream.indirect.gather [hbm4b:s1+s21], $0x80, s0, s21, $0xb8;
	[tilespmem:$0x1C400] =	vst v63  }
0x120: {  	_ =	swait.ge [sflag:s2], $0x4000  }
0x121: {  	[sflag:s2] =	ssyncset.done $0x0  }
0x122: {  	[sflag:s2] =	ssyncadd.s32 $0xFFFFC000  }
0x123: {  	[spmem:s3] =	stream.indirect.scatter.add.f32 [tilespmem:s30], [sflag:$0x3], $0x80, s25, s21, $0xb8;
	[tilespmem:$0x1C400] =	vst v63  }
0x124: {  	_ =	swait.ge [sflag:s24], $0x4000  }
0x125: {  	[sflag:s24] =	ssyncset.done $0x0  }
0x126: {  	[sflag:s24] =	ssyncadd.s32 $0xFFFFC000  }
0x127: {  	[tilespmem:s30], [sflag:$0x2] =	stream.indirect.gather [hbm4b:s1+s21], $0x80, s6, s21, $0xb8;
	[tilespmem:$0x1C400] =	vst v63  }
0x128: {  	_ =	swait.ge [sflag:s31], $0x4000  }
0x129: {  	[sflag:s31] =	ssyncset.done $0x0  }
0x12a: {  	[sflag:s31] =	ssyncadd.s32 $0xFFFFC000  }
0x12b: {  	[spmem:s3] =	stream.indirect.scatter.add.f32 [tilespmem:s23], [sflag:$0x3], $0x80, s26, s21, $0xb8;
	[tilespmem:$0x1C400] =	vst v63  }
0x12c: {  	_ =	swait.ge [sflag:s24], $0x4000  }
0x12d: {  	[sflag:s24] =	ssyncset.done $0x0  }
0x12e: {  	[sflag:s24] =	ssyncadd.s32 $0xFFFFC000  }
0x12f: {  	[tilespmem:s23], [sflag:$0x1] =	stream.indirect.gather [hbm4b:s1+s21], $0x80, s7, s21, $0xb8;
	[tilespmem:$0x1C400] =	vst v63  }
0x130: {  	_ =	swait.ge [sflag:s2], $0x4000  }
0x131: {  	[sflag:s2] =	ssyncset.done $0x0  }
0x132: {  	[sflag:s2] =	ssyncadd.s32 $0xFFFFC000  }
0x133: {  	[spmem:s3] =	stream.indirect.scatter.add.f32 [tilespmem:s30], [sflag:$0x3], $0x80, s28, s21, $0xb8;
	[tilespmem:$0x1C400] =	vst v63  }
0x134: {  	_ =	swait.ge [sflag:s24], $0x4000  }
0x135: {  	[sflag:s24] =	ssyncset.done $0x0  }
0x136: {  	[sflag:s24] =	ssyncadd.s32 $0xFFFFC000  }
0x137: {  	[tilespmem:s30], [sflag:$0x2] =	stream.indirect.gather [hbm4b:s1+s21], $0x80, s8, s21, $0xb8;
	[tilespmem:$0x1C400] =	vst v63  }
0x138: {  	_ =	swait.ge [sflag:s31], $0x4000  }
0x139: {  	[sflag:s31] =	ssyncset.done $0x0  }
0x13a: {  	[sflag:s31] =	ssyncadd.s32 $0xFFFFC000  }
0x13b: {  	[spmem:s3] =	stream.indirect.scatter.add.f32 [tilespmem:s23], [sflag:$0x3], $0x80, s29, s21, $0xb8;
	[tilespmem:$0x1C400] =	vst v63  }
0x13c: {  	_ =	swait.ge [sflag:s24], $0x4000  }
0x13d: {  	[sflag:s24] =	ssyncset.done $0x0  }
0x13e: {  	[sflag:s24] =	ssyncadd.s32 $0xFFFFC000  }
0x13f: {  	[tilespmem:s23], [sflag:$0x1] =	stream.indirect.gather [hbm4b:s1+s21], $0x80, s9, s21, $0xb8;
	[tilespmem:$0x1C400] =	vst v63  }
0x140: {  	_ =	swait.ge [sflag:s2], $0x4000  }
0x141: {  	[sflag:s2] =	ssyncset.done $0x0  }
0x142: {  	[sflag:s2] =	ssyncadd.s32 $0xFFFFC000  }
0x143: {  	[spmem:s3] =	stream.indirect.scatter.add.f32 [tilespmem:s30], [sflag:$0x3], $0x80, s10, s21, $0xb8;
	[tilespmem:$0x1C400] =	vst v63  }
0x144: {  	_ =	swait.ge [sflag:s24], $0x4000  }
0x145: {  	[sflag:s24] =	ssyncset.done $0x0  }
0x146: {  	[sflag:s24] =	ssyncadd.s32 $0xFFFFC000  }
0x147: {  	[tilespmem:s30], [sflag:$0x2] =	stream.indirect.gather [hbm4b:s1+s21], $0x80, s11, s21, $0xb8;
	[tilespmem:$0x1C400] =	vst v63  }
0x148: {  	_ =	swait.ge [sflag:s31], $0x4000  }
0x149: {  	[sflag:s31] =	ssyncset.done $0x0  }
0x14a: {  	[sflag:s31] =	ssyncadd.s32 $0xFFFFC000  }
0x14b: {  	[spmem:s3] =	stream.indirect.scatter.add.f32 [tilespmem:s23], [sflag:$0x3], $0x80, s12, s21, $0xb8;
	[tilespmem:$0x1C400] =	vst v63  }
0x14c: {  	_ =	swait.ge [sflag:s24], $0x4000  }
0x14d: {  	[sflag:s24] =	ssyncset.done $0x0  }
0x14e: {  	[sflag:s24] =	ssyncadd.s32 $0xFFFFC000  }
0x14f: {  	_ =	swait.ge [sflag:s2], $0x4000  }
0x150: {  	[sflag:s2] =	ssyncset.done $0x0  }
0x151: {  	s15 =	simm.s32 $0x0;
	[sflag:s2] =	ssyncadd.s32 $0xFFFFC000  }
0x152: {  	[spmem:s3] =	stream.indirect.scatter.add.f32 [tilespmem:s30], [sflag:$0x3], $0x80, s13, s21, $0xb8;
	[tilespmem:$0x1C400] =	vst v63  }
0x153: {  	v3 =	vor.u32 s15, v2;
	_ =	swait.ge [sflag:s24], $0x4000  }
0x154: {  	s18 =	sand.u32 $0xE00, s15;
	vm0 =	vlt.s32 v3, $0x277;
	[sflag:s24] =	ssyncset.done $0x0  }
0x155: {  	s16 =	sand.u32 $0x70, s15;
	s5 =	sshrl.u32 s18, $0x2;
	v3 =	vnsel vm0, $0x277, v3;
	[sflag:s24] =	ssyncadd.s32 $0xFFFFC000  }
0x156: {  	s5 =	sor.u32 s16, s5;
	s16 =	simm.s32 $0x40;
	v3 =	vadd.s32 v0, v3;
	[bflag:$0x0] =	sbarrier.arrive $0xFFFF  }
.LBB2_9:
0x157: {  	p1 =	seq.s32 s16, $0xFC0  }
0x158: {  	[tilespmem:s5+$0x400] =	vst v3;
	s15 =	sadd.s32 $0x10, s15;
	s5 =	smov.u32 s16;
	s16 =	sadd.s32 $0x40, s16  }
.Ltmp6:
0x159: {  	(pc) =	sbr.rel @!p1 .LBB2_9-.Ltmp6, $4  }
0x15a: {  	v3 =	vor.u32 s15, v2  }
0x15b: {  	s5 =	sand.u32 $0xE00, s5;
	vm0 =	vlt.s32 v3, $0x277  }
0x15c: {  	s17 =	sand.u32 $0x70, s15;
	s5 =	sshrl.u32 s5, $0x2;
	v3 =	vnsel vm0, $0x277, v3  }
0x15d: {  	s5 =	sor.u32 s17, s5;
	v3 =	vadd.s32 v0, v3  }
0x15e: {  	[tilespmem:s5+$0x400] =	vst v3;
	s5 =	rddreg [dreg:$0x7]  }
.Ltmp7:
0x15f: {  	s18 =	rddreg [dreg:$0x8];
	(pc) =	sbr.rel .LBB2_14-.Ltmp7, $4  }
0x160: {  	s17 =	rddreg [dreg:$0x9]  }
0x161: {  	s16 =	rddreg [dreg:$0xa]  }
0x162: {  	s15 =	rddreg [dreg:$0xb]  }
0x163: {  	[dreg:$0x12] =	wrdreg s15;
	s15 =	smov.u32 s14  }
.LBB2_11:
0x164: {  	s5 =	rddreg [dreg:$0x5]  }
0x165: {  	[tilespmem:s15], [sflag:$0x3] =	stream.linear.gather [hbm4b:s5+s15], $0x400, $0x38;
	[tilespmem:$0x1C400] =	vst v63  }
0x166: {  	_ =	swait.ge [sflag:s24], $0x400  }
0x167: {  	[sflag:s24] =	ssyncset.done $0x0  }
0x168: {  	s17 =	rddreg [dreg:$0x6];
	[sflag:s24] =	ssyncadd.s32 $0xFFFFFC00  }
0x169: {  	[tilespmem:s22], [sflag:$0x3] =	stream.linear.gather [hbm4b:s17+s15], $0x400, $0x38;
	[tilespmem:$0x1C400] =	vst v63  }
0x16a: {  	_ =	swait.ge [sflag:s24], $0x400  }
0x16b: {  	[sflag:s24] =	ssyncset.done $0x0  }
0x16c: {  	[sflag:s24] =	ssyncadd.s32 $0xFFFFFC00  }
0x16d: {  	[tilespmem:s23], [sflag:$0x1] =	stream.indirect.gather [hbm4b:s1+s21], $0x80, s15, s21, $0xb8;
	[tilespmem:$0x1C400] =	vst v63  }
0x16e: {  	_ = 	snop  }
0x16f: {  	[tilespmem:s30], [sflag:$0x2] =	stream.indirect.gather [hbm4b:s1+s21], $0x80, s21, s21, $0xb8;
	[tilespmem:$0x1C400] =	vst v63  }
0x170: {  	_ =	swait.ge [sflag:s31], $0x4000  }
0x171: {  	[sflag:s31] =	ssyncset.done $0x0  }
0x172: {  	[sflag:s31] =	ssyncadd.s32 $0xFFFFC000  }
0x173: {  	[spmem:s3] =	stream.indirect.scatter.add.f32 [tilespmem:s23], [sflag:$0x3], $0x80, s22, s21, $0xb8;
	[tilespmem:$0x1C400] =	vst v63  }
0x174: {  	_ =	swait.ge [sflag:s24], $0x4000  }
0x175: {  	[sflag:s24] =	ssyncset.done $0x0  }
0x176: {  	[sflag:s24] =	ssyncadd.s32 $0xFFFFC000  }
0x177: {  	[tilespmem:s23], [sflag:$0x1] =	stream.indirect.gather [hbm4b:s1+s21], $0x80, s0, s21, $0xb8;
	[tilespmem:$0x1C400] =	vst v63  }
0x178: {  	_ =	swait.ge [sflag:s2], $0x4000  }
0x179: {  	[sflag:s2] =	ssyncset.done $0x0  }
0x17a: {  	[sflag:s2] =	ssyncadd.s32 $0xFFFFC000  }
0x17b: {  	[spmem:s3] =	stream.indirect.scatter.add.f32 [tilespmem:s30], [sflag:$0x3], $0x80, s25, s21, $0xb8;
	[tilespmem:$0x1C400] =	vst v63  }
0x17c: {  	_ =	swait.ge [sflag:s24], $0x4000  }
0x17d: {  	[sflag:s24] =	ssyncset.done $0x0  }
0x17e: {  	[sflag:s24] =	ssyncadd.s32 $0xFFFFC000  }
0x17f: {  	[tilespmem:s30], [sflag:$0x2] =	stream.indirect.gather [hbm4b:s1+s21], $0x80, s6, s21, $0xb8;
	[tilespmem:$0x1C400] =	vst v63  }
0x180: {  	_ =	swait.ge [sflag:s31], $0x4000  }
0x181: {  	[sflag:s31] =	ssyncset.done $0x0  }
0x182: {  	[sflag:s31] =	ssyncadd.s32 $0xFFFFC000  }
0x183: {  	[spmem:s3] =	stream.indirect.scatter.add.f32 [tilespmem:s23], [sflag:$0x3], $0x80, s26, s21, $0xb8;
	[tilespmem:$0x1C400] =	vst v63  }
0x184: {  	_ =	swait.ge [sflag:s24], $0x4000  }
0x185: {  	[sflag:s24] =	ssyncset.done $0x0  }
0x186: {  	[sflag:s24] =	ssyncadd.s32 $0xFFFFC000  }
0x187: {  	[tilespmem:s23], [sflag:$0x1] =	stream.indirect.gather [hbm4b:s1+s21], $0x80, s7, s21, $0xb8;
	[tilespmem:$0x1C400] =	vst v63  }
0x188: {  	_ =	swait.ge [sflag:s2], $0x4000  }
0x189: {  	[sflag:s2] =	ssyncset.done $0x0  }
0x18a: {  	[sflag:s2] =	ssyncadd.s32 $0xFFFFC000  }
0x18b: {  	[spmem:s3] =	stream.indirect.scatter.add.f32 [tilespmem:s30], [sflag:$0x3], $0x80, s28, s21, $0xb8;
	[tilespmem:$0x1C400] =	vst v63  }
0x18c: {  	_ =	swait.ge [sflag:s24], $0x4000  }
0x18d: {  	[sflag:s24] =	ssyncset.done $0x0  }
0x18e: {  	[sflag:s24] =	ssyncadd.s32 $0xFFFFC000  }
0x18f: {  	[tilespmem:s30], [sflag:$0x2] =	stream.indirect.gather [hbm4b:s1+s21], $0x80, s8, s21, $0xb8;
	[tilespmem:$0x1C400] =	vst v63  }
0x190: {  	_ =	swait.ge [sflag:s31], $0x4000  }
0x191: {  	[sflag:s31] =	ssyncset.done $0x0  }
0x192: {  	[sflag:s31] =	ssyncadd.s32 $0xFFFFC000  }
0x193: {  	[spmem:s3] =	stream.indirect.scatter.add.f32 [tilespmem:s23], [sflag:$0x3], $0x80, s29, s21, $0xb8;
	[tilespmem:$0x1C400] =	vst v63  }
0x194: {  	_ =	swait.ge [sflag:s24], $0x4000  }
0x195: {  	[sflag:s24] =	ssyncset.done $0x0  }
0x196: {  	[sflag:s24] =	ssyncadd.s32 $0xFFFFC000  }
0x197: {  	[tilespmem:s23], [sflag:$0x1] =	stream.indirect.gather [hbm4b:s1+s21], $0x80, s9, s21, $0xb8;
	[tilespmem:$0x1C400] =	vst v63  }
0x198: {  	_ =	swait.ge [sflag:s2], $0x4000  }
0x199: {  	[sflag:s2] =	ssyncset.done $0x0  }
0x19a: {  	[sflag:s2] =	ssyncadd.s32 $0xFFFFC000  }
0x19b: {  	[spmem:s3] =	stream.indirect.scatter.add.f32 [tilespmem:s30], [sflag:$0x3], $0x80, s10, s21, $0xb8;
	[tilespmem:$0x1C400] =	vst v63  }
0x19c: {  	_ =	swait.ge [sflag:s24], $0x4000  }
0x19d: {  	[sflag:s24] =	ssyncset.done $0x0  }
0x19e: {  	[sflag:s24] =	ssyncadd.s32 $0xFFFFC000  }
0x19f: {  	[tilespmem:s30], [sflag:$0x2] =	stream.indirect.gather [hbm4b:s1+s21], $0x80, s11, s21, $0xb8;
	[tilespmem:$0x1C400] =	vst v63  }
0x1a0: {  	_ =	swait.ge [sflag:s31], $0x4000  }
0x1a1: {  	[sflag:s31] =	ssyncset.done $0x0  }
0x1a2: {  	[sflag:s31] =	ssyncadd.s32 $0xFFFFC000  }
0x1a3: {  	[spmem:s3] =	stream.indirect.scatter.add.f32 [tilespmem:s23], [sflag:$0x3], $0x80, s12, s21, $0xb8;
	[tilespmem:$0x1C400] =	vst v63  }
0x1a4: {  	_ =	swait.ge [sflag:s24], $0x4000  }
0x1a5: {  	[sflag:s24] =	ssyncset.done $0x0  }
0x1a6: {  	[sflag:s24] =	ssyncadd.s32 $0xFFFFC000  }
0x1a7: {  	_ =	swait.ge [sflag:s2], $0x4000  }
0x1a8: {  	[sflag:s2] =	ssyncset.done $0x0  }
0x1a9: {  	[sflag:s2] =	ssyncadd.s32 $0xFFFFC000  }
0x1aa: {  	[spmem:s3] =	stream.indirect.scatter.add.f32 [tilespmem:s30], [sflag:$0x3], $0x80, s13, s21, $0xb8;
	[tilespmem:$0x1C400] =	vst v63  }
0x1ab: {  	v3 =	vor.u32 s15, v2;
	_ =	swait.ge [sflag:s24], $0x4000  }
0x1ac: {  	s18 =	sand.u32 $0xE00, s15;
	vm0 =	vlt.s32 v3, $0x277;
	[sflag:s24] =	ssyncset.done $0x0  }
0x1ad: {  	s16 =	sand.u32 $0x70, s15;
	s5 =	sshrl.u32 s18, $0x2;
	v3 =	vnsel vm0, $0x277, v3;
	[sflag:s24] =	ssyncadd.s32 $0xFFFFC000  }
0x1ae: {  	s5 =	sor.u32 s16, s5;
	s16 =	simm.s32 $0x40;
	v3 =	vadd.s32 v0, v3;
	[bflag:$0x0] =	sbarrier.arrive $0xFFFF  }
.LBB2_12:
0x1af: {  	p1 =	sne.s32 s16, $0xFC0  }
0x1b0: {  	[tilespmem:s5+$0x400] =	vst v3;
	s15 =	sadd.s32 $0x10, s15;
	s5 =	smov.u32 s16;
	s16 =	sadd.s32 $0x40, s16  }
.Ltmp8:
0x1b1: {  	(pc) =	sbr.rel @p1 .LBB2_12-.Ltmp8, $4  }
0x1b2: {  	v3 =	vor.u32 s15, v2  }
0x1b3: {  	s5 =	sand.u32 $0xE00, s5;
	vm0 =	vlt.s32 v3, $0x277  }
0x1b4: {  	s17 =	sand.u32 $0x70, s15;
	s5 =	sshrl.u32 s5, $0x2;
	v3 =	vnsel vm0, $0x277, v3  }
0x1b5: {  	s5 =	sor.u32 s17, s5;
	v3 =	vadd.s32 v0, v3  }
.Ltmp9:
0x1b6: {  	_ = 	snop;
	(pc) =	sbr.rel .LBB2_13-.Ltmp9, $1  }
0x1b7: {  	_ =	sdelay $0x3  }
.LBB2_15:
0x1b8: {  	_ =	sfence.sel $0x180000  }
0x1b9: {  	[bflag:$0x0] =	sbarrier.arrive $0xFFFF  }
0x1ba: {  	_ =	strace $0x9000004A  }
0x1bb: {  	s0 =	stileid.u32;
	[bflag:$0x2] =	sbarrier.arrive $0xFFFF  }
0x1bc: {  	p0 =	sne.s32 s0, $0x0;
	s0 =	rddreg [dreg:$0x3]  }
0x1bd: {  	s0 =	sadd.s32 @!p0 $0x100000, s0  }
0x1be: {  	[sflag:s0] =	ssyncadd.tile.s32 @!p0 $0x1;
	_ =	shalt  }
.Lfunc_end2:
_tile_overlayer_lowered:
.L_overlay_start_2:
0x1bf: {  	(tag) =	ssettag $0x2  }
0x1c0: {  	s0 =	rddreg [dreg:$0x0];
	s2 =	stileid.u32  }
0x1c1: {  	s1 =	rddreg [dreg:$0x1];
	p0 =	sne.s32 s2, $0x0  }
0x1c2: {  	s3 =	rddreg [dreg:$0x2];
	[bflag:$0x3] =	sbarrier.arrive $0xFFFF;
	s2 =	simm.s32 @!p0 $0x1C03  }
0x1c3: {  	[timem:s3], [sflag:s2] =	dma.local @!p0 [hbm:s0], s1  }
0x1c4: {  	s0 =	simm.s32 @!p0 $0x3  }
0x1c5: {  	_ =	swait.ge @!p0 [sflag:s0], s1  }
0x1c6: {  	s1 =	ssub.s32 @!p0 $0x0, s1;
	[sflag:s0] =	ssyncset.done @!p0 $0x0  }
0x1c7: {  	[sflag:s0] =	ssyncadd.s32 @!p0 s1  }
0x1c8: {  	[bflag:$0x3] =	sbarrier.arrive $0xFFFF  }
0x1c9: {  	_ =	shalt  }

// kernel: kernel.14.cloned.1.call-start
scs
__scs_entry_jumppad:
0x0: {  	(pc) =	sbr.rel $0x88, $3  }
0x1: {  	(tag) =	ssettag $0x0;
	lr =	simm.s32 $0x1  }
0x2: {  	[smem:$0x3F9B] =	sst lr;
	_ =	strace $0xD0000000  }
0x3: {  	_ = 	snop  }
0x4: {  	_ = 	snop  }
0x5: {  	_ = 	snop  }
0x6: {  	_ = 	snop  }
0x7: {  	_ = 	snop  }
__scs_overlays_trampoline_lowered:
0x8: {  	[smem:$0x3FAA] =	sst s0  }
0x9: {  	[smem:$0x3FAB] =	sst s1  }
0xa: {  	[smem:$0x3FAC] =	sst s2  }
0xb: {  	[smem:$0x3FAD] =	sst s3  }
0xc: {  	[smem:$0x3FAE] =	sst s4  }
0xd: {  	[smem:$0x3FAF] =	sst s5  }
0xe: {  	[smem:$0x3FB0] =	sst s6  }
0xf: {  	[smem:$0x3FB1] =	sst s7  }
0x10: {  	[smem:$0x3FB2] =	sst s8  }
0x11: {  	[smem:$0x3FB3] =	sst s9;
	s0 =	simm.s32 @!p0 $0x0  }
0x12: {  	s1 =	sld [smem:$0x3F99];
	s0 =	simm.s32 @p0 $0x1  }
0x13: {  	[smem:$0x3FB4] =	sst s0;
	s0 =	simm.s32 @!p1 $0x0  }
0x14: {  	s2 =	sld [smem:$0x3F98];
	s0 =	simm.s32 @p1 $0x1  }
0x15: {  	[smem:$0x3FB5] =	sst s0;
	s0 =	simm.s32 @!p2 $0x0  }
0x16: {  	s3 =	sld [smem:$0x3FDB];
	s0 =	simm.s32 @p2 $0x1  }
0x17: {  	s4 =	simm.s32 $0x1BF5;
	[smem:$0x3FB7] =	sst s0  }
0x18: {  	s0 =	sld [smem:$0x3F9A];
	_ =	swait.ge [sflag:s4], $0x0  }
0x19: {  	s7 =	sld [smem:$0x3F9B]  }
0x1a: {  	s8 =	sadd.s32 $0xFFFFE003, lr  }
0x1b: {  	s9 =	sadd.s32 $0xFFFFFEF7, lr;
	s5 =	simm.s32 $0xFFFFFFFF;
	p2 =	slt.u32 s8, $0xFFFFF086  }
0x1c: {  	p1 =	slt.u32 s9, $0xF7A;
	s5 =	simm.s32 @!p2 $0x0  }
0x1d: {  	s5 =	simm.s32 @p1 $0x1;
	p0 =	seq.s32 s7, s2  }
0x1e: {  	s7 =	smul.u32 @!p0 $0xF7A, s2;
	p2 =	seq.s32 @!p0 s5, $0x0  }
0x1f: {  	s9 =	smul.u32 $0xF7A, s1;
	s8 =	simm.s32 @!p0 $0x1BF5;
	p2 =	por !p2, p0  }
0x20: {  	[sflag:s8] =	ssyncset.s32 @!p0 $0xFFFFF086;
	s6 =	sadd.s32 @!p0 s3, s7;
	s7 =	simm.s32 @!p0 $0x108  }
0x21: {  	s3 =	sadd.s32 s3, s9;
	s6 =	sadd.s32 @!p0 $0x88, s6;
	s7 =	simm.s32 @p2 $0x1082  }
0x22: {  	[simem:s7], [sflag:s8] =	dma.local @!p0 [hbm:s6], $0xF7A  }
0x23: {  	s9 =	sor.u32 $0xD0000000, s2;
	s6 =	simm.s32 $0x108;
	_ =	swait.ge @!p0 [sflag:s8], $0x0  }
0x24: {  	s3 =	sadd.s32 $0x88, s3;
	s6 =	simm.s32 @!p1 $0x1082;
	[sflag:s4] =	ssyncset.s32 $0xFFFFF086  }
0x25: {  	[simem:s6], [sflag:s4] =	dma.local [hbm:s3], $0xF7A  }
0x26: {  	[smem:$0x3F9B] =	sst s1;
	(tag) =	ssettag s2;
	_ =	strace s9  }
0x27: {  	s1 =	sld [smem:$0x3FAB]  }
0x28: {  	s2 =	sld [smem:$0x3FAC]  }
0x29: {  	s4 =	sld [smem:$0x3FAE]  }
0x2a: {  	p0 =	seq.s32 s5, $0x0;
	s5 =	sld [smem:$0x3FAF]  }
0x2b: {  	s6 =	sld [smem:$0x3FB0]  }
0x2c: {  	s7 =	sld [smem:$0x3FB1]  }
0x2d: {  	s3 =	simm.s32 $0x108;
	s8 =	sld [smem:$0x3FB2]  }
0x2e: {  	s3 =	simm.s32 @!p0 $0x1082;
	s9 =	sld [smem:$0x3FB3]  }
0x2f: {  	lr =	sadd.s32 s0, s3;
	s0 =	sld [smem:$0x3FAA]  }
0x30: {  	s3 =	sld [smem:$0x3FAD]  }
0x31: {  	[smem:$0x3FB6] =	sst s10  }
0x32: {  	s10 =	sld [smem:$0x3FB4];
	_ =	sdelay $0x3  }
0x33: {  	p0 =	seq.s32 s10, $0x1;
	s10 =	sld [smem:$0x3FB6];
	_ =	sdelay $0x3  }
0x34: {  	[smem:$0x3FB6] =	sst s10  }
0x35: {  	s10 =	sld [smem:$0x3FB5];
	_ =	sdelay $0x3  }
0x36: {  	p1 =	seq.s32 s10, $0x1;
	s10 =	sld [smem:$0x3FB6];
	_ =	sdelay $0x3  }
0x37: {  	[smem:$0x3FB6] =	sst s10  }
0x38: {  	s10 =	sld [smem:$0x3FB7]  }
0x39: {  	_ = 	snop;
	(pc) =	sbr.ind lr, $3  }
0x3a: {  	_ = 	snop  }
0x3b: {  	_ = 	snop  }
0x3c: {  	p2 =	seq.s32 s10, $0x1;
	s10 =	sld [smem:$0x3FB6]  }
0x3d: {  	_ =	shalt  }
0x3e: {  	_ =	shalt  }
0x3f: {  	_ =	shalt  }
0x40: {  	_ =	shalt  }
0x41: {  	_ =	shalt  }
0x42: {  	_ =	shalt  }
0x43: {  	_ =	shalt  }
0x44: {  	_ =	shalt  }
0x45: {  	_ =	shalt  }
0x46: {  	_ =	shalt  }
0x47: {  	_ =	shalt  }
0x48: {  	_ =	shalt  }
0x49: {  	_ =	shalt  }
0x4a: {  	_ =	shalt  }
0x4b: {  	_ =	shalt  }
0x4c: {  	_ =	shalt  }
0x4d: {  	_ =	shalt  }
0x4e: {  	_ =	shalt  }
0x4f: {  	_ =	shalt  }
0x50: {  	_ =	shalt  }
0x51: {  	_ =	shalt  }
0x52: {  	_ =	shalt  }
0x53: {  	_ =	shalt  }
0x54: {  	_ =	shalt  }
0x55: {  	_ =	shalt  }
0x56: {  	_ =	shalt  }
0x57: {  	_ =	shalt  }
0x58: {  	_ =	shalt  }
0x59: {  	_ =	shalt  }
0x5a: {  	_ =	shalt  }
0x5b: {  	_ =	shalt  }
0x5c: {  	_ =	shalt  }
0x5d: {  	_ =	shalt  }
0x5e: {  	_ =	shalt  }
0x5f: {  	_ =	shalt  }
0x60: {  	_ =	shalt  }
0x61: {  	_ =	shalt  }
0x62: {  	_ =	shalt  }
0x63: {  	_ =	shalt  }
0x64: {  	_ =	shalt  }
0x65: {  	_ =	shalt  }
0x66: {  	_ =	shalt  }
0x67: {  	_ =	shalt  }
0x68: {  	_ =	shalt  }
0x69: {  	_ =	shalt  }
0x6a: {  	_ =	shalt  }
0x6b: {  	_ =	shalt  }
0x6c: {  	_ =	shalt  }
0x6d: {  	_ =	shalt  }
0x6e: {  	_ =	shalt  }
0x6f: {  	_ =	shalt  }
0x70: {  	_ =	shalt  }
0x71: {  	_ =	shalt  }
0x72: {  	_ =	shalt  }
0x73: {  	_ =	shalt  }
0x74: {  	_ =	shalt  }
0x75: {  	_ =	shalt  }
0x76: {  	_ =	shalt  }
0x77: {  	_ =	shalt  }
0x78: {  	_ =	shalt  }
0x79: {  	_ =	shalt  }
0x7a: {  	_ =	shalt  }
0x7b: {  	_ =	shalt  }
0x7c: {  	_ =	shalt  }
0x7d: {  	_ =	shalt  }
0x7e: {  	_ =	shalt  }
0x7f: {  	_ =	shalt  }
0x80: {  	_ =	shalt  }
0x81: {  	_ =	shalt  }
0x82: {  	_ =	shalt  }
0x83: {  	_ =	shalt  }
0x84: {  	_ =	shalt  }
0x85: {  	_ =	shalt  }
0x86: {  	_ =	shalt  }
0x87: {  	_ =	shalt  }
.Lfunc_end0:
.L_simem_size_0:
called_computation.2_lowered:
.L_overlay_start_0:
0x88: {  	s2 =	sld [smem:$0x3FD9]  }
0x89: {  	s3 =	sld [smem:$0x3FFE];
	_ =	sdelay $0x1  }
0x8a: {  	s1 =	srdreg.scid  }
0x8b: {  	s0 =	sand.u32 $0x1, s1  }
0x8c: {  	s17 =	sshll.u32 s0, $0xA;
	s2 =	sadd.s32 s3, s2  }
0x8d: {  	s2 =	sadd.s32 s2, s17  }
0x8e: {  	[smem:$0x3FC2] =	sst s2  }
0x8f: {  	_ = 	snop  }
0x90: {  	s2 =	sld [smem:$0x3FD0];
	(tm) =	ssettm $0x1  }
0x91: {  	s18 =	sld [smem:$0x3FFB];
	_ =	sdelay $0x3  }
0x92: {  	_ =	strace s18  }
0x93: {  	s3 =	sld [smem:$0x3FFC];
	_ =	sdelay $0x3  }
0x94: {  	_ =	strace s3  }
0x95: {  	s3 =	sld [smem:$0x3FFD];
	_ =	sdelay $0x3  }
0x96: {  	_ =	strace s3  }
0x97: {  	_ =	strace $0x8FFFFFFF  }
0x98: {  	s19 =	sld [smem:$0x3FDB];
	_ =	sdelay $0x1  }
0x99: {  	s4 =	simm.s32 $_scs_section_size  }
0x9a: {  	s5 =	simm.s32 $_size__tile_overlayer_lowered;
	s6 =	simm.s32 $_tile_overlayer_lowered  }
0x9b: {  	s22 =	simm.s32 $0x1BFF;
	s21 =	sshll.u32 s6, $0x1;
	s3 =	sadd.s32 s4, s19  }
0x9c: {  	s7 =	simm.s32 $0x0;
	s20 =	sshll.u32 s5, $0x1;
	s5 =	sadd.s32 s21, s3  }
0x9d: {  	[timem:s7], [sflag:s22] =	dma.local [hbm:s5], s20  }
0x9e: {  	_ =	swait.ge [sflag:s22], s20  }
0x9f: {  	s4 =	ssub.s32 $0x0, s20;
	[sflag:s22] =	ssyncset.done $0x0  }
0xa0: {  	[sflag:s22] =	ssyncadd.s32 s4;
	_ =	sdelay $0x1  }
0xa1: {  	s23 =	simm.s32 $0x1B8B  }
0xa2: {  	_ =	swait.ge [sflag:s23], $0x1  }
0xa3: {  	[sflag:s23] =	ssyncset.done $0x0  }
0xa4: {  	s25 =	simm.s32 $0x1B8E;
	s24 =	sld [smem:$0x3FFE];
	[sflag:s23] =	ssyncadd.s32 $0xFFFFFFFF  }
0xa5: {  	s26 =	simm.s32 $execute0_lowered;
	[smem:$0x3FD2] =	sst s25  }
0xa6: {  	s5 =	sshll.u32 s26, $0x1;
	_ =	strace $0x8000004C;
	[dreg:$0x1] =	wrdreg $0xFFFFFFFF  }
0xa7: {  	s28 =	simm.s32 $_size_execute0_lowered;
	s3 =	sadd.s32 s3, s5;
	[dreg:$0x0] =	wrdreg $0x0  }
0xa8: {  	s5 =	sshll.u32 s28, $0x1;
	[dreg:$0x2] =	wrdreg s3  }
0xa9: {  	[dreg:$0x3] =	wrdreg s5  }
0xaa: {  	[dreg:$0x4] =	wrdreg $0xC0  }
0xab: {  	_ =	task [dreg:s7], $0x5FFFF  }
0xac: {  	[dreg:$0x1] =	wrdreg $0xFFFFFFFF  }
0xad: {  	[dreg:$0x0] =	wrdreg $0x60  }
0xae: {  	[dreg:$0x2] =	wrdreg s2  }
0xaf: {  	[dreg:$0x3] =	wrdreg s24  }
0xb0: {  	[dreg:$0x4] =	wrdreg $0x88000  }
0xb1: {  	[dreg:$0x5] =	wrdreg $0x9  }
0xb2: {  	_ =	task.clear_ibuf [dreg:s7], $0x6FFFF;
	_ =	strace $0x9000004C  }
0xb3: {  	s29 =	simm.s32 $0x9;
	_ =	strace $0x8000004E  }
0xb4: {  	_ =	swait.ge [sflag:s29], $0x1  }
0xb5: {  	[sflag:s29] =	ssyncadd.s32 $0xFFFFFFFF  }
0xb6: {  	_ =	strace $0x9000004E  }
0xb7: {  	_ =	sfence  }
0xb8: {  	s30 =	sld [smem:$0x0];
	_ =	sdelay $0x2  }
0xb9: {  	s31 =	sshll.u32 s1, $0xD;
	s1 =	sshrl.u32 s1, $0x2  }
0xba: {  	s3 =	sand.u32 $0x4000, s31;
	s1 =	sadd.s32 s1, s30  }
0xbb: {  	s0 =	sor.u32 s3, s0;
	s1 =	sshll.u32 s1, $0x11  }
0xbc: {  	s0 =	sor.u32 s1, s0  }
0xbd: {  	s0 =	sadd.s32 $0x8F2B, s0  }
0xbe: {  	[sflag:s0] =	ssyncadd.remote.s32 $0x1  }
0xbf: {  	_ =	sfence.sel $0xFFFF  }
0xc0: {  	[dreg:$0x0] =	wrdreg $0xFFFFFFFF;
	(pc) =	sbr.abs _section_cstart, $3  }
0xc1: {  	[dreg:$0x1] =	wrdreg $0xFFFFFFFF  }
0xc2: {  	_ =	task.clear_ibuf [dreg:s7], $0x2FFFF;
	_ =	strace $0x9FFFFFFF  }
0xc3: {  	(tm) =	ssettm $0x7FFFFFFF  }
tec
execute0_lowered:
.L_overlay_start_1:
0x0: {  	(tag) =	ssettag $0x1  }
0x1: {  	s1 =	rddreg [dreg:$0x0]  }
0x2: {  	s0 =	rddreg [dreg:$0x1]  }
0x3: {  	s3 =	rddreg [dreg:$0x2]  }
0x4: {  	s4 =	simm.s32 $0x0;
	s9 =	stileid.u32;
	s2 =	srdreg.scid  }
0x5: {  	s28 =	simm.s32 $0x580;
	s29 =	simm.s32 $0x600;
	s30 =	simm.s32 $0x4800  }
0x6: {  	s31 =	simm.s32 $0x1;
	s10 =	simm.s32 $0x680;
	s11 =	simm.s32 $0x380  }
0x7: {  	s13 =	simm.s32 $0x780;
	[smem:$0x7FF] =	sst s4;
	s5 =	smul.u32 $0x980, s9  }
0x8: {  	s2 =	sand.u32 $0x1, s2;
	s6 =	sshll.u32 s9, $0x7;
	s17 =	smul.u32 $0x2780, s9  }
0x9: {  	s15 =	smul.u32 $0x13C00, s9;
	_ =	strace $0x8000004D;
	s6 =	sadd.s32 s6, s0  }
0xa: {  	s5 =	sadd.s32 s5, s0;
	s0 =	sadd.s32 $0x20800, s0;
	[dreg:$0x7] =	wrdreg s17  }
0xb: {  	s12 =	smul.u32 $0x278, s9;
	s16 =	sadd.s32 $0xC800, s6;
	[dreg:$0x4] =	wrdreg s0  }
0xc: {  	s9 =	simm.s32 $0x300;
	s6 =	sadd.s32 $0xD000, s6;
	[dreg:$0x5] =	wrdreg s16  }
0xd: {  	s7 =	ssub.s32 $0x2, s2;
	s18 =	sadd.s32 $0x4000, s15;
	[dreg:$0x6] =	wrdreg s6  }
0xe: {  	p0 =	sne.s32 s2, $0x0;
	s19 =	sadd.s32 $0x8000, s15;
	[dreg:$0x8] =	wrdreg s18  }
0xf: {  	s2 =	simm.s32 $0x2;
	s20 =	sadd.s32 $0xC000, s15;
	[dreg:$0x9] =	wrdreg s19  }
0x10: {  	s8 =	sshrl.u32 s7, $0x1;
	s21 =	sadd.s32 $0x10000, s15;
	[dreg:$0xa] =	wrdreg s20  }
0x11: {  	s22 =	sshrl.u32 s15, $0x3;
	s23 =	sadd.s32 $0x140000, s15;
	[dreg:$0xb] =	wrdreg s21  }
0x12: {  	s24 =	sadd.s32 $0x144000, s15;
	s25 =	sadd.s32 $0x148000, s15;
	[dreg:$0xd] =	wrdreg s23  }
0x13: {  	s26 =	sadd.s32 $0x14C000, s15;
	v0 =	vmov s12;
	s12 =	simm.s32 $0x700;
	[dreg:$0xe] =	wrdreg s24  }
0x14: {  	s14 =	ssub.s32 s7, s8;
	s6 =	sadd.s32 $0x27800, s22;
	[dreg:$0xf] =	wrdreg s25  }
0x15: {  	[dreg:$0x10] =	wrdreg s26;
	s19 =	sadd.s32 $0xD800, s5;
	s20 =	sadd.s32 $0x17000, s5  }
.Ltmp0:
0x16: {  	s21 =	simm.s32 $0x80;
	s22 =	simm.s32 $0x400;
	(pc) =	sbr.rel .LBB2_1-.Ltmp0, $4  }
0x17: {  	s23 =	simm.s32 $0x800;
	s24 =	simm.s32 $0x3;
	s25 =	simm.s32 $0x480  }
0x18: {  	s26 =	simm.s32 $0x500;
	s7 =	simm.s32 $0x200;
	s8 =	simm.s32 $0x280  }
0x19: {  	[dreg:$0xc] =	wrdreg s6;
	s0 =	smax.u32 s14, $0x1;
	s6 =	simm.s32 $0x180  }
0x1a: {  	v1 =	vimm.f32 $0.0e+00;
	v2 =	vlaneseq.u32;
	s14 =	simm.s32 $0x0;
	[dreg:$0x11] =	wrdreg s0;
	s0 =	simm.s32 $0x100  }
.LBB2_13:
0x1b: {  	[tilespmem:s5+$0x400] =	vst v3;
	s5 =	rddreg [dreg:$0xc]  }
0x1c: {  	s18 =	rddreg [dreg:$0xd]  }
0x1d: {  	s17 =	rddreg [dreg:$0xe]  }
0x1e: {  	s16 =	rddreg [dreg:$0xf]  }
0x1f: {  	s15 =	rddreg [dreg:$0x10]  }
0x20: {  	[dreg:$0x12] =	wrdreg s15;
	s15 =	smov.u32 s14  }
.LBB2_14:
0x21: {  	[tilespmem:s23], [sflag:$0x1] =	stream.indirect.gather [spmem:s3], $0x80, s22, s21, $0xb8;
	[tilespmem:$0x1C400] =	vst v63  }
0x22: {  	_ = 	snop  }
0x23: {  	[tilespmem:s30], [sflag:$0x2] =	stream.indirect.gather [spmem:s3], $0x80, s25, s21, $0xb8;
	[tilespmem:$0x1C400] =	vst v63  }
0x24: {  	_ =	swait.ge [sflag:s31], $0x4000  }
0x25: {  	[sflag:s31] =	ssyncset.done $0x0;
	s14 =	rddreg [dreg:$0x4]  }
0x26: {  	s5 =	sadd.s32 s14, s5;
	[sflag:s31] =	ssyncadd.s32 $0xFFFFC000  }
0x27: {  	[hbm4b:s5+s4] =	stream.linear.scatter [tilespmem:s23], [sflag:$0x3], $0x4000, $0x38;
	[tilespmem:$0x1C400] =	vst v63  }
0x28: {  	_ =	swait.ge [sflag:s24], $0x4000  }
0x29: {  	[sflag:s24] =	ssyncset.done $0x0  }
0x2a: {  	[sflag:s24] =	ssyncadd.s32 $0xFFFFC000  }
0x2b: {  	[tilespmem:s23], [sflag:$0x1] =	stream.indirect.gather [spmem:s3], $0x80, s26, s21, $0xb8;
	[tilespmem:$0x1C400] =	vst v63  }
0x2c: {  	_ =	swait.ge [sflag:s2], $0x4000  }
0x2d: {  	s18 =	sshrl.u32 s18, $0x3;
	[sflag:s2] =	ssyncset.done $0x0  }
0x2e: {  	s5 =	sadd.s32 s14, s18;
	[sflag:s2] =	ssyncadd.s32 $0xFFFFC000  }
0x2f: {  	[hbm4b:s5+s4] =	stream.linear.scatter [tilespmem:s30], [sflag:$0x3], $0x4000, $0x38;
	[tilespmem:$0x1C400] =	vst v63  }
0x30: {  	_ =	swait.ge [sflag:s24], $0x4000  }
0x31: {  	[sflag:s24] =	ssyncset.done $0x0  }
0x32: {  	[sflag:s24] =	ssyncadd.s32 $0xFFFFC000  }
0x33: {  	[tilespmem:s30], [sflag:$0x2] =	stream.indirect.gather [spmem:s3], $0x80, s28, s21, $0xb8;
	[tilespmem:$0x1C400] =	vst v63  }
0x34: {  	_ =	swait.ge [sflag:s31], $0x4000  }
0x35: {  	s18 =	sshrl.u32 s17, $0x3;
	[sflag:s31] =	ssyncset.done $0x0  }
0x36: {  	s5 =	sadd.s32 s14, s18;
	[sflag:s31] =	ssyncadd.s32 $0xFFFFC000  }
0x37: {  	[hbm4b:s5+s4] =	stream.linear.scatter [tilespmem:s23], [sflag:$0x3], $0x4000, $0x38;
	[tilespmem:$0x1C400] =	vst v63  }
0x38: {  	_ =	swait.ge [sflag:s24], $0x4000  }
0x39: {  	[sflag:s24] =	ssyncset.done $0x0  }
0x3a: {  	[sflag:s24] =	ssyncadd.s32 $0xFFFFC000  }
0x3b: {  	[tilespmem:s23], [sflag:$0x1] =	stream.indirect.gather [spmem:s3], $0x80, s29, s21, $0xb8;
	[tilespmem:$0x1C400] =	vst v63  }
0x3c: {  	_ =	swait.ge [sflag:s2], $0x4000  }
0x3d: {  	s16 =	sshrl.u32 s16, $0x3;
	[sflag:s2] =	ssyncset.done $0x0  }
0x3e: {  	s5 =	sadd.s32 s14, s16;
	[sflag:s2] =	ssyncadd.s32 $0xFFFFC000  }
0x3f: {  	[hbm4b:s5+s4] =	stream.linear.scatter [tilespmem:s30], [sflag:$0x3], $0x4000, $0x38;
	[tilespmem:$0x1C400] =	vst v63  }
0x40: {  	_ =	swait.ge [sflag:s24], $0x4000  }
0x41: {  	[sflag:s24] =	ssyncset.done $0x0  }
0x42: {  	[sflag:s24] =	ssyncadd.s32 $0xFFFFC000  }
0x43: {  	_ =	swait.ge [sflag:s31], $0x4000  }
0x44: {  	s17 =	rddreg [dreg:$0x12]  }
0x45: {  	[sflag:s31] =	ssyncset.done $0x0;
	s5 =	sshrl.u32 s17, $0x3  }
0x46: {  	[sflag:s31] =	ssyncadd.s32 $0xFFFFC000;
	s5 =	sadd.s32 s14, s5  }
0x47: {  	[hbm4b:s5+s4] =	stream.linear.scatter [tilespmem:s23], [sflag:$0x3], $0x3C00, $0x38;
	[tilespmem:$0x1C400] =	vst v63  }
0x48: {  	_ =	swait.ge [sflag:s24], $0x3C00  }
0x49: {  	s14 =	sadd.s32 $0x1, s15;
	s18 =	rddreg [dreg:$0x11]  }
0x4a: {  	p1 =	sne.s32 s14, s18  }
.Ltmp1:
0x4b: {  	_ = 	snop;
	(pc) =	sbr.rel @!p1 .LBB2_15-.Ltmp1, $3  }
0x4c: {  	_ =	sdelay $0x1  }
0x4d: {  	[sflag:s24] =	ssyncset.done $0x0  }
0x4e: {  	[sflag:s24] =	ssyncadd.s32 $0xFFFFC400  }
.LBB2_1:
0x4f: {  	s5 =	simm.s32 $0x0;
	s15 =	simm.s32 $0x0  }
.LBB2_2:
0x50: {  	p1 =	sne.s32 s15, $0xFFC0  }
.Ltmp2:
0x51: {  	_ = 	snop;
	(pc) =	sbr.rel @p1 .LBB2_2-.Ltmp2, $4  }
0x52: {  	s16 =	sand.u32 $0xFE00, s15  }
0x53: {  	s17 =	sand.u32 $0x70, s5;
	s16 =	sshrl.u32 s16, $0x2  }
0x54: {  	s16 =	sor.u32 s17, s16  }
0x55: {  	s5 =	sadd.s32 $0x10, s5;
	s15 =	sadd.s32 $0x40, s15;
	[tilespmem:s16+$0x800] =	vst v1  }
0x56: {  	s15 =	simm.s32 $0x0  }
0x57: {  	v3 =	vor.u32 s15, v2  }
0x58: {  	s5 =	sand.u32 $0xE00, s15;
	vm0 =	vlt.s32 v3, $0x277  }
0x59: {  	s17 =	sand.u32 $0x70, s15;
	s5 =	sshrl.u32 s5, $0x2;
	v3 =	vnsel vm0, $0x277, v3  }
0x5a: {  	s16 =	simm.s32 $0x40;
	s5 =	sor.u32 s17, s5;
	v3 =	vadd.s32 v0, v3  }
.LBB2_4:
0x5b: {  	p1 =	sne.s32 s16, $0xFC0  }
0x5c: {  	[tilespmem:s5+$0x400] =	vst v3;
	s15 =	sadd.s32 $0x10, s15;
	s5 =	smov.u32 s16;
	s16 =	sadd.s32 $0x40, s16  }
.Ltmp3:
0x5d: {  	(pc) =	sbr.rel @p1 .LBB2_4-.Ltmp3, $4  }
0x5e: {  	v3 =	vor.u32 s15, v2  }
0x5f: {  	s5 =	sand.u32 $0xE00, s5;
	vm0 =	vlt.s32 v3, $0x277  }
0x60: {  	s17 =	sand.u32 $0x70, s15;
	s5 =	sshrl.u32 s5, $0x2;
	v3 =	vnsel vm0, $0x277, v3  }
0x61: {  	s5 =	sor.u32 s17, s5;
	v3 =	vadd.s32 v0, v3  }
0x62: {  	[tilespmem:s5+$0x400] =	vst v3  }
0x63: {  	[spmem:s3] =	stream.indirect.scatter [tilespmem:s23], [sflag:$0x3], $0x80, s22, s21, $0xb8;
	[tilespmem:$0x1C400] =	vst v63  }
0x64: {  	_ =	swait.ge [sflag:s24], $0x4000  }
0x65: {  	[sflag:s24] =	ssyncset.done $0x0  }
0x66: {  	[sflag:s24] =	ssyncadd.s32 $0xFFFFC000  }
0x67: {  	[spmem:s3] =	stream.indirect.scatter [tilespmem:s23], [sflag:$0x3], $0x80, s25, s21, $0xb8;
	[tilespmem:$0x1C400] =	vst v63  }
0x68: {  	_ =	swait.ge [sflag:s24], $0x4000  }
0x69: {  	[sflag:s24] =	ssyncset.done $0x0  }
0x6a: {  	[sflag:s24] =	ssyncadd.s32 $0xFFFFC000  }
0x6b: {  	[spmem:s3] =	stream.indirect.scatter [tilespmem:s23], [sflag:$0x3], $0x80, s26, s21, $0xb8;
	[tilespmem:$0x1C400] =	vst v63  }
0x6c: {  	_ =	swait.ge [sflag:s24], $0x4000  }
0x6d: {  	[sflag:s24] =	ssyncset.done $0x0  }
0x6e: {  	[sflag:s24] =	ssyncadd.s32 $0xFFFFC000  }
0x6f: {  	[spmem:s3] =	stream.indirect.scatter [tilespmem:s23], [sflag:$0x3], $0x80, s28, s21, $0xb8;
	[tilespmem:$0x1C400] =	vst v63  }
0x70: {  	_ =	swait.ge [sflag:s24], $0x4000  }
0x71: {  	[sflag:s24] =	ssyncset.done $0x0  }
0x72: {  	[sflag:s24] =	ssyncadd.s32 $0xFFFFC000  }
0x73: {  	[spmem:s3] =	stream.indirect.scatter [tilespmem:s23], [sflag:$0x3], $0x80, s29, s21, $0xb8;
	[tilespmem:$0x1C400] =	vst v63  }
.Ltmp4:
0x74: {  	_ =	swait.ge [sflag:s24], $0x4000;
	(pc) =	sbr.rel @p0 .LBB2_11-.Ltmp4, $4  }
0x75: {  	[sflag:s24] =	ssyncset.done $0x0  }
0x76: {  	[sflag:s24] =	ssyncadd.s32 $0xFFFFC000  }
0x77: {  	[bflag:$0x0] =	sbarrier.arrive $0xFFFF  }
0x78: {  	s15 =	simm.s32 $0x0  }
0x79: {  	s5 =	sadd.s32 $0x0, s20  }
0x7a: {  	[tilespmem:s4], [sflag:$0x3] =	stream.linear.gather [hbm4b:s5+s4], $0x400, $0x38;
	[tilespmem:$0x1C400] =	vst v63  }
0x7b: {  	_ =	swait.ge [sflag:s24], $0x400  }
0x7c: {  	[sflag:s24] =	ssyncset.done $0x0  }
0x7d: {  	s18 =	sadd.s32 $0x0, s19;
	[sflag:s24] =	ssyncadd.s32 $0xFFFFFC00  }
0x7e: {  	[tilespmem:s22], [sflag:$0x3] =	stream.linear.gather [hbm4b:s18+s4], $0x400, $0x38;
	[tilespmem:$0x1C400] =	vst v63  }
0x7f: {  	_ =	swait.ge [sflag:s24], $0x400  }
0x80: {  	[sflag:s24] =	ssyncset.done $0x0  }
0x81: {  	[sflag:s24] =	ssyncadd.s32 $0xFFFFFC00  }
0x82: {  	[tilespmem:s23], [sflag:$0x1] =	stream.indirect.gather [hbm4b:s1+s21], $0x80, s4, s21, $0xb8;
	[tilespmem:$0x1C400] =	vst v63  }
0x83: {  	_ = 	snop  }
0x84: {  	[tilespmem:s30], [sflag:$0x2] =	stream.indirect.gather [hbm4b:s1+s21], $0x80, s21, s21, $0xb8;
	[tilespmem:$0x1C400] =	vst v63  }
0x85: {  	_ =	swait.ge [sflag:s31], $0x4000  }
0x86: {  	[sflag:s31] =	ssyncset.done $0x0  }
0x87: {  	[sflag:s31] =	ssyncadd.s32 $0xFFFFC000  }
0x88: {  	[spmem:s3] =	stream.indirect.scatter.add.f32 [tilespmem:s23], [sflag:$0x3], $0x80, s22, s21, $0xb8;
	[tilespmem:$0x1C400] =	vst v63  }
0x89: {  	_ =	swait.ge [sflag:s24], $0x4000  }
0x8a: {  	[sflag:s24] =	ssyncset.done $0x0  }
0x8b: {  	[sflag:s24] =	ssyncadd.s32 $0xFFFFC000  }
0x8c: {  	[tilespmem:s23], [sflag:$0x1] =	stream.indirect.gather [hbm4b:s1+s21], $0x80, s0, s21, $0xb8;
	[tilespmem:$0x1C400] =	vst v63  }
0x8d: {  	_ =	swait.ge [sflag:s2], $0x4000  }
0x8e: {  	[sflag:s2] =	ssyncset.done $0x0  }
0x8f: {  	[sflag:s2] =	ssyncadd.s32 $0xFFFFC000  }
0x90: {  	[spmem:s3] =	stream.indirect.scatter.add.f32 [tilespmem:s30], [sflag:$0x3], $0x80, s25, s21, $0xb8;
	[tilespmem:$0x1C400] =	vst v63  }
0x91: {  	_ =	swait.ge [sflag:s24], $0x4000  }
0x92: {  	[sflag:s24] =	ssyncset.done $0x0  }
0x93: {  	[sflag:s24] =	ssyncadd.s32 $0xFFFFC000  }
0x94: {  	[tilespmem:s30], [sflag:$0x2] =	stream.indirect.gather [hbm4b:s1+s21], $0x80, s6, s21, $0xb8;
	[tilespmem:$0x1C400] =	vst v63  }
0x95: {  	_ =	swait.ge [sflag:s31], $0x4000  }
0x96: {  	[sflag:s31] =	ssyncset.done $0x0  }
0x97: {  	[sflag:s31] =	ssyncadd.s32 $0xFFFFC000  }
0x98: {  	[spmem:s3] =	stream.indirect.scatter.add.f32 [tilespmem:s23], [sflag:$0x3], $0x80, s26, s21, $0xb8;
	[tilespmem:$0x1C400] =	vst v63  }
0x99: {  	_ =	swait.ge [sflag:s24], $0x4000  }
0x9a: {  	[sflag:s24] =	ssyncset.done $0x0  }
0x9b: {  	[sflag:s24] =	ssyncadd.s32 $0xFFFFC000  }
0x9c: {  	[tilespmem:s23], [sflag:$0x1] =	stream.indirect.gather [hbm4b:s1+s21], $0x80, s7, s21, $0xb8;
	[tilespmem:$0x1C400] =	vst v63  }
0x9d: {  	_ =	swait.ge [sflag:s2], $0x4000  }
0x9e: {  	[sflag:s2] =	ssyncset.done $0x0  }
0x9f: {  	[sflag:s2] =	ssyncadd.s32 $0xFFFFC000  }
0xa0: {  	[spmem:s3] =	stream.indirect.scatter.add.f32 [tilespmem:s30], [sflag:$0x3], $0x80, s28, s21, $0xb8;
	[tilespmem:$0x1C400] =	vst v63  }
0xa1: {  	_ =	swait.ge [sflag:s24], $0x4000  }
0xa2: {  	[sflag:s24] =	ssyncset.done $0x0  }
0xa3: {  	[sflag:s24] =	ssyncadd.s32 $0xFFFFC000  }
0xa4: {  	[tilespmem:s30], [sflag:$0x2] =	stream.indirect.gather [hbm4b:s1+s21], $0x80, s8, s21, $0xb8;
	[tilespmem:$0x1C400] =	vst v63  }
0xa5: {  	_ =	swait.ge [sflag:s31], $0x4000  }
0xa6: {  	[sflag:s31] =	ssyncset.done $0x0  }
0xa7: {  	[sflag:s31] =	ssyncadd.s32 $0xFFFFC000  }
0xa8: {  	[spmem:s3] =	stream.indirect.scatter.add.f32 [tilespmem:s23], [sflag:$0x3], $0x80, s29, s21, $0xb8;
	[tilespmem:$0x1C400] =	vst v63  }
0xa9: {  	_ =	swait.ge [sflag:s24], $0x4000  }
0xaa: {  	[sflag:s24] =	ssyncset.done $0x0  }
0xab: {  	[sflag:s24] =	ssyncadd.s32 $0xFFFFC000  }
0xac: {  	[tilespmem:s23], [sflag:$0x1] =	stream.indirect.gather [hbm4b:s1+s21], $0x80, s9, s21, $0xb8;
	[tilespmem:$0x1C400] =	vst v63  }
0xad: {  	_ =	swait.ge [sflag:s2], $0x4000  }
0xae: {  	[sflag:s2] =	ssyncset.done $0x0  }
0xaf: {  	[sflag:s2] =	ssyncadd.s32 $0xFFFFC000  }
0xb0: {  	[spmem:s3] =	stream.indirect.scatter.add.f32 [tilespmem:s30], [sflag:$0x3], $0x80, s10, s21, $0xb8;
	[tilespmem:$0x1C400] =	vst v63  }
0xb1: {  	_ =	swait.ge [sflag:s24], $0x4000  }
0xb2: {  	[sflag:s24] =	ssyncset.done $0x0  }
0xb3: {  	[sflag:s24] =	ssyncadd.s32 $0xFFFFC000  }
0xb4: {  	[tilespmem:s30], [sflag:$0x2] =	stream.indirect.gather [hbm4b:s1+s21], $0x80, s11, s21, $0xb8;
	[tilespmem:$0x1C400] =	vst v63  }
0xb5: {  	_ =	swait.ge [sflag:s31], $0x4000  }
0xb6: {  	[sflag:s31] =	ssyncset.done $0x0  }
0xb7: {  	[sflag:s31] =	ssyncadd.s32 $0xFFFFC000  }
0xb8: {  	[spmem:s3] =	stream.indirect.scatter.add.f32 [tilespmem:s23], [sflag:$0x3], $0x80, s12, s21, $0xb8;
	[tilespmem:$0x1C400] =	vst v63  }
0xb9: {  	_ =	swait.ge [sflag:s24], $0x4000  }
0xba: {  	[sflag:s24] =	ssyncset.done $0x0  }
0xbb: {  	[sflag:s24] =	ssyncadd.s32 $0xFFFFC000  }
0xbc: {  	_ =	swait.ge [sflag:s2], $0x4000  }
0xbd: {  	[sflag:s2] =	ssyncset.done $0x0  }
0xbe: {  	[sflag:s2] =	ssyncadd.s32 $0xFFFFC000  }
0xbf: {  	[spmem:s3] =	stream.indirect.scatter.add.f32 [tilespmem:s30], [sflag:$0x3], $0x80, s13, s21, $0xb8;
	[tilespmem:$0x1C400] =	vst v63  }
0xc0: {  	_ =	swait.ge [sflag:s24], $0x4000  }
0xc1: {  	s15 =	simm.s32 $0x80;
	s5 =	simm.s32 $0x100;
	[sflag:s24] =	ssyncset.done $0x0  }
.LBB2_7:
0xc2: {  	s17 =	sadd.s32 s15, s20  }
0xc3: {  	[sflag:s24] =	ssyncadd.s32 $0xFFFFC000;
	s18 =	smov.u32 s5;
	s16 =	sadd.s32 $0x80, s5  }
0xc4: {  	[tilespmem:s4], [sflag:$0x3] =	stream.linear.gather [hbm4b:s17+s4], $0x400, $0x38;
	[tilespmem:$0x1C400] =	vst v63  }
0xc5: {  	p1 =	sne.s32 s5, $0x900;
	_ =	swait.ge [sflag:s24], $0x400  }
0xc6: {  	[sflag:s24] =	ssyncset.done $0x0  }
0xc7: {  	s5 =	sadd.s32 s15, s19;
	s15 =	smov.u32 s18;
	[sflag:s24] =	ssyncadd.s32 $0xFFFFFC00  }
0xc8: {  	[tilespmem:s22], [sflag:$0x3] =	stream.linear.gather [hbm4b:s5+s4], $0x400, $0x38;
	[tilespmem:$0x1C400] =	vst v63  }
0xc9: {  	_ =	swait.ge [sflag:s24], $0x400  }
0xca: {  	[sflag:s24] =	ssyncset.done $0x0  }
0xcb: {  	[sflag:s24] =	ssyncadd.s32 $0xFFFFFC00  }
0xcc: {  	[tilespmem:s23], [sflag:$0x1] =	stream.indirect.gather [hbm4b:s1+s21], $0x80, s4, s21, $0xb8;
	[tilespmem:$0x1C400] =	vst v63  }
0xcd: {  	_ = 	snop  }
0xce: {  	[tilespmem:s30], [sflag:$0x2] =	stream.indirect.gather [hbm4b:s1+s21], $0x80, s21, s21, $0xb8;
	[tilespmem:$0x1C400] =	vst v63  }
0xcf: {  	_ =	swait.ge [sflag:s31], $0x4000  }
0xd0: {  	[sflag:s31] =	ssyncset.done $0x0  }
0xd1: {  	[sflag:s31] =	ssyncadd.s32 $0xFFFFC000  }
0xd2: {  	[spmem:s3] =	stream.indirect.scatter.add.f32 [tilespmem:s23], [sflag:$0x3], $0x80, s22, s21, $0xb8;
	[tilespmem:$0x1C400] =	vst v63  }
0xd3: {  	_ =	swait.ge [sflag:s24], $0x4000  }
0xd4: {  	[sflag:s24] =	ssyncset.done $0x0  }
0xd5: {  	[sflag:s24] =	ssyncadd.s32 $0xFFFFC000  }
0xd6: {  	[tilespmem:s23], [sflag:$0x1] =	stream.indirect.gather [hbm4b:s1+s21], $0x80, s0, s21, $0xb8;
	[tilespmem:$0x1C400] =	vst v63  }
0xd7: {  	_ =	swait.ge [sflag:s2], $0x4000  }
0xd8: {  	[sflag:s2] =	ssyncset.done $0x0  }
0xd9: {  	[sflag:s2] =	ssyncadd.s32 $0xFFFFC000  }
0xda: {  	[spmem:s3] =	stream.indirect.scatter.add.f32 [tilespmem:s30], [sflag:$0x3], $0x80, s25, s21, $0xb8;
	[tilespmem:$0x1C400] =	vst v63  }
0xdb: {  	_ =	swait.ge [sflag:s24], $0x4000  }
0xdc: {  	[sflag:s24] =	ssyncset.done $0x0  }
0xdd: {  	[sflag:s24] =	ssyncadd.s32 $0xFFFFC000  }
0xde: {  	[tilespmem:s30], [sflag:$0x2] =	stream.indirect.gather [hbm4b:s1+s21], $0x80, s6, s21, $0xb8;
	[tilespmem:$0x1C400] =	vst v63  }
0xdf: {  	_ =	swait.ge [sflag:s31], $0x4000  }
0xe0: {  	[sflag:s31] =	ssyncset.done $0x0  }
0xe1: {  	[sflag:s31] =	ssyncadd.s32 $0xFFFFC000  }
0xe2: {  	[spmem:s3] =	stream.indirect.scatter.add.f32 [tilespmem:s23], [sflag:$0x3], $0x80, s26, s21, $0xb8;
	[tilespmem:$0x1C400] =	vst v63  }
0xe3: {  	_ =	swait.ge [sflag:s24], $0x4000  }
0xe4: {  	[sflag:s24] =	ssyncset.done $0x0  }
0xe5: {  	[sflag:s24] =	ssyncadd.s32 $0xFFFFC000  }
0xe6: {  	[tilespmem:s23], [sflag:$0x1] =	stream.indirect.gather [hbm4b:s1+s21], $0x80, s7, s21, $0xb8;
	[tilespmem:$0x1C400] =	vst v63  }
0xe7: {  	_ =	swait.ge [sflag:s2], $0x4000  }
0xe8: {  	[sflag:s2] =	ssyncset.done $0x0  }
0xe9: {  	[sflag:s2] =	ssyncadd.s32 $0xFFFFC000  }
0xea: {  	[spmem:s3] =	stream.indirect.scatter.add.f32 [tilespmem:s30], [sflag:$0x3], $0x80, s28, s21, $0xb8;
	[tilespmem:$0x1C400] =	vst v63  }
0xeb: {  	_ =	swait.ge [sflag:s24], $0x4000  }
0xec: {  	[sflag:s24] =	ssyncset.done $0x0  }
0xed: {  	[sflag:s24] =	ssyncadd.s32 $0xFFFFC000  }
0xee: {  	[tilespmem:s30], [sflag:$0x2] =	stream.indirect.gather [hbm4b:s1+s21], $0x80, s8, s21, $0xb8;
	[tilespmem:$0x1C400] =	vst v63  }
0xef: {  	_ =	swait.ge [sflag:s31], $0x4000  }
0xf0: {  	[sflag:s31] =	ssyncset.done $0x0  }
0xf1: {  	[sflag:s31] =	ssyncadd.s32 $0xFFFFC000  }
0xf2: {  	[spmem:s3] =	stream.indirect.scatter.add.f32 [tilespmem:s23], [sflag:$0x3], $0x80, s29, s21, $0xb8;
	[tilespmem:$0x1C400] =	vst v63  }
0xf3: {  	_ =	swait.ge [sflag:s24], $0x4000  }
0xf4: {  	[sflag:s24] =	ssyncset.done $0x0  }
0xf5: {  	[sflag:s24] =	ssyncadd.s32 $0xFFFFC000  }
0xf6: {  	[tilespmem:s23], [sflag:$0x1] =	stream.indirect.gather [hbm4b:s1+s21], $0x80, s9, s21, $0xb8;
	[tilespmem:$0x1C400] =	vst v63  }
0xf7: {  	_ =	swait.ge [sflag:s2], $0x4000  }
0xf8: {  	[sflag:s2] =	ssyncset.done $0x0  }
0xf9: {  	[sflag:s2] =	ssyncadd.s32 $0xFFFFC000  }
0xfa: {  	[spmem:s3] =	stream.indirect.scatter.add.f32 [tilespmem:s30], [sflag:$0x3], $0x80, s10, s21, $0xb8;
	[tilespmem:$0x1C400] =	vst v63  }
0xfb: {  	_ =	swait.ge [sflag:s24], $0x4000  }
0xfc: {  	[sflag:s24] =	ssyncset.done $0x0  }
0xfd: {  	[sflag:s24] =	ssyncadd.s32 $0xFFFFC000  }
0xfe: {  	[tilespmem:s30], [sflag:$0x2] =	stream.indirect.gather [hbm4b:s1+s21], $0x80, s11, s21, $0xb8;
	[tilespmem:$0x1C400] =	vst v63  }
0xff: {  	_ =	swait.ge [sflag:s31], $0x4000  }
0x100: {  	[sflag:s31] =	ssyncset.done $0x0  }
0x101: {  	[sflag:s31] =	ssyncadd.s32 $0xFFFFC000  }
0x102: {  	[spmem:s3] =	stream.indirect.scatter.add.f32 [tilespmem:s23], [sflag:$0x3], $0x80, s12, s21, $0xb8;
	[tilespmem:$0x1C400] =	vst v63  }
0x103: {  	_ =	swait.ge [sflag:s24], $0x4000  }
0x104: {  	[sflag:s24] =	ssyncset.done $0x0  }
0x105: {  	[sflag:s24] =	ssyncadd.s32 $0xFFFFC000  }
0x106: {  	_ =	swait.ge [sflag:s2], $0x4000  }
.Ltmp5:
0x107: {  	[sflag:s2] =	ssyncset.done $0x0;
	(pc) =	sbr.rel @p1 .LBB2_7-.Ltmp5, $4  }
0x108: {  	[sflag:s2] =	ssyncadd.s32 $0xFFFFC000  }
0x109: {  	[spmem:s3] =	stream.indirect.scatter.add.f32 [tilespmem:s30], [sflag:$0x3], $0x80, s13, s21, $0xb8;
	[tilespmem:$0x1C400] =	vst v63  }
0x10a: {  	_ =	swait.ge [sflag:s24], $0x4000  }
0x10b: {  	s5 =	smov.u32 s16;
	[sflag:s24] =	ssyncset.done $0x0  }
0x10c: {  	s5 =	sadd.s32 s15, s20;
	[sflag:s24] =	ssyncadd.s32 $0xFFFFC000  }
0x10d: {  	[tilespmem:s4], [sflag:$0x3] =	stream.linear.gather [hbm4b:s5+s4], $0x400, $0x38;
	[tilespmem:$0x1C400] =	vst v63  }
0x10e: {  	_ =	swait.ge [sflag:s24], $0x400  }
0x10f: {  	[sflag:s24] =	ssyncset.done $0x0  }
0x110: {  	s17 =	sadd.s32 s15, s19;
	[sflag:s24] =	ssyncadd.s32 $0xFFFFFC00  }
0x111: {  	[tilespmem:s22], [sflag:$0x3] =	stream.linear.gather [hbm4b:s17+s4], $0x400, $0x38;
	[tilespmem:$0x1C400] =	vst v63  }
0x112: {  	_ =	swait.ge [sflag:s24], $0x400  }
0x113: {  	[sflag:s24] =	ssyncset.done $0x0  }
0x114: {  	[sflag:s24] =	ssyncadd.s32 $0xFFFFFC00  }
0x115: {  	[tilespmem:s23], [sflag:$0x1] =	stream.indirect.gather [hbm4b:s1+s21], $0x80, s4, s21, $0xb8;
	[tilespmem:$0x1C400] =	vst v63  }
0x116: {  	_ = 	snop  }
0x117: {  	[tilespmem:s30], [sflag:$0x2] =	stream.indirect.gather [hbm4b:s1+s21], $0x80, s21, s21, $0xb8;
	[tilespmem:$0x1C400] =	vst v63  }
0x118: {  	_ =	swait.ge [sflag:s31], $0x4000  }
0x119: {  	[sflag:s31] =	ssyncset.done $0x0  }
0x11a: {  	[sflag:s31] =	ssyncadd.s32 $0xFFFFC000  }
0x11b: {  	[spmem:s3] =	stream.indirect.scatter.add.f32 [tilespmem:s23], [sflag:$0x3], $0x80, s22, s21, $0xb8;
	[tilespmem:$0x1C400] =	vst v63  }
0x11c: {  	_ =	swait.ge [sflag:s24], $0x4000  }
0x11d: {  	[sflag:s24] =	ssyncset.done $0x0  }
0x11e: {  	[sflag:s24] =	ssyncadd.s32 $0xFFFFC000  }
0x11f: {  	[tilespmem:s23], [sflag:$0x1] =	stream.indirect.gather [hbm4b:s1+s21], $0x80, s0, s21, $0xb8;
	[tilespmem:$0x1C400] =	vst v63  }
0x120: {  	_ =	swait.ge [sflag:s2], $0x4000  }
0x121: {  	[sflag:s2] =	ssyncset.done $0x0  }
0x122: {  	[sflag:s2] =	ssyncadd.s32 $0xFFFFC000  }
0x123: {  	[spmem:s3] =	stream.indirect.scatter.add.f32 [tilespmem:s30], [sflag:$0x3], $0x80, s25, s21, $0xb8;
	[tilespmem:$0x1C400] =	vst v63  }
0x124: {  	_ =	swait.ge [sflag:s24], $0x4000  }
0x125: {  	[sflag:s24] =	ssyncset.done $0x0  }
0x126: {  	[sflag:s24] =	ssyncadd.s32 $0xFFFFC000  }
0x127: {  	[tilespmem:s30], [sflag:$0x2] =	stream.indirect.gather [hbm4b:s1+s21], $0x80, s6, s21, $0xb8;
	[tilespmem:$0x1C400] =	vst v63  }
0x128: {  	_ =	swait.ge [sflag:s31], $0x4000  }
0x129: {  	[sflag:s31] =	ssyncset.done $0x0  }
0x12a: {  	[sflag:s31] =	ssyncadd.s32 $0xFFFFC000  }
0x12b: {  	[spmem:s3] =	stream.indirect.scatter.add.f32 [tilespmem:s23], [sflag:$0x3], $0x80, s26, s21, $0xb8;
	[tilespmem:$0x1C400] =	vst v63  }
0x12c: {  	_ =	swait.ge [sflag:s24], $0x4000  }
0x12d: {  	[sflag:s24] =	ssyncset.done $0x0  }
0x12e: {  	[sflag:s24] =	ssyncadd.s32 $0xFFFFC000  }
0x12f: {  	[tilespmem:s23], [sflag:$0x1] =	stream.indirect.gather [hbm4b:s1+s21], $0x80, s7, s21, $0xb8;
	[tilespmem:$0x1C400] =	vst v63  }
0x130: {  	_ =	swait.ge [sflag:s2], $0x4000  }
0x131: {  	[sflag:s2] =	ssyncset.done $0x0  }
0x132: {  	[sflag:s2] =	ssyncadd.s32 $0xFFFFC000  }
0x133: {  	[spmem:s3] =	stream.indirect.scatter.add.f32 [tilespmem:s30], [sflag:$0x3], $0x80, s28, s21, $0xb8;
	[tilespmem:$0x1C400] =	vst v63  }
0x134: {  	_ =	swait.ge [sflag:s24], $0x4000  }
0x135: {  	[sflag:s24] =	ssyncset.done $0x0  }
0x136: {  	[sflag:s24] =	ssyncadd.s32 $0xFFFFC000  }
0x137: {  	[tilespmem:s30], [sflag:$0x2] =	stream.indirect.gather [hbm4b:s1+s21], $0x80, s8, s21, $0xb8;
	[tilespmem:$0x1C400] =	vst v63  }
0x138: {  	_ =	swait.ge [sflag:s31], $0x4000  }
0x139: {  	[sflag:s31] =	ssyncset.done $0x0  }
0x13a: {  	[sflag:s31] =	ssyncadd.s32 $0xFFFFC000  }
0x13b: {  	[spmem:s3] =	stream.indirect.scatter.add.f32 [tilespmem:s23], [sflag:$0x3], $0x80, s29, s21, $0xb8;
	[tilespmem:$0x1C400] =	vst v63  }
0x13c: {  	_ =	swait.ge [sflag:s24], $0x4000  }
0x13d: {  	[sflag:s24] =	ssyncset.done $0x0  }
0x13e: {  	[sflag:s24] =	ssyncadd.s32 $0xFFFFC000  }
0x13f: {  	[tilespmem:s23], [sflag:$0x1] =	stream.indirect.gather [hbm4b:s1+s21], $0x80, s9, s21, $0xb8;
	[tilespmem:$0x1C400] =	vst v63  }
0x140: {  	_ =	swait.ge [sflag:s2], $0x4000  }
0x141: {  	[sflag:s2] =	ssyncset.done $0x0  }
0x142: {  	[sflag:s2] =	ssyncadd.s32 $0xFFFFC000  }
0x143: {  	[spmem:s3] =	stream.indirect.scatter.add.f32 [tilespmem:s30], [sflag:$0x3], $0x80, s10, s21, $0xb8;
	[tilespmem:$0x1C400] =	vst v63  }
0x144: {  	_ =	swait.ge [sflag:s24], $0x4000  }
0x145: {  	[sflag:s24] =	ssyncset.done $0x0  }
0x146: {  	[sflag:s24] =	ssyncadd.s32 $0xFFFFC000  }
0x147: {  	[tilespmem:s30], [sflag:$0x2] =	stream.indirect.gather [hbm4b:s1+s21], $0x80, s11, s21, $0xb8;
	[tilespmem:$0x1C400] =	vst v63  }
0x148: {  	_ =	swait.ge [sflag:s31], $0x4000  }
0x149: {  	[sflag:s31] =	ssyncset.done $0x0  }
0x14a: {  	[sflag:s31] =	ssyncadd.s32 $0xFFFFC000  }
0x14b: {  	[spmem:s3] =	stream.indirect.scatter.add.f32 [tilespmem:s23], [sflag:$0x3], $0x80, s12, s21, $0xb8;
	[tilespmem:$0x1C400] =	vst v63  }
0x14c: {  	_ =	swait.ge [sflag:s24], $0x4000  }
0x14d: {  	[sflag:s24] =	ssyncset.done $0x0  }
0x14e: {  	[sflag:s24] =	ssyncadd.s32 $0xFFFFC000  }
0x14f: {  	_ =	swait.ge [sflag:s2], $0x4000  }
0x150: {  	[sflag:s2] =	ssyncset.done $0x0  }
0x151: {  	s15 =	simm.s32 $0x0;
	[sflag:s2] =	ssyncadd.s32 $0xFFFFC000  }
0x152: {  	[spmem:s3] =	stream.indirect.scatter.add.f32 [tilespmem:s30], [sflag:$0x3], $0x80, s13, s21, $0xb8;
	[tilespmem:$0x1C400] =	vst v63  }
0x153: {  	v3 =	vor.u32 s15, v2;
	_ =	swait.ge [sflag:s24], $0x4000  }
0x154: {  	s18 =	sand.u32 $0xE00, s15;
	vm0 =	vlt.s32 v3, $0x277;
	[sflag:s24] =	ssyncset.done $0x0  }
0x155: {  	s16 =	sand.u32 $0x70, s15;
	s5 =	sshrl.u32 s18, $0x2;
	v3 =	vnsel vm0, $0x277, v3;
	[sflag:s24] =	ssyncadd.s32 $0xFFFFC000  }
0x156: {  	s5 =	sor.u32 s16, s5;
	s16 =	simm.s32 $0x40;
	v3 =	vadd.s32 v0, v3;
	[bflag:$0x0] =	sbarrier.arrive $0xFFFF  }
.LBB2_9:
0x157: {  	p1 =	seq.s32 s16, $0xFC0  }
0x158: {  	[tilespmem:s5+$0x400] =	vst v3;
	s15 =	sadd.s32 $0x10, s15;
	s5 =	smov.u32 s16;
	s16 =	sadd.s32 $0x40, s16  }
.Ltmp6:
0x159: {  	(pc) =	sbr.rel @!p1 .LBB2_9-.Ltmp6, $4  }
0x15a: {  	v3 =	vor.u32 s15, v2  }
0x15b: {  	s5 =	sand.u32 $0xE00, s5;
	vm0 =	vlt.s32 v3, $0x277  }
0x15c: {  	s17 =	sand.u32 $0x70, s15;
	s5 =	sshrl.u32 s5, $0x2;
	v3 =	vnsel vm0, $0x277, v3  }
0x15d: {  	s5 =	sor.u32 s17, s5;
	v3 =	vadd.s32 v0, v3  }
0x15e: {  	[tilespmem:s5+$0x400] =	vst v3;
	s5 =	rddreg [dreg:$0x7]  }
.Ltmp7:
0x15f: {  	s18 =	rddreg [dreg:$0x8];
	(pc) =	sbr.rel .LBB2_14-.Ltmp7, $4  }
0x160: {  	s17 =	rddreg [dreg:$0x9]  }
0x161: {  	s16 =	rddreg [dreg:$0xa]  }
0x162: {  	s15 =	rddreg [dreg:$0xb]  }
0x163: {  	[dreg:$0x12] =	wrdreg s15;
	s15 =	smov.u32 s14  }
.LBB2_11:
0x164: {  	s5 =	rddreg [dreg:$0x5]  }
0x165: {  	[tilespmem:s15], [sflag:$0x3] =	stream.linear.gather [hbm4b:s5+s15], $0x400, $0x38;
	[tilespmem:$0x1C400] =	vst v63  }
0x166: {  	_ =	swait.ge [sflag:s24], $0x400  }
0x167: {  	[sflag:s24] =	ssyncset.done $0x0  }
0x168: {  	s17 =	rddreg [dreg:$0x6];
	[sflag:s24] =	ssyncadd.s32 $0xFFFFFC00  }
0x169: {  	[tilespmem:s22], [sflag:$0x3] =	stream.linear.gather [hbm4b:s17+s15], $0x400, $0x38;
	[tilespmem:$0x1C400] =	vst v63  }
0x16a: {  	_ =	swait.ge [sflag:s24], $0x400  }
0x16b: {  	[sflag:s24] =	ssyncset.done $0x0  }
0x16c: {  	[sflag:s24] =	ssyncadd.s32 $0xFFFFFC00  }
0x16d: {  	[tilespmem:s23], [sflag:$0x1] =	stream.indirect.gather [hbm4b:s1+s21], $0x80, s15, s21, $0xb8;
	[tilespmem:$0x1C400] =	vst v63  }
0x16e: {  	_ = 	snop  }
0x16f: {  	[tilespmem:s30], [sflag:$0x2] =	stream.indirect.gather [hbm4b:s1+s21], $0x80, s21, s21, $0xb8;
	[tilespmem:$0x1C400] =	vst v63  }
0x170: {  	_ =	swait.ge [sflag:s31], $0x4000  }
0x171: {  	[sflag:s31] =	ssyncset.done $0x0  }
0x172: {  	[sflag:s31] =	ssyncadd.s32 $0xFFFFC000  }
0x173: {  	[spmem:s3] =	stream.indirect.scatter.add.f32 [tilespmem:s23], [sflag:$0x3], $0x80, s22, s21, $0xb8;
	[tilespmem:$0x1C400] =	vst v63  }
0x174: {  	_ =	swait.ge [sflag:s24], $0x4000  }
0x175: {  	[sflag:s24] =	ssyncset.done $0x0  }
0x176: {  	[sflag:s24] =	ssyncadd.s32 $0xFFFFC000  }
0x177: {  	[tilespmem:s23], [sflag:$0x1] =	stream.indirect.gather [hbm4b:s1+s21], $0x80, s0, s21, $0xb8;
	[tilespmem:$0x1C400] =	vst v63  }
0x178: {  	_ =	swait.ge [sflag:s2], $0x4000  }
0x179: {  	[sflag:s2] =	ssyncset.done $0x0  }
0x17a: {  	[sflag:s2] =	ssyncadd.s32 $0xFFFFC000  }
0x17b: {  	[spmem:s3] =	stream.indirect.scatter.add.f32 [tilespmem:s30], [sflag:$0x3], $0x80, s25, s21, $0xb8;
	[tilespmem:$0x1C400] =	vst v63  }
0x17c: {  	_ =	swait.ge [sflag:s24], $0x4000  }
0x17d: {  	[sflag:s24] =	ssyncset.done $0x0  }
0x17e: {  	[sflag:s24] =	ssyncadd.s32 $0xFFFFC000  }
0x17f: {  	[tilespmem:s30], [sflag:$0x2] =	stream.indirect.gather [hbm4b:s1+s21], $0x80, s6, s21, $0xb8;
	[tilespmem:$0x1C400] =	vst v63  }
0x180: {  	_ =	swait.ge [sflag:s31], $0x4000  }
0x181: {  	[sflag:s31] =	ssyncset.done $0x0  }
0x182: {  	[sflag:s31] =	ssyncadd.s32 $0xFFFFC000  }
0x183: {  	[spmem:s3] =	stream.indirect.scatter.add.f32 [tilespmem:s23], [sflag:$0x3], $0x80, s26, s21, $0xb8;
	[tilespmem:$0x1C400] =	vst v63  }
0x184: {  	_ =	swait.ge [sflag:s24], $0x4000  }
0x185: {  	[sflag:s24] =	ssyncset.done $0x0  }
0x186: {  	[sflag:s24] =	ssyncadd.s32 $0xFFFFC000  }
0x187: {  	[tilespmem:s23], [sflag:$0x1] =	stream.indirect.gather [hbm4b:s1+s21], $0x80, s7, s21, $0xb8;
	[tilespmem:$0x1C400] =	vst v63  }
0x188: {  	_ =	swait.ge [sflag:s2], $0x4000  }
0x189: {  	[sflag:s2] =	ssyncset.done $0x0  }
0x18a: {  	[sflag:s2] =	ssyncadd.s32 $0xFFFFC000  }
0x18b: {  	[spmem:s3] =	stream.indirect.scatter.add.f32 [tilespmem:s30], [sflag:$0x3], $0x80, s28, s21, $0xb8;
	[tilespmem:$0x1C400] =	vst v63  }
0x18c: {  	_ =	swait.ge [sflag:s24], $0x4000  }
0x18d: {  	[sflag:s24] =	ssyncset.done $0x0  }
0x18e: {  	[sflag:s24] =	ssyncadd.s32 $0xFFFFC000  }
0x18f: {  	[tilespmem:s30], [sflag:$0x2] =	stream.indirect.gather [hbm4b:s1+s21], $0x80, s8, s21, $0xb8;
	[tilespmem:$0x1C400] =	vst v63  }
0x190: {  	_ =	swait.ge [sflag:s31], $0x4000  }
0x191: {  	[sflag:s31] =	ssyncset.done $0x0  }
0x192: {  	[sflag:s31] =	ssyncadd.s32 $0xFFFFC000  }
0x193: {  	[spmem:s3] =	stream.indirect.scatter.add.f32 [tilespmem:s23], [sflag:$0x3], $0x80, s29, s21, $0xb8;
	[tilespmem:$0x1C400] =	vst v63  }
0x194: {  	_ =	swait.ge [sflag:s24], $0x4000  }
0x195: {  	[sflag:s24] =	ssyncset.done $0x0  }
0x196: {  	[sflag:s24] =	ssyncadd.s32 $0xFFFFC000  }
0x197: {  	[tilespmem:s23], [sflag:$0x1] =	stream.indirect.gather [hbm4b:s1+s21], $0x80, s9, s21, $0xb8;
	[tilespmem:$0x1C400] =	vst v63  }
0x198: {  	_ =	swait.ge [sflag:s2], $0x4000  }
0x199: {  	[sflag:s2] =	ssyncset.done $0x0  }
0x19a: {  	[sflag:s2] =	ssyncadd.s32 $0xFFFFC000  }
0x19b: {  	[spmem:s3] =	stream.indirect.scatter.add.f32 [tilespmem:s30], [sflag:$0x3], $0x80, s10, s21, $0xb8;
	[tilespmem:$0x1C400] =	vst v63  }
0x19c: {  	_ =	swait.ge [sflag:s24], $0x4000  }
0x19d: {  	[sflag:s24] =	ssyncset.done $0x0  }
0x19e: {  	[sflag:s24] =	ssyncadd.s32 $0xFFFFC000  }
0x19f: {  	[tilespmem:s30], [sflag:$0x2] =	stream.indirect.gather [hbm4b:s1+s21], $0x80, s11, s21, $0xb8;
	[tilespmem:$0x1C400] =	vst v63  }
0x1a0: {  	_ =	swait.ge [sflag:s31], $0x4000  }
0x1a1: {  	[sflag:s31] =	ssyncset.done $0x0  }
0x1a2: {  	[sflag:s31] =	ssyncadd.s32 $0xFFFFC000  }
0x1a3: {  	[spmem:s3] =	stream.indirect.scatter.add.f32 [tilespmem:s23], [sflag:$0x3], $0x80, s12, s21, $0xb8;
	[tilespmem:$0x1C400] =	vst v63  }
0x1a4: {  	_ =	swait.ge [sflag:s24], $0x4000  }
0x1a5: {  	[sflag:s24] =	ssyncset.done $0x0  }
0x1a6: {  	[sflag:s24] =	ssyncadd.s32 $0xFFFFC000  }
0x1a7: {  	_ =	swait.ge [sflag:s2], $0x4000  }
0x1a8: {  	[sflag:s2] =	ssyncset.done $0x0  }
0x1a9: {  	[sflag:s2] =	ssyncadd.s32 $0xFFFFC000  }
0x1aa: {  	[spmem:s3] =	stream.indirect.scatter.add.f32 [tilespmem:s30], [sflag:$0x3], $0x80, s13, s21, $0xb8;
	[tilespmem:$0x1C400] =	vst v63  }
0x1ab: {  	v3 =	vor.u32 s15, v2;
	_ =	swait.ge [sflag:s24], $0x4000  }
0x1ac: {  	s18 =	sand.u32 $0xE00, s15;
	vm0 =	vlt.s32 v3, $0x277;
	[sflag:s24] =	ssyncset.done $0x0  }
0x1ad: {  	s16 =	sand.u32 $0x70, s15;
	s5 =	sshrl.u32 s18, $0x2;
	v3 =	vnsel vm0, $0x277, v3;
	[sflag:s24] =	ssyncadd.s32 $0xFFFFC000  }
0x1ae: {  	s5 =	sor.u32 s16, s5;
	s16 =	simm.s32 $0x40;
	v3 =	vadd.s32 v0, v3;
	[bflag:$0x0] =	sbarrier.arrive $0xFFFF  }
.LBB2_12:
0x1af: {  	p1 =	sne.s32 s16, $0xFC0  }
0x1b0: {  	[tilespmem:s5+$0x400] =	vst v3;
	s15 =	sadd.s32 $0x10, s15;
	s5 =	smov.u32 s16;
	s16 =	sadd.s32 $0x40, s16  }
.Ltmp8:
0x1b1: {  	(pc) =	sbr.rel @p1 .LBB2_12-.Ltmp8, $4  }
0x1b2: {  	v3 =	vor.u32 s15, v2  }
0x1b3: {  	s5 =	sand.u32 $0xE00, s5;
	vm0 =	vlt.s32 v3, $0x277  }
0x1b4: {  	s17 =	sand.u32 $0x70, s15;
	s5 =	sshrl.u32 s5, $0x2;
	v3 =	vnsel vm0, $0x277, v3  }
0x1b5: {  	s5 =	sor.u32 s17, s5;
	v3 =	vadd.s32 v0, v3  }
.Ltmp9:
0x1b6: {  	_ = 	snop;
	(pc) =	sbr.rel .LBB2_13-.Ltmp9, $1  }
0x1b7: {  	_ =	sdelay $0x3  }
.LBB2_15:
0x1b8: {  	_ =	sfence.sel $0x180000  }
0x1b9: {  	[bflag:$0x0] =	sbarrier.arrive $0xFFFF  }
0x1ba: {  	_ =	strace $0x9000004D  }
0x1bb: {  	s0 =	stileid.u32;
	[bflag:$0x2] =	sbarrier.arrive $0xFFFF  }
0x1bc: {  	p0 =	sne.s32 s0, $0x0;
	s0 =	rddreg [dreg:$0x3]  }
0x1bd: {  	s0 =	sadd.s32 @!p0 $0x100000, s0  }
0x1be: {  	[sflag:s0] =	ssyncadd.tile.s32 @!p0 $0x1;
	_ =	shalt  }
.Lfunc_end2:
_tile_overlayer_lowered:
.L_overlay_start_2:
0x1bf: {  	(tag) =	ssettag $0x2  }
0x1c0: {  	s0 =	rddreg [dreg:$0x0];
	s2 =	stileid.u32  }
0x1c1: {  	s1 =	rddreg [dreg:$0x1];
	p0 =	sne.s32 s2, $0x0  }
0x1c2: {  	s3 =	rddreg [dreg:$0x2];
	[bflag:$0x3] =	sbarrier.arrive $0xFFFF;
	s2 =	simm.s32 @!p0 $0x1C03  }
0x1c3: {  	[timem:s3], [sflag:s2] =	dma.local @!p0 [hbm:s0], s1  }
0x1c4: {  	s0 =	simm.s32 @!p0 $0x3  }
0x1c5: {  	_ =	swait.ge @!p0 [sflag:s0], s1  }
0x1c6: {  	s1 =	ssub.s32 @!p0 $0x0, s1;
	[sflag:s0] =	ssyncset.done @!p0 $0x0  }
0x1c7: {  	[sflag:s0] =	ssyncadd.s32 @!p0 s1  }
0x1c8: {  	[bflag:$0x3] =	sbarrier.arrive $0xFFFF  }
0x1c9: {  	_ =	shalt  }

// kernel: kernel.8.cloned.1.call-start
scs
__scs_entry_jumppad:
0x0: {  	(pc) =	sbr.rel $0x88, $3  }
0x1: {  	(tag) =	ssettag $0x0;
	lr =	simm.s32 $0x1  }
0x2: {  	[smem:$0x3F9B] =	sst lr;
	_ =	strace $0xD0000000  }
0x3: {  	_ = 	snop  }
0x4: {  	_ = 	snop  }
0x5: {  	_ = 	snop  }
0x6: {  	_ = 	snop  }
0x7: {  	_ = 	snop  }
__scs_overlays_trampoline_lowered:
0x8: {  	[smem:$0x3FAA] =	sst s0  }
0x9: {  	[smem:$0x3FAB] =	sst s1  }
0xa: {  	[smem:$0x3FAC] =	sst s2  }
0xb: {  	[smem:$0x3FAD] =	sst s3  }
0xc: {  	[smem:$0x3FAE] =	sst s4  }
0xd: {  	[smem:$0x3FAF] =	sst s5  }
0xe: {  	[smem:$0x3FB0] =	sst s6  }
0xf: {  	[smem:$0x3FB1] =	sst s7  }
0x10: {  	[smem:$0x3FB2] =	sst s8  }
0x11: {  	[smem:$0x3FB3] =	sst s9;
	s0 =	simm.s32 @!p0 $0x0  }
0x12: {  	s1 =	sld [smem:$0x3F99];
	s0 =	simm.s32 @p0 $0x1  }
0x13: {  	[smem:$0x3FB4] =	sst s0;
	s0 =	simm.s32 @!p1 $0x0  }
0x14: {  	s2 =	sld [smem:$0x3F98];
	s0 =	simm.s32 @p1 $0x1  }
0x15: {  	[smem:$0x3FB5] =	sst s0;
	s0 =	simm.s32 @!p2 $0x0  }
0x16: {  	s3 =	sld [smem:$0x3FDB];
	s0 =	simm.s32 @p2 $0x1  }
0x17: {  	s4 =	simm.s32 $0x1BF5;
	[smem:$0x3FB7] =	sst s0  }
0x18: {  	s0 =	sld [smem:$0x3F9A];
	_ =	swait.ge [sflag:s4], $0x0  }
0x19: {  	s7 =	sld [smem:$0x3F9B]  }
0x1a: {  	s8 =	sadd.s32 $0xFFFFE003, lr  }
0x1b: {  	s9 =	sadd.s32 $0xFFFFFEF7, lr;
	s5 =	simm.s32 $0xFFFFFFFF;
	p2 =	slt.u32 s8, $0xFFFFF086  }
0x1c: {  	p1 =	slt.u32 s9, $0xF7A;
	s5 =	simm.s32 @!p2 $0x0  }
0x1d: {  	s5 =	simm.s32 @p1 $0x1;
	p0 =	seq.s32 s7, s2  }
0x1e: {  	s7 =	smul.u32 @!p0 $0xF7A, s2;
	p2 =	seq.s32 @!p0 s5, $0x0  }
0x1f: {  	s9 =	smul.u32 $0xF7A, s1;
	s8 =	simm.s32 @!p0 $0x1BF5;
	p2 =	por !p2, p0  }
0x20: {  	[sflag:s8] =	ssyncset.s32 @!p0 $0xFFFFF086;
	s6 =	sadd.s32 @!p0 s3, s7;
	s7 =	simm.s32 @!p0 $0x108  }
0x21: {  	s3 =	sadd.s32 s3, s9;
	s6 =	sadd.s32 @!p0 $0x88, s6;
	s7 =	simm.s32 @p2 $0x1082  }
0x22: {  	[simem:s7], [sflag:s8] =	dma.local @!p0 [hbm:s6], $0xF7A  }
0x23: {  	s9 =	sor.u32 $0xD0000000, s2;
	s6 =	simm.s32 $0x108;
	_ =	swait.ge @!p0 [sflag:s8], $0x0  }
0x24: {  	s3 =	sadd.s32 $0x88, s3;
	s6 =	simm.s32 @!p1 $0x1082;
	[sflag:s4] =	ssyncset.s32 $0xFFFFF086  }
0x25: {  	[simem:s6], [sflag:s4] =	dma.local [hbm:s3], $0xF7A  }
0x26: {  	[smem:$0x3F9B] =	sst s1;
	(tag) =	ssettag s2;
	_ =	strace s9  }
0x27: {  	s1 =	sld [smem:$0x3FAB]  }
0x28: {  	s2 =	sld [smem:$0x3FAC]  }
0x29: {  	s4 =	sld [smem:$0x3FAE]  }
0x2a: {  	p0 =	seq.s32 s5, $0x0;
	s5 =	sld [smem:$0x3FAF]  }
0x2b: {  	s6 =	sld [smem:$0x3FB0]  }
0x2c: {  	s7 =	sld [smem:$0x3FB1]  }
0x2d: {  	s3 =	simm.s32 $0x108;
	s8 =	sld [smem:$0x3FB2]  }
0x2e: {  	s3 =	simm.s32 @!p0 $0x1082;
	s9 =	sld [smem:$0x3FB3]  }
0x2f: {  	lr =	sadd.s32 s0, s3;
	s0 =	sld [smem:$0x3FAA]  }
0x30: {  	s3 =	sld [smem:$0x3FAD]  }
0x31: {  	[smem:$0x3FB6] =	sst s10  }
0x32: {  	s10 =	sld [smem:$0x3FB4];
	_ =	sdelay $0x3  }
0x33: {  	p0 =	seq.s32 s10, $0x1;
	s10 =	sld [smem:$0x3FB6];
	_ =	sdelay $0x3  }
0x34: {  	[smem:$0x3FB6] =	sst s10  }
0x35: {  	s10 =	sld [smem:$0x3FB5];
	_ =	sdelay $0x3  }
0x36: {  	p1 =	seq.s32 s10, $0x1;
	s10 =	sld [smem:$0x3FB6];
	_ =	sdelay $0x3  }
0x37: {  	[smem:$0x3FB6] =	sst s10  }
0x38: {  	s10 =	sld [smem:$0x3FB7]  }
0x39: {  	_ = 	snop;
	(pc) =	sbr.ind lr, $3  }
0x3a: {  	_ = 	snop  }
0x3b: {  	_ = 	snop  }
0x3c: {  	p2 =	seq.s32 s10, $0x1;
	s10 =	sld [smem:$0x3FB6]  }
0x3d: {  	_ =	shalt  }
0x3e: {  	_ =	shalt  }
0x3f: {  	_ =	shalt  }
0x40: {  	_ =	shalt  }
0x41: {  	_ =	shalt  }
0x42: {  	_ =	shalt  }
0x43: {  	_ =	shalt  }
0x44: {  	_ =	shalt  }
0x45: {  	_ =	shalt  }
0x46: {  	_ =	shalt  }
0x47: {  	_ =	shalt  }
0x48: {  	_ =	shalt  }
0x49: {  	_ =	shalt  }
0x4a: {  	_ =	shalt  }
0x4b: {  	_ =	shalt  }
0x4c: {  	_ =	shalt  }
0x4d: {  	_ =	shalt  }
0x4e: {  	_ =	shalt  }
0x4f: {  	_ =	shalt  }
0x50: {  	_ =	shalt  }
0x51: {  	_ =	shalt  }
0x52: {  	_ =	shalt  }
0x53: {  	_ =	shalt  }
0x54: {  	_ =	shalt  }
0x55: {  	_ =	shalt  }
0x56: {  	_ =	shalt  }
0x57: {  	_ =	shalt  }
0x58: {  	_ =	shalt  }
0x59: {  	_ =	shalt  }
0x5a: {  	_ =	shalt  }
0x5b: {  	_ =	shalt  }
0x5c: {  	_ =	shalt  }
0x5d: {  	_ =	shalt  }
0x5e: {  	_ =	shalt  }
0x5f: {  	_ =	shalt  }
0x60: {  	_ =	shalt  }
0x61: {  	_ =	shalt  }
0x62: {  	_ =	shalt  }
0x63: {  	_ =	shalt  }
0x64: {  	_ =	shalt  }
0x65: {  	_ =	shalt  }
0x66: {  	_ =	shalt  }
0x67: {  	_ =	shalt  }
0x68: {  	_ =	shalt  }
0x69: {  	_ =	shalt  }
0x6a: {  	_ =	shalt  }
0x6b: {  	_ =	shalt  }
0x6c: {  	_ =	shalt  }
0x6d: {  	_ =	shalt  }
0x6e: {  	_ =	shalt  }
0x6f: {  	_ =	shalt  }
0x70: {  	_ =	shalt  }
0x71: {  	_ =	shalt  }
0x72: {  	_ =	shalt  }
0x73: {  	_ =	shalt  }
0x74: {  	_ =	shalt  }
0x75: {  	_ =	shalt  }
0x76: {  	_ =	shalt  }
0x77: {  	_ =	shalt  }
0x78: {  	_ =	shalt  }
0x79: {  	_ =	shalt  }
0x7a: {  	_ =	shalt  }
0x7b: {  	_ =	shalt  }
0x7c: {  	_ =	shalt  }
0x7d: {  	_ =	shalt  }
0x7e: {  	_ =	shalt  }
0x7f: {  	_ =	shalt  }
0x80: {  	_ =	shalt  }
0x81: {  	_ =	shalt  }
0x82: {  	_ =	shalt  }
0x83: {  	_ =	shalt  }
0x84: {  	_ =	shalt  }
0x85: {  	_ =	shalt  }
0x86: {  	_ =	shalt  }
0x87: {  	_ =	shalt  }
.Lfunc_end0:
.L_simem_size_0:
called_computation_lowered:
.L_overlay_start_0:
0x88: {  	s2 =	sld [smem:$0x3FD9]  }
0x89: {  	s3 =	sld [smem:$0x3FFE];
	_ =	sdelay $0x1  }
0x8a: {  	s1 =	srdreg.scid  }
0x8b: {  	s0 =	sand.u32 $0x1, s1  }
0x8c: {  	s17 =	sshll.u32 s0, $0xA;
	s2 =	sadd.s32 s3, s2  }
0x8d: {  	s2 =	sadd.s32 s2, s17  }
0x8e: {  	[smem:$0x3FC2] =	sst s2  }
0x8f: {  	_ = 	snop  }
0x90: {  	s2 =	sld [smem:$0x3FD0];
	(tm) =	ssettm $0x1  }
0x91: {  	s18 =	sld [smem:$0x3FFB];
	_ =	sdelay $0x3  }
0x92: {  	_ =	strace s18  }
0x93: {  	s3 =	sld [smem:$0x3FFC];
	_ =	sdelay $0x3  }
0x94: {  	_ =	strace s3  }
0x95: {  	s3 =	sld [smem:$0x3FFD];
	_ =	sdelay $0x3  }
0x96: {  	_ =	strace s3  }
0x97: {  	_ =	strace $0x8FFFFFFF  }
0x98: {  	s19 =	sld [smem:$0x3FDB];
	_ =	sdelay $0x1  }
0x99: {  	s4 =	simm.s32 $_scs_section_size  }
0x9a: {  	s5 =	simm.s32 $_size__tile_overlayer_lowered;
	s6 =	simm.s32 $_tile_overlayer_lowered  }
0x9b: {  	s22 =	simm.s32 $0x1BFF;
	s21 =	sshll.u32 s6, $0x1;
	s3 =	sadd.s32 s4, s19  }
0x9c: {  	s7 =	simm.s32 $0x0;
	s20 =	sshll.u32 s5, $0x1;
	s5 =	sadd.s32 s21, s3  }
0x9d: {  	[timem:s7], [sflag:s22] =	dma.local [hbm:s5], s20  }
0x9e: {  	_ =	swait.ge [sflag:s22], s20  }
0x9f: {  	s4 =	ssub.s32 $0x0, s20;
	[sflag:s22] =	ssyncset.done $0x0  }
0xa0: {  	[sflag:s22] =	ssyncadd.s32 s4;
	_ =	sdelay $0x1  }
0xa1: {  	s23 =	simm.s32 $0x1B8B  }
0xa2: {  	_ =	swait.ge [sflag:s23], $0x1  }
0xa3: {  	[sflag:s23] =	ssyncset.done $0x0  }
0xa4: {  	s25 =	simm.s32 $0x1B8E;
	s24 =	sld [smem:$0x3FFE];
	[sflag:s23] =	ssyncadd.s32 $0xFFFFFFFF  }
0xa5: {  	s26 =	simm.s32 $execute0_lowered;
	[smem:$0x3FD2] =	sst s25  }
0xa6: {  	s5 =	sshll.u32 s26, $0x1;
	_ =	strace $0x80000046;
	[dreg:$0x1] =	wrdreg $0xFFFFFFFF  }
0xa7: {  	s28 =	simm.s32 $_size_execute0_lowered;
	s3 =	sadd.s32 s3, s5;
	[dreg:$0x0] =	wrdreg $0x0  }
0xa8: {  	s5 =	sshll.u32 s28, $0x1;
	[dreg:$0x2] =	wrdreg s3  }
0xa9: {  	[dreg:$0x3] =	wrdreg s5  }
0xaa: {  	[dreg:$0x4] =	wrdreg $0xC0  }
0xab: {  	_ =	task [dreg:s7], $0x5FFFF  }
0xac: {  	[dreg:$0x1] =	wrdreg $0xFFFFFFFF  }
0xad: {  	[dreg:$0x0] =	wrdreg $0x60  }
0xae: {  	[dreg:$0x2] =	wrdreg s2  }
0xaf: {  	[dreg:$0x3] =	wrdreg s24  }
0xb0: {  	[dreg:$0x4] =	wrdreg $0x9  }
0xb1: {  	_ =	task.clear_ibuf [dreg:s7], $0x5FFFF;
	_ =	strace $0x90000046  }
0xb2: {  	s29 =	simm.s32 $0x9;
	_ =	strace $0x80000048  }
0xb3: {  	_ =	swait.ge [sflag:s29], $0x1  }
0xb4: {  	[sflag:s29] =	ssyncadd.s32 $0xFFFFFFFF  }
0xb5: {  	_ =	strace $0x90000048  }
0xb6: {  	_ =	sfence  }
0xb7: {  	s30 =	sld [smem:$0x0];
	_ =	sdelay $0x2  }
0xb8: {  	s31 =	sshll.u32 s1, $0xD;
	s1 =	sshrl.u32 s1, $0x2  }
0xb9: {  	s3 =	sand.u32 $0x4000, s31;
	s1 =	sadd.s32 s1, s30  }
0xba: {  	s0 =	sor.u32 s3, s0;
	s1 =	sshll.u32 s1, $0x11  }
0xbb: {  	s0 =	sor.u32 s1, s0  }
0xbc: {  	s0 =	sadd.s32 $0x8F2B, s0  }
0xbd: {  	[sflag:s0] =	ssyncadd.remote.s32 $0x1  }
0xbe: {  	_ =	sfence.sel $0xFFFF  }
0xbf: {  	[dreg:$0x0] =	wrdreg $0xFFFFFFFF;
	(pc) =	sbr.abs _section_cstart, $3  }
0xc0: {  	[dreg:$0x1] =	wrdreg $0xFFFFFFFF  }
0xc1: {  	_ =	task.clear_ibuf [dreg:s7], $0x2FFFF;
	_ =	strace $0x9FFFFFFF  }
0xc2: {  	(tm) =	ssettm $0x7FFFFFFF  }
0xc3: {  	_ =	shalt  }
tec
execute0_lowered:
.L_overlay_start_1:
0x0: {  	(tag) =	ssettag $0x1  }
0x1: {  	s0 =	srdreg.scid  }
0x2: {  	s3 =	rddreg [dreg:$0x0];
	s4 =	sand.u32 $0x1, s0  }
0x3: {  	s5 =	rddreg [dreg:$0x1];
	s1 =	stileid.u32;
	s2 =	sshll.u32 s4, $0x4  }
0x4: {  	s0 =	rddreg [dreg:$0x2];
	s6 =	sor.u32 s1, s2  }
0x5: {  	s4 =	ssub.s32 $0x2, s4;
	s2 =	simm.s32 $0x0;
	s7 =	smul.u32 $0x4F0, s6  }
0x6: {  	s8 =	sshrl.u32 s4, $0x1;
	[smem:$0x7FF] =	sst s2;
	s6 =	smul.u32 $0x500, s6  }
0x7: {  	s31 =	ssub.s32 s4, s8;
	s8 =	simm.s32 $0x0;
	_ =	strace $0x80000047  }
0x8: {  	s5 =	sadd.s32 s7, s5;
	s3 =	sadd.s32 s3, s6;
	s6 =	simm.s32 $0x1  }
0x9: {  	v0 =	vimm.f32 $0.0e+00;
	v1 =	vimm.f32 $1.000000000e+00;
	s7 =	simm.s32 $0x2800;
	s4 =	sadd.s32 $0x2A00, s5;
	s5 =	smax.u32 s31, $0x1  }
.LBB2_1:
0xa: {  	[tilespmem:s2], [sflag:$0x1] =	stream.linear.gather [hbm4b:s3+s2], $0x2800, $0x38;
	[tilespmem:$0x4F80] =	vst v63  }
0xb: {  	_ =	swait.ge [sflag:s6], $0x2800  }
0xc: {  	[sflag:s6] =	ssyncset.done $0x0  }
0xd: {  	s9 =	simm.s32 $0x0;
	[sflag:s6] =	ssyncadd.s32 $0xFFFFD800  }
.LBB2_2:
0xe: {  	p0 =	sne.s32 s9, $0x9DC0  }
.Ltmp0:
0xf: {  	_ = 	snop;
	(pc) =	sbr.rel @p0 .LBB2_2-.Ltmp0, $3  }
0x10: {  	_ =	sdelay $0x1  }
0x11: {  	s10 =	sshra.s32 s9, $0x2  }
0x12: {  	s9 =	sadd.s32 $0x40, s9;
	[tilespmem:s10+$0x2800] =	vst v0  }
0x13: {  	s10 =	simm.s32 $0x0;
	s9 =	simm.s32 $0x40  }
.LBB2_4:
0x14: {  	p0 =	sne.s32 s9, $0x9FC0;
	v2 =	vld [tilespmem:s10+$0x0];
	_ =	sdelay $0x3  }
.Ltmp1:
0x15: {  	(pc) =	sbr.rel @p0 .LBB2_4-.Ltmp1, $2  }
0x16: {  	_ =	sdelay $0x2  }
0x17: {  	s10 =	sshra.s32 s9, $0x2;
	s9 =	sadd.s32 $0x40, s9;
	[tilespmem:v2+s7+$0x0] =	vst.idx.add.f32.msk $0xffff, v1  }
0x18: {  	v2 =	vld [tilespmem:s10+$0x0];
	_ =	sdelay $0x5  }
0x19: {  	s8 =	sadd.s32 $0x1, s8  }
0x1a: {  	p0 =	sne.s32 s8, s5  }
.Ltmp2:
0x1b: {  	[tilespmem:v2+s7+$0x0] =	vst.idx.add.f32.msk $0xffff, v1;
	(pc) =	sbr.rel @p0 .LBB2_1-.Ltmp2, $4  }
0x1c: {  	[hbm4b:s4+s2] =	stream.linear.scatter [tilespmem:s7], [sflag:$0x1], $0x2780, $0x38;
	[tilespmem:$0x4F80] =	vst v63  }
0x1d: {  	_ =	swait.ge [sflag:s6], $0x2780  }
0x1e: {  	[sflag:s6] =	ssyncset.done $0x0  }
0x1f: {  	[sflag:s6] =	ssyncadd.s32 $0xFFFFD880  }
0x20: {  	_ =	sfence.sel $0x180000  }
0x21: {  	[bflag:$0x0] =	sbarrier.arrive $0xFFFF  }
0x22: {  	p0 =	sne.s32 s1, $0x0;
	_ =	strace $0x90000047  }
0x23: {  	s0 =	sadd.s32 @!p0 $0x100000, s0;
	[bflag:$0x2] =	sbarrier.arrive $0xFFFF  }
0x24: {  	[sflag:s0] =	ssyncadd.tile.s32 @!p0 $0x1;
	_ =	shalt  }
.Lfunc_end2:
_tile_overlayer_lowered:
.L_overlay_start_2:
0x25: {  	(tag) =	ssettag $0x2  }
0x26: {  	s0 =	rddreg [dreg:$0x0];
	s2 =	stileid.u32  }
0x27: {  	s1 =	rddreg [dreg:$0x1];
	p0 =	sne.s32 s2, $0x0  }
0x28: {  	s3 =	rddreg [dreg:$0x2];
	[bflag:$0x3] =	sbarrier.arrive $0xFFFF;
	s2 =	simm.s32 @!p0 $0x1C01  }
0x29: {  	[timem:s3], [sflag:s2] =	dma.local @!p0 [hbm:s0], s1  }
0x2a: {  	s0 =	simm.s32 @!p0 $0x1  }
0x2b: {  	_ =	swait.ge @!p0 [sflag:s0], s1  }
0x2c: {  	s1 =	ssub.s32 @!p0 $0x0, s1;
	[sflag:s0] =	ssyncset.done @!p0 $0x0  }
0x2d: {  	[sflag:s0] =	ssyncadd.s32 @!p0 s1  }
0x2e: {  	[bflag:$0x3] =	sbarrier.arrive $0xFFFF  }
0x2f: {  	_ =	shalt  }

</sc_bundles>
